<compile_context>
chip_gen: v7x
topology: tpu7x:2x2x1
jax: 0.10.2.dev20260603
libtpu: 0.0.44.dev20260713+nightly
codegen_flags: <defaults>
</compile_context>

<pallas_src>
import jax
import jax.numpy as jnp
from jax import lax
from jax.experimental import pallas as pl
from jax.experimental.pallas import tpu as pltpu
from jax.experimental.pallas import tpu_sc as plsc

BATCH = 16384
FACTOR_NUM = 16
NUM_CORES = 2
NUM_SUBCORES = 16
NUM_WORKERS = NUM_CORES * NUM_SUBCORES
B_PER_W = BATCH // NUM_WORKERS
LANES = 16
CHUNK = 8
NUM_PAIRS = B_PER_W // (2 * CHUNK)
WIN = 128
STG_STRIDE = 17
IDX_PAD = B_PER_W + LANES


def _fcf_body(user_hbm, item_hbm, users_T_hbm, items_T_hbm, out_hbm,
              uidx_v, iidx_v, uwin_v, iwin_v,
              ustg_v, istg_v, out_v, sem_a, sem_b):
    wid = lax.axis_index("s") * NUM_CORES + lax.axis_index("c")
    base = wid * B_PER_W

    pltpu.sync_copy(user_hbm.at[pl.ds(base, B_PER_W)],
                    uidx_v.at[pl.ds(0, B_PER_W)])
    pltpu.sync_copy(item_hbm.at[pl.ds(base, B_PER_W)],
                    iidx_v.at[pl.ds(0, B_PER_W)])

    lane = lax.iota(jnp.int32, LANES)
    sems = (sem_a, sem_b)

    def fire_chunk(j0, buf):
        uvec = uidx_v[pl.ds(j0, LANES)]
        ivec = iidx_v[pl.ds(j0, LANES)]
        for k in range(CHUNK):
            qu = pl.multiple_of((uvec[k] // WIN) * WIN, WIN)
            qi = pl.multiple_of((ivec[k] // WIN) * WIN, WIN)
            pltpu.make_async_copy(
                users_T_hbm.at[:, pl.ds(qu, WIN)], uwin_v.at[buf, k],
                sems[buf]).start()
            pltpu.make_async_copy(
                items_T_hbm.at[:, pl.ds(qi, WIN)], iwin_v.at[buf, k],
                sems[buf]).start()

    def drain_extract(j0, buf, stg0):
        for k in range(CHUNK):
            pltpu.make_async_copy(
                users_T_hbm.at[:, pl.ds(0, WIN)], uwin_v.at[buf, k],
                sems[buf]).wait()
            pltpu.make_async_copy(
                items_T_hbm.at[:, pl.ds(0, WIN)], iwin_v.at[buf, k],
                sems[buf]).wait()
        uvec = uidx_v[pl.ds(j0, LANES)]
        ivec = iidx_v[pl.ds(j0, LANES)]
        for k in range(CHUNK):
            mu = jnp.full((LANES,), uvec[k] % WIN, jnp.int32)
            mi = jnp.full((LANES,), ivec[k] % WIN, jnp.int32)
            u = plsc.load_gather(uwin_v.at[buf, k], [lane, mu])
            v = plsc.load_gather(iwin_v.at[buf, k], [lane, mi])
            ustg_v[pl.ds((stg0 + k) * STG_STRIDE, FACTOR_NUM)] = u
            istg_v[pl.ds((stg0 + k) * STG_STRIDE, FACTOR_NUM)] = v

    fire_chunk(0, 0)
    fire_chunk(CHUNK, 1)

    def step(t, _):
        j0 = t * 2 * CHUNK
        drain_extract(j0, 0, 0)

        @pl.when(j0 + 2 * CHUNK < B_PER_W)
        def _():
            fire_chunk(j0 + 2 * CHUNK, 0)

        drain_extract(j0 + CHUNK, 1, CHUNK)

        @pl.when(j0 + 3 * CHUNK < B_PER_W)
        def _():
            fire_chunk(j0 + 3 * CHUNK, 1)

        acc = jnp.zeros((LANES,), jnp.float32)
        for d in range(FACTOR_NUM):
            off = lane * STG_STRIDE + d
            acc = acc + plsc.load_gather(ustg_v, [off]) * plsc.load_gather(
                istg_v, [off])
        neg = acc < 0.0
        z = jnp.exp(jnp.where(neg, acc, -acc))
        out_v[pl.ds(j0, LANES)] = jnp.where(neg, z / (1.0 + z), 1.0 / (1.0 + z))
        return 0

    lax.fori_loop(0, NUM_PAIRS, step, 0)

    pltpu.sync_copy(out_v, out_hbm.at[pl.ds(base, B_PER_W)])


@jax.jit
def _fcf(user, item, users_W, items_W):
    mesh = plsc.VectorSubcoreMesh(core_axis_name="c", subcore_axis_name="s")
    kern = pl.kernel(
        _fcf_body,
        out_type=jax.ShapeDtypeStruct((BATCH,), jnp.float32),
        mesh=mesh,
        compiler_params=pltpu.CompilerParams(needs_layout_passes=False,
                                             use_tc_tiling_on_sc=True),
        scratch_types=[
            pltpu.VMEM((IDX_PAD,), jnp.int32),
            pltpu.VMEM((IDX_PAD,), jnp.int32),
            pltpu.VMEM((2, CHUNK, FACTOR_NUM, WIN), jnp.float32),
            pltpu.VMEM((2, CHUNK, FACTOR_NUM, WIN), jnp.float32),
            pltpu.VMEM((2 * CHUNK * STG_STRIDE,), jnp.float32),
            pltpu.VMEM((2 * CHUNK * STG_STRIDE,), jnp.float32),
            pltpu.VMEM((B_PER_W,), jnp.float32),
            pltpu.SemaphoreType.DMA,
            pltpu.SemaphoreType.DMA,
        ],
    )
    return kern(user, item, users_W.T, items_W.T)


def kernel(user, item, users_W, items_W):
    return _fcf(user.astype(jnp.int32), item.astype(jnp.int32),
                users_W, items_W)

# --- scband reference (transcript-rebuilt; emitter-appended) ---
"""Pipeline reference for scband-fcf-51204600103079 (READ-ONLY COPY).

The authoritative reference and input builder live on the scoring server;
editing this copy changes nothing except your own understanding.
"""

import jax, jax.numpy as jnp
import numpy as np

NUM_USERS = 1000000
NUM_ITEMS = 1000000
FACTOR_NUM = 16
BATCH = 16384


def setup_inputs(seed: int = 0) -> dict:
    key = jax.random.key(seed)
    k1, k2, k3, k4 = jax.random.split(key, 4)
    user = jax.random.randint(k1, (BATCH,), 0, NUM_USERS, dtype=jnp.int64 if jax.config.jax_enable_x64 else jnp.int32)
    item = jax.random.randint(k2, (BATCH,), 0, NUM_ITEMS, dtype=jnp.int64 if jax.config.jax_enable_x64 else jnp.int32)
    users_W = jax.random.normal(k3, (NUM_USERS, FACTOR_NUM), dtype=jnp.float32) * 0.01
    items_W = jax.random.normal(k4, (NUM_ITEMS, FACTOR_NUM), dtype=jnp.float32) * 0.01
    return {"user": user, "item": item, "users_W": users_W, "items_W": items_W}


def reference(user, item, users_W, items_W):
    # user_embd = Embedding lookup (gather)
    user_embd = jnp.take(users_W, user, axis=0)
    item_embd = jnp.take(items_W, item, axis=0)
    out = jnp.sum(user_embd * item_embd, axis=1)
    return jax.nn.sigmoid(out)

if __name__ == "__main__":
    import jax
    _d = setup_inputs()
    print(jax.jit(kernel)(*tuple(_d.values())))

</pallas_src>

<mosaic_0001>
#map = affine_map<(d0, d1) -> (0)>
#map1 = affine_map<(d0, d1) -> (0, 0)>
module attributes {stable_mosaic.version = 14 : i64} {
  func.func @_fcf_body(%arg0: i32, %arg1: i32, %arg2: memref<16384xi32, #tpu.memory_space<hbm>>, %arg3: memref<16384xi32, #tpu.memory_space<hbm>>, %arg4: memref<16x1000000xf32, #tpu.memory_space<hbm>>, %arg5: memref<16x1000000xf32, #tpu.memory_space<hbm>>, %arg6: memref<16384xf32, #tpu.memory_space<hbm>>, %arg7: memref<528xi32, #tpu.memory_space<vmem>>, %arg8: memref<528xi32, #tpu.memory_space<vmem>>, %arg9: memref<2x8x16x128xf32, #tpu.memory_space<vmem>>, %arg10: memref<2x8x16x128xf32, #tpu.memory_space<vmem>>, %arg11: memref<272xf32, #tpu.memory_space<vmem>>, %arg12: memref<272xf32, #tpu.memory_space<vmem>>, %arg13: memref<512xf32, #tpu.memory_space<vmem>>, %arg14: memref<!tpu.dma_semaphore, #tpu.memory_space<semaphore_mem>>, %arg15: memref<!tpu.dma_semaphore, #tpu.memory_space<semaphore_mem>>) attributes {dimension_semantics = [#tpu.dimension_semantics<core_parallel>, #tpu.dimension_semantics<subcore_parallel>], iteration_bounds = array<i64: 2, 16>, scalar_prefetch = 0 : i64, scratch_operands = 9 : i64, tpu.core_type = #tpu.core_type<sc_vector_subcore>, window_params = [{transform_indices = #map}, {transform_indices = #map}, {transform_indices = #map1}, {transform_indices = #map1}, {transform_indices = #map}]} {
    %mul3A = arith.constant 2 : i32
    %mul3A_0 = arith.muli %arg1, %mul3A : i32
    %add3A = arith.addi %mul3A_0, %arg0 : i32
    %mul3A_1 = arith.constant 512 : i32
    %mul3A_2 = arith.muli %add3A, %mul3A_1 : i32
    "tpu.region"() ({
      %run_scoped3A = tpu.sem_alloc : memref<!tpu.dma_semaphore, #tpu.memory_space<semaphore_mem>>
      %dma_start3A_1380 = arith.constant 0 : i32
      %dma_start3A_1381 = tpu.memref_slice %arg7[%dma_start3A_1380] : memref<528xi32, #tpu.memory_space<vmem>> -> memref<512xi32, #tpu.memory_space<vmem>>
      %dma_start3A_1382 = tpu.memref_slice %arg2[%mul3A_2] : memref<16384xi32, #tpu.memory_space<hbm>> -> memref<512xi32, #tpu.memory_space<hbm>>
      %dma_start3A_1383 = arith.constant 0 : i32
      %dma_start3A_1384 = tpu.memref_slice %arg7[%dma_start3A_1383] : memref<528xi32, #tpu.memory_space<vmem>> -> memref<512xi32, #tpu.memory_space<vmem>>
      %dma_start3A_1385 = tpu.memref_slice %arg2[%mul3A_2] : memref<16384xi32, #tpu.memory_space<hbm>> -> memref<512xi32, #tpu.memory_space<hbm>>
      tpu.enqueue_dma source(%dma_start3A_1385 : memref<512xi32, #tpu.memory_space<hbm>>) target(%dma_start3A_1384 : memref<512xi32, #tpu.memory_space<vmem>>) target_semaphore(%run_scoped3A : memref<!tpu.dma_semaphore, #tpu.memory_space<semaphore_mem>>)
      %dma_wait3A = arith.constant 0 : i32
      %dma_wait3A_1386 = tpu.memref_slice %arg7[%dma_wait3A] : memref<528xi32, #tpu.memory_space<vmem>> -> memref<512xi32, #tpu.memory_space<vmem>>
      %dma_wait3A_1387 = tpu.memref_slice %arg2[%mul3A_2] : memref<16384xi32, #tpu.memory_space<hbm>> -> memref<512xi32, #tpu.memory_space<hbm>>
      %dma_wait3A_1388 = arith.constant 0 : i32
      %dma_wait3A_1389 = tpu.memref_slice %arg7[%dma_wait3A_1388] : memref<528xi32, #tpu.memory_space<vmem>> -> memref<512xi32, #tpu.memory_space<vmem>>
      %dma_wait3A_1390 = tpu.memref_slice %arg2[%mul3A_2] : memref<16384xi32, #tpu.memory_space<hbm>> -> memref<512xi32, #tpu.memory_space<hbm>>
      tpu.wait_dma2 semaphore(%run_scoped3A : memref<!tpu.dma_semaphore, #tpu.memory_space<semaphore_mem>>) src(%dma_wait3A_1390 : memref<512xi32, #tpu.memory_space<hbm>>) dst(%dma_wait3A_1389 : memref<512xi32, #tpu.memory_space<vmem>>)
      tpu.yield
    }) : () -> ()
    "tpu.region"() ({
      %run_scoped3A = tpu.sem_alloc : memref<!tpu.dma_semaphore, #tpu.memory_space<semaphore_mem>>
      %dma_start3A_1380 = arith.constant 0 : i32
      %dma_start3A_1381 = tpu.memref_slice %arg8[%dma_start3A_1380] : memref<528xi32, #tpu.memory_space<vmem>> -> memref<512xi32, #tpu.memory_space<vmem>>
      %dma_start3A_1382 = tpu.memref_slice %arg3[%mul3A_2] : memref<16384xi32, #tpu.memory_space<hbm>> -> memref<512xi32, #tpu.memory_space<hbm>>
      %dma_start3A_1383 = arith.constant 0 : i32
      %dma_start3A_1384 = tpu.memref_slice %arg8[%dma_start3A_1383] : memref<528xi32, #tpu.memory_space<vmem>> -> memref<512xi32, #tpu.memory_space<vmem>>
      %dma_start3A_1385 = tpu.memref_slice %arg3[%mul3A_2] : memref<16384xi32, #tpu.memory_space<hbm>> -> memref<512xi32, #tpu.memory_space<hbm>>
      tpu.enqueue_dma source(%dma_start3A_1385 : memref<512xi32, #tpu.memory_space<hbm>>) target(%dma_start3A_1384 : memref<512xi32, #tpu.memory_space<vmem>>) target_semaphore(%run_scoped3A : memref<!tpu.dma_semaphore, #tpu.memory_space<semaphore_mem>>)
      %dma_wait3A = arith.constant 0 : i32
      %dma_wait3A_1386 = tpu.memref_slice %arg8[%dma_wait3A] : memref<528xi32, #tpu.memory_space<vmem>> -> memref<512xi32, #tpu.memory_space<vmem>>
      %dma_wait3A_1387 = tpu.memref_slice %arg3[%mul3A_2] : memref<16384xi32, #tpu.memory_space<hbm>> -> memref<512xi32, #tpu.memory_space<hbm>>
      %dma_wait3A_1388 = arith.constant 0 : i32
      %dma_wait3A_1389 = tpu.memref_slice %arg8[%dma_wait3A_1388] : memref<528xi32, #tpu.memory_space<vmem>> -> memref<512xi32, #tpu.memory_space<vmem>>
      %dma_wait3A_1390 = tpu.memref_slice %arg3[%mul3A_2] : memref<16384xi32, #tpu.memory_space<hbm>> -> memref<512xi32, #tpu.memory_space<hbm>>
      tpu.wait_dma2 semaphore(%run_scoped3A : memref<!tpu.dma_semaphore, #tpu.memory_space<semaphore_mem>>) src(%dma_wait3A_1390 : memref<512xi32, #tpu.memory_space<hbm>>) dst(%dma_wait3A_1389 : memref<512xi32, #tpu.memory_space<vmem>>)
      tpu.yield
    }) : () -> ()
    %iota3A = tpu.iota {dimensions = array<i32: 0>} : vector<16xi32>
    %get3A = arith.constant 0 : index
    %get3A_3 = tpu.vector_load %arg7[%get3A] {strides = array<i32>} : memref<528xi32, #tpu.memory_space<vmem>>, vector<16xi32>,
    %get3A_4 = arith.constant 0 : index
    %get3A_5 = tpu.vector_load %arg8[%get3A_4] {strides = array<i32>} : memref<528xi32, #tpu.memory_space<vmem>>, vector<16xi32>,
    %slice3A = vector.extract_strided_slice %get3A_3 {offsets = [0], sizes = [1], strides = [1]} : vector<16xi32> to vector<1xi32>
    %squeeze3A = vector.extract %slice3A[0] : i32 from vector<1xi32>
    %jit3A = arith.constant 128 : i32
    %div3A = arith.divsi %squeeze3A, %jit3A : i32
    %sign3A = arith.constant 0 : i32
    %sign3A_6 = arith.cmpi sgt, %squeeze3A, %sign3A : i32
    %sign3A_7 = arith.extui %sign3A_6 : i1 to i32
    %sign3A_8 = arith.constant 0 : i32
    %sign3A_9 = arith.cmpi slt, %squeeze3A, %sign3A_8 : i32
    %sign3A_10 = arith.extui %sign3A_9 : i1 to i32
    %sign3A_11 = arith.subi %sign3A_7, %sign3A_10 : i32
    %sign3A_12 = arith.constant 0 : i32
    %sign3A_13 = arith.cmpi sgt, %jit3A, %sign3A_12 : i32
    %sign3A_14 = arith.extui %sign3A_13 : i1 to i32
    %sign3A_15 = arith.constant 0 : i32
    %sign3A_16 = arith.cmpi slt, %jit3A, %sign3A_15 : i32
    %sign3A_17 = arith.extui %sign3A_16 : i1 to i32
    %sign3A_18 = arith.subi %sign3A_14, %sign3A_17 : i32
    %ne3A = arith.cmpi ne, %sign3A_11, %sign3A_18 : i32
    %rem3A = arith.remsi %squeeze3A, %jit3A : i32
    %ne3A_19 = arith.constant 0 : i32
    %ne3A_20 = arith.cmpi ne, %rem3A, %ne3A_19 : i32
    %and3A = arith.andi %ne3A, %ne3A_20 : i1
    %sub3A = arith.constant 1 : i32
    %sub3A_21 = arith.subi %div3A, %sub3A : i32
    %select_n3A = arith.select %and3A, %sub3A_21, %div3A : i32
    %mul3A_22 = arith.constant 128 : i32
    %mul3A_23 = arith.muli %select_n3A, %mul3A_22 : i32
    %multiple_of3A = tpu.assume_multiple %mul3A_23, 128 : i32
    %slice3A_24 = vector.extract_strided_slice %get3A_5 {offsets = [0], sizes = [1], strides = [1]} : vector<16xi32> to vector<1xi32>
    %squeeze3A_25 = vector.extract %slice3A_24[0] : i32 from vector<1xi32>
    %jit3A_26 = arith.constant 128 : i32
    %div3A_27 = arith.divsi %squeeze3A_25, %jit3A_26 : i32
    %sign3A_28 = arith.constant 0 : i32
    %sign3A_29 = arith.cmpi sgt, %squeeze3A_25, %sign3A_28 : i32
    %sign3A_30 = arith.extui %sign3A_29 : i1 to i32
    %sign3A_31 = arith.constant 0 : i32
    %sign3A_32 = arith.cmpi slt, %squeeze3A_25, %sign3A_31 : i32
    %sign3A_33 = arith.extui %sign3A_32 : i1 to i32
    %sign3A_34 = arith.subi %sign3A_30, %sign3A_33 : i32
    %sign3A_35 = arith.constant 0 : i32
    %sign3A_36 = arith.cmpi sgt, %jit3A_26, %sign3A_35 : i32
    %sign3A_37 = arith.extui %sign3A_36 : i1 to i32
    %sign3A_38 = arith.constant 0 : i32
    %sign3A_39 = arith.cmpi slt, %jit3A_26, %sign3A_38 : i32
    %sign3A_40 = arith.extui %sign3A_39 : i1 to i32
    %sign3A_41 = arith.subi %sign3A_37, %sign3A_40 : i32
    %ne3A_42 = arith.cmpi ne, %sign3A_34, %sign3A_41 : i32
    %rem3A_43 = arith.remsi %squeeze3A_25, %jit3A_26 : i32
    %ne3A_44 = arith.constant 0 : i32
    %ne3A_45 = arith.cmpi ne, %rem3A_43, %ne3A_44 : i32
    %and3A_46 = arith.andi %ne3A_42, %ne3A_45 : i1
    %sub3A_47 = arith.constant 1 : i32
    %sub3A_48 = arith.subi %div3A_27, %sub3A_47 : i32
    %select_n3A_49 = arith.select %and3A_46, %sub3A_48, %div3A_27 : i32
    %mul3A_50 = arith.constant 128 : i32
    %mul3A_51 = arith.muli %select_n3A_49, %mul3A_50 : i32
    %multiple_of3A_52 = tpu.assume_multiple %mul3A_51, 128 : i32
    %dma_start3A = arith.constant 0 : i32
    %dma_start3A_53 = arith.constant 0 : i32
    %dma_start3A_54 = arith.constant 0 : i32
    %dma_start3A_55 = arith.constant 0 : i32
    %dma_start3A_56 = tpu.memref_slice %arg9[%dma_start3A, %dma_start3A_53, %dma_start3A_54, %dma_start3A_55] : memref<2x8x16x128xf32, #tpu.memory_space<vmem>> -> memref<1x1x16x128xf32, #tpu.memory_space<vmem>>
    %dma_start3A_57 = tpu.memref_squeeze %dma_start3A_56 : memref<1x1x16x128xf32, #tpu.memory_space<vmem>> -> memref<16x128xf32, #tpu.memory_space<vmem>>
    %dma_start3A_58 = arith.constant 0 : i32
    %dma_start3A_59 = tpu.memref_slice %arg4[%dma_start3A_58, %multiple_of3A] : memref<16x1000000xf32, #tpu.memory_space<hbm>> -> memref<16x128xf32, #tpu.memory_space<hbm>>
    %dma_start3A_60 = arith.constant 0 : i32
    %dma_start3A_61 = arith.constant 0 : i32
    %dma_start3A_62 = tpu.memref_slice %arg9[%dma_start3A, %dma_start3A_53, %dma_start3A_60, %dma_start3A_61] : memref<2x8x16x128xf32, #tpu.memory_space<vmem>> -> memref<1x1x16x128xf32, #tpu.memory_space<vmem>>
    %dma_start3A_63 = tpu.memref_squeeze %dma_start3A_62 : memref<1x1x16x128xf32, #tpu.memory_space<vmem>> -> memref<16x128xf32, #tpu.memory_space<vmem>>
    %dma_start3A_64 = arith.constant 0 : i32
    %dma_start3A_65 = tpu.memref_slice %arg4[%dma_start3A_64, %multiple_of3A] : memref<16x1000000xf32, #tpu.memory_space<hbm>> -> memref<16x128xf32, #tpu.memory_space<hbm>>
    tpu.enqueue_dma source(%dma_start3A_65 : memref<16x128xf32, #tpu.memory_space<hbm>>) target(%dma_start3A_63 : memref<16x128xf32, #tpu.memory_space<vmem>>) target_semaphore(%arg14 : memref<!tpu.dma_semaphore, #tpu.memory_space<semaphore_mem>>)
    %dma_start3A_66 = arith.constant 0 : i32
    %dma_start3A_67 = arith.constant 0 : i32
    %dma_start3A_68 = arith.constant 0 : i32
    %dma_start3A_69 = arith.constant 0 : i32
    %dma_start3A_70 = tpu.memref_slice %arg10[%dma_start3A_66, %dma_start3A_67, %dma_start3A_68, %dma_start3A_69] : memref<2x8x16x128xf32, #tpu.memory_space<vmem>> -> memref<1x1x16x128xf32, #tpu.memory_space<vmem>>
    %dma_start3A_71 = tpu.memref_squeeze %dma_start3A_70 : memref<1x1x16x128xf32, #tpu.memory_space<vmem>> -> memref<16x128xf32, #tpu.memory_space<vmem>>
    %dma_start3A_72 = arith.constant 0 : i32
    %dma_start3A_73 = tpu.memref_slice %arg5[%dma_start3A_72, %multiple_of3A_52] : memref<16x1000000xf32, #tpu.memory_space<hbm>> -> memref<16x128xf32, #tpu.memory_space<hbm>>
    %dma_start3A_74 = arith.constant 0 : i32
    %dma_start3A_75 = arith.constant 0 : i32
    %dma_start3A_76 = tpu.memref_slice %arg10[%dma_start3A_66, %dma_start3A_67, %dma_start3A_74, %dma_start3A_75] : memref<2x8x16x128xf32, #tpu.memory_space<vmem>> -> memref<1x1x16x128xf32, #tpu.memory_space<vmem>>
    %dma_start3A_77 = tpu.memref_squeeze %dma_start3A_76 : memref<1x1x16x128xf32, #tpu.memory_space<vmem>> -> memref<16x128xf32, #tpu.memory_space<vmem>>
    %dma_start3A_78 = arith.constant 0 : i32
    %dma_start3A_79 = tpu.memref_slice %arg5[%dma_start3A_78, %multiple_of3A_52] : memref<16x1000000xf32, #tpu.memory_space<hbm>> -> memref<16x128xf32, #tpu.memory_space<hbm>>
    tpu.enqueue_dma source(%dma_start3A_79 : memref<16x128xf32, #tpu.memory_space<hbm>>) target(%dma_start3A_77 : memref<16x128xf32, #tpu.memory_space<vmem>>) target_semaphore(%arg14 : memref<!tpu.dma_semaphore, #tpu.memory_space<semaphore_mem>>)
    %slice3A_80 = vector.extract_strided_slice %get3A_3 {offsets = [1], sizes = [1], strides = [1]} : vector<16xi32> to vector<1xi32>
    %squeeze3A_81 = vector.extract %slice3A_80[0] : i32 from vector<1xi32>
    %jit3A_82 = arith.constant 128 : i32
    %div3A_83 = arith.divsi %squeeze3A_81, %jit3A_82 : i32
    %sign3A_84 = arith.constant 0 : i32
    %sign3A_85 = arith.cmpi sgt, %squeeze3A_81, %sign3A_84 : i32
    %sign3A_86 = arith.extui %sign3A_85 : i1 to i32
    %sign3A_87 = arith.constant 0 : i32
    %sign3A_88 = arith.cmpi slt, %squeeze3A_81, %sign3A_87 : i32
    %sign3A_89 = arith.extui %sign3A_88 : i1 to i32
    %sign3A_90 = arith.subi %sign3A_86, %sign3A_89 : i32
    %sign3A_91 = arith.constant 0 : i32
    %sign3A_92 = arith.cmpi sgt, %jit3A_82, %sign3A_91 : i32
    %sign3A_93 = arith.extui %sign3A_92 : i1 to i32
    %sign3A_94 = arith.constant 0 : i32
    %sign3A_95 = arith.cmpi slt, %jit3A_82, %sign3A_94 : i32
    %sign3A_96 = arith.extui %sign3A_95 : i1 to i32
    %sign3A_97 = arith.subi %sign3A_93, %sign3A_96 : i32
    %ne3A_98 = arith.cmpi ne, %sign3A_90, %sign3A_97 : i32
    %rem3A_99 = arith.remsi %squeeze3A_81, %jit3A_82 : i32
    %ne3A_100 = arith.constant 0 : i32
    %ne3A_101 = arith.cmpi ne, %rem3A_99, %ne3A_100 : i32
    %and3A_102 = arith.andi %ne3A_98, %ne3A_101 : i1
    %sub3A_103 = arith.constant 1 : i32
    %sub3A_104 = arith.subi %div3A_83, %sub3A_103 : i32
    %select_n3A_105 = arith.select %and3A_102, %sub3A_104, %div3A_83 : i32
    %mul3A_106 = arith.constant 128 : i32
    %mul3A_107 = arith.muli %select_n3A_105, %mul3A_106 : i32
    %multiple_of3A_108 = tpu.assume_multiple %mul3A_107, 128 : i32
    %slice3A_109 = vector.extract_strided_slice %get3A_5 {offsets = [1], sizes = [1], strides = [1]} : vector<16xi32> to vector<1xi32>
    %squeeze3A_110 = vector.extract %slice3A_109[0] : i32 from vector<1xi32>
    %jit3A_111 = arith.constant 128 : i32
    %div3A_112 = arith.divsi %squeeze3A_110, %jit3A_111 : i32
    %sign3A_113 = arith.constant 0 : i32
    %sign3A_114 = arith.cmpi sgt, %squeeze3A_110, %sign3A_113 : i32
    %sign3A_115 = arith.extui %sign3A_114 : i1 to i32
    %sign3A_116 = arith.constant 0 : i32
    %sign3A_117 = arith.cmpi slt, %squeeze3A_110, %sign3A_116 : i32
    %sign3A_118 = arith.extui %sign3A_117 : i1 to i32
    %sign3A_119 = arith.subi %sign3A_115, %sign3A_118 : i32
    %sign3A_120 = arith.constant 0 : i32
    %sign3A_121 = arith.cmpi sgt, %jit3A_111, %sign3A_120 : i32
    %sign3A_122 = arith.extui %sign3A_121 : i1 to i32
    %sign3A_123 = arith.constant 0 : i32
    %sign3A_124 = arith.cmpi slt, %jit3A_111, %sign3A_123 : i32
    %sign3A_125 = arith.extui %sign3A_124 : i1 to i32
    %sign3A_126 = arith.subi %sign3A_122, %sign3A_125 : i32
    %ne3A_127 = arith.cmpi ne, %sign3A_119, %sign3A_126 : i32
    %rem3A_128 = arith.remsi %squeeze3A_110, %jit3A_111 : i32
    %ne3A_129 = arith.constant 0 : i32
    %ne3A_130 = arith.cmpi ne, %rem3A_128, %ne3A_129 : i32
    %and3A_131 = arith.andi %ne3A_127, %ne3A_130 : i1
    %sub3A_132 = arith.constant 1 : i32
    %sub3A_133 = arith.subi %div3A_112, %sub3A_132 : i32
    %select_n3A_134 = arith.select %and3A_131, %sub3A_133, %div3A_112 : i32
    %mul3A_135 = arith.constant 128 : i32
    %mul3A_136 = arith.muli %select_n3A_134, %mul3A_135 : i32
    %multiple_of3A_137 = tpu.assume_multiple %mul3A_136, 128 : i32
    %dma_start3A_138 = arith.constant 0 : i32
    %dma_start3A_139 = arith.constant 1 : i32
    %dma_start3A_140 = arith.constant 0 : i32
    %dma_start3A_141 = arith.constant 0 : i32
    %dma_start3A_142 = tpu.memref_slice %arg9[%dma_start3A_138, %dma_start3A_139, %dma_start3A_140, %dma_start3A_141] : memref<2x8x16x128xf32, #tpu.memory_space<vmem>> -> memref<1x1x16x128xf32, #tpu.memory_space<vmem>>
    %dma_start3A_143 = tpu.memref_squeeze %dma_start3A_142 : memref<1x1x16x128xf32, #tpu.memory_space<vmem>> -> memref<16x128xf32, #tpu.memory_space<vmem>>
    %dma_start3A_144 = arith.constant 0 : i32
    %dma_start3A_145 = tpu.memref_slice %arg4[%dma_start3A_144, %multiple_of3A_108] : memref<16x1000000xf32, #tpu.memory_space<hbm>> -> memref<16x128xf32, #tpu.memory_space<hbm>>
    %dma_start3A_146 = arith.constant 0 : i32
    %dma_start3A_147 = arith.constant 0 : i32
    %dma_start3A_148 = tpu.memref_slice %arg9[%dma_start3A_138, %dma_start3A_139, %dma_start3A_146, %dma_start3A_147] : memref<2x8x16x128xf32, #tpu.memory_space<vmem>> -> memref<1x1x16x128xf32, #tpu.memory_space<vmem>>
    %dma_start3A_149 = tpu.memref_squeeze %dma_start3A_148 : memref<1x1x16x128xf32, #tpu.memory_space<vmem>> -> memref<16x128xf32, #tpu.memory_space<vmem>>
    %dma_start3A_150 = arith.constant 0 : i32
    %dma_start3A_151 = tpu.memref_slice %arg4[%dma_start3A_150, %multiple_of3A_108] : memref<16x1000000xf32, #tpu.memory_space<hbm>> -> memref<16x128xf32, #tpu.memory_space<hbm>>
    tpu.enqueue_dma source(%dma_start3A_151 : memref<16x128xf32, #tpu.memory_space<hbm>>) target(%dma_start3A_149 : memref<16x128xf32, #tpu.memory_space<vmem>>) target_semaphore(%arg14 : memref<!tpu.dma_semaphore, #tpu.memory_space<semaphore_mem>>)
    %dma_start3A_152 = arith.constant 0 : i32
    %dma_start3A_153 = arith.constant 1 : i32
    %dma_start3A_154 = arith.constant 0 : i32
    %dma_start3A_155 = arith.constant 0 : i32
    %dma_start3A_156 = tpu.memref_slice %arg10[%dma_start3A_152, %dma_start3A_153, %dma_start3A_154, %dma_start3A_155] : memref<2x8x16x128xf32, #tpu.memory_space<vmem>> -> memref<1x1x16x128xf32, #tpu.memory_space<vmem>>
    %dma_start3A_157 = tpu.memref_squeeze %dma_start3A_156 : memref<1x1x16x128xf32, #tpu.memory_space<vmem>> -> memref<16x128xf32, #tpu.memory_space<vmem>>
    %dma_start3A_158 = arith.constant 0 : i32
    %dma_start3A_159 = tpu.memref_slice %arg5[%dma_start3A_158, %multiple_of3A_137] : memref<16x1000000xf32, #tpu.memory_space<hbm>> -> memref<16x128xf32, #tpu.memory_space<hbm>>
    %dma_start3A_160 = arith.constant 0 : i32
    %dma_start3A_161 = arith.constant 0 : i32
    %dma_start3A_162 = tpu.memref_slice %arg10[%dma_start3A_152, %dma_start3A_153, %dma_start3A_160, %dma_start3A_161] : memref<2x8x16x128xf32, #tpu.memory_space<vmem>> -> memref<1x1x16x128xf32, #tpu.memory_space<vmem>>
    %dma_start3A_163 = tpu.memref_squeeze %dma_start3A_162 : memref<1x1x16x128xf32, #tpu.memory_space<vmem>> -> memref<16x128xf32, #tpu.memory_space<vmem>>
    %dma_start3A_164 = arith.constant 0 : i32
    %dma_start3A_165 = tpu.memref_slice %arg5[%dma_start3A_164, %multiple_of3A_137] : memref<16x1000000xf32, #tpu.memory_space<hbm>> -> memref<16x128xf32, #tpu.memory_space<hbm>>
    tpu.enqueue_dma source(%dma_start3A_165 : memref<16x128xf32, #tpu.memory_space<hbm>>) target(%dma_start3A_163 : memref<16x128xf32, #tpu.memory_space<vmem>>) target_semaphore(%arg14 : memref<!tpu.dma_semaphore, #tpu.memory_space<semaphore_mem>>)
    %slice3A_166 = vector.extract_strided_slice %get3A_3 {offsets = [2], sizes = [1], strides = [1]} : vector<16xi32> to vector<1xi32>
    %squeeze3A_167 = vector.extract %slice3A_166[0] : i32 from vector<1xi32>
    %jit3A_168 = arith.constant 128 : i32
    %div3A_169 = arith.divsi %squeeze3A_167, %jit3A_168 : i32
    %sign3A_170 = arith.constant 0 : i32
    %sign3A_171 = arith.cmpi sgt, %squeeze3A_167, %sign3A_170 : i32
    %sign3A_172 = arith.extui %sign3A_171 : i1 to i32
    %sign3A_173 = arith.constant 0 : i32
    %sign3A_174 = arith.cmpi slt, %squeeze3A_167, %sign3A_173 : i32
    %sign3A_175 = arith.extui %sign3A_174 : i1 to i32
    %sign3A_176 = arith.subi %sign3A_172, %sign3A_175 : i32
    %sign3A_177 = arith.constant 0 : i32
    %sign3A_178 = arith.cmpi sgt, %jit3A_168, %sign3A_177 : i32
    %sign3A_179 = arith.extui %sign3A_178 : i1 to i32
    %sign3A_180 = arith.constant 0 : i32
    %sign3A_181 = arith.cmpi slt, %jit3A_168, %sign3A_180 : i32
    %sign3A_182 = arith.extui %sign3A_181 : i1 to i32
    %sign3A_183 = arith.subi %sign3A_179, %sign3A_182 : i32
    %ne3A_184 = arith.cmpi ne, %sign3A_176, %sign3A_183 : i32
    %rem3A_185 = arith.remsi %squeeze3A_167, %jit3A_168 : i32
    %ne3A_186 = arith.constant 0 : i32
    %ne3A_187 = arith.cmpi ne, %rem3A_185, %ne3A_186 : i32
    %and3A_188 = arith.andi %ne3A_184, %ne3A_187 : i1
    %sub3A_189 = arith.constant 1 : i32
    %sub3A_190 = arith.subi %div3A_169, %sub3A_189 : i32
    %select_n3A_191 = arith.select %and3A_188, %sub3A_190, %div3A_169 : i32
    %mul3A_192 = arith.constant 128 : i32
    %mul3A_193 = arith.muli %select_n3A_191, %mul3A_192 : i32
    %multiple_of3A_194 = tpu.assume_multiple %mul3A_193, 128 : i32
    %slice3A_195 = vector.extract_strided_slice %get3A_5 {offsets = [2], sizes = [1], strides = [1]} : vector<16xi32> to vector<1xi32>
    %squeeze3A_196 = vector.extract %slice3A_195[0] : i32 from vector<1xi32>
    %jit3A_197 = arith.constant 128 : i32
    %div3A_198 = arith.divsi %squeeze3A_196, %jit3A_197 : i32
    %sign3A_199 = arith.constant 0 : i32
    %sign3A_200 = arith.cmpi sgt, %squeeze3A_196, %sign3A_199 : i32
    %sign3A_201 = arith.extui %sign3A_200 : i1 to i32
    %sign3A_202 = arith.constant 0 : i32
    %sign3A_203 = arith.cmpi slt, %squeeze3A_196, %sign3A_202 : i32
    %sign3A_204 = arith.extui %sign3A_203 : i1 to i32
    %sign3A_205 = arith.subi %sign3A_201, %sign3A_204 : i32
    %sign3A_206 = arith.constant 0 : i32
    %sign3A_207 = arith.cmpi sgt, %jit3A_197, %sign3A_206 : i32
    %sign3A_208 = arith.extui %sign3A_207 : i1 to i32
    %sign3A_209 = arith.constant 0 : i32
    %sign3A_210 = arith.cmpi slt, %jit3A_197, %sign3A_209 : i32
    %sign3A_211 = arith.extui %sign3A_210 : i1 to i32
    %sign3A_212 = arith.subi %sign3A_208, %sign3A_211 : i32
    %ne3A_213 = arith.cmpi ne, %sign3A_205, %sign3A_212 : i32
    %rem3A_214 = arith.remsi %squeeze3A_196, %jit3A_197 : i32
    %ne3A_215 = arith.constant 0 : i32
    %ne3A_216 = arith.cmpi ne, %rem3A_214, %ne3A_215 : i32
    %and3A_217 = arith.andi %ne3A_213, %ne3A_216 : i1
    %sub3A_218 = arith.constant 1 : i32
    %sub3A_219 = arith.subi %div3A_198, %sub3A_218 : i32
    %select_n3A_220 = arith.select %and3A_217, %sub3A_219, %div3A_198 : i32
    %mul3A_221 = arith.constant 128 : i32
    %mul3A_222 = arith.muli %select_n3A_220, %mul3A_221 : i32
    %multiple_of3A_223 = tpu.assume_multiple %mul3A_222, 128 : i32
    %dma_start3A_224 = arith.constant 0 : i32
    %dma_start3A_225 = arith.constant 2 : i32
    %dma_start3A_226 = arith.constant 0 : i32
    %dma_start3A_227 = arith.constant 0 : i32
    %dma_start3A_228 = tpu.memref_slice %arg9[%dma_start3A_224, %dma_start3A_225, %dma_start3A_226, %dma_start3A_227] : memref<2x8x16x128xf32, #tpu.memory_space<vmem>> -> memref<1x1x16x128xf32, #tpu.memory_space<vmem>>
    %dma_start3A_229 = tpu.memref_squeeze %dma_start3A_228 : memref<1x1x16x128xf32, #tpu.memory_space<vmem>> -> memref<16x128xf32, #tpu.memory_space<vmem>>
    %dma_start3A_230 = arith.constant 0 : i32
    %dma_start3A_231 = tpu.memref_slice %arg4[%dma_start3A_230, %multiple_of3A_194] : memref<16x1000000xf32, #tpu.memory_space<hbm>> -> memref<16x128xf32, #tpu.memory_space<hbm>>
    %dma_start3A_232 = arith.constant 0 : i32
    %dma_start3A_233 = arith.constant 0 : i32
    %dma_start3A_234 = tpu.memref_slice %arg9[%dma_start3A_224, %dma_start3A_225, %dma_start3A_232, %dma_start3A_233] : memref<2x8x16x128xf32, #tpu.memory_space<vmem>> -> memref<1x1x16x128xf32, #tpu.memory_space<vmem>>
    %dma_start3A_235 = tpu.memref_squeeze %dma_start3A_234 : memref<1x1x16x128xf32, #tpu.memory_space<vmem>> -> memref<16x128xf32, #tpu.memory_space<vmem>>
    %dma_start3A_236 = arith.constant 0 : i32
    %dma_start3A_237 = tpu.memref_slice %arg4[%dma_start3A_236, %multiple_of3A_194] : memref<16x1000000xf32, #tpu.memory_space<hbm>> -> memref<16x128xf32, #tpu.memory_space<hbm>>
    tpu.enqueue_dma source(%dma_start3A_237 : memref<16x128xf32, #tpu.memory_space<hbm>>) target(%dma_start3A_235 : memref<16x128xf32, #tpu.memory_space<vmem>>) target_semaphore(%arg14 : memref<!tpu.dma_semaphore, #tpu.memory_space<semaphore_mem>>)
    %dma_start3A_238 = arith.constant 0 : i32
    %dma_start3A_239 = arith.constant 2 : i32
    %dma_start3A_240 = arith.constant 0 : i32
    %dma_start3A_241 = arith.constant 0 : i32
    %dma_start3A_242 = tpu.memref_slice %arg10[%dma_start3A_238, %dma_start3A_239, %dma_start3A_240, %dma_start3A_241] : memref<2x8x16x128xf32, #tpu.memory_space<vmem>> -> memref<1x1x16x128xf32, #tpu.memory_space<vmem>>
    %dma_start3A_243 = tpu.memref_squeeze %dma_start3A_242 : memref<1x1x16x128xf32, #tpu.memory_space<vmem>> -> memref<16x128xf32, #tpu.memory_space<vmem>>
    %dma_start3A_244 = arith.constant 0 : i32
    %dma_start3A_245 = tpu.memref_slice %arg5[%dma_start3A_244, %multiple_of3A_223] : memref<16x1000000xf32, #tpu.memory_space<hbm>> -> memref<16x128xf32, #tpu.memory_space<hbm>>
    %dma_start3A_246 = arith.constant 0 : i32
    %dma_start3A_247 = arith.constant 0 : i32
    %dma_start3A_248 = tpu.memref_slice %arg10[%dma_start3A_238, %dma_start3A_239, %dma_start3A_246, %dma_start3A_247] : memref<2x8x16x128xf32, #tpu.memory_space<vmem>> -> memref<1x1x16x128xf32, #tpu.memory_space<vmem>>
    %dma_start3A_249 = tpu.memref_squeeze %dma_start3A_248 : memref<1x1x16x128xf32, #tpu.memory_space<vmem>> -> memref<16x128xf32, #tpu.memory_space<vmem>>
    %dma_start3A_250 = arith.constant 0 : i32
    %dma_start3A_251 = tpu.memref_slice %arg5[%dma_start3A_250, %multiple_of3A_223] : memref<16x1000000xf32, #tpu.memory_space<hbm>> -> memref<16x128xf32, #tpu.memory_space<hbm>>
    tpu.enqueue_dma source(%dma_start3A_251 : memref<16x128xf32, #tpu.memory_space<hbm>>) target(%dma_start3A_249 : memref<16x128xf32, #tpu.memory_space<vmem>>) target_semaphore(%arg14 : memref<!tpu.dma_semaphore, #tpu.memory_space<semaphore_mem>>)
    %slice3A_252 = vector.extract_strided_slice %get3A_3 {offsets = [3], sizes = [1], strides = [1]} : vector<16xi32> to vector<1xi32>
    %squeeze3A_253 = vector.extract %slice3A_252[0] : i32 from vector<1xi32>
    %jit3A_254 = arith.constant 128 : i32
    %div3A_255 = arith.divsi %squeeze3A_253, %jit3A_254 : i32
    %sign3A_256 = arith.constant 0 : i32
    %sign3A_257 = arith.cmpi sgt, %squeeze3A_253, %sign3A_256 : i32
    %sign3A_258 = arith.extui %sign3A_257 : i1 to i32
    %sign3A_259 = arith.constant 0 : i32
    %sign3A_260 = arith.cmpi slt, %squeeze3A_253, %sign3A_259 : i32
    %sign3A_261 = arith.extui %sign3A_260 : i1 to i32
    %sign3A_262 = arith.subi %sign3A_258, %sign3A_261 : i32
    %sign3A_263 = arith.constant 0 : i32
    %sign3A_264 = arith.cmpi sgt, %jit3A_254, %sign3A_263 : i32
    %sign3A_265 = arith.extui %sign3A_264 : i1 to i32
    %sign3A_266 = arith.constant 0 : i32
    %sign3A_267 = arith.cmpi slt, %jit3A_254, %sign3A_266 : i32
    %sign3A_268 = arith.extui %sign3A_267 : i1 to i32
    %sign3A_269 = arith.subi %sign3A_265, %sign3A_268 : i32
    %ne3A_270 = arith.cmpi ne, %sign3A_262, %sign3A_269 : i32
    %rem3A_271 = arith.remsi %squeeze3A_253, %jit3A_254 : i32
    %ne3A_272 = arith.constant 0 : i32
    %ne3A_273 = arith.cmpi ne, %rem3A_271, %ne3A_272 : i32
    %and3A_274 = arith.andi %ne3A_270, %ne3A_273 : i1
    %sub3A_275 = arith.constant 1 : i32
    %sub3A_276 = arith.subi %div3A_255, %sub3A_275 : i32
    %select_n3A_277 = arith.select %and3A_274, %sub3A_276, %div3A_255 : i32
    %mul3A_278 = arith.constant 128 : i32
    %mul3A_279 = arith.muli %select_n3A_277, %mul3A_278 : i32
    %multiple_of3A_280 = tpu.assume_multiple %mul3A_279, 128 : i32
    %slice3A_281 = vector.extract_strided_slice %get3A_5 {offsets = [3], sizes = [1], strides = [1]} : vector<16xi32> to vector<1xi32>
    %squeeze3A_282 = vector.extract %slice3A_281[0] : i32 from vector<1xi32>
    %jit3A_283 = arith.constant 128 : i32
    %div3A_284 = arith.divsi %squeeze3A_282, %jit3A_283 : i32
    %sign3A_285 = arith.constant 0 : i32
    %sign3A_286 = arith.cmpi sgt, %squeeze3A_282, %sign3A_285 : i32
    %sign3A_287 = arith.extui %sign3A_286 : i1 to i32
    %sign3A_288 = arith.constant 0 : i32
    %sign3A_289 = arith.cmpi slt, %squeeze3A_282, %sign3A_288 : i32
    %sign3A_290 = arith.extui %sign3A_289 : i1 to i32
    %sign3A_291 = arith.subi %sign3A_287, %sign3A_290 : i32
    %sign3A_292 = arith.constant 0 : i32
    %sign3A_293 = arith.cmpi sgt, %jit3A_283, %sign3A_292 : i32
    %sign3A_294 = arith.extui %sign3A_293 : i1 to i32
    %sign3A_295 = arith.constant 0 : i32
    %sign3A_296 = arith.cmpi slt, %jit3A_283, %sign3A_295 : i32
    %sign3A_297 = arith.extui %sign3A_296 : i1 to i32
    %sign3A_298 = arith.subi %sign3A_294, %sign3A_297 : i32
    %ne3A_299 = arith.cmpi ne, %sign3A_291, %sign3A_298 : i32
    %rem3A_300 = arith.remsi %squeeze3A_282, %jit3A_283 : i32
    %ne3A_301 = arith.constant 0 : i32
    %ne3A_302 = arith.cmpi ne, %rem3A_300, %ne3A_301 : i32
    %and3A_303 = arith.andi %ne3A_299, %ne3A_302 : i1
    %sub3A_304 = arith.constant 1 : i32
    %sub3A_305 = arith.subi %div3A_284, %sub3A_304 : i32
    %select_n3A_306 = arith.select %and3A_303, %sub3A_305, %div3A_284 : i32
    %mul3A_307 = arith.constant 128 : i32
    %mul3A_308 = arith.muli %select_n3A_306, %mul3A_307 : i32
    %multiple_of3A_309 = tpu.assume_multiple %mul3A_308, 128 : i32
    %dma_start3A_310 = arith.constant 0 : i32
    %dma_start3A_311 = arith.constant 3 : i32
    %dma_start3A_312 = arith.constant 0 : i32
    %dma_start3A_313 = arith.constant 0 : i32
    %dma_start3A_314 = tpu.memref_slice %arg9[%dma_start3A_310, %dma_start3A_311, %dma_start3A_312, %dma_start3A_313] : memref<2x8x16x128xf32, #tpu.memory_space<vmem>> -> memref<1x1x16x128xf32, #tpu.memory_space<vmem>>
    %dma_start3A_315 = tpu.memref_squeeze %dma_start3A_314 : memref<1x1x16x128xf32, #tpu.memory_space<vmem>> -> memref<16x128xf32, #tpu.memory_space<vmem>>
    %dma_start3A_316 = arith.constant 0 : i32
    %dma_start3A_317 = tpu.memref_slice %arg4[%dma_start3A_316, %multiple_of3A_280] : memref<16x1000000xf32, #tpu.memory_space<hbm>> -> memref<16x128xf32, #tpu.memory_space<hbm>>
    %dma_start3A_318 = arith.constant 0 : i32
    %dma_start3A_319 = arith.constant 0 : i32
    %dma_start3A_320 = tpu.memref_slice %arg9[%dma_start3A_310, %dma_start3A_311, %dma_start3A_318, %dma_start3A_319] : memref<2x8x16x128xf32, #tpu.memory_space<vmem>> -> memref<1x1x16x128xf32, #tpu.memory_space<vmem>>
    %dma_start3A_321 = tpu.memref_squeeze %dma_start3A_320 : memref<1x1x16x128xf32, #tpu.memory_space<vmem>> -> memref<16x128xf32, #tpu.memory_space<vmem>>
    %dma_start3A_322 = arith.constant 0 : i32
    %dma_start3A_323 = tpu.memref_slice %arg4[%dma_start3A_322, %multiple_of3A_280] : memref<16x1000000xf32, #tpu.memory_space<hbm>> -> memref<16x128xf32, #tpu.memory_space<hbm>>
    tpu.enqueue_dma source(%dma_start3A_323 : memref<16x128xf32, #tpu.memory_space<hbm>>) target(%dma_start3A_321 : memref<16x128xf32, #tpu.memory_space<vmem>>) target_semaphore(%arg14 : memref<!tpu.dma_semaphore, #tpu.memory_space<semaphore_mem>>)
    %dma_start3A_324 = arith.constant 0 : i32
    %dma_start3A_325 = arith.constant 3 : i32
    %dma_start3A_326 = arith.constant 0 : i32
    %dma_start3A_327 = arith.constant 0 : i32
    %dma_start3A_328 = tpu.memref_slice %arg10[%dma_start3A_324, %dma_start3A_325, %dma_start3A_326, %dma_start3A_327] : memref<2x8x16x128xf32, #tpu.memory_space<vmem>> -> memref<1x1x16x128xf32, #tpu.memory_space<vmem>>
    %dma_start3A_329 = tpu.memref_squeeze %dma_start3A_328 : memref<1x1x16x128xf32, #tpu.memory_space<vmem>> -> memref<16x128xf32, #tpu.memory_space<vmem>>
    %dma_start3A_330 = arith.constant 0 : i32
    %dma_start3A_331 = tpu.memref_slice %arg5[%dma_start3A_330, %multiple_of3A_309] : memref<16x1000000xf32, #tpu.memory_space<hbm>> -> memref<16x128xf32, #tpu.memory_space<hbm>>
    %dma_start3A_332 = arith.constant 0 : i32
    %dma_start3A_333 = arith.constant 0 : i32
    %dma_start3A_334 = tpu.memref_slice %arg10[%dma_start3A_324, %dma_start3A_325, %dma_start3A_332, %dma_start3A_333] : memref<2x8x16x128xf32, #tpu.memory_space<vmem>> -> memref<1x1x16x128xf32, #tpu.memory_space<vmem>>
    %dma_start3A_335 = tpu.memref_squeeze %dma_start3A_334 : memref<1x1x16x128xf32, #tpu.memory_space<vmem>> -> memref<16x128xf32, #tpu.memory_space<vmem>>
    %dma_start3A_336 = arith.constant 0 : i32
    %dma_start3A_337 = tpu.memref_slice %arg5[%dma_start3A_336, %multiple_of3A_309] : memref<16x1000000xf32, #tpu.memory_space<hbm>> -> memref<16x128xf32, #tpu.memory_space<hbm>>
    tpu.enqueue_dma source(%dma_start3A_337 : memref<16x128xf32, #tpu.memory_space<hbm>>) target(%dma_start3A_335 : memref<16x128xf32, #tpu.memory_space<vmem>>) target_semaphore(%arg14 : memref<!tpu.dma_semaphore, #tpu.memory_space<semaphore_mem>>)
    %slice3A_338 = vector.extract_strided_slice %get3A_3 {offsets = [4], sizes = [1], strides = [1]} : vector<16xi32> to vector<1xi32>
    %squeeze3A_339 = vector.extract %slice3A_338[0] : i32 from vector<1xi32>
    %jit3A_340 = arith.constant 128 : i32
    %div3A_341 = arith.divsi %squeeze3A_339, %jit3A_340 : i32
    %sign3A_342 = arith.constant 0 : i32
    %sign3A_343 = arith.cmpi sgt, %squeeze3A_339, %sign3A_342 : i32
    %sign3A_344 = arith.extui %sign3A_343 : i1 to i32
    %sign3A_345 = arith.constant 0 : i32
    %sign3A_346 = arith.cmpi slt, %squeeze3A_339, %sign3A_345 : i32
    %sign3A_347 = arith.extui %sign3A_346 : i1 to i32
    %sign3A_348 = arith.subi %sign3A_344, %sign3A_347 : i32
    %sign3A_349 = arith.constant 0 : i32
    %sign3A_350 = arith.cmpi sgt, %jit3A_340, %sign3A_349 : i32
    %sign3A_351 = arith.extui %sign3A_350 : i1 to i32
    %sign3A_352 = arith.constant 0 : i32
    %sign3A_353 = arith.cmpi slt, %jit3A_340, %sign3A_352 : i32
    %sign3A_354 = arith.extui %sign3A_353 : i1 to i32
    %sign3A_355 = arith.subi %sign3A_351, %sign3A_354 : i32
    %ne3A_356 = arith.cmpi ne, %sign3A_348, %sign3A_355 : i32
    %rem3A_357 = arith.remsi %squeeze3A_339, %jit3A_340 : i32
    %ne3A_358 = arith.constant 0 : i32
    %ne3A_359 = arith.cmpi ne, %rem3A_357, %ne3A_358 : i32
    %and3A_360 = arith.andi %ne3A_356, %ne3A_359 : i1
    %sub3A_361 = arith.constant 1 : i32
    %sub3A_362 = arith.subi %div3A_341, %sub3A_361 : i32
    %select_n3A_363 = arith.select %and3A_360, %sub3A_362, %div3A_341 : i32
    %mul3A_364 = arith.constant 128 : i32
    %mul3A_365 = arith.muli %select_n3A_363, %mul3A_364 : i32
    %multiple_of3A_366 = tpu.assume_multiple %mul3A_365, 128 : i32
    %slice3A_367 = vector.extract_strided_slice %get3A_5 {offsets = [4], sizes = [1], strides = [1]} : vector<16xi32> to vector<1xi32>
    %squeeze3A_368 = vector.extract %slice3A_367[0] : i32 from vector<1xi32>
    %jit3A_369 = arith.constant 128 : i32
    %div3A_370 = arith.divsi %squeeze3A_368, %jit3A_369 : i32
    %sign3A_371 = arith.constant 0 : i32
    %sign3A_372 = arith.cmpi sgt, %squeeze3A_368, %sign3A_371 : i32
    %sign3A_373 = arith.extui %sign3A_372 : i1 to i32
    %sign3A_374 = arith.constant 0 : i32
    %sign3A_375 = arith.cmpi slt, %squeeze3A_368, %sign3A_374 : i32
    %sign3A_376 = arith.extui %sign3A_375 : i1 to i32
    %sign3A_377 = arith.subi %sign3A_373, %sign3A_376 : i32
    %sign3A_378 = arith.constant 0 : i32
    %sign3A_379 = arith.cmpi sgt, %jit3A_369, %sign3A_378 : i32
    %sign3A_380 = arith.extui %sign3A_379 : i1 to i32
    %sign3A_381 = arith.constant 0 : i32
    %sign3A_382 = arith.cmpi slt, %jit3A_369, %sign3A_381 : i32
    %sign3A_383 = arith.extui %sign3A_382 : i1 to i32
    %sign3A_384 = arith.subi %sign3A_380, %sign3A_383 : i32
    %ne3A_385 = arith.cmpi ne, %sign3A_377, %sign3A_384 : i32
    %rem3A_386 = arith.remsi %squeeze3A_368, %jit3A_369 : i32
    %ne3A_387 = arith.constant 0 : i32
    %ne3A_388 = arith.cmpi ne, %rem3A_386, %ne3A_387 : i32
    %and3A_389 = arith.andi %ne3A_385, %ne3A_388 : i1
    %sub3A_390 = arith.constant 1 : i32
    %sub3A_391 = arith.subi %div3A_370, %sub3A_390 : i32
    %select_n3A_392 = arith.select %and3A_389, %sub3A_391, %div3A_370 : i32
    %mul3A_393 = arith.constant 128 : i32
    %mul3A_394 = arith.muli %select_n3A_392, %mul3A_393 : i32
    %multiple_of3A_395 = tpu.assume_multiple %mul3A_394, 128 : i32
    %dma_start3A_396 = arith.constant 0 : i32
    %dma_start3A_397 = arith.constant 4 : i32
    %dma_start3A_398 = arith.constant 0 : i32
    %dma_start3A_399 = arith.constant 0 : i32
    %dma_start3A_400 = tpu.memref_slice %arg9[%dma_start3A_396, %dma_start3A_397, %dma_start3A_398, %dma_start3A_399] : memref<2x8x16x128xf32, #tpu.memory_space<vmem>> -> memref<1x1x16x128xf32, #tpu.memory_space<vmem>>
    %dma_start3A_401 = tpu.memref_squeeze %dma_start3A_400 : memref<1x1x16x128xf32, #tpu.memory_space<vmem>> -> memref<16x128xf32, #tpu.memory_space<vmem>>
    %dma_start3A_402 = arith.constant 0 : i32
    %dma_start3A_403 = tpu.memref_slice %arg4[%dma_start3A_402, %multiple_of3A_366] : memref<16x1000000xf32, #tpu.memory_space<hbm>> -> memref<16x128xf32, #tpu.memory_space<hbm>>
    %dma_start3A_404 = arith.constant 0 : i32
    %dma_start3A_405 = arith.constant 0 : i32
    %dma_start3A_406 = tpu.memref_slice %arg9[%dma_start3A_396, %dma_start3A_397, %dma_start3A_404, %dma_start3A_405] : memref<2x8x16x128xf32, #tpu.memory_space<vmem>> -> memref<1x1x16x128xf32, #tpu.memory_space<vmem>>
    %dma_start3A_407 = tpu.memref_squeeze %dma_start3A_406 : memref<1x1x16x128xf32, #tpu.memory_space<vmem>> -> memref<16x128xf32, #tpu.memory_space<vmem>>
    %dma_start3A_408 = arith.constant 0 : i32
    %dma_start3A_409 = tpu.memref_slice %arg4[%dma_start3A_408, %multiple_of3A_366] : memref<16x1000000xf32, #tpu.memory_space<hbm>> -> memref<16x128xf32, #tpu.memory_space<hbm>>
    tpu.enqueue_dma source(%dma_start3A_409 : memref<16x128xf32, #tpu.memory_space<hbm>>) target(%dma_start3A_407 : memref<16x128xf32, #tpu.memory_space<vmem>>) target_semaphore(%arg14 : memref<!tpu.dma_semaphore, #tpu.memory_space<semaphore_mem>>)
    %dma_start3A_410 = arith.constant 0 : i32
    %dma_start3A_411 = arith.constant 4 : i32
    %dma_start3A_412 = arith.constant 0 : i32
    %dma_start3A_413 = arith.constant 0 : i32
    %dma_start3A_414 = tpu.memref_slice %arg10[%dma_start3A_410, %dma_start3A_411, %dma_start3A_412, %dma_start3A_413] : memref<2x8x16x128xf32, #tpu.memory_space<vmem>> -> memref<1x1x16x128xf32, #tpu.memory_space<vmem>>
    %dma_start3A_415 = tpu.memref_squeeze %dma_start3A_414 : memref<1x1x16x128xf32, #tpu.memory_space<vmem>> -> memref<16x128xf32, #tpu.memory_space<vmem>>
    %dma_start3A_416 = arith.constant 0 : i32
    %dma_start3A_417 = tpu.memref_slice %arg5[%dma_start3A_416, %multiple_of3A_395] : memref<16x1000000xf32, #tpu.memory_space<hbm>> -> memref<16x128xf32, #tpu.memory_space<hbm>>
    %dma_start3A_418 = arith.constant 0 : i32
    %dma_start3A_419 = arith.constant 0 : i32
    %dma_start3A_420 = tpu.memref_slice %arg10[%dma_start3A_410, %dma_start3A_411, %dma_start3A_418, %dma_start3A_419] : memref<2x8x16x128xf32, #tpu.memory_space<vmem>> -> memref<1x1x16x128xf32, #tpu.memory_space<vmem>>
    %dma_start3A_421 = tpu.memref_squeeze %dma_start3A_420 : memref<1x1x16x128xf32, #tpu.memory_space<vmem>> -> memref<16x128xf32, #tpu.memory_space<vmem>>
    %dma_start3A_422 = arith.constant 0 : i32
    %dma_start3A_423 = tpu.memref_slice %arg5[%dma_start3A_422, %multiple_of3A_395] : memref<16x1000000xf32, #tpu.memory_space<hbm>> -> memref<16x128xf32, #tpu.memory_space<hbm>>
    tpu.enqueue_dma source(%dma_start3A_423 : memref<16x128xf32, #tpu.memory_space<hbm>>) target(%dma_start3A_421 : memref<16x128xf32, #tpu.memory_space<vmem>>) target_semaphore(%arg14 : memref<!tpu.dma_semaphore, #tpu.memory_space<semaphore_mem>>)
    %slice3A_424 = vector.extract_strided_slice %get3A_3 {offsets = [5], sizes = [1], strides = [1]} : vector<16xi32> to vector<1xi32>
    %squeeze3A_425 = vector.extract %slice3A_424[0] : i32 from vector<1xi32>
    %jit3A_426 = arith.constant 128 : i32
    %div3A_427 = arith.divsi %squeeze3A_425, %jit3A_426 : i32
    %sign3A_428 = arith.constant 0 : i32
    %sign3A_429 = arith.cmpi sgt, %squeeze3A_425, %sign3A_428 : i32
    %sign3A_430 = arith.extui %sign3A_429 : i1 to i32
    %sign3A_431 = arith.constant 0 : i32
    %sign3A_432 = arith.cmpi slt, %squeeze3A_425, %sign3A_431 : i32
    %sign3A_433 = arith.extui %sign3A_432 : i1 to i32
    %sign3A_434 = arith.subi %sign3A_430, %sign3A_433 : i32
    %sign3A_435 = arith.constant 0 : i32
    %sign3A_436 = arith.cmpi sgt, %jit3A_426, %sign3A_435 : i32
    %sign3A_437 = arith.extui %sign3A_436 : i1 to i32
    %sign3A_438 = arith.constant 0 : i32
    %sign3A_439 = arith.cmpi slt, %jit3A_426, %sign3A_438 : i32
    %sign3A_440 = arith.extui %sign3A_439 : i1 to i32
    %sign3A_441 = arith.subi %sign3A_437, %sign3A_440 : i32
    %ne3A_442 = arith.cmpi ne, %sign3A_434, %sign3A_441 : i32
    %rem3A_443 = arith.remsi %squeeze3A_425, %jit3A_426 : i32
    %ne3A_444 = arith.constant 0 : i32
    %ne3A_445 = arith.cmpi ne, %rem3A_443, %ne3A_444 : i32
    %and3A_446 = arith.andi %ne3A_442, %ne3A_445 : i1
    %sub3A_447 = arith.constant 1 : i32
    %sub3A_448 = arith.subi %div3A_427, %sub3A_447 : i32
    %select_n3A_449 = arith.select %and3A_446, %sub3A_448, %div3A_427 : i32
    %mul3A_450 = arith.constant 128 : i32
    %mul3A_451 = arith.muli %select_n3A_449, %mul3A_450 : i32
    %multiple_of3A_452 = tpu.assume_multiple %mul3A_451, 128 : i32
    %slice3A_453 = vector.extract_strided_slice %get3A_5 {offsets = [5], sizes = [1], strides = [1]} : vector<16xi32> to vector<1xi32>
    %squeeze3A_454 = vector.extract %slice3A_453[0] : i32 from vector<1xi32>
    %jit3A_455 = arith.constant 128 : i32
    %div3A_456 = arith.divsi %squeeze3A_454, %jit3A_455 : i32
    %sign3A_457 = arith.constant 0 : i32
    %sign3A_458 = arith.cmpi sgt, %squeeze3A_454, %sign3A_457 : i32
    %sign3A_459 = arith.extui %sign3A_458 : i1 to i32
    %sign3A_460 = arith.constant 0 : i32
    %sign3A_461 = arith.cmpi slt, %squeeze3A_454, %sign3A_460 : i32
    %sign3A_462 = arith.extui %sign3A_461 : i1 to i32
    %sign3A_463 = arith.subi %sign3A_459, %sign3A_462 : i32
    %sign3A_464 = arith.constant 0 : i32
    %sign3A_465 = arith.cmpi sgt, %jit3A_455, %sign3A_464 : i32
    %sign3A_466 = arith.extui %sign3A_465 : i1 to i32
    %sign3A_467 = arith.constant 0 : i32
    %sign3A_468 = arith.cmpi slt, %jit3A_455, %sign3A_467 : i32
    %sign3A_469 = arith.extui %sign3A_468 : i1 to i32
    %sign3A_470 = arith.subi %sign3A_466, %sign3A_469 : i32
    %ne3A_471 = arith.cmpi ne, %sign3A_463, %sign3A_470 : i32
    %rem3A_472 = arith.remsi %squeeze3A_454, %jit3A_455 : i32
    %ne3A_473 = arith.constant 0 : i32
    %ne3A_474 = arith.cmpi ne, %rem3A_472, %ne3A_473 : i32
    %and3A_475 = arith.andi %ne3A_471, %ne3A_474 : i1
    %sub3A_476 = arith.constant 1 : i32
    %sub3A_477 = arith.subi %div3A_456, %sub3A_476 : i32
    %select_n3A_478 = arith.select %and3A_475, %sub3A_477, %div3A_456 : i32
    %mul3A_479 = arith.constant 128 : i32
    %mul3A_480 = arith.muli %select_n3A_478, %mul3A_479 : i32
    %multiple_of3A_481 = tpu.assume_multiple %mul3A_480, 128 : i32
    %dma_start3A_482 = arith.constant 0 : i32
    %dma_start3A_483 = arith.constant 5 : i32
    %dma_start3A_484 = arith.constant 0 : i32
    %dma_start3A_485 = arith.constant 0 : i32
    %dma_start3A_486 = tpu.memref_slice %arg9[%dma_start3A_482, %dma_start3A_483, %dma_start3A_484, %dma_start3A_485] : memref<2x8x16x128xf32, #tpu.memory_space<vmem>> -> memref<1x1x16x128xf32, #tpu.memory_space<vmem>>
    %dma_start3A_487 = tpu.memref_squeeze %dma_start3A_486 : memref<1x1x16x128xf32, #tpu.memory_space<vmem>> -> memref<16x128xf32, #tpu.memory_space<vmem>>
    %dma_start3A_488 = arith.constant 0 : i32
    %dma_start3A_489 = tpu.memref_slice %arg4[%dma_start3A_488, %multiple_of3A_452] : memref<16x1000000xf32, #tpu.memory_space<hbm>> -> memref<16x128xf32, #tpu.memory_space<hbm>>
    %dma_start3A_490 = arith.constant 0 : i32
    %dma_start3A_491 = arith.constant 0 : i32
    %dma_start3A_492 = tpu.memref_slice %arg9[%dma_start3A_482, %dma_start3A_483, %dma_start3A_490, %dma_start3A_491] : memref<2x8x16x128xf32, #tpu.memory_space<vmem>> -> memref<1x1x16x128xf32, #tpu.memory_space<vmem>>
    %dma_start3A_493 = tpu.memref_squeeze %dma_start3A_492 : memref<1x1x16x128xf32, #tpu.memory_space<vmem>> -> memref<16x128xf32, #tpu.memory_space<vmem>>
    %dma_start3A_494 = arith.constant 0 : i32
    %dma_start3A_495 = tpu.memref_slice %arg4[%dma_start3A_494, %multiple_of3A_452] : memref<16x1000000xf32, #tpu.memory_space<hbm>> -> memref<16x128xf32, #tpu.memory_space<hbm>>
    tpu.enqueue_dma source(%dma_start3A_495 : memref<16x128xf32, #tpu.memory_space<hbm>>) target(%dma_start3A_493 : memref<16x128xf32, #tpu.memory_space<vmem>>) target_semaphore(%arg14 : memref<!tpu.dma_semaphore, #tpu.memory_space<semaphore_mem>>)
    %dma_start3A_496 = arith.constant 0 : i32
    %dma_start3A_497 = arith.constant 5 : i32
    %dma_start3A_498 = arith.constant 0 : i32
    %dma_start3A_499 = arith.constant 0 : i32
    %dma_start3A_500 = tpu.memref_slice %arg10[%dma_start3A_496, %dma_start3A_497, %dma_start3A_498, %dma_start3A_499] : memref<2x8x16x128xf32, #tpu.memory_space<vmem>> -> memref<1x1x16x128xf32, #tpu.memory_space<vmem>>
    %dma_start3A_501 = tpu.memref_squeeze %dma_start3A_500 : memref<1x1x16x128xf32, #tpu.memory_space<vmem>> -> memref<16x128xf32, #tpu.memory_space<vmem>>
    %dma_start3A_502 = arith.constant 0 : i32
    %dma_start3A_503 = tpu.memref_slice %arg5[%dma_start3A_502, %multiple_of3A_481] : memref<16x1000000xf32, #tpu.memory_space<hbm>> -> memref<16x128xf32, #tpu.memory_space<hbm>>
    %dma_start3A_504 = arith.constant 0 : i32
    %dma_start3A_505 = arith.constant 0 : i32
    %dma_start3A_506 = tpu.memref_slice %arg10[%dma_start3A_496, %dma_start3A_497, %dma_start3A_504, %dma_start3A_505] : memref<2x8x16x128xf32, #tpu.memory_space<vmem>> -> memref<1x1x16x128xf32, #tpu.memory_space<vmem>>
    %dma_start3A_507 = tpu.memref_squeeze %dma_start3A_506 : memref<1x1x16x128xf32, #tpu.memory_space<vmem>> -> memref<16x128xf32, #tpu.memory_space<vmem>>
    %dma_start3A_508 = arith.constant 0 : i32
    %dma_start3A_509 = tpu.memref_slice %arg5[%dma_start3A_508, %multiple_of3A_481] : memref<16x1000000xf32, #tpu.memory_space<hbm>> -> memref<16x128xf32, #tpu.memory_space<hbm>>
    tpu.enqueue_dma source(%dma_start3A_509 : memref<16x128xf32, #tpu.memory_space<hbm>>) target(%dma_start3A_507 : memref<16x128xf32, #tpu.memory_space<vmem>>) target_semaphore(%arg14 : memref<!tpu.dma_semaphore, #tpu.memory_space<semaphore_mem>>)
    %slice3A_510 = vector.extract_strided_slice %get3A_3 {offsets = [6], sizes = [1], strides = [1]} : vector<16xi32> to vector<1xi32>
    %squeeze3A_511 = vector.extract %slice3A_510[0] : i32 from vector<1xi32>
    %jit3A_512 = arith.constant 128 : i32
    %div3A_513 = arith.divsi %squeeze3A_511, %jit3A_512 : i32
    %sign3A_514 = arith.constant 0 : i32
    %sign3A_515 = arith.cmpi sgt, %squeeze3A_511, %sign3A_514 : i32
    %sign3A_516 = arith.extui %sign3A_515 : i1 to i32
    %sign3A_517 = arith.constant 0 : i32
    %sign3A_518 = arith.cmpi slt, %squeeze3A_511, %sign3A_517 : i32
    %sign3A_519 = arith.extui %sign3A_518 : i1 to i32
    %sign3A_520 = arith.subi %sign3A_516, %sign3A_519 : i32
    %sign3A_521 = arith.constant 0 : i32
    %sign3A_522 = arith.cmpi sgt, %jit3A_512, %sign3A_521 : i32
    %sign3A_523 = arith.extui %sign3A_522 : i1 to i32
    %sign3A_524 = arith.constant 0 : i32
    %sign3A_525 = arith.cmpi slt, %jit3A_512, %sign3A_524 : i32
    %sign3A_526 = arith.extui %sign3A_525 : i1 to i32
    %sign3A_527 = arith.subi %sign3A_523, %sign3A_526 : i32
    %ne3A_528 = arith.cmpi ne, %sign3A_520, %sign3A_527 : i32
    %rem3A_529 = arith.remsi %squeeze3A_511, %jit3A_512 : i32
    %ne3A_530 = arith.constant 0 : i32
    %ne3A_531 = arith.cmpi ne, %rem3A_529, %ne3A_530 : i32
    %and3A_532 = arith.andi %ne3A_528, %ne3A_531 : i1
    %sub3A_533 = arith.constant 1 : i32
    %sub3A_534 = arith.subi %div3A_513, %sub3A_533 : i32
    %select_n3A_535 = arith.select %and3A_532, %sub3A_534, %div3A_513 : i32
    %mul3A_536 = arith.constant 128 : i32
    %mul3A_537 = arith.muli %select_n3A_535, %mul3A_536 : i32
    %multiple_of3A_538 = tpu.assume_multiple %mul3A_537, 128 : i32
    %slice3A_539 = vector.extract_strided_slice %get3A_5 {offsets = [6], sizes = [1], strides = [1]} : vector<16xi32> to vector<1xi32>
    %squeeze3A_540 = vector.extract %slice3A_539[0] : i32 from vector<1xi32>
    %jit3A_541 = arith.constant 128 : i32
    %div3A_542 = arith.divsi %squeeze3A_540, %jit3A_541 : i32
    %sign3A_543 = arith.constant 0 : i32
    %sign3A_544 = arith.cmpi sgt, %squeeze3A_540, %sign3A_543 : i32
    %sign3A_545 = arith.extui %sign3A_544 : i1 to i32
    %sign3A_546 = arith.constant 0 : i32
    %sign3A_547 = arith.cmpi slt, %squeeze3A_540, %sign3A_546 : i32
    %sign3A_548 = arith.extui %sign3A_547 : i1 to i32
    %sign3A_549 = arith.subi %sign3A_545, %sign3A_548 : i32
    %sign3A_550 = arith.constant 0 : i32
    %sign3A_551 = arith.cmpi sgt, %jit3A_541, %sign3A_550 : i32
    %sign3A_552 = arith.extui %sign3A_551 : i1 to i32
    %sign3A_553 = arith.constant 0 : i32
    %sign3A_554 = arith.cmpi slt, %jit3A_541, %sign3A_553 : i32
    %sign3A_555 = arith.extui %sign3A_554 : i1 to i32
    %sign3A_556 = arith.subi %sign3A_552, %sign3A_555 : i32
    %ne3A_557 = arith.cmpi ne, %sign3A_549, %sign3A_556 : i32
    %rem3A_558 = arith.remsi %squeeze3A_540, %jit3A_541 : i32
    %ne3A_559 = arith.constant 0 : i32
    %ne3A_560 = arith.cmpi ne, %rem3A_558, %ne3A_559 : i32
    %and3A_561 = arith.andi %ne3A_557, %ne3A_560 : i1
    %sub3A_562 = arith.constant 1 : i32
    %sub3A_563 = arith.subi %div3A_542, %sub3A_562 : i32
    %select_n3A_564 = arith.select %and3A_561, %sub3A_563, %div3A_542 : i32
    %mul3A_565 = arith.constant 128 : i32
    %mul3A_566 = arith.muli %select_n3A_564, %mul3A_565 : i32
    %multiple_of3A_567 = tpu.assume_multiple %mul3A_566, 128 : i32
    %dma_start3A_568 = arith.constant 0 : i32
    %dma_start3A_569 = arith.constant 6 : i32
    %dma_start3A_570 = arith.constant 0 : i32
    %dma_start3A_571 = arith.constant 0 : i32
    %dma_start3A_572 = tpu.memref_slice %arg9[%dma_start3A_568, %dma_start3A_569, %dma_start3A_570, %dma_start3A_571] : memref<2x8x16x128xf32, #tpu.memory_space<vmem>> -> memref<1x1x16x128xf32, #tpu.memory_space<vmem>>
    %dma_start3A_573 = tpu.memref_squeeze %dma_start3A_572 : memref<1x1x16x128xf32, #tpu.memory_space<vmem>> -> memref<16x128xf32, #tpu.memory_space<vmem>>
    %dma_start3A_574 = arith.constant 0 : i32
    %dma_start3A_575 = tpu.memref_slice %arg4[%dma_start3A_574, %multiple_of3A_538] : memref<16x1000000xf32, #tpu.memory_space<hbm>> -> memref<16x128xf32, #tpu.memory_space<hbm>>
    %dma_start3A_576 = arith.constant 0 : i32
    %dma_start3A_577 = arith.constant 0 : i32
    %dma_start3A_578 = tpu.memref_slice %arg9[%dma_start3A_568, %dma_start3A_569, %dma_start3A_576, %dma_start3A_577] : memref<2x8x16x128xf32, #tpu.memory_space<vmem>> -> memref<1x1x16x128xf32, #tpu.memory_space<vmem>>
    %dma_start3A_579 = tpu.memref_squeeze %dma_start3A_578 : memref<1x1x16x128xf32, #tpu.memory_space<vmem>> -> memref<16x128xf32, #tpu.memory_space<vmem>>
    %dma_start3A_580 = arith.constant 0 : i32
    %dma_start3A_581 = tpu.memref_slice %arg4[%dma_start3A_580, %multiple_of3A_538] : memref<16x1000000xf32, #tpu.memory_space<hbm>> -> memref<16x128xf32, #tpu.memory_space<hbm>>
    tpu.enqueue_dma source(%dma_start3A_581 : memref<16x128xf32, #tpu.memory_space<hbm>>) target(%dma_start3A_579 : memref<16x128xf32, #tpu.memory_space<vmem>>) target_semaphore(%arg14 : memref<!tpu.dma_semaphore, #tpu.memory_space<semaphore_mem>>)
    %dma_start3A_582 = arith.constant 0 : i32
    %dma_start3A_583 = arith.constant 6 : i32
    %dma_start3A_584 = arith.constant 0 : i32
    %dma_start3A_585 = arith.constant 0 : i32
    %dma_start3A_586 = tpu.memref_slice %arg10[%dma_start3A_582, %dma_start3A_583, %dma_start3A_584, %dma_start3A_585] : memref<2x8x16x128xf32, #tpu.memory_space<vmem>> -> memref<1x1x16x128xf32, #tpu.memory_space<vmem>>
    %dma_start3A_587 = tpu.memref_squeeze %dma_start3A_586 : memref<1x1x16x128xf32, #tpu.memory_space<vmem>> -> memref<16x128xf32, #tpu.memory_space<vmem>>
    %dma_start3A_588 = arith.constant 0 : i32
    %dma_start3A_589 = tpu.memref_slice %arg5[%dma_start3A_588, %multiple_of3A_567] : memref<16x1000000xf32, #tpu.memory_space<hbm>> -> memref<16x128xf32, #tpu.memory_space<hbm>>
    %dma_start3A_590 = arith.constant 0 : i32
    %dma_start3A_591 = arith.constant 0 : i32
    %dma_start3A_592 = tpu.memref_slice %arg10[%dma_start3A_582, %dma_start3A_583, %dma_start3A_590, %dma_start3A_591] : memref<2x8x16x128xf32, #tpu.memory_space<vmem>> -> memref<1x1x16x128xf32, #tpu.memory_space<vmem>>
    %dma_start3A_593 = tpu.memref_squeeze %dma_start3A_592 : memref<1x1x16x128xf32, #tpu.memory_space<vmem>> -> memref<16x128xf32, #tpu.memory_space<vmem>>
    %dma_start3A_594 = arith.constant 0 : i32
    %dma_start3A_595 = tpu.memref_slice %arg5[%dma_start3A_594, %multiple_of3A_567] : memref<16x1000000xf32, #tpu.memory_space<hbm>> -> memref<16x128xf32, #tpu.memory_space<hbm>>
    tpu.enqueue_dma source(%dma_start3A_595 : memref<16x128xf32, #tpu.memory_space<hbm>>) target(%dma_start3A_593 : memref<16x128xf32, #tpu.memory_space<vmem>>) target_semaphore(%arg14 : memref<!tpu.dma_semaphore, #tpu.memory_space<semaphore_mem>>)
    %slice3A_596 = vector.extract_strided_slice %get3A_3 {offsets = [7], sizes = [1], strides = [1]} : vector<16xi32> to vector<1xi32>
    %squeeze3A_597 = vector.extract %slice3A_596[0] : i32 from vector<1xi32>
    %jit3A_598 = arith.constant 128 : i32
    %div3A_599 = arith.divsi %squeeze3A_597, %jit3A_598 : i32
    %sign3A_600 = arith.constant 0 : i32
    %sign3A_601 = arith.cmpi sgt, %squeeze3A_597, %sign3A_600 : i32
    %sign3A_602 = arith.extui %sign3A_601 : i1 to i32
    %sign3A_603 = arith.constant 0 : i32
    %sign3A_604 = arith.cmpi slt, %squeeze3A_597, %sign3A_603 : i32
    %sign3A_605 = arith.extui %sign3A_604 : i1 to i32
    %sign3A_606 = arith.subi %sign3A_602, %sign3A_605 : i32
    %sign3A_607 = arith.constant 0 : i32
    %sign3A_608 = arith.cmpi sgt, %jit3A_598, %sign3A_607 : i32
    %sign3A_609 = arith.extui %sign3A_608 : i1 to i32
    %sign3A_610 = arith.constant 0 : i32
    %sign3A_611 = arith.cmpi slt, %jit3A_598, %sign3A_610 : i32
    %sign3A_612 = arith.extui %sign3A_611 : i1 to i32
    %sign3A_613 = arith.subi %sign3A_609, %sign3A_612 : i32
    %ne3A_614 = arith.cmpi ne, %sign3A_606, %sign3A_613 : i32
    %rem3A_615 = arith.remsi %squeeze3A_597, %jit3A_598 : i32
    %ne3A_616 = arith.constant 0 : i32
    %ne3A_617 = arith.cmpi ne, %rem3A_615, %ne3A_616 : i32
    %and3A_618 = arith.andi %ne3A_614, %ne3A_617 : i1
    %sub3A_619 = arith.constant 1 : i32
    %sub3A_620 = arith.subi %div3A_599, %sub3A_619 : i32
    %select_n3A_621 = arith.select %and3A_618, %sub3A_620, %div3A_599 : i32
    %mul3A_622 = arith.constant 128 : i32
    %mul3A_623 = arith.muli %select_n3A_621, %mul3A_622 : i32
    %multiple_of3A_624 = tpu.assume_multiple %mul3A_623, 128 : i32
    %slice3A_625 = vector.extract_strided_slice %get3A_5 {offsets = [7], sizes = [1], strides = [1]} : vector<16xi32> to vector<1xi32>
    %squeeze3A_626 = vector.extract %slice3A_625[0] : i32 from vector<1xi32>
    %jit3A_627 = arith.constant 128 : i32
    %div3A_628 = arith.divsi %squeeze3A_626, %jit3A_627 : i32
    %sign3A_629 = arith.constant 0 : i32
    %sign3A_630 = arith.cmpi sgt, %squeeze3A_626, %sign3A_629 : i32
    %sign3A_631 = arith.extui %sign3A_630 : i1 to i32
    %sign3A_632 = arith.constant 0 : i32
    %sign3A_633 = arith.cmpi slt, %squeeze3A_626, %sign3A_632 : i32
    %sign3A_634 = arith.extui %sign3A_633 : i1 to i32
    %sign3A_635 = arith.subi %sign3A_631, %sign3A_634 : i32
    %sign3A_636 = arith.constant 0 : i32
    %sign3A_637 = arith.cmpi sgt, %jit3A_627, %sign3A_636 : i32
    %sign3A_638 = arith.extui %sign3A_637 : i1 to i32
    %sign3A_639 = arith.constant 0 : i32
    %sign3A_640 = arith.cmpi slt, %jit3A_627, %sign3A_639 : i32
    %sign3A_641 = arith.extui %sign3A_640 : i1 to i32
    %sign3A_642 = arith.subi %sign3A_638, %sign3A_641 : i32
    %ne3A_643 = arith.cmpi ne, %sign3A_635, %sign3A_642 : i32
    %rem3A_644 = arith.remsi %squeeze3A_626, %jit3A_627 : i32
    %ne3A_645 = arith.constant 0 : i32
    %ne3A_646 = arith.cmpi ne, %rem3A_644, %ne3A_645 : i32
    %and3A_647 = arith.andi %ne3A_643, %ne3A_646 : i1
    %sub3A_648 = arith.constant 1 : i32
    %sub3A_649 = arith.subi %div3A_628, %sub3A_648 : i32
    %select_n3A_650 = arith.select %and3A_647, %sub3A_649, %div3A_628 : i32
    %mul3A_651 = arith.constant 128 : i32
    %mul3A_652 = arith.muli %select_n3A_650, %mul3A_651 : i32
    %multiple_of3A_653 = tpu.assume_multiple %mul3A_652, 128 : i32
    %dma_start3A_654 = arith.constant 0 : i32
    %dma_start3A_655 = arith.constant 7 : i32
    %dma_start3A_656 = arith.constant 0 : i32
    %dma_start3A_657 = arith.constant 0 : i32
    %dma_start3A_658 = tpu.memref_slice %arg9[%dma_start3A_654, %dma_start3A_655, %dma_start3A_656, %dma_start3A_657] : memref<2x8x16x128xf32, #tpu.memory_space<vmem>> -> memref<1x1x16x128xf32, #tpu.memory_space<vmem>>
    %dma_start3A_659 = tpu.memref_squeeze %dma_start3A_658 : memref<1x1x16x128xf32, #tpu.memory_space<vmem>> -> memref<16x128xf32, #tpu.memory_space<vmem>>
    %dma_start3A_660 = arith.constant 0 : i32
    %dma_start3A_661 = tpu.memref_slice %arg4[%dma_start3A_660, %multiple_of3A_624] : memref<16x1000000xf32, #tpu.memory_space<hbm>> -> memref<16x128xf32, #tpu.memory_space<hbm>>
    %dma_start3A_662 = arith.constant 0 : i32
    %dma_start3A_663 = arith.constant 0 : i32
    %dma_start3A_664 = tpu.memref_slice %arg9[%dma_start3A_654, %dma_start3A_655, %dma_start3A_662, %dma_start3A_663] : memref<2x8x16x128xf32, #tpu.memory_space<vmem>> -> memref<1x1x16x128xf32, #tpu.memory_space<vmem>>
    %dma_start3A_665 = tpu.memref_squeeze %dma_start3A_664 : memref<1x1x16x128xf32, #tpu.memory_space<vmem>> -> memref<16x128xf32, #tpu.memory_space<vmem>>
    %dma_start3A_666 = arith.constant 0 : i32
    %dma_start3A_667 = tpu.memref_slice %arg4[%dma_start3A_666, %multiple_of3A_624] : memref<16x1000000xf32, #tpu.memory_space<hbm>> -> memref<16x128xf32, #tpu.memory_space<hbm>>
    tpu.enqueue_dma source(%dma_start3A_667 : memref<16x128xf32, #tpu.memory_space<hbm>>) target(%dma_start3A_665 : memref<16x128xf32, #tpu.memory_space<vmem>>) target_semaphore(%arg14 : memref<!tpu.dma_semaphore, #tpu.memory_space<semaphore_mem>>)
    %dma_start3A_668 = arith.constant 0 : i32
    %dma_start3A_669 = arith.constant 7 : i32
    %dma_start3A_670 = arith.constant 0 : i32
    %dma_start3A_671 = arith.constant 0 : i32
    %dma_start3A_672 = tpu.memref_slice %arg10[%dma_start3A_668, %dma_start3A_669, %dma_start3A_670, %dma_start3A_671] : memref<2x8x16x128xf32, #tpu.memory_space<vmem>> -> memref<1x1x16x128xf32, #tpu.memory_space<vmem>>
    %dma_start3A_673 = tpu.memref_squeeze %dma_start3A_672 : memref<1x1x16x128xf32, #tpu.memory_space<vmem>> -> memref<16x128xf32, #tpu.memory_space<vmem>>
    %dma_start3A_674 = arith.constant 0 : i32
    %dma_start3A_675 = tpu.memref_slice %arg5[%dma_start3A_674, %multiple_of3A_653] : memref<16x1000000xf32, #tpu.memory_space<hbm>> -> memref<16x128xf32, #tpu.memory_space<hbm>>
    %dma_start3A_676 = arith.constant 0 : i32
    %dma_start3A_677 = arith.constant 0 : i32
    %dma_start3A_678 = tpu.memref_slice %arg10[%dma_start3A_668, %dma_start3A_669, %dma_start3A_676, %dma_start3A_677] : memref<2x8x16x128xf32, #tpu.memory_space<vmem>> -> memref<1x1x16x128xf32, #tpu.memory_space<vmem>>
    %dma_start3A_679 = tpu.memref_squeeze %dma_start3A_678 : memref<1x1x16x128xf32, #tpu.memory_space<vmem>> -> memref<16x128xf32, #tpu.memory_space<vmem>>
    %dma_start3A_680 = arith.constant 0 : i32
    %dma_start3A_681 = tpu.memref_slice %arg5[%dma_start3A_680, %multiple_of3A_653] : memref<16x1000000xf32, #tpu.memory_space<hbm>> -> memref<16x128xf32, #tpu.memory_space<hbm>>
    tpu.enqueue_dma source(%dma_start3A_681 : memref<16x128xf32, #tpu.memory_space<hbm>>) target(%dma_start3A_679 : memref<16x128xf32, #tpu.memory_space<vmem>>) target_semaphore(%arg14 : memref<!tpu.dma_semaphore, #tpu.memory_space<semaphore_mem>>)
    %get3A_682 = arith.constant 8 : index
    %get3A_683 = tpu.vector_load %arg7[%get3A_682] {strides = array<i32>} : memref<528xi32, #tpu.memory_space<vmem>>, vector<16xi32>,
    %get3A_684 = arith.constant 8 : index
    %get3A_685 = tpu.vector_load %arg8[%get3A_684] {strides = array<i32>} : memref<528xi32, #tpu.memory_space<vmem>>, vector<16xi32>,
    %slice3A_686 = vector.extract_strided_slice %get3A_683 {offsets = [0], sizes = [1], strides = [1]} : vector<16xi32> to vector<1xi32>
    %squeeze3A_687 = vector.extract %slice3A_686[0] : i32 from vector<1xi32>
    %jit3A_688 = arith.constant 128 : i32
    %div3A_689 = arith.divsi %squeeze3A_687, %jit3A_688 : i32
    %sign3A_690 = arith.constant 0 : i32
    %sign3A_691 = arith.cmpi sgt, %squeeze3A_687, %sign3A_690 : i32
    %sign3A_692 = arith.extui %sign3A_691 : i1 to i32
    %sign3A_693 = arith.constant 0 : i32
    %sign3A_694 = arith.cmpi slt, %squeeze3A_687, %sign3A_693 : i32
    %sign3A_695 = arith.extui %sign3A_694 : i1 to i32
    %sign3A_696 = arith.subi %sign3A_692, %sign3A_695 : i32
    %sign3A_697 = arith.constant 0 : i32
    %sign3A_698 = arith.cmpi sgt, %jit3A_688, %sign3A_697 : i32
    %sign3A_699 = arith.extui %sign3A_698 : i1 to i32
    %sign3A_700 = arith.constant 0 : i32
    %sign3A_701 = arith.cmpi slt, %jit3A_688, %sign3A_700 : i32
    %sign3A_702 = arith.extui %sign3A_701 : i1 to i32
    %sign3A_703 = arith.subi %sign3A_699, %sign3A_702 : i32
    %ne3A_704 = arith.cmpi ne, %sign3A_696, %sign3A_703 : i32
    %rem3A_705 = arith.remsi %squeeze3A_687, %jit3A_688 : i32
    %ne3A_706 = arith.constant 0 : i32
    %ne3A_707 = arith.cmpi ne, %rem3A_705, %ne3A_706 : i32
    %and3A_708 = arith.andi %ne3A_704, %ne3A_707 : i1
    %sub3A_709 = arith.constant 1 : i32
    %sub3A_710 = arith.subi %div3A_689, %sub3A_709 : i32
    %select_n3A_711 = arith.select %and3A_708, %sub3A_710, %div3A_689 : i32
    %mul3A_712 = arith.constant 128 : i32
    %mul3A_713 = arith.muli %select_n3A_711, %mul3A_712 : i32
    %multiple_of3A_714 = tpu.assume_multiple %mul3A_713, 128 : i32
    %slice3A_715 = vector.extract_strided_slice %get3A_685 {offsets = [0], sizes = [1], strides = [1]} : vector<16xi32> to vector<1xi32>
    %squeeze3A_716 = vector.extract %slice3A_715[0] : i32 from vector<1xi32>
    %jit3A_717 = arith.constant 128 : i32
    %div3A_718 = arith.divsi %squeeze3A_716, %jit3A_717 : i32
    %sign3A_719 = arith.constant 0 : i32
    %sign3A_720 = arith.cmpi sgt, %squeeze3A_716, %sign3A_719 : i32
    %sign3A_721 = arith.extui %sign3A_720 : i1 to i32
    %sign3A_722 = arith.constant 0 : i32
    %sign3A_723 = arith.cmpi slt, %squeeze3A_716, %sign3A_722 : i32
    %sign3A_724 = arith.extui %sign3A_723 : i1 to i32
    %sign3A_725 = arith.subi %sign3A_721, %sign3A_724 : i32
    %sign3A_726 = arith.constant 0 : i32
    %sign3A_727 = arith.cmpi sgt, %jit3A_717, %sign3A_726 : i32
    %sign3A_728 = arith.extui %sign3A_727 : i1 to i32
    %sign3A_729 = arith.constant 0 : i32
    %sign3A_730 = arith.cmpi slt, %jit3A_717, %sign3A_729 : i32
    %sign3A_731 = arith.extui %sign3A_730 : i1 to i32
    %sign3A_732 = arith.subi %sign3A_728, %sign3A_731 : i32
    %ne3A_733 = arith.cmpi ne, %sign3A_725, %sign3A_732 : i32
    %rem3A_734 = arith.remsi %squeeze3A_716, %jit3A_717 : i32
    %ne3A_735 = arith.constant 0 : i32
    %ne3A_736 = arith.cmpi ne, %rem3A_734, %ne3A_735 : i32
    %and3A_737 = arith.andi %ne3A_733, %ne3A_736 : i1
    %sub3A_738 = arith.constant 1 : i32
    %sub3A_739 = arith.subi %div3A_718, %sub3A_738 : i32
    %select_n3A_740 = arith.select %and3A_737, %sub3A_739, %div3A_718 : i32
    %mul3A_741 = arith.constant 128 : i32
    %mul3A_742 = arith.muli %select_n3A_740, %mul3A_741 : i32
    %multiple_of3A_743 = tpu.assume_multiple %mul3A_742, 128 : i32
    %dma_start3A_744 = arith.constant 1 : i32
    %dma_start3A_745 = arith.constant 0 : i32
    %dma_start3A_746 = arith.constant 0 : i32
    %dma_start3A_747 = arith.constant 0 : i32
    %dma_start3A_748 = tpu.memref_slice %arg9[%dma_start3A_744, %dma_start3A_745, %dma_start3A_746, %dma_start3A_747] : memref<2x8x16x128xf32, #tpu.memory_space<vmem>> -> memref<1x1x16x128xf32, #tpu.memory_space<vmem>>
    %dma_start3A_749 = tpu.memref_squeeze %dma_start3A_748 : memref<1x1x16x128xf32, #tpu.memory_space<vmem>> -> memref<16x128xf32, #tpu.memory_space<vmem>>
    %dma_start3A_750 = arith.constant 0 : i32
    %dma_start3A_751 = tpu.memref_slice %arg4[%dma_start3A_750, %multiple_of3A_714] : memref<16x1000000xf32, #tpu.memory_space<hbm>> -> memref<16x128xf32, #tpu.memory_space<hbm>>
    %dma_start3A_752 = arith.constant 0 : i32
    %dma_start3A_753 = arith.constant 0 : i32
    %dma_start3A_754 = tpu.memref_slice %arg9[%dma_start3A_744, %dma_start3A_745, %dma_start3A_752, %dma_start3A_753] : memref<2x8x16x128xf32, #tpu.memory_space<vmem>> -> memref<1x1x16x128xf32, #tpu.memory_space<vmem>>
    %dma_start3A_755 = tpu.memref_squeeze %dma_start3A_754 : memref<1x1x16x128xf32, #tpu.memory_space<vmem>> -> memref<16x128xf32, #tpu.memory_space<vmem>>
    %dma_start3A_756 = arith.constant 0 : i32
    %dma_start3A_757 = tpu.memref_slice %arg4[%dma_start3A_756, %multiple_of3A_714] : memref<16x1000000xf32, #tpu.memory_space<hbm>> -> memref<16x128xf32, #tpu.memory_space<hbm>>
    tpu.enqueue_dma source(%dma_start3A_757 : memref<16x128xf32, #tpu.memory_space<hbm>>) target(%dma_start3A_755 : memref<16x128xf32, #tpu.memory_space<vmem>>) target_semaphore(%arg15 : memref<!tpu.dma_semaphore, #tpu.memory_space<semaphore_mem>>)
    %dma_start3A_758 = arith.constant 1 : i32
    %dma_start3A_759 = arith.constant 0 : i32
    %dma_start3A_760 = arith.constant 0 : i32
    %dma_start3A_761 = arith.constant 0 : i32
    %dma_start3A_762 = tpu.memref_slice %arg10[%dma_start3A_758, %dma_start3A_759, %dma_start3A_760, %dma_start3A_761] : memref<2x8x16x128xf32, #tpu.memory_space<vmem>> -> memref<1x1x16x128xf32, #tpu.memory_space<vmem>>
    %dma_start3A_763 = tpu.memref_squeeze %dma_start3A_762 : memref<1x1x16x128xf32, #tpu.memory_space<vmem>> -> memref<16x128xf32, #tpu.memory_space<vmem>>
    %dma_start3A_764 = arith.constant 0 : i32
    %dma_start3A_765 = tpu.memref_slice %arg5[%dma_start3A_764, %multiple_of3A_743] : memref<16x1000000xf32, #tpu.memory_space<hbm>> -> memref<16x128xf32, #tpu.memory_space<hbm>>
    %dma_start3A_766 = arith.constant 0 : i32
    %dma_start3A_767 = arith.constant 0 : i32
    %dma_start3A_768 = tpu.memref_slice %arg10[%dma_start3A_758, %dma_start3A_759, %dma_start3A_766, %dma_start3A_767] : memref<2x8x16x128xf32, #tpu.memory_space<vmem>> -> memref<1x1x16x128xf32, #tpu.memory_space<vmem>>
    %dma_start3A_769 = tpu.memref_squeeze %dma_start3A_768 : memref<1x1x16x128xf32, #tpu.memory_space<vmem>> -> memref<16x128xf32, #tpu.memory_space<vmem>>
    %dma_start3A_770 = arith.constant 0 : i32
    %dma_start3A_771 = tpu.memref_slice %arg5[%dma_start3A_770, %multiple_of3A_743] : memref<16x1000000xf32, #tpu.memory_space<hbm>> -> memref<16x128xf32, #tpu.memory_space<hbm>>
    tpu.enqueue_dma source(%dma_start3A_771 : memref<16x128xf32, #tpu.memory_space<hbm>>) target(%dma_start3A_769 : memref<16x128xf32, #tpu.memory_space<vmem>>) target_semaphore(%arg15 : memref<!tpu.dma_semaphore, #tpu.memory_space<semaphore_mem>>)
    %slice3A_772 = vector.extract_strided_slice %get3A_683 {offsets = [1], sizes = [1], strides = [1]} : vector<16xi32> to vector<1xi32>
    %squeeze3A_773 = vector.extract %slice3A_772[0] : i32 from vector<1xi32>
    %jit3A_774 = arith.constant 128 : i32
    %div3A_775 = arith.divsi %squeeze3A_773, %jit3A_774 : i32
    %sign3A_776 = arith.constant 0 : i32
    %sign3A_777 = arith.cmpi sgt, %squeeze3A_773, %sign3A_776 : i32
    %sign3A_778 = arith.extui %sign3A_777 : i1 to i32
    %sign3A_779 = arith.constant 0 : i32
    %sign3A_780 = arith.cmpi slt, %squeeze3A_773, %sign3A_779 : i32
    %sign3A_781 = arith.extui %sign3A_780 : i1 to i32
    %sign3A_782 = arith.subi %sign3A_778, %sign3A_781 : i32
    %sign3A_783 = arith.constant 0 : i32
    %sign3A_784 = arith.cmpi sgt, %jit3A_774, %sign3A_783 : i32
    %sign3A_785 = arith.extui %sign3A_784 : i1 to i32
    %sign3A_786 = arith.constant 0 : i32
    %sign3A_787 = arith.cmpi slt, %jit3A_774, %sign3A_786 : i32
    %sign3A_788 = arith.extui %sign3A_787 : i1 to i32
    %sign3A_789 = arith.subi %sign3A_785, %sign3A_788 : i32
    %ne3A_790 = arith.cmpi ne, %sign3A_782, %sign3A_789 : i32
    %rem3A_791 = arith.remsi %squeeze3A_773, %jit3A_774 : i32
    %ne3A_792 = arith.constant 0 : i32
    %ne3A_793 = arith.cmpi ne, %rem3A_791, %ne3A_792 : i32
    %and3A_794 = arith.andi %ne3A_790, %ne3A_793 : i1
    %sub3A_795 = arith.constant 1 : i32
    %sub3A_796 = arith.subi %div3A_775, %sub3A_795 : i32
    %select_n3A_797 = arith.select %and3A_794, %sub3A_796, %div3A_775 : i32
    %mul3A_798 = arith.constant 128 : i32
    %mul3A_799 = arith.muli %select_n3A_797, %mul3A_798 : i32
    %multiple_of3A_800 = tpu.assume_multiple %mul3A_799, 128 : i32
    %slice3A_801 = vector.extract_strided_slice %get3A_685 {offsets = [1], sizes = [1], strides = [1]} : vector<16xi32> to vector<1xi32>
    %squeeze3A_802 = vector.extract %slice3A_801[0] : i32 from vector<1xi32>
    %jit3A_803 = arith.constant 128 : i32
    %div3A_804 = arith.divsi %squeeze3A_802, %jit3A_803 : i32
    %sign3A_805 = arith.constant 0 : i32
    %sign3A_806 = arith.cmpi sgt, %squeeze3A_802, %sign3A_805 : i32
    %sign3A_807 = arith.extui %sign3A_806 : i1 to i32
    %sign3A_808 = arith.constant 0 : i32
    %sign3A_809 = arith.cmpi slt, %squeeze3A_802, %sign3A_808 : i32
    %sign3A_810 = arith.extui %sign3A_809 : i1 to i32
    %sign3A_811 = arith.subi %sign3A_807, %sign3A_810 : i32
    %sign3A_812 = arith.constant 0 : i32
    %sign3A_813 = arith.cmpi sgt, %jit3A_803, %sign3A_812 : i32
    %sign3A_814 = arith.extui %sign3A_813 : i1 to i32
    %sign3A_815 = arith.constant 0 : i32
    %sign3A_816 = arith.cmpi slt, %jit3A_803, %sign3A_815 : i32
    %sign3A_817 = arith.extui %sign3A_816 : i1 to i32
    %sign3A_818 = arith.subi %sign3A_814, %sign3A_817 : i32
    %ne3A_819 = arith.cmpi ne, %sign3A_811, %sign3A_818 : i32
    %rem3A_820 = arith.remsi %squeeze3A_802, %jit3A_803 : i32
    %ne3A_821 = arith.constant 0 : i32
    %ne3A_822 = arith.cmpi ne, %rem3A_820, %ne3A_821 : i32
    %and3A_823 = arith.andi %ne3A_819, %ne3A_822 : i1
    %sub3A_824 = arith.constant 1 : i32
    %sub3A_825 = arith.subi %div3A_804, %sub3A_824 : i32
    %select_n3A_826 = arith.select %and3A_823, %sub3A_825, %div3A_804 : i32
    %mul3A_827 = arith.constant 128 : i32
    %mul3A_828 = arith.muli %select_n3A_826, %mul3A_827 : i32
    %multiple_of3A_829 = tpu.assume_multiple %mul3A_828, 128 : i32
    %dma_start3A_830 = arith.constant 1 : i32
    %dma_start3A_831 = arith.constant 1 : i32
    %dma_start3A_832 = arith.constant 0 : i32
    %dma_start3A_833 = arith.constant 0 : i32
    %dma_start3A_834 = tpu.memref_slice %arg9[%dma_start3A_830, %dma_start3A_831, %dma_start3A_832, %dma_start3A_833] : memref<2x8x16x128xf32, #tpu.memory_space<vmem>> -> memref<1x1x16x128xf32, #tpu.memory_space<vmem>>
    %dma_start3A_835 = tpu.memref_squeeze %dma_start3A_834 : memref<1x1x16x128xf32, #tpu.memory_space<vmem>> -> memref<16x128xf32, #tpu.memory_space<vmem>>
    %dma_start3A_836 = arith.constant 0 : i32
    %dma_start3A_837 = tpu.memref_slice %arg4[%dma_start3A_836, %multiple_of3A_800] : memref<16x1000000xf32, #tpu.memory_space<hbm>> -> memref<16x128xf32, #tpu.memory_space<hbm>>
    %dma_start3A_838 = arith.constant 0 : i32
    %dma_start3A_839 = arith.constant 0 : i32
    %dma_start3A_840 = tpu.memref_slice %arg9[%dma_start3A_830, %dma_start3A_831, %dma_start3A_838, %dma_start3A_839] : memref<2x8x16x128xf32, #tpu.memory_space<vmem>> -> memref<1x1x16x128xf32, #tpu.memory_space<vmem>>
    %dma_start3A_841 = tpu.memref_squeeze %dma_start3A_840 : memref<1x1x16x128xf32, #tpu.memory_space<vmem>> -> memref<16x128xf32, #tpu.memory_space<vmem>>
    %dma_start3A_842 = arith.constant 0 : i32
    %dma_start3A_843 = tpu.memref_slice %arg4[%dma_start3A_842, %multiple_of3A_800] : memref<16x1000000xf32, #tpu.memory_space<hbm>> -> memref<16x128xf32, #tpu.memory_space<hbm>>
    tpu.enqueue_dma source(%dma_start3A_843 : memref<16x128xf32, #tpu.memory_space<hbm>>) target(%dma_start3A_841 : memref<16x128xf32, #tpu.memory_space<vmem>>) target_semaphore(%arg15 : memref<!tpu.dma_semaphore, #tpu.memory_space<semaphore_mem>>)
    %dma_start3A_844 = arith.constant 1 : i32
    %dma_start3A_845 = arith.constant 1 : i32
    %dma_start3A_846 = arith.constant 0 : i32
    %dma_start3A_847 = arith.constant 0 : i32
    %dma_start3A_848 = tpu.memref_slice %arg10[%dma_start3A_844, %dma_start3A_845, %dma_start3A_846, %dma_start3A_847] : memref<2x8x16x128xf32, #tpu.memory_space<vmem>> -> memref<1x1x16x128xf32, #tpu.memory_space<vmem>>
    %dma_start3A_849 = tpu.memref_squeeze %dma_start3A_848 : memref<1x1x16x128xf32, #tpu.memory_space<vmem>> -> memref<16x128xf32, #tpu.memory_space<vmem>>
    %dma_start3A_850 = arith.constant 0 : i32
    %dma_start3A_851 = tpu.memref_slice %arg5[%dma_start3A_850, %multiple_of3A_829] : memref<16x1000000xf32, #tpu.memory_space<hbm>> -> memref<16x128xf32, #tpu.memory_space<hbm>>
    %dma_start3A_852 = arith.constant 0 : i32
    %dma_start3A_853 = arith.constant 0 : i32
    %dma_start3A_854 = tpu.memref_slice %arg10[%dma_start3A_844, %dma_start3A_845, %dma_start3A_852, %dma_start3A_853] : memref<2x8x16x128xf32, #tpu.memory_space<vmem>> -> memref<1x1x16x128xf32, #tpu.memory_space<vmem>>
    %dma_start3A_855 = tpu.memref_squeeze %dma_start3A_854 : memref<1x1x16x128xf32, #tpu.memory_space<vmem>> -> memref<16x128xf32, #tpu.memory_space<vmem>>
    %dma_start3A_856 = arith.constant 0 : i32
    %dma_start3A_857 = tpu.memref_slice %arg5[%dma_start3A_856, %multiple_of3A_829] : memref<16x1000000xf32, #tpu.memory_space<hbm>> -> memref<16x128xf32, #tpu.memory_space<hbm>>
    tpu.enqueue_dma source(%dma_start3A_857 : memref<16x128xf32, #tpu.memory_space<hbm>>) target(%dma_start3A_855 : memref<16x128xf32, #tpu.memory_space<vmem>>) target_semaphore(%arg15 : memref<!tpu.dma_semaphore, #tpu.memory_space<semaphore_mem>>)
    %slice3A_858 = vector.extract_strided_slice %get3A_683 {offsets = [2], sizes = [1], strides = [1]} : vector<16xi32> to vector<1xi32>
    %squeeze3A_859 = vector.extract %slice3A_858[0] : i32 from vector<1xi32>
    %jit3A_860 = arith.constant 128 : i32
    %div3A_861 = arith.divsi %squeeze3A_859, %jit3A_860 : i32
    %sign3A_862 = arith.constant 0 : i32
    %sign3A_863 = arith.cmpi sgt, %squeeze3A_859, %sign3A_862 : i32
    %sign3A_864 = arith.extui %sign3A_863 : i1 to i32
    %sign3A_865 = arith.constant 0 : i32
    %sign3A_866 = arith.cmpi slt, %squeeze3A_859, %sign3A_865 : i32
    %sign3A_867 = arith.extui %sign3A_866 : i1 to i32
    %sign3A_868 = arith.subi %sign3A_864, %sign3A_867 : i32
    %sign3A_869 = arith.constant 0 : i32
    %sign3A_870 = arith.cmpi sgt, %jit3A_860, %sign3A_869 : i32
    %sign3A_871 = arith.extui %sign3A_870 : i1 to i32
    %sign3A_872 = arith.constant 0 : i32
    %sign3A_873 = arith.cmpi slt, %jit3A_860, %sign3A_872 : i32
    %sign3A_874 = arith.extui %sign3A_873 : i1 to i32
    %sign3A_875 = arith.subi %sign3A_871, %sign3A_874 : i32
    %ne3A_876 = arith.cmpi ne, %sign3A_868, %sign3A_875 : i32
    %rem3A_877 = arith.remsi %squeeze3A_859, %jit3A_860 : i32
    %ne3A_878 = arith.constant 0 : i32
    %ne3A_879 = arith.cmpi ne, %rem3A_877, %ne3A_878 : i32
    %and3A_880 = arith.andi %ne3A_876, %ne3A_879 : i1
    %sub3A_881 = arith.constant 1 : i32
    %sub3A_882 = arith.subi %div3A_861, %sub3A_881 : i32
    %select_n3A_883 = arith.select %and3A_880, %sub3A_882, %div3A_861 : i32
    %mul3A_884 = arith.constant 128 : i32
    %mul3A_885 = arith.muli %select_n3A_883, %mul3A_884 : i32
    %multiple_of3A_886 = tpu.assume_multiple %mul3A_885, 128 : i32
    %slice3A_887 = vector.extract_strided_slice %get3A_685 {offsets = [2], sizes = [1], strides = [1]} : vector<16xi32> to vector<1xi32>
    %squeeze3A_888 = vector.extract %slice3A_887[0] : i32 from vector<1xi32>
    %jit3A_889 = arith.constant 128 : i32
    %div3A_890 = arith.divsi %squeeze3A_888, %jit3A_889 : i32
    %sign3A_891 = arith.constant 0 : i32
    %sign3A_892 = arith.cmpi sgt, %squeeze3A_888, %sign3A_891 : i32
    %sign3A_893 = arith.extui %sign3A_892 : i1 to i32
    %sign3A_894 = arith.constant 0 : i32
    %sign3A_895 = arith.cmpi slt, %squeeze3A_888, %sign3A_894 : i32
    %sign3A_896 = arith.extui %sign3A_895 : i1 to i32
    %sign3A_897 = arith.subi %sign3A_893, %sign3A_896 : i32
    %sign3A_898 = arith.constant 0 : i32
    %sign3A_899 = arith.cmpi sgt, %jit3A_889, %sign3A_898 : i32
    %sign3A_900 = arith.extui %sign3A_899 : i1 to i32
    %sign3A_901 = arith.constant 0 : i32
    %sign3A_902 = arith.cmpi slt, %jit3A_889, %sign3A_901 : i32
    %sign3A_903 = arith.extui %sign3A_902 : i1 to i32
    %sign3A_904 = arith.subi %sign3A_900, %sign3A_903 : i32
    %ne3A_905 = arith.cmpi ne, %sign3A_897, %sign3A_904 : i32
    %rem3A_906 = arith.remsi %squeeze3A_888, %jit3A_889 : i32
    %ne3A_907 = arith.constant 0 : i32
    %ne3A_908 = arith.cmpi ne, %rem3A_906, %ne3A_907 : i32
    %and3A_909 = arith.andi %ne3A_905, %ne3A_908 : i1
    %sub3A_910 = arith.constant 1 : i32
    %sub3A_911 = arith.subi %div3A_890, %sub3A_910 : i32
    %select_n3A_912 = arith.select %and3A_909, %sub3A_911, %div3A_890 : i32
    %mul3A_913 = arith.constant 128 : i32
    %mul3A_914 = arith.muli %select_n3A_912, %mul3A_913 : i32
    %multiple_of3A_915 = tpu.assume_multiple %mul3A_914, 128 : i32
    %dma_start3A_916 = arith.constant 1 : i32
    %dma_start3A_917 = arith.constant 2 : i32
    %dma_start3A_918 = arith.constant 0 : i32
    %dma_start3A_919 = arith.constant 0 : i32
    %dma_start3A_920 = tpu.memref_slice %arg9[%dma_start3A_916, %dma_start3A_917, %dma_start3A_918, %dma_start3A_919] : memref<2x8x16x128xf32, #tpu.memory_space<vmem>> -> memref<1x1x16x128xf32, #tpu.memory_space<vmem>>
    %dma_start3A_921 = tpu.memref_squeeze %dma_start3A_920 : memref<1x1x16x128xf32, #tpu.memory_space<vmem>> -> memref<16x128xf32, #tpu.memory_space<vmem>>
    %dma_start3A_922 = arith.constant 0 : i32
    %dma_start3A_923 = tpu.memref_slice %arg4[%dma_start3A_922, %multiple_of3A_886] : memref<16x1000000xf32, #tpu.memory_space<hbm>> -> memref<16x128xf32, #tpu.memory_space<hbm>>
    %dma_start3A_924 = arith.constant 0 : i32
    %dma_start3A_925 = arith.constant 0 : i32
    %dma_start3A_926 = tpu.memref_slice %arg9[%dma_start3A_916, %dma_start3A_917, %dma_start3A_924, %dma_start3A_925] : memref<2x8x16x128xf32, #tpu.memory_space<vmem>> -> memref<1x1x16x128xf32, #tpu.memory_space<vmem>>
    %dma_start3A_927 = tpu.memref_squeeze %dma_start3A_926 : memref<1x1x16x128xf32, #tpu.memory_space<vmem>> -> memref<16x128xf32, #tpu.memory_space<vmem>>
    %dma_start3A_928 = arith.constant 0 : i32
    %dma_start3A_929 = tpu.memref_slice %arg4[%dma_start3A_928, %multiple_of3A_886] : memref<16x1000000xf32, #tpu.memory_space<hbm>> -> memref<16x128xf32, #tpu.memory_space<hbm>>
    tpu.enqueue_dma source(%dma_start3A_929 : memref<16x128xf32, #tpu.memory_space<hbm>>) target(%dma_start3A_927 : memref<16x128xf32, #tpu.memory_space<vmem>>) target_semaphore(%arg15 : memref<!tpu.dma_semaphore, #tpu.memory_space<semaphore_mem>>)
    %dma_start3A_930 = arith.constant 1 : i32
    %dma_start3A_931 = arith.constant 2 : i32
    %dma_start3A_932 = arith.constant 0 : i32
    %dma_start3A_933 = arith.constant 0 : i32
    %dma_start3A_934 = tpu.memref_slice %arg10[%dma_start3A_930, %dma_start3A_931, %dma_start3A_932, %dma_start3A_933] : memref<2x8x16x128xf32, #tpu.memory_space<vmem>> -> memref<1x1x16x128xf32, #tpu.memory_space<vmem>>
    %dma_start3A_935 = tpu.memref_squeeze %dma_start3A_934 : memref<1x1x16x128xf32, #tpu.memory_space<vmem>> -> memref<16x128xf32, #tpu.memory_space<vmem>>
    %dma_start3A_936 = arith.constant 0 : i32
    %dma_start3A_937 = tpu.memref_slice %arg5[%dma_start3A_936, %multiple_of3A_915] : memref<16x1000000xf32, #tpu.memory_space<hbm>> -> memref<16x128xf32, #tpu.memory_space<hbm>>
    %dma_start3A_938 = arith.constant 0 : i32
    %dma_start3A_939 = arith.constant 0 : i32
    %dma_start3A_940 = tpu.memref_slice %arg10[%dma_start3A_930, %dma_start3A_931, %dma_start3A_938, %dma_start3A_939] : memref<2x8x16x128xf32, #tpu.memory_space<vmem>> -> memref<1x1x16x128xf32, #tpu.memory_space<vmem>>
    %dma_start3A_941 = tpu.memref_squeeze %dma_start3A_940 : memref<1x1x16x128xf32, #tpu.memory_space<vmem>> -> memref<16x128xf32, #tpu.memory_space<vmem>>
    %dma_start3A_942 = arith.constant 0 : i32
    %dma_start3A_943 = tpu.memref_slice %arg5[%dma_start3A_942, %multiple_of3A_915] : memref<16x1000000xf32, #tpu.memory_space<hbm>> -> memref<16x128xf32, #tpu.memory_space<hbm>>
    tpu.enqueue_dma source(%dma_start3A_943 : memref<16x128xf32, #tpu.memory_space<hbm>>) target(%dma_start3A_941 : memref<16x128xf32, #tpu.memory_space<vmem>>) target_semaphore(%arg15 : memref<!tpu.dma_semaphore, #tpu.memory_space<semaphore_mem>>)
    %slice3A_944 = vector.extract_strided_slice %get3A_683 {offsets = [3], sizes = [1], strides = [1]} : vector<16xi32> to vector<1xi32>
    %squeeze3A_945 = vector.extract %slice3A_944[0] : i32 from vector<1xi32>
    %jit3A_946 = arith.constant 128 : i32
    %div3A_947 = arith.divsi %squeeze3A_945, %jit3A_946 : i32
    %sign3A_948 = arith.constant 0 : i32
    %sign3A_949 = arith.cmpi sgt, %squeeze3A_945, %sign3A_948 : i32
    %sign3A_950 = arith.extui %sign3A_949 : i1 to i32
    %sign3A_951 = arith.constant 0 : i32
    %sign3A_952 = arith.cmpi slt, %squeeze3A_945, %sign3A_951 : i32
    %sign3A_953 = arith.extui %sign3A_952 : i1 to i32
    %sign3A_954 = arith.subi %sign3A_950, %sign3A_953 : i32
    %sign3A_955 = arith.constant 0 : i32
    %sign3A_956 = arith.cmpi sgt, %jit3A_946, %sign3A_955 : i32
    %sign3A_957 = arith.extui %sign3A_956 : i1 to i32
    %sign3A_958 = arith.constant 0 : i32
    %sign3A_959 = arith.cmpi slt, %jit3A_946, %sign3A_958 : i32
    %sign3A_960 = arith.extui %sign3A_959 : i1 to i32
    %sign3A_961 = arith.subi %sign3A_957, %sign3A_960 : i32
    %ne3A_962 = arith.cmpi ne, %sign3A_954, %sign3A_961 : i32
    %rem3A_963 = arith.remsi %squeeze3A_945, %jit3A_946 : i32
    %ne3A_964 = arith.constant 0 : i32
    %ne3A_965 = arith.cmpi ne, %rem3A_963, %ne3A_964 : i32
    %and3A_966 = arith.andi %ne3A_962, %ne3A_965 : i1
    %sub3A_967 = arith.constant 1 : i32
    %sub3A_968 = arith.subi %div3A_947, %sub3A_967 : i32
    %select_n3A_969 = arith.select %and3A_966, %sub3A_968, %div3A_947 : i32
    %mul3A_970 = arith.constant 128 : i32
    %mul3A_971 = arith.muli %select_n3A_969, %mul3A_970 : i32
    %multiple_of3A_972 = tpu.assume_multiple %mul3A_971, 128 : i32
    %slice3A_973 = vector.extract_strided_slice %get3A_685 {offsets = [3], sizes = [1], strides = [1]} : vector<16xi32> to vector<1xi32>
    %squeeze3A_974 = vector.extract %slice3A_973[0] : i32 from vector<1xi32>
    %jit3A_975 = arith.constant 128 : i32
    %div3A_976 = arith.divsi %squeeze3A_974, %jit3A_975 : i32
    %sign3A_977 = arith.constant 0 : i32
    %sign3A_978 = arith.cmpi sgt, %squeeze3A_974, %sign3A_977 : i32
    %sign3A_979 = arith.extui %sign3A_978 : i1 to i32
    %sign3A_980 = arith.constant 0 : i32
    %sign3A_981 = arith.cmpi slt, %squeeze3A_974, %sign3A_980 : i32
    %sign3A_982 = arith.extui %sign3A_981 : i1 to i32
    %sign3A_983 = arith.subi %sign3A_979, %sign3A_982 : i32
    %sign3A_984 = arith.constant 0 : i32
    %sign3A_985 = arith.cmpi sgt, %jit3A_975, %sign3A_984 : i32
    %sign3A_986 = arith.extui %sign3A_985 : i1 to i32
    %sign3A_987 = arith.constant 0 : i32
    %sign3A_988 = arith.cmpi slt, %jit3A_975, %sign3A_987 : i32
    %sign3A_989 = arith.extui %sign3A_988 : i1 to i32
    %sign3A_990 = arith.subi %sign3A_986, %sign3A_989 : i32
    %ne3A_991 = arith.cmpi ne, %sign3A_983, %sign3A_990 : i32
    %rem3A_992 = arith.remsi %squeeze3A_974, %jit3A_975 : i32
    %ne3A_993 = arith.constant 0 : i32
    %ne3A_994 = arith.cmpi ne, %rem3A_992, %ne3A_993 : i32
    %and3A_995 = arith.andi %ne3A_991, %ne3A_994 : i1
    %sub3A_996 = arith.constant 1 : i32
    %sub3A_997 = arith.subi %div3A_976, %sub3A_996 : i32
    %select_n3A_998 = arith.select %and3A_995, %sub3A_997, %div3A_976 : i32
    %mul3A_999 = arith.constant 128 : i32
    %mul3A_1000 = arith.muli %select_n3A_998, %mul3A_999 : i32
    %multiple_of3A_1001 = tpu.assume_multiple %mul3A_1000, 128 : i32
    %dma_start3A_1002 = arith.constant 1 : i32
    %dma_start3A_1003 = arith.constant 3 : i32
    %dma_start3A_1004 = arith.constant 0 : i32
    %dma_start3A_1005 = arith.constant 0 : i32
    %dma_start3A_1006 = tpu.memref_slice %arg9[%dma_start3A_1002, %dma_start3A_1003, %dma_start3A_1004, %dma_start3A_1005] : memref<2x8x16x128xf32, #tpu.memory_space<vmem>> -> memref<1x1x16x128xf32, #tpu.memory_space<vmem>>
    %dma_start3A_1007 = tpu.memref_squeeze %dma_start3A_1006 : memref<1x1x16x128xf32, #tpu.memory_space<vmem>> -> memref<16x128xf32, #tpu.memory_space<vmem>>
    %dma_start3A_1008 = arith.constant 0 : i32
    %dma_start3A_1009 = tpu.memref_slice %arg4[%dma_start3A_1008, %multiple_of3A_972] : memref<16x1000000xf32, #tpu.memory_space<hbm>> -> memref<16x128xf32, #tpu.memory_space<hbm>>
    %dma_start3A_1010 = arith.constant 0 : i32
    %dma_start3A_1011 = arith.constant 0 : i32
    %dma_start3A_1012 = tpu.memref_slice %arg9[%dma_start3A_1002, %dma_start3A_1003, %dma_start3A_1010, %dma_start3A_1011] : memref<2x8x16x128xf32, #tpu.memory_space<vmem>> -> memref<1x1x16x128xf32, #tpu.memory_space<vmem>>
    %dma_start3A_1013 = tpu.memref_squeeze %dma_start3A_1012 : memref<1x1x16x128xf32, #tpu.memory_space<vmem>> -> memref<16x128xf32, #tpu.memory_space<vmem>>
    %dma_start3A_1014 = arith.constant 0 : i32
    %dma_start3A_1015 = tpu.memref_slice %arg4[%dma_start3A_1014, %multiple_of3A_972] : memref<16x1000000xf32, #tpu.memory_space<hbm>> -> memref<16x128xf32, #tpu.memory_space<hbm>>
    tpu.enqueue_dma source(%dma_start3A_1015 : memref<16x128xf32, #tpu.memory_space<hbm>>) target(%dma_start3A_1013 : memref<16x128xf32, #tpu.memory_space<vmem>>) target_semaphore(%arg15 : memref<!tpu.dma_semaphore, #tpu.memory_space<semaphore_mem>>)
    %dma_start3A_1016 = arith.constant 1 : i32
    %dma_start3A_1017 = arith.constant 3 : i32
    %dma_start3A_1018 = arith.constant 0 : i32
    %dma_start3A_1019 = arith.constant 0 : i32
    %dma_start3A_1020 = tpu.memref_slice %arg10[%dma_start3A_1016, %dma_start3A_1017, %dma_start3A_1018, %dma_start3A_1019] : memref<2x8x16x128xf32, #tpu.memory_space<vmem>> -> memref<1x1x16x128xf32, #tpu.memory_space<vmem>>
    %dma_start3A_1021 = tpu.memref_squeeze %dma_start3A_1020 : memref<1x1x16x128xf32, #tpu.memory_space<vmem>> -> memref<16x128xf32, #tpu.memory_space<vmem>>
    %dma_start3A_1022 = arith.constant 0 : i32
    %dma_start3A_1023 = tpu.memref_slice %arg5[%dma_start3A_1022, %multiple_of3A_1001] : memref<16x1000000xf32, #tpu.memory_space<hbm>> -> memref<16x128xf32, #tpu.memory_space<hbm>>
    %dma_start3A_1024 = arith.constant 0 : i32
    %dma_start3A_1025 = arith.constant 0 : i32
    %dma_start3A_1026 = tpu.memref_slice %arg10[%dma_start3A_1016, %dma_start3A_1017, %dma_start3A_1024, %dma_start3A_1025] : memref<2x8x16x128xf32, #tpu.memory_space<vmem>> -> memref<1x1x16x128xf32, #tpu.memory_space<vmem>>
    %dma_start3A_1027 = tpu.memref_squeeze %dma_start3A_1026 : memref<1x1x16x128xf32, #tpu.memory_space<vmem>> -> memref<16x128xf32, #tpu.memory_space<vmem>>
    %dma_start3A_1028 = arith.constant 0 : i32
    %dma_start3A_1029 = tpu.memref_slice %arg5[%dma_start3A_1028, %multiple_of3A_1001] : memref<16x1000000xf32, #tpu.memory_space<hbm>> -> memref<16x128xf32, #tpu.memory_space<hbm>>
    tpu.enqueue_dma source(%dma_start3A_1029 : memref<16x128xf32, #tpu.memory_space<hbm>>) target(%dma_start3A_1027 : memref<16x128xf32, #tpu.memory_space<vmem>>) target_semaphore(%arg15 : memref<!tpu.dma_semaphore, #tpu.memory_space<semaphore_mem>>)
    %slice3A_1030 = vector.extract_strided_slice %get3A_683 {offsets = [4], sizes = [1], strides = [1]} : vector<16xi32> to vector<1xi32>
    %squeeze3A_1031 = vector.extract %slice3A_1030[0] : i32 from vector<1xi32>
    %jit3A_1032 = arith.constant 128 : i32
    %div3A_1033 = arith.divsi %squeeze3A_1031, %jit3A_1032 : i32
    %sign3A_1034 = arith.constant 0 : i32
    %sign3A_1035 = arith.cmpi sgt, %squeeze3A_1031, %sign3A_1034 : i32
    %sign3A_1036 = arith.extui %sign3A_1035 : i1 to i32
    %sign3A_1037 = arith.constant 0 : i32
    %sign3A_1038 = arith.cmpi slt, %squeeze3A_1031, %sign3A_1037 : i32
    %sign3A_1039 = arith.extui %sign3A_1038 : i1 to i32
    %sign3A_1040 = arith.subi %sign3A_1036, %sign3A_1039 : i32
    %sign3A_1041 = arith.constant 0 : i32
    %sign3A_1042 = arith.cmpi sgt, %jit3A_1032, %sign3A_1041 : i32
    %sign3A_1043 = arith.extui %sign3A_1042 : i1 to i32
    %sign3A_1044 = arith.constant 0 : i32
    %sign3A_1045 = arith.cmpi slt, %jit3A_1032, %sign3A_1044 : i32
    %sign3A_1046 = arith.extui %sign3A_1045 : i1 to i32
    %sign3A_1047 = arith.subi %sign3A_1043, %sign3A_1046 : i32
    %ne3A_1048 = arith.cmpi ne, %sign3A_1040, %sign3A_1047 : i32
    %rem3A_1049 = arith.remsi %squeeze3A_1031, %jit3A_1032 : i32
    %ne3A_1050 = arith.constant 0 : i32
    %ne3A_1051 = arith.cmpi ne, %rem3A_1049, %ne3A_1050 : i32
    %and3A_1052 = arith.andi %ne3A_1048, %ne3A_1051 : i1
    %sub3A_1053 = arith.constant 1 : i32
    %sub3A_1054 = arith.subi %div3A_1033, %sub3A_1053 : i32
    %select_n3A_1055 = arith.select %and3A_1052, %sub3A_1054, %div3A_1033 : i32
    %mul3A_1056 = arith.constant 128 : i32
    %mul3A_1057 = arith.muli %select_n3A_1055, %mul3A_1056 : i32
    %multiple_of3A_1058 = tpu.assume_multiple %mul3A_1057, 128 : i32
    %slice3A_1059 = vector.extract_strided_slice %get3A_685 {offsets = [4], sizes = [1], strides = [1]} : vector<16xi32> to vector<1xi32>
    %squeeze3A_1060 = vector.extract %slice3A_1059[0] : i32 from vector<1xi32>
    %jit3A_1061 = arith.constant 128 : i32
    %div3A_1062 = arith.divsi %squeeze3A_1060, %jit3A_1061 : i32
    %sign3A_1063 = arith.constant 0 : i32
    %sign3A_1064 = arith.cmpi sgt, %squeeze3A_1060, %sign3A_1063 : i32
    %sign3A_1065 = arith.extui %sign3A_1064 : i1 to i32
    %sign3A_1066 = arith.constant 0 : i32
    %sign3A_1067 = arith.cmpi slt, %squeeze3A_1060, %sign3A_1066 : i32
    %sign3A_1068 = arith.extui %sign3A_1067 : i1 to i32
    %sign3A_1069 = arith.subi %sign3A_1065, %sign3A_1068 : i32
    %sign3A_1070 = arith.constant 0 : i32
    %sign3A_1071 = arith.cmpi sgt, %jit3A_1061, %sign3A_1070 : i32
    %sign3A_1072 = arith.extui %sign3A_1071 : i1 to i32
    %sign3A_1073 = arith.constant 0 : i32
    %sign3A_1074 = arith.cmpi slt, %jit3A_1061, %sign3A_1073 : i32
    %sign3A_1075 = arith.extui %sign3A_1074 : i1 to i32
    %sign3A_1076 = arith.subi %sign3A_1072, %sign3A_1075 : i32
    %ne3A_1077 = arith.cmpi ne, %sign3A_1069, %sign3A_1076 : i32
    %rem3A_1078 = arith.remsi %squeeze3A_1060, %jit3A_1061 : i32
    %ne3A_1079 = arith.constant 0 : i32
    %ne3A_1080 = arith.cmpi ne, %rem3A_1078, %ne3A_1079 : i32
    %and3A_1081 = arith.andi %ne3A_1077, %ne3A_1080 : i1
    %sub3A_1082 = arith.constant 1 : i32
    %sub3A_1083 = arith.subi %div3A_1062, %sub3A_1082 : i32
    %select_n3A_1084 = arith.select %and3A_1081, %sub3A_1083, %div3A_1062 : i32
    %mul3A_1085 = arith.constant 128 : i32
    %mul3A_1086 = arith.muli %select_n3A_1084, %mul3A_1085 : i32
    %multiple_of3A_1087 = tpu.assume_multiple %mul3A_1086, 128 : i32
    %dma_start3A_1088 = arith.constant 1 : i32
    %dma_start3A_1089 = arith.constant 4 : i32
    %dma_start3A_1090 = arith.constant 0 : i32
    %dma_start3A_1091 = arith.constant 0 : i32
    %dma_start3A_1092 = tpu.memref_slice %arg9[%dma_start3A_1088, %dma_start3A_1089, %dma_start3A_1090, %dma_start3A_1091] : memref<2x8x16x128xf32, #tpu.memory_space<vmem>> -> memref<1x1x16x128xf32, #tpu.memory_space<vmem>>
    %dma_start3A_1093 = tpu.memref_squeeze %dma_start3A_1092 : memref<1x1x16x128xf32, #tpu.memory_space<vmem>> -> memref<16x128xf32, #tpu.memory_space<vmem>>
    %dma_start3A_1094 = arith.constant 0 : i32
    %dma_start3A_1095 = tpu.memref_slice %arg4[%dma_start3A_1094, %multiple_of3A_1058] : memref<16x1000000xf32, #tpu.memory_space<hbm>> -> memref<16x128xf32, #tpu.memory_space<hbm>>
    %dma_start3A_1096 = arith.constant 0 : i32
    %dma_start3A_1097 = arith.constant 0 : i32
    %dma_start3A_1098 = tpu.memref_slice %arg9[%dma_start3A_1088, %dma_start3A_1089, %dma_start3A_1096, %dma_start3A_1097] : memref<2x8x16x128xf32, #tpu.memory_space<vmem>> -> memref<1x1x16x128xf32, #tpu.memory_space<vmem>>
    %dma_start3A_1099 = tpu.memref_squeeze %dma_start3A_1098 : memref<1x1x16x128xf32, #tpu.memory_space<vmem>> -> memref<16x128xf32, #tpu.memory_space<vmem>>
    %dma_start3A_1100 = arith.constant 0 : i32
    %dma_start3A_1101 = tpu.memref_slice %arg4[%dma_start3A_1100, %multiple_of3A_1058] : memref<16x1000000xf32, #tpu.memory_space<hbm>> -> memref<16x128xf32, #tpu.memory_space<hbm>>
    tpu.enqueue_dma source(%dma_start3A_1101 : memref<16x128xf32, #tpu.memory_space<hbm>>) target(%dma_start3A_1099 : memref<16x128xf32, #tpu.memory_space<vmem>>) target_semaphore(%arg15 : memref<!tpu.dma_semaphore, #tpu.memory_space<semaphore_mem>>)
    %dma_start3A_1102 = arith.constant 1 : i32
    %dma_start3A_1103 = arith.constant 4 : i32
    %dma_start3A_1104 = arith.constant 0 : i32
    %dma_start3A_1105 = arith.constant 0 : i32
    %dma_start3A_1106 = tpu.memref_slice %arg10[%dma_start3A_1102, %dma_start3A_1103, %dma_start3A_1104, %dma_start3A_1105] : memref<2x8x16x128xf32, #tpu.memory_space<vmem>> -> memref<1x1x16x128xf32, #tpu.memory_space<vmem>>
    %dma_start3A_1107 = tpu.memref_squeeze %dma_start3A_1106 : memref<1x1x16x128xf32, #tpu.memory_space<vmem>> -> memref<16x128xf32, #tpu.memory_space<vmem>>
    %dma_start3A_1108 = arith.constant 0 : i32
    %dma_start3A_1109 = tpu.memref_slice %arg5[%dma_start3A_1108, %multiple_of3A_1087] : memref<16x1000000xf32, #tpu.memory_space<hbm>> -> memref<16x128xf32, #tpu.memory_space<hbm>>
    %dma_start3A_1110 = arith.constant 0 : i32
    %dma_start3A_1111 = arith.constant 0 : i32
    %dma_start3A_1112 = tpu.memref_slice %arg10[%dma_start3A_1102, %dma_start3A_1103, %dma_start3A_1110, %dma_start3A_1111] : memref<2x8x16x128xf32, #tpu.memory_space<vmem>> -> memref<1x1x16x128xf32, #tpu.memory_space<vmem>>
    %dma_start3A_1113 = tpu.memref_squeeze %dma_start3A_1112 : memref<1x1x16x128xf32, #tpu.memory_space<vmem>> -> memref<16x128xf32, #tpu.memory_space<vmem>>
    %dma_start3A_1114 = arith.constant 0 : i32
    %dma_start3A_1115 = tpu.memref_slice %arg5[%dma_start3A_1114, %multiple_of3A_1087] : memref<16x1000000xf32, #tpu.memory_space<hbm>> -> memref<16x128xf32, #tpu.memory_space<hbm>>
    tpu.enqueue_dma source(%dma_start3A_1115 : memref<16x128xf32, #tpu.memory_space<hbm>>) target(%dma_start3A_1113 : memref<16x128xf32, #tpu.memory_space<vmem>>) target_semaphore(%arg15 : memref<!tpu.dma_semaphore, #tpu.memory_space<semaphore_mem>>)
    %slice3A_1116 = vector.extract_strided_slice %get3A_683 {offsets = [5], sizes = [1], strides = [1]} : vector<16xi32> to vector<1xi32>
    %squeeze3A_1117 = vector.extract %slice3A_1116[0] : i32 from vector<1xi32>
    %jit3A_1118 = arith.constant 128 : i32
    %div3A_1119 = arith.divsi %squeeze3A_1117, %jit3A_1118 : i32
    %sign3A_1120 = arith.constant 0 : i32
    %sign3A_1121 = arith.cmpi sgt, %squeeze3A_1117, %sign3A_1120 : i32
    %sign3A_1122 = arith.extui %sign3A_1121 : i1 to i32
    %sign3A_1123 = arith.constant 0 : i32
    %sign3A_1124 = arith.cmpi slt, %squeeze3A_1117, %sign3A_1123 : i32
    %sign3A_1125 = arith.extui %sign3A_1124 : i1 to i32
    %sign3A_1126 = arith.subi %sign3A_1122, %sign3A_1125 : i32
    %sign3A_1127 = arith.constant 0 : i32
    %sign3A_1128 = arith.cmpi sgt, %jit3A_1118, %sign3A_1127 : i32
    %sign3A_1129 = arith.extui %sign3A_1128 : i1 to i32
    %sign3A_1130 = arith.constant 0 : i32
    %sign3A_1131 = arith.cmpi slt, %jit3A_1118, %sign3A_1130 : i32
    %sign3A_1132 = arith.extui %sign3A_1131 : i1 to i32
    %sign3A_1133 = arith.subi %sign3A_1129, %sign3A_1132 : i32
    %ne3A_1134 = arith.cmpi ne, %sign3A_1126, %sign3A_1133 : i32
    %rem3A_1135 = arith.remsi %squeeze3A_1117, %jit3A_1118 : i32
    %ne3A_1136 = arith.constant 0 : i32
    %ne3A_1137 = arith.cmpi ne, %rem3A_1135, %ne3A_1136 : i32
    %and3A_1138 = arith.andi %ne3A_1134, %ne3A_1137 : i1
    %sub3A_1139 = arith.constant 1 : i32
    %sub3A_1140 = arith.subi %div3A_1119, %sub3A_1139 : i32
    %select_n3A_1141 = arith.select %and3A_1138, %sub3A_1140, %div3A_1119 : i32
    %mul3A_1142 = arith.constant 128 : i32
    %mul3A_1143 = arith.muli %select_n3A_1141, %mul3A_1142 : i32
    %multiple_of3A_1144 = tpu.assume_multiple %mul3A_1143, 128 : i32
    %slice3A_1145 = vector.extract_strided_slice %get3A_685 {offsets = [5], sizes = [1], strides = [1]} : vector<16xi32> to vector<1xi32>
    %squeeze3A_1146 = vector.extract %slice3A_1145[0] : i32 from vector<1xi32>
    %jit3A_1147 = arith.constant 128 : i32
    %div3A_1148 = arith.divsi %squeeze3A_1146, %jit3A_1147 : i32
    %sign3A_1149 = arith.constant 0 : i32
    %sign3A_1150 = arith.cmpi sgt, %squeeze3A_1146, %sign3A_1149 : i32
    %sign3A_1151 = arith.extui %sign3A_1150 : i1 to i32
    %sign3A_1152 = arith.constant 0 : i32
    %sign3A_1153 = arith.cmpi slt, %squeeze3A_1146, %sign3A_1152 : i32
    %sign3A_1154 = arith.extui %sign3A_1153 : i1 to i32
    %sign3A_1155 = arith.subi %sign3A_1151, %sign3A_1154 : i32
    %sign3A_1156 = arith.constant 0 : i32
    %sign3A_1157 = arith.cmpi sgt, %jit3A_1147, %sign3A_1156 : i32
    %sign3A_1158 = arith.extui %sign3A_1157 : i1 to i32
    %sign3A_1159 = arith.constant 0 : i32
    %sign3A_1160 = arith.cmpi slt, %jit3A_1147, %sign3A_1159 : i32
    %sign3A_1161 = arith.extui %sign3A_1160 : i1 to i32
    %sign3A_1162 = arith.subi %sign3A_1158, %sign3A_1161 : i32
    %ne3A_1163 = arith.cmpi ne, %sign3A_1155, %sign3A_1162 : i32
    %rem3A_1164 = arith.remsi %squeeze3A_1146, %jit3A_1147 : i32
    %ne3A_1165 = arith.constant 0 : i32
    %ne3A_1166 = arith.cmpi ne, %rem3A_1164, %ne3A_1165 : i32
    %and3A_1167 = arith.andi %ne3A_1163, %ne3A_1166 : i1
    %sub3A_1168 = arith.constant 1 : i32
    %sub3A_1169 = arith.subi %div3A_1148, %sub3A_1168 : i32
    %select_n3A_1170 = arith.select %and3A_1167, %sub3A_1169, %div3A_1148 : i32
    %mul3A_1171 = arith.constant 128 : i32
    %mul3A_1172 = arith.muli %select_n3A_1170, %mul3A_1171 : i32
    %multiple_of3A_1173 = tpu.assume_multiple %mul3A_1172, 128 : i32
    %dma_start3A_1174 = arith.constant 1 : i32
    %dma_start3A_1175 = arith.constant 5 : i32
    %dma_start3A_1176 = arith.constant 0 : i32
    %dma_start3A_1177 = arith.constant 0 : i32
    %dma_start3A_1178 = tpu.memref_slice %arg9[%dma_start3A_1174, %dma_start3A_1175, %dma_start3A_1176, %dma_start3A_1177] : memref<2x8x16x128xf32, #tpu.memory_space<vmem>> -> memref<1x1x16x128xf32, #tpu.memory_space<vmem>>
    %dma_start3A_1179 = tpu.memref_squeeze %dma_start3A_1178 : memref<1x1x16x128xf32, #tpu.memory_space<vmem>> -> memref<16x128xf32, #tpu.memory_space<vmem>>
    %dma_start3A_1180 = arith.constant 0 : i32
    %dma_start3A_1181 = tpu.memref_slice %arg4[%dma_start3A_1180, %multiple_of3A_1144] : memref<16x1000000xf32, #tpu.memory_space<hbm>> -> memref<16x128xf32, #tpu.memory_space<hbm>>
    %dma_start3A_1182 = arith.constant 0 : i32
    %dma_start3A_1183 = arith.constant 0 : i32
    %dma_start3A_1184 = tpu.memref_slice %arg9[%dma_start3A_1174, %dma_start3A_1175, %dma_start3A_1182, %dma_start3A_1183] : memref<2x8x16x128xf32, #tpu.memory_space<vmem>> -> memref<1x1x16x128xf32, #tpu.memory_space<vmem>>
    %dma_start3A_1185 = tpu.memref_squeeze %dma_start3A_1184 : memref<1x1x16x128xf32, #tpu.memory_space<vmem>> -> memref<16x128xf32, #tpu.memory_space<vmem>>
    %dma_start3A_1186 = arith.constant 0 : i32
    %dma_start3A_1187 = tpu.memref_slice %arg4[%dma_start3A_1186, %multiple_of3A_1144] : memref<16x1000000xf32, #tpu.memory_space<hbm>> -> memref<16x128xf32, #tpu.memory_space<hbm>>
    tpu.enqueue_dma source(%dma_start3A_1187 : memref<16x128xf32, #tpu.memory_space<hbm>>) target(%dma_start3A_1185 : memref<16x128xf32, #tpu.memory_space<vmem>>) target_semaphore(%arg15 : memref<!tpu.dma_semaphore, #tpu.memory_space<semaphore_mem>>)
    %dma_start3A_1188 = arith.constant 1 : i32
    %dma_start3A_1189 = arith.constant 5 : i32
    %dma_start3A_1190 = arith.constant 0 : i32
    %dma_start3A_1191 = arith.constant 0 : i32
    %dma_start3A_1192 = tpu.memref_slice %arg10[%dma_start3A_1188, %dma_start3A_1189, %dma_start3A_1190, %dma_start3A_1191] : memref<2x8x16x128xf32, #tpu.memory_space<vmem>> -> memref<1x1x16x128xf32, #tpu.memory_space<vmem>>
    %dma_start3A_1193 = tpu.memref_squeeze %dma_start3A_1192 : memref<1x1x16x128xf32, #tpu.memory_space<vmem>> -> memref<16x128xf32, #tpu.memory_space<vmem>>
    %dma_start3A_1194 = arith.constant 0 : i32
    %dma_start3A_1195 = tpu.memref_slice %arg5[%dma_start3A_1194, %multiple_of3A_1173] : memref<16x1000000xf32, #tpu.memory_space<hbm>> -> memref<16x128xf32, #tpu.memory_space<hbm>>
    %dma_start3A_1196 = arith.constant 0 : i32
    %dma_start3A_1197 = arith.constant 0 : i32
    %dma_start3A_1198 = tpu.memref_slice %arg10[%dma_start3A_1188, %dma_start3A_1189, %dma_start3A_1196, %dma_start3A_1197] : memref<2x8x16x128xf32, #tpu.memory_space<vmem>> -> memref<1x1x16x128xf32, #tpu.memory_space<vmem>>
    %dma_start3A_1199 = tpu.memref_squeeze %dma_start3A_1198 : memref<1x1x16x128xf32, #tpu.memory_space<vmem>> -> memref<16x128xf32, #tpu.memory_space<vmem>>
    %dma_start3A_1200 = arith.constant 0 : i32
    %dma_start3A_1201 = tpu.memref_slice %arg5[%dma_start3A_1200, %multiple_of3A_1173] : memref<16x1000000xf32, #tpu.memory_space<hbm>> -> memref<16x128xf32, #tpu.memory_space<hbm>>
    tpu.enqueue_dma source(%dma_start3A_1201 : memref<16x128xf32, #tpu.memory_space<hbm>>) target(%dma_start3A_1199 : memref<16x128xf32, #tpu.memory_space<vmem>>) target_semaphore(%arg15 : memref<!tpu.dma_semaphore, #tpu.memory_space<semaphore_mem>>)
    %slice3A_1202 = vector.extract_strided_slice %get3A_683 {offsets = [6], sizes = [1], strides = [1]} : vector<16xi32> to vector<1xi32>
    %squeeze3A_1203 = vector.extract %slice3A_1202[0] : i32 from vector<1xi32>
    %jit3A_1204 = arith.constant 128 : i32
    %div3A_1205 = arith.divsi %squeeze3A_1203, %jit3A_1204 : i32
    %sign3A_1206 = arith.constant 0 : i32
    %sign3A_1207 = arith.cmpi sgt, %squeeze3A_1203, %sign3A_1206 : i32
    %sign3A_1208 = arith.extui %sign3A_1207 : i1 to i32
    %sign3A_1209 = arith.constant 0 : i32
    %sign3A_1210 = arith.cmpi slt, %squeeze3A_1203, %sign3A_1209 : i32
    %sign3A_1211 = arith.extui %sign3A_1210 : i1 to i32
    %sign3A_1212 = arith.subi %sign3A_1208, %sign3A_1211 : i32
    %sign3A_1213 = arith.constant 0 : i32
    %sign3A_1214 = arith.cmpi sgt, %jit3A_1204, %sign3A_1213 : i32
    %sign3A_1215 = arith.extui %sign3A_1214 : i1 to i32
    %sign3A_1216 = arith.constant 0 : i32
    %sign3A_1217 = arith.cmpi slt, %jit3A_1204, %sign3A_1216 : i32
    %sign3A_1218 = arith.extui %sign3A_1217 : i1 to i32
    %sign3A_1219 = arith.subi %sign3A_1215, %sign3A_1218 : i32
    %ne3A_1220 = arith.cmpi ne, %sign3A_1212, %sign3A_1219 : i32
    %rem3A_1221 = arith.remsi %squeeze3A_1203, %jit3A_1204 : i32
    %ne3A_1222 = arith.constant 0 : i32
    %ne3A_1223 = arith.cmpi ne, %rem3A_1221, %ne3A_1222 : i32
    %and3A_1224 = arith.andi %ne3A_1220, %ne3A_1223 : i1
    %sub3A_1225 = arith.constant 1 : i32
    %sub3A_1226 = arith.subi %div3A_1205, %sub3A_1225 : i32
    %select_n3A_1227 = arith.select %and3A_1224, %sub3A_1226, %div3A_1205 : i32
    %mul3A_1228 = arith.constant 128 : i32
    %mul3A_1229 = arith.muli %select_n3A_1227, %mul3A_1228 : i32
    %multiple_of3A_1230 = tpu.assume_multiple %mul3A_1229, 128 : i32
    %slice3A_1231 = vector.extract_strided_slice %get3A_685 {offsets = [6], sizes = [1], strides = [1]} : vector<16xi32> to vector<1xi32>
    %squeeze3A_1232 = vector.extract %slice3A_1231[0] : i32 from vector<1xi32>
    %jit3A_1233 = arith.constant 128 : i32
    %div3A_1234 = arith.divsi %squeeze3A_1232, %jit3A_1233 : i32
    %sign3A_1235 = arith.constant 0 : i32
    %sign3A_1236 = arith.cmpi sgt, %squeeze3A_1232, %sign3A_1235 : i32
    %sign3A_1237 = arith.extui %sign3A_1236 : i1 to i32
    %sign3A_1238 = arith.constant 0 : i32
    %sign3A_1239 = arith.cmpi slt, %squeeze3A_1232, %sign3A_1238 : i32
    %sign3A_1240 = arith.extui %sign3A_1239 : i1 to i32
    %sign3A_1241 = arith.subi %sign3A_1237, %sign3A_1240 : i32
    %sign3A_1242 = arith.constant 0 : i32
    %sign3A_1243 = arith.cmpi sgt, %jit3A_1233, %sign3A_1242 : i32
    %sign3A_1244 = arith.extui %sign3A_1243 : i1 to i32
    %sign3A_1245 = arith.constant 0 : i32
    %sign3A_1246 = arith.cmpi slt, %jit3A_1233, %sign3A_1245 : i32
    %sign3A_1247 = arith.extui %sign3A_1246 : i1 to i32
    %sign3A_1248 = arith.subi %sign3A_1244, %sign3A_1247 : i32
    %ne3A_1249 = arith.cmpi ne, %sign3A_1241, %sign3A_1248 : i32
    %rem3A_1250 = arith.remsi %squeeze3A_1232, %jit3A_1233 : i32
    %ne3A_1251 = arith.constant 0 : i32
    %ne3A_1252 = arith.cmpi ne, %rem3A_1250, %ne3A_1251 : i32
    %and3A_1253 = arith.andi %ne3A_1249, %ne3A_1252 : i1
    %sub3A_1254 = arith.constant 1 : i32
    %sub3A_1255 = arith.subi %div3A_1234, %sub3A_1254 : i32
    %select_n3A_1256 = arith.select %and3A_1253, %sub3A_1255, %div3A_1234 : i32
    %mul3A_1257 = arith.constant 128 : i32
    %mul3A_1258 = arith.muli %select_n3A_1256, %mul3A_1257 : i32
    %multiple_of3A_1259 = tpu.assume_multiple %mul3A_1258, 128 : i32
    %dma_start3A_1260 = arith.constant 1 : i32
    %dma_start3A_1261 = arith.constant 6 : i32
    %dma_start3A_1262 = arith.constant 0 : i32
    %dma_start3A_1263 = arith.constant 0 : i32
    %dma_start3A_1264 = tpu.memref_slice %arg9[%dma_start3A_1260, %dma_start3A_1261, %dma_start3A_1262, %dma_start3A_1263] : memref<2x8x16x128xf32, #tpu.memory_space<vmem>> -> memref<1x1x16x128xf32, #tpu.memory_space<vmem>>
    %dma_start3A_1265 = tpu.memref_squeeze %dma_start3A_1264 : memref<1x1x16x128xf32, #tpu.memory_space<vmem>> -> memref<16x128xf32, #tpu.memory_space<vmem>>
    %dma_start3A_1266 = arith.constant 0 : i32
    %dma_start3A_1267 = tpu.memref_slice %arg4[%dma_start3A_1266, %multiple_of3A_1230] : memref<16x1000000xf32, #tpu.memory_space<hbm>> -> memref<16x128xf32, #tpu.memory_space<hbm>>
    %dma_start3A_1268 = arith.constant 0 : i32
    %dma_start3A_1269 = arith.constant 0 : i32
    %dma_start3A_1270 = tpu.memref_slice %arg9[%dma_start3A_1260, %dma_start3A_1261, %dma_start3A_1268, %dma_start3A_1269] : memref<2x8x16x128xf32, #tpu.memory_space<vmem>> -> memref<1x1x16x128xf32, #tpu.memory_space<vmem>>
    %dma_start3A_1271 = tpu.memref_squeeze %dma_start3A_1270 : memref<1x1x16x128xf32, #tpu.memory_space<vmem>> -> memref<16x128xf32, #tpu.memory_space<vmem>>
    %dma_start3A_1272 = arith.constant 0 : i32
    %dma_start3A_1273 = tpu.memref_slice %arg4[%dma_start3A_1272, %multiple_of3A_1230] : memref<16x1000000xf32, #tpu.memory_space<hbm>> -> memref<16x128xf32, #tpu.memory_space<hbm>>
    tpu.enqueue_dma source(%dma_start3A_1273 : memref<16x128xf32, #tpu.memory_space<hbm>>) target(%dma_start3A_1271 : memref<16x128xf32, #tpu.memory_space<vmem>>) target_semaphore(%arg15 : memref<!tpu.dma_semaphore, #tpu.memory_space<semaphore_mem>>)
    %dma_start3A_1274 = arith.constant 1 : i32
    %dma_start3A_1275 = arith.constant 6 : i32
    %dma_start3A_1276 = arith.constant 0 : i32
    %dma_start3A_1277 = arith.constant 0 : i32
    %dma_start3A_1278 = tpu.memref_slice %arg10[%dma_start3A_1274, %dma_start3A_1275, %dma_start3A_1276, %dma_start3A_1277] : memref<2x8x16x128xf32, #tpu.memory_space<vmem>> -> memref<1x1x16x128xf32, #tpu.memory_space<vmem>>
    %dma_start3A_1279 = tpu.memref_squeeze %dma_start3A_1278 : memref<1x1x16x128xf32, #tpu.memory_space<vmem>> -> memref<16x128xf32, #tpu.memory_space<vmem>>
    %dma_start3A_1280 = arith.constant 0 : i32
    %dma_start3A_1281 = tpu.memref_slice %arg5[%dma_start3A_1280, %multiple_of3A_1259] : memref<16x1000000xf32, #tpu.memory_space<hbm>> -> memref<16x128xf32, #tpu.memory_space<hbm>>
    %dma_start3A_1282 = arith.constant 0 : i32
    %dma_start3A_1283 = arith.constant 0 : i32
    %dma_start3A_1284 = tpu.memref_slice %arg10[%dma_start3A_1274, %dma_start3A_1275, %dma_start3A_1282, %dma_start3A_1283] : memref<2x8x16x128xf32, #tpu.memory_space<vmem>> -> memref<1x1x16x128xf32, #tpu.memory_space<vmem>>
    %dma_start3A_1285 = tpu.memref_squeeze %dma_start3A_1284 : memref<1x1x16x128xf32, #tpu.memory_space<vmem>> -> memref<16x128xf32, #tpu.memory_space<vmem>>
    %dma_start3A_1286 = arith.constant 0 : i32
    %dma_start3A_1287 = tpu.memref_slice %arg5[%dma_start3A_1286, %multiple_of3A_1259] : memref<16x1000000xf32, #tpu.memory_space<hbm>> -> memref<16x128xf32, #tpu.memory_space<hbm>>
    tpu.enqueue_dma source(%dma_start3A_1287 : memref<16x128xf32, #tpu.memory_space<hbm>>) target(%dma_start3A_1285 : memref<16x128xf32, #tpu.memory_space<vmem>>) target_semaphore(%arg15 : memref<!tpu.dma_semaphore, #tpu.memory_space<semaphore_mem>>)
    %slice3A_1288 = vector.extract_strided_slice %get3A_683 {offsets = [7], sizes = [1], strides = [1]} : vector<16xi32> to vector<1xi32>
    %squeeze3A_1289 = vector.extract %slice3A_1288[0] : i32 from vector<1xi32>
    %jit3A_1290 = arith.constant 128 : i32
    %div3A_1291 = arith.divsi %squeeze3A_1289, %jit3A_1290 : i32
    %sign3A_1292 = arith.constant 0 : i32
    %sign3A_1293 = arith.cmpi sgt, %squeeze3A_1289, %sign3A_1292 : i32
    %sign3A_1294 = arith.extui %sign3A_1293 : i1 to i32
    %sign3A_1295 = arith.constant 0 : i32
    %sign3A_1296 = arith.cmpi slt, %squeeze3A_1289, %sign3A_1295 : i32
    %sign3A_1297 = arith.extui %sign3A_1296 : i1 to i32
    %sign3A_1298 = arith.subi %sign3A_1294, %sign3A_1297 : i32
    %sign3A_1299 = arith.constant 0 : i32
    %sign3A_1300 = arith.cmpi sgt, %jit3A_1290, %sign3A_1299 : i32
    %sign3A_1301 = arith.extui %sign3A_1300 : i1 to i32
    %sign3A_1302 = arith.constant 0 : i32
    %sign3A_1303 = arith.cmpi slt, %jit3A_1290, %sign3A_1302 : i32
    %sign3A_1304 = arith.extui %sign3A_1303 : i1 to i32
    %sign3A_1305 = arith.subi %sign3A_1301, %sign3A_1304 : i32
    %ne3A_1306 = arith.cmpi ne, %sign3A_1298, %sign3A_1305 : i32
    %rem3A_1307 = arith.remsi %squeeze3A_1289, %jit3A_1290 : i32
    %ne3A_1308 = arith.constant 0 : i32
    %ne3A_1309 = arith.cmpi ne, %rem3A_1307, %ne3A_1308 : i32
    %and3A_1310 = arith.andi %ne3A_1306, %ne3A_1309 : i1
    %sub3A_1311 = arith.constant 1 : i32
    %sub3A_1312 = arith.subi %div3A_1291, %sub3A_1311 : i32
    %select_n3A_1313 = arith.select %and3A_1310, %sub3A_1312, %div3A_1291 : i32
    %mul3A_1314 = arith.constant 128 : i32
    %mul3A_1315 = arith.muli %select_n3A_1313, %mul3A_1314 : i32
    %multiple_of3A_1316 = tpu.assume_multiple %mul3A_1315, 128 : i32
    %slice3A_1317 = vector.extract_strided_slice %get3A_685 {offsets = [7], sizes = [1], strides = [1]} : vector<16xi32> to vector<1xi32>
    %squeeze3A_1318 = vector.extract %slice3A_1317[0] : i32 from vector<1xi32>
    %jit3A_1319 = arith.constant 128 : i32
    %div3A_1320 = arith.divsi %squeeze3A_1318, %jit3A_1319 : i32
    %sign3A_1321 = arith.constant 0 : i32
    %sign3A_1322 = arith.cmpi sgt, %squeeze3A_1318, %sign3A_1321 : i32
    %sign3A_1323 = arith.extui %sign3A_1322 : i1 to i32
    %sign3A_1324 = arith.constant 0 : i32
    %sign3A_1325 = arith.cmpi slt, %squeeze3A_1318, %sign3A_1324 : i32
    %sign3A_1326 = arith.extui %sign3A_1325 : i1 to i32
    %sign3A_1327 = arith.subi %sign3A_1323, %sign3A_1326 : i32
    %sign3A_1328 = arith.constant 0 : i32
    %sign3A_1329 = arith.cmpi sgt, %jit3A_1319, %sign3A_1328 : i32
    %sign3A_1330 = arith.extui %sign3A_1329 : i1 to i32
    %sign3A_1331 = arith.constant 0 : i32
    %sign3A_1332 = arith.cmpi slt, %jit3A_1319, %sign3A_1331 : i32
    %sign3A_1333 = arith.extui %sign3A_1332 : i1 to i32
    %sign3A_1334 = arith.subi %sign3A_1330, %sign3A_1333 : i32
    %ne3A_1335 = arith.cmpi ne, %sign3A_1327, %sign3A_1334 : i32
    %rem3A_1336 = arith.remsi %squeeze3A_1318, %jit3A_1319 : i32
    %ne3A_1337 = arith.constant 0 : i32
    %ne3A_1338 = arith.cmpi ne, %rem3A_1336, %ne3A_1337 : i32
    %and3A_1339 = arith.andi %ne3A_1335, %ne3A_1338 : i1
    %sub3A_1340 = arith.constant 1 : i32
    %sub3A_1341 = arith.subi %div3A_1320, %sub3A_1340 : i32
    %select_n3A_1342 = arith.select %and3A_1339, %sub3A_1341, %div3A_1320 : i32
    %mul3A_1343 = arith.constant 128 : i32
    %mul3A_1344 = arith.muli %select_n3A_1342, %mul3A_1343 : i32
    %multiple_of3A_1345 = tpu.assume_multiple %mul3A_1344, 128 : i32
    %dma_start3A_1346 = arith.constant 1 : i32
    %dma_start3A_1347 = arith.constant 7 : i32
    %dma_start3A_1348 = arith.constant 0 : i32
    %dma_start3A_1349 = arith.constant 0 : i32
    %dma_start3A_1350 = tpu.memref_slice %arg9[%dma_start3A_1346, %dma_start3A_1347, %dma_start3A_1348, %dma_start3A_1349] : memref<2x8x16x128xf32, #tpu.memory_space<vmem>> -> memref<1x1x16x128xf32, #tpu.memory_space<vmem>>
    %dma_start3A_1351 = tpu.memref_squeeze %dma_start3A_1350 : memref<1x1x16x128xf32, #tpu.memory_space<vmem>> -> memref<16x128xf32, #tpu.memory_space<vmem>>
    %dma_start3A_1352 = arith.constant 0 : i32
    %dma_start3A_1353 = tpu.memref_slice %arg4[%dma_start3A_1352, %multiple_of3A_1316] : memref<16x1000000xf32, #tpu.memory_space<hbm>> -> memref<16x128xf32, #tpu.memory_space<hbm>>
    %dma_start3A_1354 = arith.constant 0 : i32
    %dma_start3A_1355 = arith.constant 0 : i32
    %dma_start3A_1356 = tpu.memref_slice %arg9[%dma_start3A_1346, %dma_start3A_1347, %dma_start3A_1354, %dma_start3A_1355] : memref<2x8x16x128xf32, #tpu.memory_space<vmem>> -> memref<1x1x16x128xf32, #tpu.memory_space<vmem>>
    %dma_start3A_1357 = tpu.memref_squeeze %dma_start3A_1356 : memref<1x1x16x128xf32, #tpu.memory_space<vmem>> -> memref<16x128xf32, #tpu.memory_space<vmem>>
    %dma_start3A_1358 = arith.constant 0 : i32
    %dma_start3A_1359 = tpu.memref_slice %arg4[%dma_start3A_1358, %multiple_of3A_1316] : memref<16x1000000xf32, #tpu.memory_space<hbm>> -> memref<16x128xf32, #tpu.memory_space<hbm>>
    tpu.enqueue_dma source(%dma_start3A_1359 : memref<16x128xf32, #tpu.memory_space<hbm>>) target(%dma_start3A_1357 : memref<16x128xf32, #tpu.memory_space<vmem>>) target_semaphore(%arg15 : memref<!tpu.dma_semaphore, #tpu.memory_space<semaphore_mem>>)
    %dma_start3A_1360 = arith.constant 1 : i32
    %dma_start3A_1361 = arith.constant 7 : i32
    %dma_start3A_1362 = arith.constant 0 : i32
    %dma_start3A_1363 = arith.constant 0 : i32
    %dma_start3A_1364 = tpu.memref_slice %arg10[%dma_start3A_1360, %dma_start3A_1361, %dma_start3A_1362, %dma_start3A_1363] : memref<2x8x16x128xf32, #tpu.memory_space<vmem>> -> memref<1x1x16x128xf32, #tpu.memory_space<vmem>>
    %dma_start3A_1365 = tpu.memref_squeeze %dma_start3A_1364 : memref<1x1x16x128xf32, #tpu.memory_space<vmem>> -> memref<16x128xf32, #tpu.memory_space<vmem>>
    %dma_start3A_1366 = arith.constant 0 : i32
    %dma_start3A_1367 = tpu.memref_slice %arg5[%dma_start3A_1366, %multiple_of3A_1345] : memref<16x1000000xf32, #tpu.memory_space<hbm>> -> memref<16x128xf32, #tpu.memory_space<hbm>>
    %dma_start3A_1368 = arith.constant 0 : i32
    %dma_start3A_1369 = arith.constant 0 : i32
    %dma_start3A_1370 = tpu.memref_slice %arg10[%dma_start3A_1360, %dma_start3A_1361, %dma_start3A_1368, %dma_start3A_1369] : memref<2x8x16x128xf32, #tpu.memory_space<vmem>> -> memref<1x1x16x128xf32, #tpu.memory_space<vmem>>
    %dma_start3A_1371 = tpu.memref_squeeze %dma_start3A_1370 : memref<1x1x16x128xf32, #tpu.memory_space<vmem>> -> memref<16x128xf32, #tpu.memory_space<vmem>>
    %dma_start3A_1372 = arith.constant 0 : i32
    %dma_start3A_1373 = tpu.memref_slice %arg5[%dma_start3A_1372, %multiple_of3A_1345] : memref<16x1000000xf32, #tpu.memory_space<hbm>> -> memref<16x128xf32, #tpu.memory_space<hbm>>
    tpu.enqueue_dma source(%dma_start3A_1373 : memref<16x128xf32, #tpu.memory_space<hbm>>) target(%dma_start3A_1371 : memref<16x128xf32, #tpu.memory_space<vmem>>) target_semaphore(%arg15 : memref<!tpu.dma_semaphore, #tpu.memory_space<semaphore_mem>>)
    %scan3A = arith.constant 0 : i32
    %scan3A_1374 = arith.constant 0 : i32
    %scan3A_1375 = arith.constant 32 : i32
    %scan3A_1376 = arith.addi %scan3A_1374, %scan3A_1375 : i32
    %scan3A_1377 = arith.constant 1 : i32
    %scan3A_1378 = scf.for %scan3A_1380 = %scan3A_1374 to %scan3A_1376 step %scan3A_1377 iter_args(%scan3A_1381 = %scan3A) -> (i32)  : i32 {
      %mul3A_1382 = arith.constant 2 : i32
      %mul3A_1383 = arith.muli %scan3A_1380, %mul3A_1382 : i32
      %mul3A_1384 = arith.constant 8 : i32
      %mul3A_1385 = arith.muli %mul3A_1383, %mul3A_1384 : i32
      %dma_wait3A = arith.constant 0 : i32
      %dma_wait3A_1386 = arith.constant 0 : i32
      %dma_wait3A_1387 = arith.constant 0 : i32
      %dma_wait3A_1388 = arith.constant 0 : i32
      %dma_wait3A_1389 = tpu.memref_slice %arg9[%dma_wait3A, %dma_wait3A_1386, %dma_wait3A_1387, %dma_wait3A_1388] : memref<2x8x16x128xf32, #tpu.memory_space<vmem>> -> memref<1x1x16x128xf32, #tpu.memory_space<vmem>>
      %dma_wait3A_1390 = tpu.memref_squeeze %dma_wait3A_1389 : memref<1x1x16x128xf32, #tpu.memory_space<vmem>> -> memref<16x128xf32, #tpu.memory_space<vmem>>
      %dma_wait3A_1391 = arith.constant 0 : i32
      %dma_wait3A_1392 = arith.constant 0 : i32
      %dma_wait3A_1393 = tpu.memref_slice %arg4[%dma_wait3A_1391, %dma_wait3A_1392] : memref<16x1000000xf32, #tpu.memory_space<hbm>> -> memref<16x128xf32, #tpu.memory_space<hbm>>
      %dma_wait3A_1394 = arith.constant 0 : i32
      %dma_wait3A_1395 = arith.constant 0 : i32
      %dma_wait3A_1396 = tpu.memref_slice %arg9[%dma_wait3A, %dma_wait3A_1386, %dma_wait3A_1394, %dma_wait3A_1395] : memref<2x8x16x128xf32, #tpu.memory_space<vmem>> -> memref<1x1x16x128xf32, #tpu.memory_space<vmem>>
      %dma_wait3A_1397 = tpu.memref_squeeze %dma_wait3A_1396 : memref<1x1x16x128xf32, #tpu.memory_space<vmem>> -> memref<16x128xf32, #tpu.memory_space<vmem>>
      %dma_wait3A_1398 = arith.constant 0 : i32
      %dma_wait3A_1399 = arith.constant 0 : i32
      %dma_wait3A_1400 = tpu.memref_slice %arg4[%dma_wait3A_1398, %dma_wait3A_1399] : memref<16x1000000xf32, #tpu.memory_space<hbm>> -> memref<16x128xf32, #tpu.memory_space<hbm>>
      tpu.wait_dma2 semaphore(%arg14 : memref<!tpu.dma_semaphore, #tpu.memory_space<semaphore_mem>>) src(%dma_wait3A_1400 : memref<16x128xf32, #tpu.memory_space<hbm>>) dst(%dma_wait3A_1397 : memref<16x128xf32, #tpu.memory_space<vmem>>)
      %dma_wait3A_1401 = arith.constant 0 : i32
      %dma_wait3A_1402 = arith.constant 0 : i32
      %dma_wait3A_1403 = arith.constant 0 : i32
      %dma_wait3A_1404 = arith.constant 0 : i32
      %dma_wait3A_1405 = tpu.memref_slice %arg10[%dma_wait3A_1401, %dma_wait3A_1402, %dma_wait3A_1403, %dma_wait3A_1404] : memref<2x8x16x128xf32, #tpu.memory_space<vmem>> -> memref<1x1x16x128xf32, #tpu.memory_space<vmem>>
      %dma_wait3A_1406 = tpu.memref_squeeze %dma_wait3A_1405 : memref<1x1x16x128xf32, #tpu.memory_space<vmem>> -> memref<16x128xf32, #tpu.memory_space<vmem>>
      %dma_wait3A_1407 = arith.constant 0 : i32
      %dma_wait3A_1408 = arith.constant 0 : i32
      %dma_wait3A_1409 = tpu.memref_slice %arg5[%dma_wait3A_1407, %dma_wait3A_1408] : memref<16x1000000xf32, #tpu.memory_space<hbm>> -> memref<16x128xf32, #tpu.memory_space<hbm>>
      %dma_wait3A_1410 = arith.constant 0 : i32
      %dma_wait3A_1411 = arith.constant 0 : i32
      %dma_wait3A_1412 = tpu.memref_slice %arg10[%dma_wait3A_1401, %dma_wait3A_1402, %dma_wait3A_1410, %dma_wait3A_1411] : memref<2x8x16x128xf32, #tpu.memory_space<vmem>> -> memref<1x1x16x128xf32, #tpu.memory_space<vmem>>
      %dma_wait3A_1413 = tpu.memref_squeeze %dma_wait3A_1412 : memref<1x1x16x128xf32, #tpu.memory_space<vmem>> -> memref<16x128xf32, #tpu.memory_space<vmem>>
      %dma_wait3A_1414 = arith.constant 0 : i32
      %dma_wait3A_1415 = arith.constant 0 : i32
      %dma_wait3A_1416 = tpu.memref_slice %arg5[%dma_wait3A_1414, %dma_wait3A_1415] : memref<16x1000000xf32, #tpu.memory_space<hbm>> -> memref<16x128xf32, #tpu.memory_space<hbm>>
      tpu.wait_dma2 semaphore(%arg14 : memref<!tpu.dma_semaphore, #tpu.memory_space<semaphore_mem>>) src(%dma_wait3A_1416 : memref<16x128xf32, #tpu.memory_space<hbm>>) dst(%dma_wait3A_1413 : memref<16x128xf32, #tpu.memory_space<vmem>>)
      %dma_wait3A_1417 = arith.constant 0 : i32
      %dma_wait3A_1418 = arith.constant 1 : i32
      %dma_wait3A_1419 = arith.constant 0 : i32
      %dma_wait3A_1420 = arith.constant 0 : i32
      %dma_wait3A_1421 = tpu.memref_slice %arg9[%dma_wait3A_1417, %dma_wait3A_1418, %dma_wait3A_1419, %dma_wait3A_1420] : memref<2x8x16x128xf32, #tpu.memory_space<vmem>> -> memref<1x1x16x128xf32, #tpu.memory_space<vmem>>
      %dma_wait3A_1422 = tpu.memref_squeeze %dma_wait3A_1421 : memref<1x1x16x128xf32, #tpu.memory_space<vmem>> -> memref<16x128xf32, #tpu.memory_space<vmem>>
      %dma_wait3A_1423 = arith.constant 0 : i32
      %dma_wait3A_1424 = arith.constant 0 : i32
      %dma_wait3A_1425 = tpu.memref_slice %arg4[%dma_wait3A_1423, %dma_wait3A_1424] : memref<16x1000000xf32, #tpu.memory_space<hbm>> -> memref<16x128xf32, #tpu.memory_space<hbm>>
      %dma_wait3A_1426 = arith.constant 0 : i32
      %dma_wait3A_1427 = arith.constant 0 : i32
      %dma_wait3A_1428 = tpu.memref_slice %arg9[%dma_wait3A_1417, %dma_wait3A_1418, %dma_wait3A_1426, %dma_wait3A_1427] : memref<2x8x16x128xf32, #tpu.memory_space<vmem>> -> memref<1x1x16x128xf32, #tpu.memory_space<vmem>>
      %dma_wait3A_1429 = tpu.memref_squeeze %dma_wait3A_1428 : memref<1x1x16x128xf32, #tpu.memory_space<vmem>> -> memref<16x128xf32, #tpu.memory_space<vmem>>
      %dma_wait3A_1430 = arith.constant 0 : i32
      %dma_wait3A_1431 = arith.constant 0 : i32
      %dma_wait3A_1432 = tpu.memref_slice %arg4[%dma_wait3A_1430, %dma_wait3A_1431] : memref<16x1000000xf32, #tpu.memory_space<hbm>> -> memref<16x128xf32, #tpu.memory_space<hbm>>
      tpu.wait_dma2 semaphore(%arg14 : memref<!tpu.dma_semaphore, #tpu.memory_space<semaphore_mem>>) src(%dma_wait3A_1432 : memref<16x128xf32, #tpu.memory_space<hbm>>) dst(%dma_wait3A_1429 : memref<16x128xf32, #tpu.memory_space<vmem>>)
      %dma_wait3A_1433 = arith.constant 0 : i32
      %dma_wait3A_1434 = arith.constant 1 : i32
      %dma_wait3A_1435 = arith.constant 0 : i32
      %dma_wait3A_1436 = arith.constant 0 : i32
      %dma_wait3A_1437 = tpu.memref_slice %arg10[%dma_wait3A_1433, %dma_wait3A_1434, %dma_wait3A_1435, %dma_wait3A_1436] : memref<2x8x16x128xf32, #tpu.memory_space<vmem>> -> memref<1x1x16x128xf32, #tpu.memory_space<vmem>>
      %dma_wait3A_1438 = tpu.memref_squeeze %dma_wait3A_1437 : memref<1x1x16x128xf32, #tpu.memory_space<vmem>> -> memref<16x128xf32, #tpu.memory_space<vmem>>
      %dma_wait3A_1439 = arith.constant 0 : i32
      %dma_wait3A_1440 = arith.constant 0 : i32
      %dma_wait3A_1441 = tpu.memref_slice %arg5[%dma_wait3A_1439, %dma_wait3A_1440] : memref<16x1000000xf32, #tpu.memory_space<hbm>> -> memref<16x128xf32, #tpu.memory_space<hbm>>
      %dma_wait3A_1442 = arith.constant 0 : i32
      %dma_wait3A_1443 = arith.constant 0 : i32
      %dma_wait3A_1444 = tpu.memref_slice %arg10[%dma_wait3A_1433, %dma_wait3A_1434, %dma_wait3A_1442, %dma_wait3A_1443] : memref<2x8x16x128xf32, #tpu.memory_space<vmem>> -> memref<1x1x16x128xf32, #tpu.memory_space<vmem>>
      %dma_wait3A_1445 = tpu.memref_squeeze %dma_wait3A_1444 : memref<1x1x16x128xf32, #tpu.memory_space<vmem>> -> memref<16x128xf32, #tpu.memory_space<vmem>>
      %dma_wait3A_1446 = arith.constant 0 : i32
      %dma_wait3A_1447 = arith.constant 0 : i32
      %dma_wait3A_1448 = tpu.memref_slice %arg5[%dma_wait3A_1446, %dma_wait3A_1447] : memref<16x1000000xf32, #tpu.memory_space<hbm>> -> memref<16x128xf32, #tpu.memory_space<hbm>>
      tpu.wait_dma2 semaphore(%arg14 : memref<!tpu.dma_semaphore, #tpu.memory_space<semaphore_mem>>) src(%dma_wait3A_1448 : memref<16x128xf32, #tpu.memory_space<hbm>>) dst(%dma_wait3A_1445 : memref<16x128xf32, #tpu.memory_space<vmem>>)
      %dma_wait3A_1449 = arith.constant 0 : i32
      %dma_wait3A_1450 = arith.constant 2 : i32
      %dma_wait3A_1451 = arith.constant 0 : i32
      %dma_wait3A_1452 = arith.constant 0 : i32
      %dma_wait3A_1453 = tpu.memref_slice %arg9[%dma_wait3A_1449, %dma_wait3A_1450, %dma_wait3A_1451, %dma_wait3A_1452] : memref<2x8x16x128xf32, #tpu.memory_space<vmem>> -> memref<1x1x16x128xf32, #tpu.memory_space<vmem>>
      %dma_wait3A_1454 = tpu.memref_squeeze %dma_wait3A_1453 : memref<1x1x16x128xf32, #tpu.memory_space<vmem>> -> memref<16x128xf32, #tpu.memory_space<vmem>>
      %dma_wait3A_1455 = arith.constant 0 : i32
      %dma_wait3A_1456 = arith.constant 0 : i32
      %dma_wait3A_1457 = tpu.memref_slice %arg4[%dma_wait3A_1455, %dma_wait3A_1456] : memref<16x1000000xf32, #tpu.memory_space<hbm>> -> memref<16x128xf32, #tpu.memory_space<hbm>>
      %dma_wait3A_1458 = arith.constant 0 : i32
      %dma_wait3A_1459 = arith.constant 0 : i32
      %dma_wait3A_1460 = tpu.memref_slice %arg9[%dma_wait3A_1449, %dma_wait3A_1450, %dma_wait3A_1458, %dma_wait3A_1459] : memref<2x8x16x128xf32, #tpu.memory_space<vmem>> -> memref<1x1x16x128xf32, #tpu.memory_space<vmem>>
      %dma_wait3A_1461 = tpu.memref_squeeze %dma_wait3A_1460 : memref<1x1x16x128xf32, #tpu.memory_space<vmem>> -> memref<16x128xf32, #tpu.memory_space<vmem>>
      %dma_wait3A_1462 = arith.constant 0 : i32
      %dma_wait3A_1463 = arith.constant 0 : i32
      %dma_wait3A_1464 = tpu.memref_slice %arg4[%dma_wait3A_1462, %dma_wait3A_1463] : memref<16x1000000xf32, #tpu.memory_space<hbm>> -> memref<16x128xf32, #tpu.memory_space<hbm>>
      tpu.wait_dma2 semaphore(%arg14 : memref<!tpu.dma_semaphore, #tpu.memory_space<semaphore_mem>>) src(%dma_wait3A_1464 : memref<16x128xf32, #tpu.memory_space<hbm>>) dst(%dma_wait3A_1461 : memref<16x128xf32, #tpu.memory_space<vmem>>)
      %dma_wait3A_1465 = arith.constant 0 : i32
      %dma_wait3A_1466 = arith.constant 2 : i32
      %dma_wait3A_1467 = arith.constant 0 : i32
      %dma_wait3A_1468 = arith.constant 0 : i32
      %dma_wait3A_1469 = tpu.memref_slice %arg10[%dma_wait3A_1465, %dma_wait3A_1466, %dma_wait3A_1467, %dma_wait3A_1468] : memref<2x8x16x128xf32, #tpu.memory_space<vmem>> -> memref<1x1x16x128xf32, #tpu.memory_space<vmem>>
      %dma_wait3A_1470 = tpu.memref_squeeze %dma_wait3A_1469 : memref<1x1x16x128xf32, #tpu.memory_space<vmem>> -> memref<16x128xf32, #tpu.memory_space<vmem>>
      %dma_wait3A_1471 = arith.constant 0 : i32
      %dma_wait3A_1472 = arith.constant 0 : i32
      %dma_wait3A_1473 = tpu.memref_slice %arg5[%dma_wait3A_1471, %dma_wait3A_1472] : memref<16x1000000xf32, #tpu.memory_space<hbm>> -> memref<16x128xf32, #tpu.memory_space<hbm>>
      %dma_wait3A_1474 = arith.constant 0 : i32
      %dma_wait3A_1475 = arith.constant 0 : i32
      %dma_wait3A_1476 = tpu.memref_slice %arg10[%dma_wait3A_1465, %dma_wait3A_1466, %dma_wait3A_1474, %dma_wait3A_1475] : memref<2x8x16x128xf32, #tpu.memory_space<vmem>> -> memref<1x1x16x128xf32, #tpu.memory_space<vmem>>
      %dma_wait3A_1477 = tpu.memref_squeeze %dma_wait3A_1476 : memref<1x1x16x128xf32, #tpu.memory_space<vmem>> -> memref<16x128xf32, #tpu.memory_space<vmem>>
      %dma_wait3A_1478 = arith.constant 0 : i32
      %dma_wait3A_1479 = arith.constant 0 : i32
      %dma_wait3A_1480 = tpu.memref_slice %arg5[%dma_wait3A_1478, %dma_wait3A_1479] : memref<16x1000000xf32, #tpu.memory_space<hbm>> -> memref<16x128xf32, #tpu.memory_space<hbm>>
      tpu.wait_dma2 semaphore(%arg14 : memref<!tpu.dma_semaphore, #tpu.memory_space<semaphore_mem>>) src(%dma_wait3A_1480 : memref<16x128xf32, #tpu.memory_space<hbm>>) dst(%dma_wait3A_1477 : memref<16x128xf32, #tpu.memory_space<vmem>>)
      %dma_wait3A_1481 = arith.constant 0 : i32
      %dma_wait3A_1482 = arith.constant 3 : i32
      %dma_wait3A_1483 = arith.constant 0 : i32
      %dma_wait3A_1484 = arith.constant 0 : i32
      %dma_wait3A_1485 = tpu.memref_slice %arg9[%dma_wait3A_1481, %dma_wait3A_1482, %dma_wait3A_1483, %dma_wait3A_1484] : memref<2x8x16x128xf32, #tpu.memory_space<vmem>> -> memref<1x1x16x128xf32, #tpu.memory_space<vmem>>
      %dma_wait3A_1486 = tpu.memref_squeeze %dma_wait3A_1485 : memref<1x1x16x128xf32, #tpu.memory_space<vmem>> -> memref<16x128xf32, #tpu.memory_space<vmem>>
      %dma_wait3A_1487 = arith.constant 0 : i32
      %dma_wait3A_1488 = arith.constant 0 : i32
      %dma_wait3A_1489 = tpu.memref_slice %arg4[%dma_wait3A_1487, %dma_wait3A_1488] : memref<16x1000000xf32, #tpu.memory_space<hbm>> -> memref<16x128xf32, #tpu.memory_space<hbm>>
      %dma_wait3A_1490 = arith.constant 0 : i32
      %dma_wait3A_1491 = arith.constant 0 : i32
      %dma_wait3A_1492 = tpu.memref_slice %arg9[%dma_wait3A_1481, %dma_wait3A_1482, %dma_wait3A_1490, %dma_wait3A_1491] : memref<2x8x16x128xf32, #tpu.memory_space<vmem>> -> memref<1x1x16x128xf32, #tpu.memory_space<vmem>>
      %dma_wait3A_1493 = tpu.memref_squeeze %dma_wait3A_1492 : memref<1x1x16x128xf32, #tpu.memory_space<vmem>> -> memref<16x128xf32, #tpu.memory_space<vmem>>
      %dma_wait3A_1494 = arith.constant 0 : i32
      %dma_wait3A_1495 = arith.constant 0 : i32
      %dma_wait3A_1496 = tpu.memref_slice %arg4[%dma_wait3A_1494, %dma_wait3A_1495] : memref<16x1000000xf32, #tpu.memory_space<hbm>> -> memref<16x128xf32, #tpu.memory_space<hbm>>
      tpu.wait_dma2 semaphore(%arg14 : memref<!tpu.dma_semaphore, #tpu.memory_space<semaphore_mem>>) src(%dma_wait3A_1496 : memref<16x128xf32, #tpu.memory_space<hbm>>) dst(%dma_wait3A_1493 : memref<16x128xf32, #tpu.memory_space<vmem>>)
      %dma_wait3A_1497 = arith.constant 0 : i32
      %dma_wait3A_1498 = arith.constant 3 : i32
      %dma_wait3A_1499 = arith.constant 0 : i32
      %dma_wait3A_1500 = arith.constant 0 : i32
      %dma_wait3A_1501 = tpu.memref_slice %arg10[%dma_wait3A_1497, %dma_wait3A_1498, %dma_wait3A_1499, %dma_wait3A_1500] : memref<2x8x16x128xf32, #tpu.memory_space<vmem>> -> memref<1x1x16x128xf32, #tpu.memory_space<vmem>>
      %dma_wait3A_1502 = tpu.memref_squeeze %dma_wait3A_1501 : memref<1x1x16x128xf32, #tpu.memory_space<vmem>> -> memref<16x128xf32, #tpu.memory_space<vmem>>
      %dma_wait3A_1503 = arith.constant 0 : i32
      %dma_wait3A_1504 = arith.constant 0 : i32
      %dma_wait3A_1505 = tpu.memref_slice %arg5[%dma_wait3A_1503, %dma_wait3A_1504] : memref<16x1000000xf32, #tpu.memory_space<hbm>> -> memref<16x128xf32, #tpu.memory_space<hbm>>
      %dma_wait3A_1506 = arith.constant 0 : i32
      %dma_wait3A_1507 = arith.constant 0 : i32
      %dma_wait3A_1508 = tpu.memref_slice %arg10[%dma_wait3A_1497, %dma_wait3A_1498, %dma_wait3A_1506, %dma_wait3A_1507] : memref<2x8x16x128xf32, #tpu.memory_space<vmem>> -> memref<1x1x16x128xf32, #tpu.memory_space<vmem>>
      %dma_wait3A_1509 = tpu.memref_squeeze %dma_wait3A_1508 : memref<1x1x16x128xf32, #tpu.memory_space<vmem>> -> memref<16x128xf32, #tpu.memory_space<vmem>>
      %dma_wait3A_1510 = arith.constant 0 : i32
      %dma_wait3A_1511 = arith.constant 0 : i32
      %dma_wait3A_1512 = tpu.memref_slice %arg5[%dma_wait3A_1510, %dma_wait3A_1511] : memref<16x1000000xf32, #tpu.memory_space<hbm>> -> memref<16x128xf32, #tpu.memory_space<hbm>>
      tpu.wait_dma2 semaphore(%arg14 : memref<!tpu.dma_semaphore, #tpu.memory_space<semaphore_mem>>) src(%dma_wait3A_1512 : memref<16x128xf32, #tpu.memory_space<hbm>>) dst(%dma_wait3A_1509 : memref<16x128xf32, #tpu.memory_space<vmem>>)
      %dma_wait3A_1513 = arith.constant 0 : i32
      %dma_wait3A_1514 = arith.constant 4 : i32
      %dma_wait3A_1515 = arith.constant 0 : i32
      %dma_wait3A_1516 = arith.constant 0 : i32
      %dma_wait3A_1517 = tpu.memref_slice %arg9[%dma_wait3A_1513, %dma_wait3A_1514, %dma_wait3A_1515, %dma_wait3A_1516] : memref<2x8x16x128xf32, #tpu.memory_space<vmem>> -> memref<1x1x16x128xf32, #tpu.memory_space<vmem>>
      %dma_wait3A_1518 = tpu.memref_squeeze %dma_wait3A_1517 : memref<1x1x16x128xf32, #tpu.memory_space<vmem>> -> memref<16x128xf32, #tpu.memory_space<vmem>>
      %dma_wait3A_1519 = arith.constant 0 : i32
      %dma_wait3A_1520 = arith.constant 0 : i32
      %dma_wait3A_1521 = tpu.memref_slice %arg4[%dma_wait3A_1519, %dma_wait3A_1520] : memref<16x1000000xf32, #tpu.memory_space<hbm>> -> memref<16x128xf32, #tpu.memory_space<hbm>>
      %dma_wait3A_1522 = arith.constant 0 : i32
      %dma_wait3A_1523 = arith.constant 0 : i32
      %dma_wait3A_1524 = tpu.memref_slice %arg9[%dma_wait3A_1513, %dma_wait3A_1514, %dma_wait3A_1522, %dma_wait3A_1523] : memref<2x8x16x128xf32, #tpu.memory_space<vmem>> -> memref<1x1x16x128xf32, #tpu.memory_space<vmem>>
      %dma_wait3A_1525 = tpu.memref_squeeze %dma_wait3A_1524 : memref<1x1x16x128xf32, #tpu.memory_space<vmem>> -> memref<16x128xf32, #tpu.memory_space<vmem>>
      %dma_wait3A_1526 = arith.constant 0 : i32
      %dma_wait3A_1527 = arith.constant 0 : i32
      %dma_wait3A_1528 = tpu.memref_slice %arg4[%dma_wait3A_1526, %dma_wait3A_1527] : memref<16x1000000xf32, #tpu.memory_space<hbm>> -> memref<16x128xf32, #tpu.memory_space<hbm>>
      tpu.wait_dma2 semaphore(%arg14 : memref<!tpu.dma_semaphore, #tpu.memory_space<semaphore_mem>>) src(%dma_wait3A_1528 : memref<16x128xf32, #tpu.memory_space<hbm>>) dst(%dma_wait3A_1525 : memref<16x128xf32, #tpu.memory_space<vmem>>)
      %dma_wait3A_1529 = arith.constant 0 : i32
      %dma_wait3A_1530 = arith.constant 4 : i32
      %dma_wait3A_1531 = arith.constant 0 : i32
      %dma_wait3A_1532 = arith.constant 0 : i32
      %dma_wait3A_1533 = tpu.memref_slice %arg10[%dma_wait3A_1529, %dma_wait3A_1530, %dma_wait3A_1531, %dma_wait3A_1532] : memref<2x8x16x128xf32, #tpu.memory_space<vmem>> -> memref<1x1x16x128xf32, #tpu.memory_space<vmem>>
      %dma_wait3A_1534 = tpu.memref_squeeze %dma_wait3A_1533 : memref<1x1x16x128xf32, #tpu.memory_space<vmem>> -> memref<16x128xf32, #tpu.memory_space<vmem>>
      %dma_wait3A_1535 = arith.constant 0 : i32
      %dma_wait3A_1536 = arith.constant 0 : i32
      %dma_wait3A_1537 = tpu.memref_slice %arg5[%dma_wait3A_1535, %dma_wait3A_1536] : memref<16x1000000xf32, #tpu.memory_space<hbm>> -> memref<16x128xf32, #tpu.memory_space<hbm>>
      %dma_wait3A_1538 = arith.constant 0 : i32
      %dma_wait3A_1539 = arith.constant 0 : i32
      %dma_wait3A_1540 = tpu.memref_slice %arg10[%dma_wait3A_1529, %dma_wait3A_1530, %dma_wait3A_1538, %dma_wait3A_1539] : memref<2x8x16x128xf32, #tpu.memory_space<vmem>> -> memref<1x1x16x128xf32, #tpu.memory_space<vmem>>
      %dma_wait3A_1541 = tpu.memref_squeeze %dma_wait3A_1540 : memref<1x1x16x128xf32, #tpu.memory_space<vmem>> -> memref<16x128xf32, #tpu.memory_space<vmem>>
      %dma_wait3A_1542 = arith.constant 0 : i32
      %dma_wait3A_1543 = arith.constant 0 : i32
      %dma_wait3A_1544 = tpu.memref_slice %arg5[%dma_wait3A_1542, %dma_wait3A_1543] : memref<16x1000000xf32, #tpu.memory_space<hbm>> -> memref<16x128xf32, #tpu.memory_space<hbm>>
      tpu.wait_dma2 semaphore(%arg14 : memref<!tpu.dma_semaphore, #tpu.memory_space<semaphore_mem>>) src(%dma_wait3A_1544 : memref<16x128xf32, #tpu.memory_space<hbm>>) dst(%dma_wait3A_1541 : memref<16x128xf32, #tpu.memory_space<vmem>>)
      %dma_wait3A_1545 = arith.constant 0 : i32
      %dma_wait3A_1546 = arith.constant 5 : i32
      %dma_wait3A_1547 = arith.constant 0 : i32
      %dma_wait3A_1548 = arith.constant 0 : i32
      %dma_wait3A_1549 = tpu.memref_slice %arg9[%dma_wait3A_1545, %dma_wait3A_1546, %dma_wait3A_1547, %dma_wait3A_1548] : memref<2x8x16x128xf32, #tpu.memory_space<vmem>> -> memref<1x1x16x128xf32, #tpu.memory_space<vmem>>
      %dma_wait3A_1550 = tpu.memref_squeeze %dma_wait3A_1549 : memref<1x1x16x128xf32, #tpu.memory_space<vmem>> -> memref<16x128xf32, #tpu.memory_space<vmem>>
      %dma_wait3A_1551 = arith.constant 0 : i32
      %dma_wait3A_1552 = arith.constant 0 : i32
      %dma_wait3A_1553 = tpu.memref_slice %arg4[%dma_wait3A_1551, %dma_wait3A_1552] : memref<16x1000000xf32, #tpu.memory_space<hbm>> -> memref<16x128xf32, #tpu.memory_space<hbm>>
      %dma_wait3A_1554 = arith.constant 0 : i32
      %dma_wait3A_1555 = arith.constant 0 : i32
      %dma_wait3A_1556 = tpu.memref_slice %arg9[%dma_wait3A_1545, %dma_wait3A_1546, %dma_wait3A_1554, %dma_wait3A_1555] : memref<2x8x16x128xf32, #tpu.memory_space<vmem>> -> memref<1x1x16x128xf32, #tpu.memory_space<vmem>>
      %dma_wait3A_1557 = tpu.memref_squeeze %dma_wait3A_1556 : memref<1x1x16x128xf32, #tpu.memory_space<vmem>> -> memref<16x128xf32, #tpu.memory_space<vmem>>
      %dma_wait3A_1558 = arith.constant 0 : i32
      %dma_wait3A_1559 = arith.constant 0 : i32
      %dma_wait3A_1560 = tpu.memref_slice %arg4[%dma_wait3A_1558, %dma_wait3A_1559] : memref<16x1000000xf32, #tpu.memory_space<hbm>> -> memref<16x128xf32, #tpu.memory_space<hbm>>
      tpu.wait_dma2 semaphore(%arg14 : memref<!tpu.dma_semaphore, #tpu.memory_space<semaphore_mem>>) src(%dma_wait3A_1560 : memref<16x128xf32, #tpu.memory_space<hbm>>) dst(%dma_wait3A_1557 : memref<16x128xf32, #tpu.memory_space<vmem>>)
      %dma_wait3A_1561 = arith.constant 0 : i32
      %dma_wait3A_1562 = arith.constant 5 : i32
      %dma_wait3A_1563 = arith.constant 0 : i32
      %dma_wait3A_1564 = arith.constant 0 : i32
      %dma_wait3A_1565 = tpu.memref_slice %arg10[%dma_wait3A_1561, %dma_wait3A_1562, %dma_wait3A_1563, %dma_wait3A_1564] : memref<2x8x16x128xf32, #tpu.memory_space<vmem>> -> memref<1x1x16x128xf32, #tpu.memory_space<vmem>>
      %dma_wait3A_1566 = tpu.memref_squeeze %dma_wait3A_1565 : memref<1x1x16x128xf32, #tpu.memory_space<vmem>> -> memref<16x128xf32, #tpu.memory_space<vmem>>
      %dma_wait3A_1567 = arith.constant 0 : i32
      %dma_wait3A_1568 = arith.constant 0 : i32
      %dma_wait3A_1569 = tpu.memref_slice %arg5[%dma_wait3A_1567, %dma_wait3A_1568] : memref<16x1000000xf32, #tpu.memory_space<hbm>> -> memref<16x128xf32, #tpu.memory_space<hbm>>
      %dma_wait3A_1570 = arith.constant 0 : i32
      %dma_wait3A_1571 = arith.constant 0 : i32
      %dma_wait3A_1572 = tpu.memref_slice %arg10[%dma_wait3A_1561, %dma_wait3A_1562, %dma_wait3A_1570, %dma_wait3A_1571] : memref<2x8x16x128xf32, #tpu.memory_space<vmem>> -> memref<1x1x16x128xf32, #tpu.memory_space<vmem>>
      %dma_wait3A_1573 = tpu.memref_squeeze %dma_wait3A_1572 : memref<1x1x16x128xf32, #tpu.memory_space<vmem>> -> memref<16x128xf32, #tpu.memory_space<vmem>>
      %dma_wait3A_1574 = arith.constant 0 : i32
      %dma_wait3A_1575 = arith.constant 0 : i32
      %dma_wait3A_1576 = tpu.memref_slice %arg5[%dma_wait3A_1574, %dma_wait3A_1575] : memref<16x1000000xf32, #tpu.memory_space<hbm>> -> memref<16x128xf32, #tpu.memory_space<hbm>>
      tpu.wait_dma2 semaphore(%arg14 : memref<!tpu.dma_semaphore, #tpu.memory_space<semaphore_mem>>) src(%dma_wait3A_1576 : memref<16x128xf32, #tpu.memory_space<hbm>>) dst(%dma_wait3A_1573 : memref<16x128xf32, #tpu.memory_space<vmem>>)
      %dma_wait3A_1577 = arith.constant 0 : i32
      %dma_wait3A_1578 = arith.constant 6 : i32
      %dma_wait3A_1579 = arith.constant 0 : i32
      %dma_wait3A_1580 = arith.constant 0 : i32
      %dma_wait3A_1581 = tpu.memref_slice %arg9[%dma_wait3A_1577, %dma_wait3A_1578, %dma_wait3A_1579, %dma_wait3A_1580] : memref<2x8x16x128xf32, #tpu.memory_space<vmem>> -> memref<1x1x16x128xf32, #tpu.memory_space<vmem>>
      %dma_wait3A_1582 = tpu.memref_squeeze %dma_wait3A_1581 : memref<1x1x16x128xf32, #tpu.memory_space<vmem>> -> memref<16x128xf32, #tpu.memory_space<vmem>>
      %dma_wait3A_1583 = arith.constant 0 : i32
      %dma_wait3A_1584 = arith.constant 0 : i32
      %dma_wait3A_1585 = tpu.memref_slice %arg4[%dma_wait3A_1583, %dma_wait3A_1584] : memref<16x1000000xf32, #tpu.memory_space<hbm>> -> memref<16x128xf32, #tpu.memory_space<hbm>>
      %dma_wait3A_1586 = arith.constant 0 : i32
      %dma_wait3A_1587 = arith.constant 0 : i32
      %dma_wait3A_1588 = tpu.memref_slice %arg9[%dma_wait3A_1577, %dma_wait3A_1578, %dma_wait3A_1586, %dma_wait3A_1587] : memref<2x8x16x128xf32, #tpu.memory_space<vmem>> -> memref<1x1x16x128xf32, #tpu.memory_space<vmem>>
      %dma_wait3A_1589 = tpu.memref_squeeze %dma_wait3A_1588 : memref<1x1x16x128xf32, #tpu.memory_space<vmem>> -> memref<16x128xf32, #tpu.memory_space<vmem>>
      %dma_wait3A_1590 = arith.constant 0 : i32
      %dma_wait3A_1591 = arith.constant 0 : i32
      %dma_wait3A_1592 = tpu.memref_slice %arg4[%dma_wait3A_1590, %dma_wait3A_1591] : memref<16x1000000xf32, #tpu.memory_space<hbm>> -> memref<16x128xf32, #tpu.memory_space<hbm>>
      tpu.wait_dma2 semaphore(%arg14 : memref<!tpu.dma_semaphore, #tpu.memory_space<semaphore_mem>>) src(%dma_wait3A_1592 : memref<16x128xf32, #tpu.memory_space<hbm>>) dst(%dma_wait3A_1589 : memref<16x128xf32, #tpu.memory_space<vmem>>)
      %dma_wait3A_1593 = arith.constant 0 : i32
      %dma_wait3A_1594 = arith.constant 6 : i32
      %dma_wait3A_1595 = arith.constant 0 : i32
      %dma_wait3A_1596 = arith.constant 0 : i32
      %dma_wait3A_1597 = tpu.memref_slice %arg10[%dma_wait3A_1593, %dma_wait3A_1594, %dma_wait3A_1595, %dma_wait3A_1596] : memref<2x8x16x128xf32, #tpu.memory_space<vmem>> -> memref<1x1x16x128xf32, #tpu.memory_space<vmem>>
      %dma_wait3A_1598 = tpu.memref_squeeze %dma_wait3A_1597 : memref<1x1x16x128xf32, #tpu.memory_space<vmem>> -> memref<16x128xf32, #tpu.memory_space<vmem>>
      %dma_wait3A_1599 = arith.constant 0 : i32
      %dma_wait3A_1600 = arith.constant 0 : i32
      %dma_wait3A_1601 = tpu.memref_slice %arg5[%dma_wait3A_1599, %dma_wait3A_1600] : memref<16x1000000xf32, #tpu.memory_space<hbm>> -> memref<16x128xf32, #tpu.memory_space<hbm>>
      %dma_wait3A_1602 = arith.constant 0 : i32
      %dma_wait3A_1603 = arith.constant 0 : i32
      %dma_wait3A_1604 = tpu.memref_slice %arg10[%dma_wait3A_1593, %dma_wait3A_1594, %dma_wait3A_1602, %dma_wait3A_1603] : memref<2x8x16x128xf32, #tpu.memory_space<vmem>> -> memref<1x1x16x128xf32, #tpu.memory_space<vmem>>
      %dma_wait3A_1605 = tpu.memref_squeeze %dma_wait3A_1604 : memref<1x1x16x128xf32, #tpu.memory_space<vmem>> -> memref<16x128xf32, #tpu.memory_space<vmem>>
      %dma_wait3A_1606 = arith.constant 0 : i32
      %dma_wait3A_1607 = arith.constant 0 : i32
      %dma_wait3A_1608 = tpu.memref_slice %arg5[%dma_wait3A_1606, %dma_wait3A_1607] : memref<16x1000000xf32, #tpu.memory_space<hbm>> -> memref<16x128xf32, #tpu.memory_space<hbm>>
      tpu.wait_dma2 semaphore(%arg14 : memref<!tpu.dma_semaphore, #tpu.memory_space<semaphore_mem>>) src(%dma_wait3A_1608 : memref<16x128xf32, #tpu.memory_space<hbm>>) dst(%dma_wait3A_1605 : memref<16x128xf32, #tpu.memory_space<vmem>>)
      %dma_wait3A_1609 = arith.constant 0 : i32
      %dma_wait3A_1610 = arith.constant 7 : i32
      %dma_wait3A_1611 = arith.constant 0 : i32
      %dma_wait3A_1612 = arith.constant 0 : i32
      %dma_wait3A_1613 = tpu.memref_slice %arg9[%dma_wait3A_1609, %dma_wait3A_1610, %dma_wait3A_1611, %dma_wait3A_1612] : memref<2x8x16x128xf32, #tpu.memory_space<vmem>> -> memref<1x1x16x128xf32, #tpu.memory_space<vmem>>
      %dma_wait3A_1614 = tpu.memref_squeeze %dma_wait3A_1613 : memref<1x1x16x128xf32, #tpu.memory_space<vmem>> -> memref<16x128xf32, #tpu.memory_space<vmem>>
      %dma_wait3A_1615 = arith.constant 0 : i32
      %dma_wait3A_1616 = arith.constant 0 : i32
      %dma_wait3A_1617 = tpu.memref_slice %arg4[%dma_wait3A_1615, %dma_wait3A_1616] : memref<16x1000000xf32, #tpu.memory_space<hbm>> -> memref<16x128xf32, #tpu.memory_space<hbm>>
      %dma_wait3A_1618 = arith.constant 0 : i32
      %dma_wait3A_1619 = arith.constant 0 : i32
      %dma_wait3A_1620 = tpu.memref_slice %arg9[%dma_wait3A_1609, %dma_wait3A_1610, %dma_wait3A_1618, %dma_wait3A_1619] : memref<2x8x16x128xf32, #tpu.memory_space<vmem>> -> memref<1x1x16x128xf32, #tpu.memory_space<vmem>>
      %dma_wait3A_1621 = tpu.memref_squeeze %dma_wait3A_1620 : memref<1x1x16x128xf32, #tpu.memory_space<vmem>> -> memref<16x128xf32, #tpu.memory_space<vmem>>
      %dma_wait3A_1622 = arith.constant 0 : i32
      %dma_wait3A_1623 = arith.constant 0 : i32
      %dma_wait3A_1624 = tpu.memref_slice %arg4[%dma_wait3A_1622, %dma_wait3A_1623] : memref<16x1000000xf32, #tpu.memory_space<hbm>> -> memref<16x128xf32, #tpu.memory_space<hbm>>
      tpu.wait_dma2 semaphore(%arg14 : memref<!tpu.dma_semaphore, #tpu.memory_space<semaphore_mem>>) src(%dma_wait3A_1624 : memref<16x128xf32, #tpu.memory_space<hbm>>) dst(%dma_wait3A_1621 : memref<16x128xf32, #tpu.memory_space<vmem>>)
      %dma_wait3A_1625 = arith.constant 0 : i32
      %dma_wait3A_1626 = arith.constant 7 : i32
      %dma_wait3A_1627 = arith.constant 0 : i32
      %dma_wait3A_1628 = arith.constant 0 : i32
      %dma_wait3A_1629 = tpu.memref_slice %arg10[%dma_wait3A_1625, %dma_wait3A_1626, %dma_wait3A_1627, %dma_wait3A_1628] : memref<2x8x16x128xf32, #tpu.memory_space<vmem>> -> memref<1x1x16x128xf32, #tpu.memory_space<vmem>>
      %dma_wait3A_1630 = tpu.memref_squeeze %dma_wait3A_1629 : memref<1x1x16x128xf32, #tpu.memory_space<vmem>> -> memref<16x128xf32, #tpu.memory_space<vmem>>
      %dma_wait3A_1631 = arith.constant 0 : i32
      %dma_wait3A_1632 = arith.constant 0 : i32
      %dma_wait3A_1633 = tpu.memref_slice %arg5[%dma_wait3A_1631, %dma_wait3A_1632] : memref<16x1000000xf32, #tpu.memory_space<hbm>> -> memref<16x128xf32, #tpu.memory_space<hbm>>
      %dma_wait3A_1634 = arith.constant 0 : i32
      %dma_wait3A_1635 = arith.constant 0 : i32
      %dma_wait3A_1636 = tpu.memref_slice %arg10[%dma_wait3A_1625, %dma_wait3A_1626, %dma_wait3A_1634, %dma_wait3A_1635] : memref<2x8x16x128xf32, #tpu.memory_space<vmem>> -> memref<1x1x16x128xf32, #tpu.memory_space<vmem>>
      %dma_wait3A_1637 = tpu.memref_squeeze %dma_wait3A_1636 : memref<1x1x16x128xf32, #tpu.memory_space<vmem>> -> memref<16x128xf32, #tpu.memory_space<vmem>>
      %dma_wait3A_1638 = arith.constant 0 : i32
      %dma_wait3A_1639 = arith.constant 0 : i32
      %dma_wait3A_1640 = tpu.memref_slice %arg5[%dma_wait3A_1638, %dma_wait3A_1639] : memref<16x1000000xf32, #tpu.memory_space<hbm>> -> memref<16x128xf32, #tpu.memory_space<hbm>>
      tpu.wait_dma2 semaphore(%arg14 : memref<!tpu.dma_semaphore, #tpu.memory_space<semaphore_mem>>) src(%dma_wait3A_1640 : memref<16x128xf32, #tpu.memory_space<hbm>>) dst(%dma_wait3A_1637 : memref<16x128xf32, #tpu.memory_space<vmem>>)
      %get3A_1641 = arith.index_cast %mul3A_1385 : i32 to index
      %get3A_1642 = tpu.vector_load %arg7[%get3A_1641] {strides = array<i32>} : memref<528xi32, #tpu.memory_space<vmem>>, vector<16xi32>,
      %get3A_1643 = arith.index_cast %mul3A_1385 : i32 to index
      %get3A_1644 = tpu.vector_load %arg8[%get3A_1643] {strides = array<i32>} : memref<528xi32, #tpu.memory_space<vmem>>, vector<16xi32>,
      %slice3A_1645 = vector.extract_strided_slice %get3A_1642 {offsets = [0], sizes = [1], strides = [1]} : vector<16xi32> to vector<1xi32>
      %squeeze3A_1646 = vector.extract %slice3A_1645[0] : i32 from vector<1xi32>
      %jit3A_1647 = arith.constant 128 : i32
      %eq3A = arith.constant 0 : i32
      %eq3A_1648 = arith.cmpi eq, %jit3A_1647, %eq3A : i32
      %jit3A_1649 = arith.constant 1 : i32
      %select_n3A_1650 = arith.select %eq3A_1648, %jit3A_1649, %jit3A_1647 : i32
      %rem3A_1651 = arith.remsi %squeeze3A_1646, %select_n3A_1650 : i32
      %ne3A_1652 = arith.constant 0 : i32
      %ne3A_1653 = arith.cmpi ne, %rem3A_1651, %ne3A_1652 : i32
      %lt3A = arith.constant 0 : i32
      %lt3A_1654 = arith.cmpi slt, %rem3A_1651, %lt3A : i32
      %lt3A_1655 = arith.constant 0 : i32
      %lt3A_1656 = arith.cmpi slt, %select_n3A_1650, %lt3A_1655 : i32
      %ne3A_1657 = arith.xori %lt3A_1654, %lt3A_1656 : i1
      %and3A_1658 = arith.andi %ne3A_1657, %ne3A_1653 : i1
      %add3A_1659 = arith.addi %rem3A_1651, %select_n3A_1650 : i32
      %select_n3A_1660 = arith.select %and3A_1658, %add3A_1659, %rem3A_1651 : i32
      %broadcast_in_dim3A = vector.broadcast %select_n3A_1660 : i32 to vector<16xi32>
      %slice3A_1661 = vector.extract_strided_slice %get3A_1644 {offsets = [0], sizes = [1], strides = [1]} : vector<16xi32> to vector<1xi32>
      %squeeze3A_1662 = vector.extract %slice3A_1661[0] : i32 from vector<1xi32>
      %jit3A_1663 = arith.constant 128 : i32
      %eq3A_1664 = arith.constant 0 : i32
      %eq3A_1665 = arith.cmpi eq, %jit3A_1663, %eq3A_1664 : i32
      %jit3A_1666 = arith.constant 1 : i32
      %select_n3A_1667 = arith.select %eq3A_1665, %jit3A_1666, %jit3A_1663 : i32
      %rem3A_1668 = arith.remsi %squeeze3A_1662, %select_n3A_1667 : i32
      %ne3A_1669 = arith.constant 0 : i32
      %ne3A_1670 = arith.cmpi ne, %rem3A_1668, %ne3A_1669 : i32
      %lt3A_1671 = arith.constant 0 : i32
      %lt3A_1672 = arith.cmpi slt, %rem3A_1668, %lt3A_1671 : i32
      %lt3A_1673 = arith.constant 0 : i32
      %lt3A_1674 = arith.cmpi slt, %select_n3A_1667, %lt3A_1673 : i32
      %ne3A_1675 = arith.xori %lt3A_1672, %lt3A_1674 : i1
      %and3A_1676 = arith.andi %ne3A_1675, %ne3A_1670 : i1
      %add3A_1677 = arith.addi %rem3A_1668, %select_n3A_1667 : i32
      %select_n3A_1678 = arith.select %and3A_1676, %add3A_1677, %rem3A_1668 : i32
      %broadcast_in_dim3A_1679 = vector.broadcast %select_n3A_1678 : i32 to vector<16xi32>
      %gather3A = arith.constant 0 : i32
      %gather3A_1680 = arith.constant 0 : i32
      %gather3A_1681 = arith.constant 0 : i32
      %gather3A_1682 = arith.constant 0 : i32
      %gather3A_1683 = tpu.memref_slice %arg9[%gather3A, %gather3A_1680, %gather3A_1681, %gather3A_1682] : memref<2x8x16x128xf32, #tpu.memory_space<vmem>> -> memref<1x1x16x128xf32, #tpu.memory_space<vmem>>
      %gather3A_1684 = tpu.memref_squeeze %gather3A_1683 : memref<1x1x16x128xf32, #tpu.memory_space<vmem>> -> memref<16x128xf32, #tpu.memory_space<vmem>>
      %gather3A_1685 = tpu.vector_load_idx %gather3A_1684[%iota3A, %broadcast_in_dim3A] : memref<16x128xf32, #tpu.memory_space<vmem>>[vector<16xi32>, vector<16xi32>], vector<16xf32>,
      %gather3A_1686 = arith.constant 0 : i32
      %gather3A_1687 = arith.constant 0 : i32
      %gather3A_1688 = arith.constant 0 : i32
      %gather3A_1689 = arith.constant 0 : i32
      %gather3A_1690 = tpu.memref_slice %arg10[%gather3A_1686, %gather3A_1687, %gather3A_1688, %gather3A_1689] : memref<2x8x16x128xf32, #tpu.memory_space<vmem>> -> memref<1x1x16x128xf32, #tpu.memory_space<vmem>>
      %gather3A_1691 = tpu.memref_squeeze %gather3A_1690 : memref<1x1x16x128xf32, #tpu.memory_space<vmem>> -> memref<16x128xf32, #tpu.memory_space<vmem>>
      %gather3A_1692 = tpu.vector_load_idx %gather3A_1691[%iota3A, %broadcast_in_dim3A_1679] : memref<16x128xf32, #tpu.memory_space<vmem>>[vector<16xi32>, vector<16xi32>], vector<16xf32>,
      %swap3A = arith.constant 0 : index
      %swap3A_1693 = tpu.vector_load %arg11[%swap3A] {strides = array<i32>} : memref<272xf32, #tpu.memory_space<vmem>>, vector<16xf32>,
      tpu.vector_store %arg11[%swap3A], %gather3A_1685 {strides = array<i32>} : memref<272xf32, #tpu.memory_space<vmem>>, vector<16xf32>,
      %swap3A_1694 = arith.constant 0 : index
      %swap3A_1695 = tpu.vector_load %arg12[%swap3A_1694] {strides = array<i32>} : memref<272xf32, #tpu.memory_space<vmem>>, vector<16xf32>,
      tpu.vector_store %arg12[%swap3A_1694], %gather3A_1692 {strides = array<i32>} : memref<272xf32, #tpu.memory_space<vmem>>, vector<16xf32>,
      %slice3A_1696 = vector.extract_strided_slice %get3A_1642 {offsets = [1], sizes = [1], strides = [1]} : vector<16xi32> to vector<1xi32>
      %squeeze3A_1697 = vector.extract %slice3A_1696[0] : i32 from vector<1xi32>
      %jit3A_1698 = arith.constant 128 : i32
      %eq3A_1699 = arith.constant 0 : i32
      %eq3A_1700 = arith.cmpi eq, %jit3A_1698, %eq3A_1699 : i32
      %jit3A_1701 = arith.constant 1 : i32
      %select_n3A_1702 = arith.select %eq3A_1700, %jit3A_1701, %jit3A_1698 : i32
      %rem3A_1703 = arith.remsi %squeeze3A_1697, %select_n3A_1702 : i32
      %ne3A_1704 = arith.constant 0 : i32
      %ne3A_1705 = arith.cmpi ne, %rem3A_1703, %ne3A_1704 : i32
      %lt3A_1706 = arith.constant 0 : i32
      %lt3A_1707 = arith.cmpi slt, %rem3A_1703, %lt3A_1706 : i32
      %lt3A_1708 = arith.constant 0 : i32
      %lt3A_1709 = arith.cmpi slt, %select_n3A_1702, %lt3A_1708 : i32
      %ne3A_1710 = arith.xori %lt3A_1707, %lt3A_1709 : i1
      %and3A_1711 = arith.andi %ne3A_1710, %ne3A_1705 : i1
      %add3A_1712 = arith.addi %rem3A_1703, %select_n3A_1702 : i32
      %select_n3A_1713 = arith.select %and3A_1711, %add3A_1712, %rem3A_1703 : i32
      %broadcast_in_dim3A_1714 = vector.broadcast %select_n3A_1713 : i32 to vector<16xi32>
      %slice3A_1715 = vector.extract_strided_slice %get3A_1644 {offsets = [1], sizes = [1], strides = [1]} : vector<16xi32> to vector<1xi32>
      %squeeze3A_1716 = vector.extract %slice3A_1715[0] : i32 from vector<1xi32>
      %jit3A_1717 = arith.constant 128 : i32
      %eq3A_1718 = arith.constant 0 : i32
      %eq3A_1719 = arith.cmpi eq, %jit3A_1717, %eq3A_1718 : i32
      %jit3A_1720 = arith.constant 1 : i32
      %select_n3A_1721 = arith.select %eq3A_1719, %jit3A_1720, %jit3A_1717 : i32
      %rem3A_1722 = arith.remsi %squeeze3A_1716, %select_n3A_1721 : i32
      %ne3A_1723 = arith.constant 0 : i32
      %ne3A_1724 = arith.cmpi ne, %rem3A_1722, %ne3A_1723 : i32
      %lt3A_1725 = arith.constant 0 : i32
      %lt3A_1726 = arith.cmpi slt, %rem3A_1722, %lt3A_1725 : i32
      %lt3A_1727 = arith.constant 0 : i32
      %lt3A_1728 = arith.cmpi slt, %select_n3A_1721, %lt3A_1727 : i32
      %ne3A_1729 = arith.xori %lt3A_1726, %lt3A_1728 : i1
      %and3A_1730 = arith.andi %ne3A_1729, %ne3A_1724 : i1
      %add3A_1731 = arith.addi %rem3A_1722, %select_n3A_1721 : i32
      %select_n3A_1732 = arith.select %and3A_1730, %add3A_1731, %rem3A_1722 : i32
      %broadcast_in_dim3A_1733 = vector.broadcast %select_n3A_1732 : i32 to vector<16xi32>
      %gather3A_1734 = arith.constant 0 : i32
      %gather3A_1735 = arith.constant 1 : i32
      %gather3A_1736 = arith.constant 0 : i32
      %gather3A_1737 = arith.constant 0 : i32
      %gather3A_1738 = tpu.memref_slice %arg9[%gather3A_1734, %gather3A_1735, %gather3A_1736, %gather3A_1737] : memref<2x8x16x128xf32, #tpu.memory_space<vmem>> -> memref<1x1x16x128xf32, #tpu.memory_space<vmem>>
      %gather3A_1739 = tpu.memref_squeeze %gather3A_1738 : memref<1x1x16x128xf32, #tpu.memory_space<vmem>> -> memref<16x128xf32, #tpu.memory_space<vmem>>
      %gather3A_1740 = tpu.vector_load_idx %gather3A_1739[%iota3A, %broadcast_in_dim3A_1714] : memref<16x128xf32, #tpu.memory_space<vmem>>[vector<16xi32>, vector<16xi32>], vector<16xf32>,
      %gather3A_1741 = arith.constant 0 : i32
      %gather3A_1742 = arith.constant 1 : i32
      %gather3A_1743 = arith.constant 0 : i32
      %gather3A_1744 = arith.constant 0 : i32
      %gather3A_1745 = tpu.memref_slice %arg10[%gather3A_1741, %gather3A_1742, %gather3A_1743, %gather3A_1744] : memref<2x8x16x128xf32, #tpu.memory_space<vmem>> -> memref<1x1x16x128xf32, #tpu.memory_space<vmem>>
      %gather3A_1746 = tpu.memref_squeeze %gather3A_1745 : memref<1x1x16x128xf32, #tpu.memory_space<vmem>> -> memref<16x128xf32, #tpu.memory_space<vmem>>
      %gather3A_1747 = tpu.vector_load_idx %gather3A_1746[%iota3A, %broadcast_in_dim3A_1733] : memref<16x128xf32, #tpu.memory_space<vmem>>[vector<16xi32>, vector<16xi32>], vector<16xf32>,
      %swap3A_1748 = arith.constant 17 : index
      %swap3A_1749 = tpu.vector_load %arg11[%swap3A_1748] {strides = array<i32>} : memref<272xf32, #tpu.memory_space<vmem>>, vector<16xf32>,
      tpu.vector_store %arg11[%swap3A_1748], %gather3A_1740 {strides = array<i32>} : memref<272xf32, #tpu.memory_space<vmem>>, vector<16xf32>,
      %swap3A_1750 = arith.constant 17 : index
      %swap3A_1751 = tpu.vector_load %arg12[%swap3A_1750] {strides = array<i32>} : memref<272xf32, #tpu.memory_space<vmem>>, vector<16xf32>,
      tpu.vector_store %arg12[%swap3A_1750], %gather3A_1747 {strides = array<i32>} : memref<272xf32, #tpu.memory_space<vmem>>, vector<16xf32>,
      %slice3A_1752 = vector.extract_strided_slice %get3A_1642 {offsets = [2], sizes = [1], strides = [1]} : vector<16xi32> to vector<1xi32>
      %squeeze3A_1753 = vector.extract %slice3A_1752[0] : i32 from vector<1xi32>
      %jit3A_1754 = arith.constant 128 : i32
      %eq3A_1755 = arith.constant 0 : i32
      %eq3A_1756 = arith.cmpi eq, %jit3A_1754, %eq3A_1755 : i32
      %jit3A_1757 = arith.constant 1 : i32
      %select_n3A_1758 = arith.select %eq3A_1756, %jit3A_1757, %jit3A_1754 : i32
      %rem3A_1759 = arith.remsi %squeeze3A_1753, %select_n3A_1758 : i32
      %ne3A_1760 = arith.constant 0 : i32
      %ne3A_1761 = arith.cmpi ne, %rem3A_1759, %ne3A_1760 : i32
      %lt3A_1762 = arith.constant 0 : i32
      %lt3A_1763 = arith.cmpi slt, %rem3A_1759, %lt3A_1762 : i32
      %lt3A_1764 = arith.constant 0 : i32
      %lt3A_1765 = arith.cmpi slt, %select_n3A_1758, %lt3A_1764 : i32
      %ne3A_1766 = arith.xori %lt3A_1763, %lt3A_1765 : i1
      %and3A_1767 = arith.andi %ne3A_1766, %ne3A_1761 : i1
      %add3A_1768 = arith.addi %rem3A_1759, %select_n3A_1758 : i32
      %select_n3A_1769 = arith.select %and3A_1767, %add3A_1768, %rem3A_1759 : i32
      %broadcast_in_dim3A_1770 = vector.broadcast %select_n3A_1769 : i32 to vector<16xi32>
      %slice3A_1771 = vector.extract_strided_slice %get3A_1644 {offsets = [2], sizes = [1], strides = [1]} : vector<16xi32> to vector<1xi32>
      %squeeze3A_1772 = vector.extract %slice3A_1771[0] : i32 from vector<1xi32>
      %jit3A_1773 = arith.constant 128 : i32
      %eq3A_1774 = arith.constant 0 : i32
      %eq3A_1775 = arith.cmpi eq, %jit3A_1773, %eq3A_1774 : i32
      %jit3A_1776 = arith.constant 1 : i32
      %select_n3A_1777 = arith.select %eq3A_1775, %jit3A_1776, %jit3A_1773 : i32
      %rem3A_1778 = arith.remsi %squeeze3A_1772, %select_n3A_1777 : i32
      %ne3A_1779 = arith.constant 0 : i32
      %ne3A_1780 = arith.cmpi ne, %rem3A_1778, %ne3A_1779 : i32
      %lt3A_1781 = arith.constant 0 : i32
      %lt3A_1782 = arith.cmpi slt, %rem3A_1778, %lt3A_1781 : i32
      %lt3A_1783 = arith.constant 0 : i32
      %lt3A_1784 = arith.cmpi slt, %select_n3A_1777, %lt3A_1783 : i32
      %ne3A_1785 = arith.xori %lt3A_1782, %lt3A_1784 : i1
      %and3A_1786 = arith.andi %ne3A_1785, %ne3A_1780 : i1
      %add3A_1787 = arith.addi %rem3A_1778, %select_n3A_1777 : i32
      %select_n3A_1788 = arith.select %and3A_1786, %add3A_1787, %rem3A_1778 : i32
      %broadcast_in_dim3A_1789 = vector.broadcast %select_n3A_1788 : i32 to vector<16xi32>
      %gather3A_1790 = arith.constant 0 : i32
      %gather3A_1791 = arith.constant 2 : i32
      %gather3A_1792 = arith.constant 0 : i32
      %gather3A_1793 = arith.constant 0 : i32
      %gather3A_1794 = tpu.memref_slice %arg9[%gather3A_1790, %gather3A_1791, %gather3A_1792, %gather3A_1793] : memref<2x8x16x128xf32, #tpu.memory_space<vmem>> -> memref<1x1x16x128xf32, #tpu.memory_space<vmem>>
      %gather3A_1795 = tpu.memref_squeeze %gather3A_1794 : memref<1x1x16x128xf32, #tpu.memory_space<vmem>> -> memref<16x128xf32, #tpu.memory_space<vmem>>
      %gather3A_1796 = tpu.vector_load_idx %gather3A_1795[%iota3A, %broadcast_in_dim3A_1770] : memref<16x128xf32, #tpu.memory_space<vmem>>[vector<16xi32>, vector<16xi32>], vector<16xf32>,
      %gather3A_1797 = arith.constant 0 : i32
      %gather3A_1798 = arith.constant 2 : i32
      %gather3A_1799 = arith.constant 0 : i32
      %gather3A_1800 = arith.constant 0 : i32
      %gather3A_1801 = tpu.memref_slice %arg10[%gather3A_1797, %gather3A_1798, %gather3A_1799, %gather3A_1800] : memref<2x8x16x128xf32, #tpu.memory_space<vmem>> -> memref<1x1x16x128xf32, #tpu.memory_space<vmem>>
      %gather3A_1802 = tpu.memref_squeeze %gather3A_1801 : memref<1x1x16x128xf32, #tpu.memory_space<vmem>> -> memref<16x128xf32, #tpu.memory_space<vmem>>
      %gather3A_1803 = tpu.vector_load_idx %gather3A_1802[%iota3A, %broadcast_in_dim3A_1789] : memref<16x128xf32, #tpu.memory_space<vmem>>[vector<16xi32>, vector<16xi32>], vector<16xf32>,
      %swap3A_1804 = arith.constant 34 : index
      %swap3A_1805 = tpu.vector_load %arg11[%swap3A_1804] {strides = array<i32>} : memref<272xf32, #tpu.memory_space<vmem>>, vector<16xf32>,
      tpu.vector_store %arg11[%swap3A_1804], %gather3A_1796 {strides = array<i32>} : memref<272xf32, #tpu.memory_space<vmem>>, vector<16xf32>,
      %swap3A_1806 = arith.constant 34 : index
      %swap3A_1807 = tpu.vector_load %arg12[%swap3A_1806] {strides = array<i32>} : memref<272xf32, #tpu.memory_space<vmem>>, vector<16xf32>,
      tpu.vector_store %arg12[%swap3A_1806], %gather3A_1803 {strides = array<i32>} : memref<272xf32, #tpu.memory_space<vmem>>, vector<16xf32>,
      %slice3A_1808 = vector.extract_strided_slice %get3A_1642 {offsets = [3], sizes = [1], strides = [1]} : vector<16xi32> to vector<1xi32>
      %squeeze3A_1809 = vector.extract %slice3A_1808[0] : i32 from vector<1xi32>
      %jit3A_1810 = arith.constant 128 : i32
      %eq3A_1811 = arith.constant 0 : i32
      %eq3A_1812 = arith.cmpi eq, %jit3A_1810, %eq3A_1811 : i32
      %jit3A_1813 = arith.constant 1 : i32
      %select_n3A_1814 = arith.select %eq3A_1812, %jit3A_1813, %jit3A_1810 : i32
      %rem3A_1815 = arith.remsi %squeeze3A_1809, %select_n3A_1814 : i32
      %ne3A_1816 = arith.constant 0 : i32
      %ne3A_1817 = arith.cmpi ne, %rem3A_1815, %ne3A_1816 : i32
      %lt3A_1818 = arith.constant 0 : i32
      %lt3A_1819 = arith.cmpi slt, %rem3A_1815, %lt3A_1818 : i32
      %lt3A_1820 = arith.constant 0 : i32
      %lt3A_1821 = arith.cmpi slt, %select_n3A_1814, %lt3A_1820 : i32
      %ne3A_1822 = arith.xori %lt3A_1819, %lt3A_1821 : i1
      %and3A_1823 = arith.andi %ne3A_1822, %ne3A_1817 : i1
      %add3A_1824 = arith.addi %rem3A_1815, %select_n3A_1814 : i32
      %select_n3A_1825 = arith.select %and3A_1823, %add3A_1824, %rem3A_1815 : i32
      %broadcast_in_dim3A_1826 = vector.broadcast %select_n3A_1825 : i32 to vector<16xi32>
      %slice3A_1827 = vector.extract_strided_slice %get3A_1644 {offsets = [3], sizes = [1], strides = [1]} : vector<16xi32> to vector<1xi32>
      %squeeze3A_1828 = vector.extract %slice3A_1827[0] : i32 from vector<1xi32>
      %jit3A_1829 = arith.constant 128 : i32
      %eq3A_1830 = arith.constant 0 : i32
      %eq3A_1831 = arith.cmpi eq, %jit3A_1829, %eq3A_1830 : i32
      %jit3A_1832 = arith.constant 1 : i32
      %select_n3A_1833 = arith.select %eq3A_1831, %jit3A_1832, %jit3A_1829 : i32
      %rem3A_1834 = arith.remsi %squeeze3A_1828, %select_n3A_1833 : i32
      %ne3A_1835 = arith.constant 0 : i32
      %ne3A_1836 = arith.cmpi ne, %rem3A_1834, %ne3A_1835 : i32
      %lt3A_1837 = arith.constant 0 : i32
      %lt3A_1838 = arith.cmpi slt, %rem3A_1834, %lt3A_1837 : i32
      %lt3A_1839 = arith.constant 0 : i32
      %lt3A_1840 = arith.cmpi slt, %select_n3A_1833, %lt3A_1839 : i32
      %ne3A_1841 = arith.xori %lt3A_1838, %lt3A_1840 : i1
      %and3A_1842 = arith.andi %ne3A_1841, %ne3A_1836 : i1
      %add3A_1843 = arith.addi %rem3A_1834, %select_n3A_1833 : i32
      %select_n3A_1844 = arith.select %and3A_1842, %add3A_1843, %rem3A_1834 : i32
      %broadcast_in_dim3A_1845 = vector.broadcast %select_n3A_1844 : i32 to vector<16xi32>
      %gather3A_1846 = arith.constant 0 : i32
      %gather3A_1847 = arith.constant 3 : i32
      %gather3A_1848 = arith.constant 0 : i32
      %gather3A_1849 = arith.constant 0 : i32
      %gather3A_1850 = tpu.memref_slice %arg9[%gather3A_1846, %gather3A_1847, %gather3A_1848, %gather3A_1849] : memref<2x8x16x128xf32, #tpu.memory_space<vmem>> -> memref<1x1x16x128xf32, #tpu.memory_space<vmem>>
      %gather3A_1851 = tpu.memref_squeeze %gather3A_1850 : memref<1x1x16x128xf32, #tpu.memory_space<vmem>> -> memref<16x128xf32, #tpu.memory_space<vmem>>
      %gather3A_1852 = tpu.vector_load_idx %gather3A_1851[%iota3A, %broadcast_in_dim3A_1826] : memref<16x128xf32, #tpu.memory_space<vmem>>[vector<16xi32>, vector<16xi32>], vector<16xf32>,
      %gather3A_1853 = arith.constant 0 : i32
      %gather3A_1854 = arith.constant 3 : i32
      %gather3A_1855 = arith.constant 0 : i32
      %gather3A_1856 = arith.constant 0 : i32
      %gather3A_1857 = tpu.memref_slice %arg10[%gather3A_1853, %gather3A_1854, %gather3A_1855, %gather3A_1856] : memref<2x8x16x128xf32, #tpu.memory_space<vmem>> -> memref<1x1x16x128xf32, #tpu.memory_space<vmem>>
      %gather3A_1858 = tpu.memref_squeeze %gather3A_1857 : memref<1x1x16x128xf32, #tpu.memory_space<vmem>> -> memref<16x128xf32, #tpu.memory_space<vmem>>
      %gather3A_1859 = tpu.vector_load_idx %gather3A_1858[%iota3A, %broadcast_in_dim3A_1845] : memref<16x128xf32, #tpu.memory_space<vmem>>[vector<16xi32>, vector<16xi32>], vector<16xf32>,
      %swap3A_1860 = arith.constant 51 : index
      %swap3A_1861 = tpu.vector_load %arg11[%swap3A_1860] {strides = array<i32>} : memref<272xf32, #tpu.memory_space<vmem>>, vector<16xf32>,
      tpu.vector_store %arg11[%swap3A_1860], %gather3A_1852 {strides = array<i32>} : memref<272xf32, #tpu.memory_space<vmem>>, vector<16xf32>,
      %swap3A_1862 = arith.constant 51 : index
      %swap3A_1863 = tpu.vector_load %arg12[%swap3A_1862] {strides = array<i32>} : memref<272xf32, #tpu.memory_space<vmem>>, vector<16xf32>,
      tpu.vector_store %arg12[%swap3A_1862], %gather3A_1859 {strides = array<i32>} : memref<272xf32, #tpu.memory_space<vmem>>, vector<16xf32>,
      %slice3A_1864 = vector.extract_strided_slice %get3A_1642 {offsets = [4], sizes = [1], strides = [1]} : vector<16xi32> to vector<1xi32>
      %squeeze3A_1865 = vector.extract %slice3A_1864[0] : i32 from vector<1xi32>
      %jit3A_1866 = arith.constant 128 : i32
      %eq3A_1867 = arith.constant 0 : i32
      %eq3A_1868 = arith.cmpi eq, %jit3A_1866, %eq3A_1867 : i32
      %jit3A_1869 = arith.constant 1 : i32
      %select_n3A_1870 = arith.select %eq3A_1868, %jit3A_1869, %jit3A_1866 : i32
      %rem3A_1871 = arith.remsi %squeeze3A_1865, %select_n3A_1870 : i32
      %ne3A_1872 = arith.constant 0 : i32
      %ne3A_1873 = arith.cmpi ne, %rem3A_1871, %ne3A_1872 : i32
      %lt3A_1874 = arith.constant 0 : i32
      %lt3A_1875 = arith.cmpi slt, %rem3A_1871, %lt3A_1874 : i32
      %lt3A_1876 = arith.constant 0 : i32
      %lt3A_1877 = arith.cmpi slt, %select_n3A_1870, %lt3A_1876 : i32
      %ne3A_1878 = arith.xori %lt3A_1875, %lt3A_1877 : i1
      %and3A_1879 = arith.andi %ne3A_1878, %ne3A_1873 : i1
      %add3A_1880 = arith.addi %rem3A_1871, %select_n3A_1870 : i32
      %select_n3A_1881 = arith.select %and3A_1879, %add3A_1880, %rem3A_1871 : i32
      %broadcast_in_dim3A_1882 = vector.broadcast %select_n3A_1881 : i32 to vector<16xi32>
      %slice3A_1883 = vector.extract_strided_slice %get3A_1644 {offsets = [4], sizes = [1], strides = [1]} : vector<16xi32> to vector<1xi32>
      %squeeze3A_1884 = vector.extract %slice3A_1883[0] : i32 from vector<1xi32>
      %jit3A_1885 = arith.constant 128 : i32
      %eq3A_1886 = arith.constant 0 : i32
      %eq3A_1887 = arith.cmpi eq, %jit3A_1885, %eq3A_1886 : i32
      %jit3A_1888 = arith.constant 1 : i32
      %select_n3A_1889 = arith.select %eq3A_1887, %jit3A_1888, %jit3A_1885 : i32
      %rem3A_1890 = arith.remsi %squeeze3A_1884, %select_n3A_1889 : i32
      %ne3A_1891 = arith.constant 0 : i32
      %ne3A_1892 = arith.cmpi ne, %rem3A_1890, %ne3A_1891 : i32
      %lt3A_1893 = arith.constant 0 : i32
      %lt3A_1894 = arith.cmpi slt, %rem3A_1890, %lt3A_1893 : i32
      %lt3A_1895 = arith.constant 0 : i32
      %lt3A_1896 = arith.cmpi slt, %select_n3A_1889, %lt3A_1895 : i32
      %ne3A_1897 = arith.xori %lt3A_1894, %lt3A_1896 : i1
      %and3A_1898 = arith.andi %ne3A_1897, %ne3A_1892 : i1
      %add3A_1899 = arith.addi %rem3A_1890, %select_n3A_1889 : i32
      %select_n3A_1900 = arith.select %and3A_1898, %add3A_1899, %rem3A_1890 : i32
      %broadcast_in_dim3A_1901 = vector.broadcast %select_n3A_1900 : i32 to vector<16xi32>
      %gather3A_1902 = arith.constant 0 : i32
      %gather3A_1903 = arith.constant 4 : i32
      %gather3A_1904 = arith.constant 0 : i32
      %gather3A_1905 = arith.constant 0 : i32
      %gather3A_1906 = tpu.memref_slice %arg9[%gather3A_1902, %gather3A_1903, %gather3A_1904, %gather3A_1905] : memref<2x8x16x128xf32, #tpu.memory_space<vmem>> -> memref<1x1x16x128xf32, #tpu.memory_space<vmem>>
      %gather3A_1907 = tpu.memref_squeeze %gather3A_1906 : memref<1x1x16x128xf32, #tpu.memory_space<vmem>> -> memref<16x128xf32, #tpu.memory_space<vmem>>
      %gather3A_1908 = tpu.vector_load_idx %gather3A_1907[%iota3A, %broadcast_in_dim3A_1882] : memref<16x128xf32, #tpu.memory_space<vmem>>[vector<16xi32>, vector<16xi32>], vector<16xf32>,
      %gather3A_1909 = arith.constant 0 : i32
      %gather3A_1910 = arith.constant 4 : i32
      %gather3A_1911 = arith.constant 0 : i32
      %gather3A_1912 = arith.constant 0 : i32
      %gather3A_1913 = tpu.memref_slice %arg10[%gather3A_1909, %gather3A_1910, %gather3A_1911, %gather3A_1912] : memref<2x8x16x128xf32, #tpu.memory_space<vmem>> -> memref<1x1x16x128xf32, #tpu.memory_space<vmem>>
      %gather3A_1914 = tpu.memref_squeeze %gather3A_1913 : memref<1x1x16x128xf32, #tpu.memory_space<vmem>> -> memref<16x128xf32, #tpu.memory_space<vmem>>
      %gather3A_1915 = tpu.vector_load_idx %gather3A_1914[%iota3A, %broadcast_in_dim3A_1901] : memref<16x128xf32, #tpu.memory_space<vmem>>[vector<16xi32>, vector<16xi32>], vector<16xf32>,
      %swap3A_1916 = arith.constant 68 : index
      %swap3A_1917 = tpu.vector_load %arg11[%swap3A_1916] {strides = array<i32>} : memref<272xf32, #tpu.memory_space<vmem>>, vector<16xf32>,
      tpu.vector_store %arg11[%swap3A_1916], %gather3A_1908 {strides = array<i32>} : memref<272xf32, #tpu.memory_space<vmem>>, vector<16xf32>,
      %swap3A_1918 = arith.constant 68 : index
      %swap3A_1919 = tpu.vector_load %arg12[%swap3A_1918] {strides = array<i32>} : memref<272xf32, #tpu.memory_space<vmem>>, vector<16xf32>,
      tpu.vector_store %arg12[%swap3A_1918], %gather3A_1915 {strides = array<i32>} : memref<272xf32, #tpu.memory_space<vmem>>, vector<16xf32>,
      %slice3A_1920 = vector.extract_strided_slice %get3A_1642 {offsets = [5], sizes = [1], strides = [1]} : vector<16xi32> to vector<1xi32>
      %squeeze3A_1921 = vector.extract %slice3A_1920[0] : i32 from vector<1xi32>
      %jit3A_1922 = arith.constant 128 : i32
      %eq3A_1923 = arith.constant 0 : i32
      %eq3A_1924 = arith.cmpi eq, %jit3A_1922, %eq3A_1923 : i32
      %jit3A_1925 = arith.constant 1 : i32
      %select_n3A_1926 = arith.select %eq3A_1924, %jit3A_1925, %jit3A_1922 : i32
      %rem3A_1927 = arith.remsi %squeeze3A_1921, %select_n3A_1926 : i32
      %ne3A_1928 = arith.constant 0 : i32
      %ne3A_1929 = arith.cmpi ne, %rem3A_1927, %ne3A_1928 : i32
      %lt3A_1930 = arith.constant 0 : i32
      %lt3A_1931 = arith.cmpi slt, %rem3A_1927, %lt3A_1930 : i32
      %lt3A_1932 = arith.constant 0 : i32
      %lt3A_1933 = arith.cmpi slt, %select_n3A_1926, %lt3A_1932 : i32
      %ne3A_1934 = arith.xori %lt3A_1931, %lt3A_1933 : i1
      %and3A_1935 = arith.andi %ne3A_1934, %ne3A_1929 : i1
      %add3A_1936 = arith.addi %rem3A_1927, %select_n3A_1926 : i32
      %select_n3A_1937 = arith.select %and3A_1935, %add3A_1936, %rem3A_1927 : i32
      %broadcast_in_dim3A_1938 = vector.broadcast %select_n3A_1937 : i32 to vector<16xi32>
      %slice3A_1939 = vector.extract_strided_slice %get3A_1644 {offsets = [5], sizes = [1], strides = [1]} : vector<16xi32> to vector<1xi32>
      %squeeze3A_1940 = vector.extract %slice3A_1939[0] : i32 from vector<1xi32>
      %jit3A_1941 = arith.constant 128 : i32
      %eq3A_1942 = arith.constant 0 : i32
      %eq3A_1943 = arith.cmpi eq, %jit3A_1941, %eq3A_1942 : i32
      %jit3A_1944 = arith.constant 1 : i32
      %select_n3A_1945 = arith.select %eq3A_1943, %jit3A_1944, %jit3A_1941 : i32
      %rem3A_1946 = arith.remsi %squeeze3A_1940, %select_n3A_1945 : i32
      %ne3A_1947 = arith.constant 0 : i32
      %ne3A_1948 = arith.cmpi ne, %rem3A_1946, %ne3A_1947 : i32
      %lt3A_1949 = arith.constant 0 : i32
      %lt3A_1950 = arith.cmpi slt, %rem3A_1946, %lt3A_1949 : i32
      %lt3A_1951 = arith.constant 0 : i32
      %lt3A_1952 = arith.cmpi slt, %select_n3A_1945, %lt3A_1951 : i32
      %ne3A_1953 = arith.xori %lt3A_1950, %lt3A_1952 : i1
      %and3A_1954 = arith.andi %ne3A_1953, %ne3A_1948 : i1
      %add3A_1955 = arith.addi %rem3A_1946, %select_n3A_1945 : i32
      %select_n3A_1956 = arith.select %and3A_1954, %add3A_1955, %rem3A_1946 : i32
      %broadcast_in_dim3A_1957 = vector.broadcast %select_n3A_1956 : i32 to vector<16xi32>
      %gather3A_1958 = arith.constant 0 : i32
      %gather3A_1959 = arith.constant 5 : i32
      %gather3A_1960 = arith.constant 0 : i32
      %gather3A_1961 = arith.constant 0 : i32
      %gather3A_1962 = tpu.memref_slice %arg9[%gather3A_1958, %gather3A_1959, %gather3A_1960, %gather3A_1961] : memref<2x8x16x128xf32, #tpu.memory_space<vmem>> -> memref<1x1x16x128xf32, #tpu.memory_space<vmem>>
      %gather3A_1963 = tpu.memref_squeeze %gather3A_1962 : memref<1x1x16x128xf32, #tpu.memory_space<vmem>> -> memref<16x128xf32, #tpu.memory_space<vmem>>
      %gather3A_1964 = tpu.vector_load_idx %gather3A_1963[%iota3A, %broadcast_in_dim3A_1938] : memref<16x128xf32, #tpu.memory_space<vmem>>[vector<16xi32>, vector<16xi32>], vector<16xf32>,
      %gather3A_1965 = arith.constant 0 : i32
      %gather3A_1966 = arith.constant 5 : i32
      %gather3A_1967 = arith.constant 0 : i32
      %gather3A_1968 = arith.constant 0 : i32
      %gather3A_1969 = tpu.memref_slice %arg10[%gather3A_1965, %gather3A_1966, %gather3A_1967, %gather3A_1968] : memref<2x8x16x128xf32, #tpu.memory_space<vmem>> -> memref<1x1x16x128xf32, #tpu.memory_space<vmem>>
      %gather3A_1970 = tpu.memref_squeeze %gather3A_1969 : memref<1x1x16x128xf32, #tpu.memory_space<vmem>> -> memref<16x128xf32, #tpu.memory_space<vmem>>
      %gather3A_1971 = tpu.vector_load_idx %gather3A_1970[%iota3A, %broadcast_in_dim3A_1957] : memref<16x128xf32, #tpu.memory_space<vmem>>[vector<16xi32>, vector<16xi32>], vector<16xf32>,
      %swap3A_1972 = arith.constant 85 : index
      %swap3A_1973 = tpu.vector_load %arg11[%swap3A_1972] {strides = array<i32>} : memref<272xf32, #tpu.memory_space<vmem>>, vector<16xf32>,
      tpu.vector_store %arg11[%swap3A_1972], %gather3A_1964 {strides = array<i32>} : memref<272xf32, #tpu.memory_space<vmem>>, vector<16xf32>,
      %swap3A_1974 = arith.constant 85 : index
      %swap3A_1975 = tpu.vector_load %arg12[%swap3A_1974] {strides = array<i32>} : memref<272xf32, #tpu.memory_space<vmem>>, vector<16xf32>,
      tpu.vector_store %arg12[%swap3A_1974], %gather3A_1971 {strides = array<i32>} : memref<272xf32, #tpu.memory_space<vmem>>, vector<16xf32>,
      %slice3A_1976 = vector.extract_strided_slice %get3A_1642 {offsets = [6], sizes = [1], strides = [1]} : vector<16xi32> to vector<1xi32>
      %squeeze3A_1977 = vector.extract %slice3A_1976[0] : i32 from vector<1xi32>
      %jit3A_1978 = arith.constant 128 : i32
      %eq3A_1979 = arith.constant 0 : i32
      %eq3A_1980 = arith.cmpi eq, %jit3A_1978, %eq3A_1979 : i32
      %jit3A_1981 = arith.constant 1 : i32
      %select_n3A_1982 = arith.select %eq3A_1980, %jit3A_1981, %jit3A_1978 : i32
      %rem3A_1983 = arith.remsi %squeeze3A_1977, %select_n3A_1982 : i32
      %ne3A_1984 = arith.constant 0 : i32
      %ne3A_1985 = arith.cmpi ne, %rem3A_1983, %ne3A_1984 : i32
      %lt3A_1986 = arith.constant 0 : i32
      %lt3A_1987 = arith.cmpi slt, %rem3A_1983, %lt3A_1986 : i32
      %lt3A_1988 = arith.constant 0 : i32
      %lt3A_1989 = arith.cmpi slt, %select_n3A_1982, %lt3A_1988 : i32
      %ne3A_1990 = arith.xori %lt3A_1987, %lt3A_1989 : i1
      %and3A_1991 = arith.andi %ne3A_1990, %ne3A_1985 : i1
      %add3A_1992 = arith.addi %rem3A_1983, %select_n3A_1982 : i32
      %select_n3A_1993 = arith.select %and3A_1991, %add3A_1992, %rem3A_1983 : i32
      %broadcast_in_dim3A_1994 = vector.broadcast %select_n3A_1993 : i32 to vector<16xi32>
      %slice3A_1995 = vector.extract_strided_slice %get3A_1644 {offsets = [6], sizes = [1], strides = [1]} : vector<16xi32> to vector<1xi32>
      %squeeze3A_1996 = vector.extract %slice3A_1995[0] : i32 from vector<1xi32>
      %jit3A_1997 = arith.constant 128 : i32
      %eq3A_1998 = arith.constant 0 : i32
      %eq3A_1999 = arith.cmpi eq, %jit3A_1997, %eq3A_1998 : i32
      %jit3A_2000 = arith.constant 1 : i32
      %select_n3A_2001 = arith.select %eq3A_1999, %jit3A_2000, %jit3A_1997 : i32
      %rem3A_2002 = arith.remsi %squeeze3A_1996, %select_n3A_2001 : i32
      %ne3A_2003 = arith.constant 0 : i32
      %ne3A_2004 = arith.cmpi ne, %rem3A_2002, %ne3A_2003 : i32
      %lt3A_2005 = arith.constant 0 : i32
      %lt3A_2006 = arith.cmpi slt, %rem3A_2002, %lt3A_2005 : i32
      %lt3A_2007 = arith.constant 0 : i32
      %lt3A_2008 = arith.cmpi slt, %select_n3A_2001, %lt3A_2007 : i32
      %ne3A_2009 = arith.xori %lt3A_2006, %lt3A_2008 : i1
      %and3A_2010 = arith.andi %ne3A_2009, %ne3A_2004 : i1
      %add3A_2011 = arith.addi %rem3A_2002, %select_n3A_2001 : i32
      %select_n3A_2012 = arith.select %and3A_2010, %add3A_2011, %rem3A_2002 : i32
      %broadcast_in_dim3A_2013 = vector.broadcast %select_n3A_2012 : i32 to vector<16xi32>
      %gather3A_2014 = arith.constant 0 : i32
      %gather3A_2015 = arith.constant 6 : i32
      %gather3A_2016 = arith.constant 0 : i32
      %gather3A_2017 = arith.constant 0 : i32
      %gather3A_2018 = tpu.memref_slice %arg9[%gather3A_2014, %gather3A_2015, %gather3A_2016, %gather3A_2017] : memref<2x8x16x128xf32, #tpu.memory_space<vmem>> -> memref<1x1x16x128xf32, #tpu.memory_space<vmem>>
      %gather3A_2019 = tpu.memref_squeeze %gather3A_2018 : memref<1x1x16x128xf32, #tpu.memory_space<vmem>> -> memref<16x128xf32, #tpu.memory_space<vmem>>
      %gather3A_2020 = tpu.vector_load_idx %gather3A_2019[%iota3A, %broadcast_in_dim3A_1994] : memref<16x128xf32, #tpu.memory_space<vmem>>[vector<16xi32>, vector<16xi32>], vector<16xf32>,
      %gather3A_2021 = arith.constant 0 : i32
      %gather3A_2022 = arith.constant 6 : i32
      %gather3A_2023 = arith.constant 0 : i32
      %gather3A_2024 = arith.constant 0 : i32
      %gather3A_2025 = tpu.memref_slice %arg10[%gather3A_2021, %gather3A_2022, %gather3A_2023, %gather3A_2024] : memref<2x8x16x128xf32, #tpu.memory_space<vmem>> -> memref<1x1x16x128xf32, #tpu.memory_space<vmem>>
      %gather3A_2026 = tpu.memref_squeeze %gather3A_2025 : memref<1x1x16x128xf32, #tpu.memory_space<vmem>> -> memref<16x128xf32, #tpu.memory_space<vmem>>
      %gather3A_2027 = tpu.vector_load_idx %gather3A_2026[%iota3A, %broadcast_in_dim3A_2013] : memref<16x128xf32, #tpu.memory_space<vmem>>[vector<16xi32>, vector<16xi32>], vector<16xf32>,
      %swap3A_2028 = arith.constant 102 : index
      %swap3A_2029 = tpu.vector_load %arg11[%swap3A_2028] {strides = array<i32>} : memref<272xf32, #tpu.memory_space<vmem>>, vector<16xf32>,
      tpu.vector_store %arg11[%swap3A_2028], %gather3A_2020 {strides = array<i32>} : memref<272xf32, #tpu.memory_space<vmem>>, vector<16xf32>,
      %swap3A_2030 = arith.constant 102 : index
      %swap3A_2031 = tpu.vector_load %arg12[%swap3A_2030] {strides = array<i32>} : memref<272xf32, #tpu.memory_space<vmem>>, vector<16xf32>,
      tpu.vector_store %arg12[%swap3A_2030], %gather3A_2027 {strides = array<i32>} : memref<272xf32, #tpu.memory_space<vmem>>, vector<16xf32>,
      %slice3A_2032 = vector.extract_strided_slice %get3A_1642 {offsets = [7], sizes = [1], strides = [1]} : vector<16xi32> to vector<1xi32>
      %squeeze3A_2033 = vector.extract %slice3A_2032[0] : i32 from vector<1xi32>
      %jit3A_2034 = arith.constant 128 : i32
      %eq3A_2035 = arith.constant 0 : i32
      %eq3A_2036 = arith.cmpi eq, %jit3A_2034, %eq3A_2035 : i32
      %jit3A_2037 = arith.constant 1 : i32
      %select_n3A_2038 = arith.select %eq3A_2036, %jit3A_2037, %jit3A_2034 : i32
      %rem3A_2039 = arith.remsi %squeeze3A_2033, %select_n3A_2038 : i32
      %ne3A_2040 = arith.constant 0 : i32
      %ne3A_2041 = arith.cmpi ne, %rem3A_2039, %ne3A_2040 : i32
      %lt3A_2042 = arith.constant 0 : i32
      %lt3A_2043 = arith.cmpi slt, %rem3A_2039, %lt3A_2042 : i32
      %lt3A_2044 = arith.constant 0 : i32
      %lt3A_2045 = arith.cmpi slt, %select_n3A_2038, %lt3A_2044 : i32
      %ne3A_2046 = arith.xori %lt3A_2043, %lt3A_2045 : i1
      %and3A_2047 = arith.andi %ne3A_2046, %ne3A_2041 : i1
      %add3A_2048 = arith.addi %rem3A_2039, %select_n3A_2038 : i32
      %select_n3A_2049 = arith.select %and3A_2047, %add3A_2048, %rem3A_2039 : i32
      %broadcast_in_dim3A_2050 = vector.broadcast %select_n3A_2049 : i32 to vector<16xi32>
      %slice3A_2051 = vector.extract_strided_slice %get3A_1644 {offsets = [7], sizes = [1], strides = [1]} : vector<16xi32> to vector<1xi32>
      %squeeze3A_2052 = vector.extract %slice3A_2051[0] : i32 from vector<1xi32>
      %jit3A_2053 = arith.constant 128 : i32
      %eq3A_2054 = arith.constant 0 : i32
      %eq3A_2055 = arith.cmpi eq, %jit3A_2053, %eq3A_2054 : i32
      %jit3A_2056 = arith.constant 1 : i32
      %select_n3A_2057 = arith.select %eq3A_2055, %jit3A_2056, %jit3A_2053 : i32
      %rem3A_2058 = arith.remsi %squeeze3A_2052, %select_n3A_2057 : i32
      %ne3A_2059 = arith.constant 0 : i32
      %ne3A_2060 = arith.cmpi ne, %rem3A_2058, %ne3A_2059 : i32
      %lt3A_2061 = arith.constant 0 : i32
      %lt3A_2062 = arith.cmpi slt, %rem3A_2058, %lt3A_2061 : i32
      %lt3A_2063 = arith.constant 0 : i32
      %lt3A_2064 = arith.cmpi slt, %select_n3A_2057, %lt3A_2063 : i32
      %ne3A_2065 = arith.xori %lt3A_2062, %lt3A_2064 : i1
      %and3A_2066 = arith.andi %ne3A_2065, %ne3A_2060 : i1
      %add3A_2067 = arith.addi %rem3A_2058, %select_n3A_2057 : i32
      %select_n3A_2068 = arith.select %and3A_2066, %add3A_2067, %rem3A_2058 : i32
      %broadcast_in_dim3A_2069 = vector.broadcast %select_n3A_2068 : i32 to vector<16xi32>
      %gather3A_2070 = arith.constant 0 : i32
      %gather3A_2071 = arith.constant 7 : i32
      %gather3A_2072 = arith.constant 0 : i32
      %gather3A_2073 = arith.constant 0 : i32
      %gather3A_2074 = tpu.memref_slice %arg9[%gather3A_2070, %gather3A_2071, %gather3A_2072, %gather3A_2073] : memref<2x8x16x128xf32, #tpu.memory_space<vmem>> -> memref<1x1x16x128xf32, #tpu.memory_space<vmem>>
      %gather3A_2075 = tpu.memref_squeeze %gather3A_2074 : memref<1x1x16x128xf32, #tpu.memory_space<vmem>> -> memref<16x128xf32, #tpu.memory_space<vmem>>
      %gather3A_2076 = tpu.vector_load_idx %gather3A_2075[%iota3A, %broadcast_in_dim3A_2050] : memref<16x128xf32, #tpu.memory_space<vmem>>[vector<16xi32>, vector<16xi32>], vector<16xf32>,
      %gather3A_2077 = arith.constant 0 : i32
      %gather3A_2078 = arith.constant 7 : i32
      %gather3A_2079 = arith.constant 0 : i32
      %gather3A_2080 = arith.constant 0 : i32
      %gather3A_2081 = tpu.memref_slice %arg10[%gather3A_2077, %gather3A_2078, %gather3A_2079, %gather3A_2080] : memref<2x8x16x128xf32, #tpu.memory_space<vmem>> -> memref<1x1x16x128xf32, #tpu.memory_space<vmem>>
      %gather3A_2082 = tpu.memref_squeeze %gather3A_2081 : memref<1x1x16x128xf32, #tpu.memory_space<vmem>> -> memref<16x128xf32, #tpu.memory_space<vmem>>
      %gather3A_2083 = tpu.vector_load_idx %gather3A_2082[%iota3A, %broadcast_in_dim3A_2069] : memref<16x128xf32, #tpu.memory_space<vmem>>[vector<16xi32>, vector<16xi32>], vector<16xf32>,
      %swap3A_2084 = arith.constant 119 : index
      %swap3A_2085 = tpu.vector_load %arg11[%swap3A_2084] {strides = array<i32>} : memref<272xf32, #tpu.memory_space<vmem>>, vector<16xf32>,
      tpu.vector_store %arg11[%swap3A_2084], %gather3A_2076 {strides = array<i32>} : memref<272xf32, #tpu.memory_space<vmem>>, vector<16xf32>,
      %swap3A_2086 = arith.constant 119 : index
      %swap3A_2087 = tpu.vector_load %arg12[%swap3A_2086] {strides = array<i32>} : memref<272xf32, #tpu.memory_space<vmem>>, vector<16xf32>,
      tpu.vector_store %arg12[%swap3A_2086], %gather3A_2083 {strides = array<i32>} : memref<272xf32, #tpu.memory_space<vmem>>, vector<16xf32>,
      %add3A_2088 = arith.constant 16 : i32
      %add3A_2089 = arith.addi %mul3A_1385, %add3A_2088 : i32
      %lt3A_2090 = arith.constant 512 : i32
      %lt3A_2091 = arith.cmpi slt, %add3A_2089, %lt3A_2090 : i32
      %convert_element_type3A = arith.extui %lt3A_2091 : i1 to i32
      %cond3A = arith.constant 0 : i32
      %cond3A_2092 = arith.cmpi ne, %convert_element_type3A, %cond3A : i32
      scf.if %cond3A_2092 {
        %add3A_2992 = arith.constant 16 : i32
        %add3A_2993 = arith.addi %mul3A_1385, %add3A_2992 : i32
        %get3A_2994 = arith.index_cast %add3A_2993 : i32 to index
        %get3A_2995 = tpu.vector_load %arg7[%get3A_2994] {strides = array<i32>} : memref<528xi32, #tpu.memory_space<vmem>>, vector<16xi32>,
        %get3A_2996 = arith.index_cast %add3A_2993 : i32 to index
        %get3A_2997 = tpu.vector_load %arg8[%get3A_2996] {strides = array<i32>} : memref<528xi32, #tpu.memory_space<vmem>>, vector<16xi32>,
        %slice3A_2998 = vector.extract_strided_slice %get3A_2995 {offsets = [0], sizes = [1], strides = [1]} : vector<16xi32> to vector<1xi32>
        %squeeze3A_2999 = vector.extract %slice3A_2998[0] : i32 from vector<1xi32>
        %jit3A_3000 = arith.constant 128 : i32
        %div3A_3001 = arith.divsi %squeeze3A_2999, %jit3A_3000 : i32
        %sign3A_3002 = arith.constant 0 : i32
        %sign3A_3003 = arith.cmpi sgt, %squeeze3A_2999, %sign3A_3002 : i32
        %sign3A_3004 = arith.extui %sign3A_3003 : i1 to i32
        %sign3A_3005 = arith.constant 0 : i32
        %sign3A_3006 = arith.cmpi slt, %squeeze3A_2999, %sign3A_3005 : i32
        %sign3A_3007 = arith.extui %sign3A_3006 : i1 to i32
        %sign3A_3008 = arith.subi %sign3A_3004, %sign3A_3007 : i32
        %sign3A_3009 = arith.constant 0 : i32
        %sign3A_3010 = arith.cmpi sgt, %jit3A_3000, %sign3A_3009 : i32
        %sign3A_3011 = arith.extui %sign3A_3010 : i1 to i32
        %sign3A_3012 = arith.constant 0 : i32
        %sign3A_3013 = arith.cmpi slt, %jit3A_3000, %sign3A_3012 : i32
        %sign3A_3014 = arith.extui %sign3A_3013 : i1 to i32
        %sign3A_3015 = arith.subi %sign3A_3011, %sign3A_3014 : i32
        %ne3A_3016 = arith.cmpi ne, %sign3A_3008, %sign3A_3015 : i32
        %rem3A_3017 = arith.remsi %squeeze3A_2999, %jit3A_3000 : i32
        %ne3A_3018 = arith.constant 0 : i32
        %ne3A_3019 = arith.cmpi ne, %rem3A_3017, %ne3A_3018 : i32
        %and3A_3020 = arith.andi %ne3A_3016, %ne3A_3019 : i1
        %sub3A_3021 = arith.constant 1 : i32
        %sub3A_3022 = arith.subi %div3A_3001, %sub3A_3021 : i32
        %select_n3A_3023 = arith.select %and3A_3020, %sub3A_3022, %div3A_3001 : i32
        %mul3A_3024 = arith.constant 128 : i32
        %mul3A_3025 = arith.muli %select_n3A_3023, %mul3A_3024 : i32
        %multiple_of3A_3026 = tpu.assume_multiple %mul3A_3025, 128 : i32
        %slice3A_3027 = vector.extract_strided_slice %get3A_2997 {offsets = [0], sizes = [1], strides = [1]} : vector<16xi32> to vector<1xi32>
        %squeeze3A_3028 = vector.extract %slice3A_3027[0] : i32 from vector<1xi32>
        %jit3A_3029 = arith.constant 128 : i32
        %div3A_3030 = arith.divsi %squeeze3A_3028, %jit3A_3029 : i32
        %sign3A_3031 = arith.constant 0 : i32
        %sign3A_3032 = arith.cmpi sgt, %squeeze3A_3028, %sign3A_3031 : i32
        %sign3A_3033 = arith.extui %sign3A_3032 : i1 to i32
        %sign3A_3034 = arith.constant 0 : i32
        %sign3A_3035 = arith.cmpi slt, %squeeze3A_3028, %sign3A_3034 : i32
        %sign3A_3036 = arith.extui %sign3A_3035 : i1 to i32
        %sign3A_3037 = arith.subi %sign3A_3033, %sign3A_3036 : i32
        %sign3A_3038 = arith.constant 0 : i32
        %sign3A_3039 = arith.cmpi sgt, %jit3A_3029, %sign3A_3038 : i32
        %sign3A_3040 = arith.extui %sign3A_3039 : i1 to i32
        %sign3A_3041 = arith.constant 0 : i32
        %sign3A_3042 = arith.cmpi slt, %jit3A_3029, %sign3A_3041 : i32
        %sign3A_3043 = arith.extui %sign3A_3042 : i1 to i32
        %sign3A_3044 = arith.subi %sign3A_3040, %sign3A_3043 : i32
        %ne3A_3045 = arith.cmpi ne, %sign3A_3037, %sign3A_3044 : i32
        %rem3A_3046 = arith.remsi %squeeze3A_3028, %jit3A_3029 : i32
        %ne3A_3047 = arith.constant 0 : i32
        %ne3A_3048 = arith.cmpi ne, %rem3A_3046, %ne3A_3047 : i32
        %and3A_3049 = arith.andi %ne3A_3045, %ne3A_3048 : i1
        %sub3A_3050 = arith.constant 1 : i32
        %sub3A_3051 = arith.subi %div3A_3030, %sub3A_3050 : i32
        %select_n3A_3052 = arith.select %and3A_3049, %sub3A_3051, %div3A_3030 : i32
        %mul3A_3053 = arith.constant 128 : i32
        %mul3A_3054 = arith.muli %select_n3A_3052, %mul3A_3053 : i32
        %multiple_of3A_3055 = tpu.assume_multiple %mul3A_3054, 128 : i32
        %dma_start3A_3056 = arith.constant 0 : i32
        %dma_start3A_3057 = arith.constant 0 : i32
        %dma_start3A_3058 = arith.constant 0 : i32
        %dma_start3A_3059 = arith.constant 0 : i32
        %dma_start3A_3060 = tpu.memref_slice %arg9[%dma_start3A_3056, %dma_start3A_3057, %dma_start3A_3058, %dma_start3A_3059] : memref<2x8x16x128xf32, #tpu.memory_space<vmem>> -> memref<1x1x16x128xf32, #tpu.memory_space<vmem>>
        %dma_start3A_3061 = tpu.memref_squeeze %dma_start3A_3060 : memref<1x1x16x128xf32, #tpu.memory_space<vmem>> -> memref<16x128xf32, #tpu.memory_space<vmem>>
        %dma_start3A_3062 = arith.constant 0 : i32
        %dma_start3A_3063 = tpu.memref_slice %arg4[%dma_start3A_3062, %multiple_of3A_3026] : memref<16x1000000xf32, #tpu.memory_space<hbm>> -> memref<16x128xf32, #tpu.memory_space<hbm>>
        %dma_start3A_3064 = arith.constant 0 : i32
        %dma_start3A_3065 = arith.constant 0 : i32
        %dma_start3A_3066 = tpu.memref_slice %arg9[%dma_start3A_3056, %dma_start3A_3057, %dma_start3A_3064, %dma_start3A_3065] : memref<2x8x16x128xf32, #tpu.memory_space<vmem>> -> memref<1x1x16x128xf32, #tpu.memory_space<vmem>>
        %dma_start3A_3067 = tpu.memref_squeeze %dma_start3A_3066 : memref<1x1x16x128xf32, #tpu.memory_space<vmem>> -> memref<16x128xf32, #tpu.memory_space<vmem>>
        %dma_start3A_3068 = arith.constant 0 : i32
        %dma_start3A_3069 = tpu.memref_slice %arg4[%dma_start3A_3068, %multiple_of3A_3026] : memref<16x1000000xf32, #tpu.memory_space<hbm>> -> memref<16x128xf32, #tpu.memory_space<hbm>>
        tpu.enqueue_dma source(%dma_start3A_3069 : memref<16x128xf32, #tpu.memory_space<hbm>>) target(%dma_start3A_3067 : memref<16x128xf32, #tpu.memory_space<vmem>>) target_semaphore(%arg14 : memref<!tpu.dma_semaphore, #tpu.memory_space<semaphore_mem>>)
        %dma_start3A_3070 = arith.constant 0 : i32
        %dma_start3A_3071 = arith.constant 0 : i32
        %dma_start3A_3072 = arith.constant 0 : i32
        %dma_start3A_3073 = arith.constant 0 : i32
        %dma_start3A_3074 = tpu.memref_slice %arg10[%dma_start3A_3070, %dma_start3A_3071, %dma_start3A_3072, %dma_start3A_3073] : memref<2x8x16x128xf32, #tpu.memory_space<vmem>> -> memref<1x1x16x128xf32, #tpu.memory_space<vmem>>
        %dma_start3A_3075 = tpu.memref_squeeze %dma_start3A_3074 : memref<1x1x16x128xf32, #tpu.memory_space<vmem>> -> memref<16x128xf32, #tpu.memory_space<vmem>>
        %dma_start3A_3076 = arith.constant 0 : i32
        %dma_start3A_3077 = tpu.memref_slice %arg5[%dma_start3A_3076, %multiple_of3A_3055] : memref<16x1000000xf32, #tpu.memory_space<hbm>> -> memref<16x128xf32, #tpu.memory_space<hbm>>
        %dma_start3A_3078 = arith.constant 0 : i32
        %dma_start3A_3079 = arith.constant 0 : i32
        %dma_start3A_3080 = tpu.memref_slice %arg10[%dma_start3A_3070, %dma_start3A_3071, %dma_start3A_3078, %dma_start3A_3079] : memref<2x8x16x128xf32, #tpu.memory_space<vmem>> -> memref<1x1x16x128xf32, #tpu.memory_space<vmem>>
        %dma_start3A_3081 = tpu.memref_squeeze %dma_start3A_3080 : memref<1x1x16x128xf32, #tpu.memory_space<vmem>> -> memref<16x128xf32, #tpu.memory_space<vmem>>
        %dma_start3A_3082 = arith.constant 0 : i32
        %dma_start3A_3083 = tpu.memref_slice %arg5[%dma_start3A_3082, %multiple_of3A_3055] : memref<16x1000000xf32, #tpu.memory_space<hbm>> -> memref<16x128xf32, #tpu.memory_space<hbm>>
        tpu.enqueue_dma source(%dma_start3A_3083 : memref<16x128xf32, #tpu.memory_space<hbm>>) target(%dma_start3A_3081 : memref<16x128xf32, #tpu.memory_space<vmem>>) target_semaphore(%arg14 : memref<!tpu.dma_semaphore, #tpu.memory_space<semaphore_mem>>)
        %slice3A_3084 = vector.extract_strided_slice %get3A_2995 {offsets = [1], sizes = [1], strides = [1]} : vector<16xi32> to vector<1xi32>
        %squeeze3A_3085 = vector.extract %slice3A_3084[0] : i32 from vector<1xi32>
        %jit3A_3086 = arith.constant 128 : i32
        %div3A_3087 = arith.divsi %squeeze3A_3085, %jit3A_3086 : i32
        %sign3A_3088 = arith.constant 0 : i32
        %sign3A_3089 = arith.cmpi sgt, %squeeze3A_3085, %sign3A_3088 : i32
        %sign3A_3090 = arith.extui %sign3A_3089 : i1 to i32
        %sign3A_3091 = arith.constant 0 : i32
        %sign3A_3092 = arith.cmpi slt, %squeeze3A_3085, %sign3A_3091 : i32
        %sign3A_3093 = arith.extui %sign3A_3092 : i1 to i32
        %sign3A_3094 = arith.subi %sign3A_3090, %sign3A_3093 : i32
        %sign3A_3095 = arith.constant 0 : i32
        %sign3A_3096 = arith.cmpi sgt, %jit3A_3086, %sign3A_3095 : i32
        %sign3A_3097 = arith.extui %sign3A_3096 : i1 to i32
        %sign3A_3098 = arith.constant 0 : i32
        %sign3A_3099 = arith.cmpi slt, %jit3A_3086, %sign3A_3098 : i32
        %sign3A_3100 = arith.extui %sign3A_3099 : i1 to i32
        %sign3A_3101 = arith.subi %sign3A_3097, %sign3A_3100 : i32
        %ne3A_3102 = arith.cmpi ne, %sign3A_3094, %sign3A_3101 : i32
        %rem3A_3103 = arith.remsi %squeeze3A_3085, %jit3A_3086 : i32
        %ne3A_3104 = arith.constant 0 : i32
        %ne3A_3105 = arith.cmpi ne, %rem3A_3103, %ne3A_3104 : i32
        %and3A_3106 = arith.andi %ne3A_3102, %ne3A_3105 : i1
        %sub3A_3107 = arith.constant 1 : i32
        %sub3A_3108 = arith.subi %div3A_3087, %sub3A_3107 : i32
        %select_n3A_3109 = arith.select %and3A_3106, %sub3A_3108, %div3A_3087 : i32
        %mul3A_3110 = arith.constant 128 : i32
        %mul3A_3111 = arith.muli %select_n3A_3109, %mul3A_3110 : i32
        %multiple_of3A_3112 = tpu.assume_multiple %mul3A_3111, 128 : i32
        %slice3A_3113 = vector.extract_strided_slice %get3A_2997 {offsets = [1], sizes = [1], strides = [1]} : vector<16xi32> to vector<1xi32>
        %squeeze3A_3114 = vector.extract %slice3A_3113[0] : i32 from vector<1xi32>
        %jit3A_3115 = arith.constant 128 : i32
        %div3A_3116 = arith.divsi %squeeze3A_3114, %jit3A_3115 : i32
        %sign3A_3117 = arith.constant 0 : i32
        %sign3A_3118 = arith.cmpi sgt, %squeeze3A_3114, %sign3A_3117 : i32
        %sign3A_3119 = arith.extui %sign3A_3118 : i1 to i32
        %sign3A_3120 = arith.constant 0 : i32
        %sign3A_3121 = arith.cmpi slt, %squeeze3A_3114, %sign3A_3120 : i32
        %sign3A_3122 = arith.extui %sign3A_3121 : i1 to i32
        %sign3A_3123 = arith.subi %sign3A_3119, %sign3A_3122 : i32
        %sign3A_3124 = arith.constant 0 : i32
        %sign3A_3125 = arith.cmpi sgt, %jit3A_3115, %sign3A_3124 : i32
        %sign3A_3126 = arith.extui %sign3A_3125 : i1 to i32
        %sign3A_3127 = arith.constant 0 : i32
        %sign3A_3128 = arith.cmpi slt, %jit3A_3115, %sign3A_3127 : i32
        %sign3A_3129 = arith.extui %sign3A_3128 : i1 to i32
        %sign3A_3130 = arith.subi %sign3A_3126, %sign3A_3129 : i32
        %ne3A_3131 = arith.cmpi ne, %sign3A_3123, %sign3A_3130 : i32
        %rem3A_3132 = arith.remsi %squeeze3A_3114, %jit3A_3115 : i32
        %ne3A_3133 = arith.constant 0 : i32
        %ne3A_3134 = arith.cmpi ne, %rem3A_3132, %ne3A_3133 : i32
        %and3A_3135 = arith.andi %ne3A_3131, %ne3A_3134 : i1
        %sub3A_3136 = arith.constant 1 : i32
        %sub3A_3137 = arith.subi %div3A_3116, %sub3A_3136 : i32
        %select_n3A_3138 = arith.select %and3A_3135, %sub3A_3137, %div3A_3116 : i32
        %mul3A_3139 = arith.constant 128 : i32
        %mul3A_3140 = arith.muli %select_n3A_3138, %mul3A_3139 : i32
        %multiple_of3A_3141 = tpu.assume_multiple %mul3A_3140, 128 : i32
        %dma_start3A_3142 = arith.constant 0 : i32
        %dma_start3A_3143 = arith.constant 1 : i32
        %dma_start3A_3144 = arith.constant 0 : i32
        %dma_start3A_3145 = arith.constant 0 : i32
        %dma_start3A_3146 = tpu.memref_slice %arg9[%dma_start3A_3142, %dma_start3A_3143, %dma_start3A_3144, %dma_start3A_3145] : memref<2x8x16x128xf32, #tpu.memory_space<vmem>> -> memref<1x1x16x128xf32, #tpu.memory_space<vmem>>
        %dma_start3A_3147 = tpu.memref_squeeze %dma_start3A_3146 : memref<1x1x16x128xf32, #tpu.memory_space<vmem>> -> memref<16x128xf32, #tpu.memory_space<vmem>>
        %dma_start3A_3148 = arith.constant 0 : i32
        %dma_start3A_3149 = tpu.memref_slice %arg4[%dma_start3A_3148, %multiple_of3A_3112] : memref<16x1000000xf32, #tpu.memory_space<hbm>> -> memref<16x128xf32, #tpu.memory_space<hbm>>
        %dma_start3A_3150 = arith.constant 0 : i32
        %dma_start3A_3151 = arith.constant 0 : i32
        %dma_start3A_3152 = tpu.memref_slice %arg9[%dma_start3A_3142, %dma_start3A_3143, %dma_start3A_3150, %dma_start3A_3151] : memref<2x8x16x128xf32, #tpu.memory_space<vmem>> -> memref<1x1x16x128xf32, #tpu.memory_space<vmem>>
        %dma_start3A_3153 = tpu.memref_squeeze %dma_start3A_3152 : memref<1x1x16x128xf32, #tpu.memory_space<vmem>> -> memref<16x128xf32, #tpu.memory_space<vmem>>
        %dma_start3A_3154 = arith.constant 0 : i32
        %dma_start3A_3155 = tpu.memref_slice %arg4[%dma_start3A_3154, %multiple_of3A_3112] : memref<16x1000000xf32, #tpu.memory_space<hbm>> -> memref<16x128xf32, #tpu.memory_space<hbm>>
        tpu.enqueue_dma source(%dma_start3A_3155 : memref<16x128xf32, #tpu.memory_space<hbm>>) target(%dma_start3A_3153 : memref<16x128xf32, #tpu.memory_space<vmem>>) target_semaphore(%arg14 : memref<!tpu.dma_semaphore, #tpu.memory_space<semaphore_mem>>)
        %dma_start3A_3156 = arith.constant 0 : i32
        %dma_start3A_3157 = arith.constant 1 : i32
        %dma_start3A_3158 = arith.constant 0 : i32
        %dma_start3A_3159 = arith.constant 0 : i32
        %dma_start3A_3160 = tpu.memref_slice %arg10[%dma_start3A_3156, %dma_start3A_3157, %dma_start3A_3158, %dma_start3A_3159] : memref<2x8x16x128xf32, #tpu.memory_space<vmem>> -> memref<1x1x16x128xf32, #tpu.memory_space<vmem>>
        %dma_start3A_3161 = tpu.memref_squeeze %dma_start3A_3160 : memref<1x1x16x128xf32, #tpu.memory_space<vmem>> -> memref<16x128xf32, #tpu.memory_space<vmem>>
        %dma_start3A_3162 = arith.constant 0 : i32
        %dma_start3A_3163 = tpu.memref_slice %arg5[%dma_start3A_3162, %multiple_of3A_3141] : memref<16x1000000xf32, #tpu.memory_space<hbm>> -> memref<16x128xf32, #tpu.memory_space<hbm>>
        %dma_start3A_3164 = arith.constant 0 : i32
        %dma_start3A_3165 = arith.constant 0 : i32
        %dma_start3A_3166 = tpu.memref_slice %arg10[%dma_start3A_3156, %dma_start3A_3157, %dma_start3A_3164, %dma_start3A_3165] : memref<2x8x16x128xf32, #tpu.memory_space<vmem>> -> memref<1x1x16x128xf32, #tpu.memory_space<vmem>>
        %dma_start3A_3167 = tpu.memref_squeeze %dma_start3A_3166 : memref<1x1x16x128xf32, #tpu.memory_space<vmem>> -> memref<16x128xf32, #tpu.memory_space<vmem>>
        %dma_start3A_3168 = arith.constant 0 : i32
        %dma_start3A_3169 = tpu.memref_slice %arg5[%dma_start3A_3168, %multiple_of3A_3141] : memref<16x1000000xf32, #tpu.memory_space<hbm>> -> memref<16x128xf32, #tpu.memory_space<hbm>>
        tpu.enqueue_dma source(%dma_start3A_3169 : memref<16x128xf32, #tpu.memory_space<hbm>>) target(%dma_start3A_3167 : memref<16x128xf32, #tpu.memory_space<vmem>>) target_semaphore(%arg14 : memref<!tpu.dma_semaphore, #tpu.memory_space<semaphore_mem>>)
        %slice3A_3170 = vector.extract_strided_slice %get3A_2995 {offsets = [2], sizes = [1], strides = [1]} : vector<16xi32> to vector<1xi32>
        %squeeze3A_3171 = vector.extract %slice3A_3170[0] : i32 from vector<1xi32>
        %jit3A_3172 = arith.constant 128 : i32
        %div3A_3173 = arith.divsi %squeeze3A_3171, %jit3A_3172 : i32
        %sign3A_3174 = arith.constant 0 : i32
        %sign3A_3175 = arith.cmpi sgt, %squeeze3A_3171, %sign3A_3174 : i32
        %sign3A_3176 = arith.extui %sign3A_3175 : i1 to i32
        %sign3A_3177 = arith.constant 0 : i32
        %sign3A_3178 = arith.cmpi slt, %squeeze3A_3171, %sign3A_3177 : i32
        %sign3A_3179 = arith.extui %sign3A_3178 : i1 to i32
        %sign3A_3180 = arith.subi %sign3A_3176, %sign3A_3179 : i32
        %sign3A_3181 = arith.constant 0 : i32
        %sign3A_3182 = arith.cmpi sgt, %jit3A_3172, %sign3A_3181 : i32
        %sign3A_3183 = arith.extui %sign3A_3182 : i1 to i32
        %sign3A_3184 = arith.constant 0 : i32
        %sign3A_3185 = arith.cmpi slt, %jit3A_3172, %sign3A_3184 : i32
        %sign3A_3186 = arith.extui %sign3A_3185 : i1 to i32
        %sign3A_3187 = arith.subi %sign3A_3183, %sign3A_3186 : i32
        %ne3A_3188 = arith.cmpi ne, %sign3A_3180, %sign3A_3187 : i32
        %rem3A_3189 = arith.remsi %squeeze3A_3171, %jit3A_3172 : i32
        %ne3A_3190 = arith.constant 0 : i32
        %ne3A_3191 = arith.cmpi ne, %rem3A_3189, %ne3A_3190 : i32
        %and3A_3192 = arith.andi %ne3A_3188, %ne3A_3191 : i1
        %sub3A_3193 = arith.constant 1 : i32
        %sub3A_3194 = arith.subi %div3A_3173, %sub3A_3193 : i32
        %select_n3A_3195 = arith.select %and3A_3192, %sub3A_3194, %div3A_3173 : i32
        %mul3A_3196 = arith.constant 128 : i32
        %mul3A_3197 = arith.muli %select_n3A_3195, %mul3A_3196 : i32
        %multiple_of3A_3198 = tpu.assume_multiple %mul3A_3197, 128 : i32
        %slice3A_3199 = vector.extract_strided_slice %get3A_2997 {offsets = [2], sizes = [1], strides = [1]} : vector<16xi32> to vector<1xi32>
        %squeeze3A_3200 = vector.extract %slice3A_3199[0] : i32 from vector<1xi32>
        %jit3A_3201 = arith.constant 128 : i32
        %div3A_3202 = arith.divsi %squeeze3A_3200, %jit3A_3201 : i32
        %sign3A_3203 = arith.constant 0 : i32
        %sign3A_3204 = arith.cmpi sgt, %squeeze3A_3200, %sign3A_3203 : i32
        %sign3A_3205 = arith.extui %sign3A_3204 : i1 to i32
        %sign3A_3206 = arith.constant 0 : i32
        %sign3A_3207 = arith.cmpi slt, %squeeze3A_3200, %sign3A_3206 : i32
        %sign3A_3208 = arith.extui %sign3A_3207 : i1 to i32
        %sign3A_3209 = arith.subi %sign3A_3205, %sign3A_3208 : i32
        %sign3A_3210 = arith.constant 0 : i32
        %sign3A_3211 = arith.cmpi sgt, %jit3A_3201, %sign3A_3210 : i32
        %sign3A_3212 = arith.extui %sign3A_3211 : i1 to i32
        %sign3A_3213 = arith.constant 0 : i32
        %sign3A_3214 = arith.cmpi slt, %jit3A_3201, %sign3A_3213 : i32
        %sign3A_3215 = arith.extui %sign3A_3214 : i1 to i32
        %sign3A_3216 = arith.subi %sign3A_3212, %sign3A_3215 : i32
        %ne3A_3217 = arith.cmpi ne, %sign3A_3209, %sign3A_3216 : i32
        %rem3A_3218 = arith.remsi %squeeze3A_3200, %jit3A_3201 : i32
        %ne3A_3219 = arith.constant 0 : i32
        %ne3A_3220 = arith.cmpi ne, %rem3A_3218, %ne3A_3219 : i32
        %and3A_3221 = arith.andi %ne3A_3217, %ne3A_3220 : i1
        %sub3A_3222 = arith.constant 1 : i32
        %sub3A_3223 = arith.subi %div3A_3202, %sub3A_3222 : i32
        %select_n3A_3224 = arith.select %and3A_3221, %sub3A_3223, %div3A_3202 : i32
        %mul3A_3225 = arith.constant 128 : i32
        %mul3A_3226 = arith.muli %select_n3A_3224, %mul3A_3225 : i32
        %multiple_of3A_3227 = tpu.assume_multiple %mul3A_3226, 128 : i32
        %dma_start3A_3228 = arith.constant 0 : i32
        %dma_start3A_3229 = arith.constant 2 : i32
        %dma_start3A_3230 = arith.constant 0 : i32
        %dma_start3A_3231 = arith.constant 0 : i32
        %dma_start3A_3232 = tpu.memref_slice %arg9[%dma_start3A_3228, %dma_start3A_3229, %dma_start3A_3230, %dma_start3A_3231] : memref<2x8x16x128xf32, #tpu.memory_space<vmem>> -> memref<1x1x16x128xf32, #tpu.memory_space<vmem>>
        %dma_start3A_3233 = tpu.memref_squeeze %dma_start3A_3232 : memref<1x1x16x128xf32, #tpu.memory_space<vmem>> -> memref<16x128xf32, #tpu.memory_space<vmem>>
        %dma_start3A_3234 = arith.constant 0 : i32
        %dma_start3A_3235 = tpu.memref_slice %arg4[%dma_start3A_3234, %multiple_of3A_3198] : memref<16x1000000xf32, #tpu.memory_space<hbm>> -> memref<16x128xf32, #tpu.memory_space<hbm>>
        %dma_start3A_3236 = arith.constant 0 : i32
        %dma_start3A_3237 = arith.constant 0 : i32
        %dma_start3A_3238 = tpu.memref_slice %arg9[%dma_start3A_3228, %dma_start3A_3229, %dma_start3A_3236, %dma_start3A_3237] : memref<2x8x16x128xf32, #tpu.memory_space<vmem>> -> memref<1x1x16x128xf32, #tpu.memory_space<vmem>>
        %dma_start3A_3239 = tpu.memref_squeeze %dma_start3A_3238 : memref<1x1x16x128xf32, #tpu.memory_space<vmem>> -> memref<16x128xf32, #tpu.memory_space<vmem>>
        %dma_start3A_3240 = arith.constant 0 : i32
        %dma_start3A_3241 = tpu.memref_slice %arg4[%dma_start3A_3240, %multiple_of3A_3198] : memref<16x1000000xf32, #tpu.memory_space<hbm>> -> memref<16x128xf32, #tpu.memory_space<hbm>>
        tpu.enqueue_dma source(%dma_start3A_3241 : memref<16x128xf32, #tpu.memory_space<hbm>>) target(%dma_start3A_3239 : memref<16x128xf32, #tpu.memory_space<vmem>>) target_semaphore(%arg14 : memref<!tpu.dma_semaphore, #tpu.memory_space<semaphore_mem>>)
        %dma_start3A_3242 = arith.constant 0 : i32
        %dma_start3A_3243 = arith.constant 2 : i32
        %dma_start3A_3244 = arith.constant 0 : i32
        %dma_start3A_3245 = arith.constant 0 : i32
        %dma_start3A_3246 = tpu.memref_slice %arg10[%dma_start3A_3242, %dma_start3A_3243, %dma_start3A_3244, %dma_start3A_3245] : memref<2x8x16x128xf32, #tpu.memory_space<vmem>> -> memref<1x1x16x128xf32, #tpu.memory_space<vmem>>
        %dma_start3A_3247 = tpu.memref_squeeze %dma_start3A_3246 : memref<1x1x16x128xf32, #tpu.memory_space<vmem>> -> memref<16x128xf32, #tpu.memory_space<vmem>>
        %dma_start3A_3248 = arith.constant 0 : i32
        %dma_start3A_3249 = tpu.memref_slice %arg5[%dma_start3A_3248, %multiple_of3A_3227] : memref<16x1000000xf32, #tpu.memory_space<hbm>> -> memref<16x128xf32, #tpu.memory_space<hbm>>
        %dma_start3A_3250 = arith.constant 0 : i32
        %dma_start3A_3251 = arith.constant 0 : i32
        %dma_start3A_3252 = tpu.memref_slice %arg10[%dma_start3A_3242, %dma_start3A_3243, %dma_start3A_3250, %dma_start3A_3251] : memref<2x8x16x128xf32, #tpu.memory_space<vmem>> -> memref<1x1x16x128xf32, #tpu.memory_space<vmem>>
        %dma_start3A_3253 = tpu.memref_squeeze %dma_start3A_3252 : memref<1x1x16x128xf32, #tpu.memory_space<vmem>> -> memref<16x128xf32, #tpu.memory_space<vmem>>
        %dma_start3A_3254 = arith.constant 0 : i32
        %dma_start3A_3255 = tpu.memref_slice %arg5[%dma_start3A_3254, %multiple_of3A_3227] : memref<16x1000000xf32, #tpu.memory_space<hbm>> -> memref<16x128xf32, #tpu.memory_space<hbm>>
        tpu.enqueue_dma source(%dma_start3A_3255 : memref<16x128xf32, #tpu.memory_space<hbm>>) target(%dma_start3A_3253 : memref<16x128xf32, #tpu.memory_space<vmem>>) target_semaphore(%arg14 : memref<!tpu.dma_semaphore, #tpu.memory_space<semaphore_mem>>)
        %slice3A_3256 = vector.extract_strided_slice %get3A_2995 {offsets = [3], sizes = [1], strides = [1]} : vector<16xi32> to vector<1xi32>
        %squeeze3A_3257 = vector.extract %slice3A_3256[0] : i32 from vector<1xi32>
        %jit3A_3258 = arith.constant 128 : i32
        %div3A_3259 = arith.divsi %squeeze3A_3257, %jit3A_3258 : i32
        %sign3A_3260 = arith.constant 0 : i32
        %sign3A_3261 = arith.cmpi sgt, %squeeze3A_3257, %sign3A_3260 : i32
        %sign3A_3262 = arith.extui %sign3A_3261 : i1 to i32
        %sign3A_3263 = arith.constant 0 : i32
        %sign3A_3264 = arith.cmpi slt, %squeeze3A_3257, %sign3A_3263 : i32
        %sign3A_3265 = arith.extui %sign3A_3264 : i1 to i32
        %sign3A_3266 = arith.subi %sign3A_3262, %sign3A_3265 : i32
        %sign3A_3267 = arith.constant 0 : i32
        %sign3A_3268 = arith.cmpi sgt, %jit3A_3258, %sign3A_3267 : i32
        %sign3A_3269 = arith.extui %sign3A_3268 : i1 to i32
        %sign3A_3270 = arith.constant 0 : i32
        %sign3A_3271 = arith.cmpi slt, %jit3A_3258, %sign3A_3270 : i32
        %sign3A_3272 = arith.extui %sign3A_3271 : i1 to i32
        %sign3A_3273 = arith.subi %sign3A_3269, %sign3A_3272 : i32
        %ne3A_3274 = arith.cmpi ne, %sign3A_3266, %sign3A_3273 : i32
        %rem3A_3275 = arith.remsi %squeeze3A_3257, %jit3A_3258 : i32
        %ne3A_3276 = arith.constant 0 : i32
        %ne3A_3277 = arith.cmpi ne, %rem3A_3275, %ne3A_3276 : i32
        %and3A_3278 = arith.andi %ne3A_3274, %ne3A_3277 : i1
        %sub3A_3279 = arith.constant 1 : i32
        %sub3A_3280 = arith.subi %div3A_3259, %sub3A_3279 : i32
        %select_n3A_3281 = arith.select %and3A_3278, %sub3A_3280, %div3A_3259 : i32
        %mul3A_3282 = arith.constant 128 : i32
        %mul3A_3283 = arith.muli %select_n3A_3281, %mul3A_3282 : i32
        %multiple_of3A_3284 = tpu.assume_multiple %mul3A_3283, 128 : i32
        %slice3A_3285 = vector.extract_strided_slice %get3A_2997 {offsets = [3], sizes = [1], strides = [1]} : vector<16xi32> to vector<1xi32>
        %squeeze3A_3286 = vector.extract %slice3A_3285[0] : i32 from vector<1xi32>
        %jit3A_3287 = arith.constant 128 : i32
        %div3A_3288 = arith.divsi %squeeze3A_3286, %jit3A_3287 : i32
        %sign3A_3289 = arith.constant 0 : i32
        %sign3A_3290 = arith.cmpi sgt, %squeeze3A_3286, %sign3A_3289 : i32
        %sign3A_3291 = arith.extui %sign3A_3290 : i1 to i32
        %sign3A_3292 = arith.constant 0 : i32
        %sign3A_3293 = arith.cmpi slt, %squeeze3A_3286, %sign3A_3292 : i32
        %sign3A_3294 = arith.extui %sign3A_3293 : i1 to i32
        %sign3A_3295 = arith.subi %sign3A_3291, %sign3A_3294 : i32
        %sign3A_3296 = arith.constant 0 : i32
        %sign3A_3297 = arith.cmpi sgt, %jit3A_3287, %sign3A_3296 : i32
        %sign3A_3298 = arith.extui %sign3A_3297 : i1 to i32
        %sign3A_3299 = arith.constant 0 : i32
        %sign3A_3300 = arith.cmpi slt, %jit3A_3287, %sign3A_3299 : i32
        %sign3A_3301 = arith.extui %sign3A_3300 : i1 to i32
        %sign3A_3302 = arith.subi %sign3A_3298, %sign3A_3301 : i32
        %ne3A_3303 = arith.cmpi ne, %sign3A_3295, %sign3A_3302 : i32
        %rem3A_3304 = arith.remsi %squeeze3A_3286, %jit3A_3287 : i32
        %ne3A_3305 = arith.constant 0 : i32
        %ne3A_3306 = arith.cmpi ne, %rem3A_3304, %ne3A_3305 : i32
        %and3A_3307 = arith.andi %ne3A_3303, %ne3A_3306 : i1
        %sub3A_3308 = arith.constant 1 : i32
        %sub3A_3309 = arith.subi %div3A_3288, %sub3A_3308 : i32
        %select_n3A_3310 = arith.select %and3A_3307, %sub3A_3309, %div3A_3288 : i32
        %mul3A_3311 = arith.constant 128 : i32
        %mul3A_3312 = arith.muli %select_n3A_3310, %mul3A_3311 : i32
        %multiple_of3A_3313 = tpu.assume_multiple %mul3A_3312, 128 : i32
        %dma_start3A_3314 = arith.constant 0 : i32
        %dma_start3A_3315 = arith.constant 3 : i32
        %dma_start3A_3316 = arith.constant 0 : i32
        %dma_start3A_3317 = arith.constant 0 : i32
        %dma_start3A_3318 = tpu.memref_slice %arg9[%dma_start3A_3314, %dma_start3A_3315, %dma_start3A_3316, %dma_start3A_3317] : memref<2x8x16x128xf32, #tpu.memory_space<vmem>> -> memref<1x1x16x128xf32, #tpu.memory_space<vmem>>
        %dma_start3A_3319 = tpu.memref_squeeze %dma_start3A_3318 : memref<1x1x16x128xf32, #tpu.memory_space<vmem>> -> memref<16x128xf32, #tpu.memory_space<vmem>>
        %dma_start3A_3320 = arith.constant 0 : i32
        %dma_start3A_3321 = tpu.memref_slice %arg4[%dma_start3A_3320, %multiple_of3A_3284] : memref<16x1000000xf32, #tpu.memory_space<hbm>> -> memref<16x128xf32, #tpu.memory_space<hbm>>
        %dma_start3A_3322 = arith.constant 0 : i32
        %dma_start3A_3323 = arith.constant 0 : i32
        %dma_start3A_3324 = tpu.memref_slice %arg9[%dma_start3A_3314, %dma_start3A_3315, %dma_start3A_3322, %dma_start3A_3323] : memref<2x8x16x128xf32, #tpu.memory_space<vmem>> -> memref<1x1x16x128xf32, #tpu.memory_space<vmem>>
        %dma_start3A_3325 = tpu.memref_squeeze %dma_start3A_3324 : memref<1x1x16x128xf32, #tpu.memory_space<vmem>> -> memref<16x128xf32, #tpu.memory_space<vmem>>
        %dma_start3A_3326 = arith.constant 0 : i32
        %dma_start3A_3327 = tpu.memref_slice %arg4[%dma_start3A_3326, %multiple_of3A_3284] : memref<16x1000000xf32, #tpu.memory_space<hbm>> -> memref<16x128xf32, #tpu.memory_space<hbm>>
        tpu.enqueue_dma source(%dma_start3A_3327 : memref<16x128xf32, #tpu.memory_space<hbm>>) target(%dma_start3A_3325 : memref<16x128xf32, #tpu.memory_space<vmem>>) target_semaphore(%arg14 : memref<!tpu.dma_semaphore, #tpu.memory_space<semaphore_mem>>)
        %dma_start3A_3328 = arith.constant 0 : i32
        %dma_start3A_3329 = arith.constant 3 : i32
        %dma_start3A_3330 = arith.constant 0 : i32
        %dma_start3A_3331 = arith.constant 0 : i32
        %dma_start3A_3332 = tpu.memref_slice %arg10[%dma_start3A_3328, %dma_start3A_3329, %dma_start3A_3330, %dma_start3A_3331] : memref<2x8x16x128xf32, #tpu.memory_space<vmem>> -> memref<1x1x16x128xf32, #tpu.memory_space<vmem>>
        %dma_start3A_3333 = tpu.memref_squeeze %dma_start3A_3332 : memref<1x1x16x128xf32, #tpu.memory_space<vmem>> -> memref<16x128xf32, #tpu.memory_space<vmem>>
        %dma_start3A_3334 = arith.constant 0 : i32
        %dma_start3A_3335 = tpu.memref_slice %arg5[%dma_start3A_3334, %multiple_of3A_3313] : memref<16x1000000xf32, #tpu.memory_space<hbm>> -> memref<16x128xf32, #tpu.memory_space<hbm>>
        %dma_start3A_3336 = arith.constant 0 : i32
        %dma_start3A_3337 = arith.constant 0 : i32
        %dma_start3A_3338 = tpu.memref_slice %arg10[%dma_start3A_3328, %dma_start3A_3329, %dma_start3A_3336, %dma_start3A_3337] : memref<2x8x16x128xf32, #tpu.memory_space<vmem>> -> memref<1x1x16x128xf32, #tpu.memory_space<vmem>>
        %dma_start3A_3339 = tpu.memref_squeeze %dma_start3A_3338 : memref<1x1x16x128xf32, #tpu.memory_space<vmem>> -> memref<16x128xf32, #tpu.memory_space<vmem>>
        %dma_start3A_3340 = arith.constant 0 : i32
        %dma_start3A_3341 = tpu.memref_slice %arg5[%dma_start3A_3340, %multiple_of3A_3313] : memref<16x1000000xf32, #tpu.memory_space<hbm>> -> memref<16x128xf32, #tpu.memory_space<hbm>>
        tpu.enqueue_dma source(%dma_start3A_3341 : memref<16x128xf32, #tpu.memory_space<hbm>>) target(%dma_start3A_3339 : memref<16x128xf32, #tpu.memory_space<vmem>>) target_semaphore(%arg14 : memref<!tpu.dma_semaphore, #tpu.memory_space<semaphore_mem>>)
        %slice3A_3342 = vector.extract_strided_slice %get3A_2995 {offsets = [4], sizes = [1], strides = [1]} : vector<16xi32> to vector<1xi32>
        %squeeze3A_3343 = vector.extract %slice3A_3342[0] : i32 from vector<1xi32>
        %jit3A_3344 = arith.constant 128 : i32
        %div3A_3345 = arith.divsi %squeeze3A_3343, %jit3A_3344 : i32
        %sign3A_3346 = arith.constant 0 : i32
        %sign3A_3347 = arith.cmpi sgt, %squeeze3A_3343, %sign3A_3346 : i32
        %sign3A_3348 = arith.extui %sign3A_3347 : i1 to i32
        %sign3A_3349 = arith.constant 0 : i32
        %sign3A_3350 = arith.cmpi slt, %squeeze3A_3343, %sign3A_3349 : i32
        %sign3A_3351 = arith.extui %sign3A_3350 : i1 to i32
        %sign3A_3352 = arith.subi %sign3A_3348, %sign3A_3351 : i32
        %sign3A_3353 = arith.constant 0 : i32
        %sign3A_3354 = arith.cmpi sgt, %jit3A_3344, %sign3A_3353 : i32
        %sign3A_3355 = arith.extui %sign3A_3354 : i1 to i32
        %sign3A_3356 = arith.constant 0 : i32
        %sign3A_3357 = arith.cmpi slt, %jit3A_3344, %sign3A_3356 : i32
        %sign3A_3358 = arith.extui %sign3A_3357 : i1 to i32
        %sign3A_3359 = arith.subi %sign3A_3355, %sign3A_3358 : i32
        %ne3A_3360 = arith.cmpi ne, %sign3A_3352, %sign3A_3359 : i32
        %rem3A_3361 = arith.remsi %squeeze3A_3343, %jit3A_3344 : i32
        %ne3A_3362 = arith.constant 0 : i32
        %ne3A_3363 = arith.cmpi ne, %rem3A_3361, %ne3A_3362 : i32
        %and3A_3364 = arith.andi %ne3A_3360, %ne3A_3363 : i1
        %sub3A_3365 = arith.constant 1 : i32
        %sub3A_3366 = arith.subi %div3A_3345, %sub3A_3365 : i32
        %select_n3A_3367 = arith.select %and3A_3364, %sub3A_3366, %div3A_3345 : i32
        %mul3A_3368 = arith.constant 128 : i32
        %mul3A_3369 = arith.muli %select_n3A_3367, %mul3A_3368 : i32
        %multiple_of3A_3370 = tpu.assume_multiple %mul3A_3369, 128 : i32
        %slice3A_3371 = vector.extract_strided_slice %get3A_2997 {offsets = [4], sizes = [1], strides = [1]} : vector<16xi32> to vector<1xi32>
        %squeeze3A_3372 = vector.extract %slice3A_3371[0] : i32 from vector<1xi32>
        %jit3A_3373 = arith.constant 128 : i32
        %div3A_3374 = arith.divsi %squeeze3A_3372, %jit3A_3373 : i32
        %sign3A_3375 = arith.constant 0 : i32
        %sign3A_3376 = arith.cmpi sgt, %squeeze3A_3372, %sign3A_3375 : i32
        %sign3A_3377 = arith.extui %sign3A_3376 : i1 to i32
        %sign3A_3378 = arith.constant 0 : i32
        %sign3A_3379 = arith.cmpi slt, %squeeze3A_3372, %sign3A_3378 : i32
        %sign3A_3380 = arith.extui %sign3A_3379 : i1 to i32
        %sign3A_3381 = arith.subi %sign3A_3377, %sign3A_3380 : i32
        %sign3A_3382 = arith.constant 0 : i32
        %sign3A_3383 = arith.cmpi sgt, %jit3A_3373, %sign3A_3382 : i32
        %sign3A_3384 = arith.extui %sign3A_3383 : i1 to i32
        %sign3A_3385 = arith.constant 0 : i32
        %sign3A_3386 = arith.cmpi slt, %jit3A_3373, %sign3A_3385 : i32
        %sign3A_3387 = arith.extui %sign3A_3386 : i1 to i32
        %sign3A_3388 = arith.subi %sign3A_3384, %sign3A_3387 : i32
        %ne3A_3389 = arith.cmpi ne, %sign3A_3381, %sign3A_3388 : i32
        %rem3A_3390 = arith.remsi %squeeze3A_3372, %jit3A_3373 : i32
        %ne3A_3391 = arith.constant 0 : i32
        %ne3A_3392 = arith.cmpi ne, %rem3A_3390, %ne3A_3391 : i32
        %and3A_3393 = arith.andi %ne3A_3389, %ne3A_3392 : i1
        %sub3A_3394 = arith.constant 1 : i32
        %sub3A_3395 = arith.subi %div3A_3374, %sub3A_3394 : i32
        %select_n3A_3396 = arith.select %and3A_3393, %sub3A_3395, %div3A_3374 : i32
        %mul3A_3397 = arith.constant 128 : i32
        %mul3A_3398 = arith.muli %select_n3A_3396, %mul3A_3397 : i32
        %multiple_of3A_3399 = tpu.assume_multiple %mul3A_3398, 128 : i32
        %dma_start3A_3400 = arith.constant 0 : i32
        %dma_start3A_3401 = arith.constant 4 : i32
        %dma_start3A_3402 = arith.constant 0 : i32
        %dma_start3A_3403 = arith.constant 0 : i32
        %dma_start3A_3404 = tpu.memref_slice %arg9[%dma_start3A_3400, %dma_start3A_3401, %dma_start3A_3402, %dma_start3A_3403] : memref<2x8x16x128xf32, #tpu.memory_space<vmem>> -> memref<1x1x16x128xf32, #tpu.memory_space<vmem>>
        %dma_start3A_3405 = tpu.memref_squeeze %dma_start3A_3404 : memref<1x1x16x128xf32, #tpu.memory_space<vmem>> -> memref<16x128xf32, #tpu.memory_space<vmem>>
        %dma_start3A_3406 = arith.constant 0 : i32
        %dma_start3A_3407 = tpu.memref_slice %arg4[%dma_start3A_3406, %multiple_of3A_3370] : memref<16x1000000xf32, #tpu.memory_space<hbm>> -> memref<16x128xf32, #tpu.memory_space<hbm>>
        %dma_start3A_3408 = arith.constant 0 : i32
        %dma_start3A_3409 = arith.constant 0 : i32
        %dma_start3A_3410 = tpu.memref_slice %arg9[%dma_start3A_3400, %dma_start3A_3401, %dma_start3A_3408, %dma_start3A_3409] : memref<2x8x16x128xf32, #tpu.memory_space<vmem>> -> memref<1x1x16x128xf32, #tpu.memory_space<vmem>>
        %dma_start3A_3411 = tpu.memref_squeeze %dma_start3A_3410 : memref<1x1x16x128xf32, #tpu.memory_space<vmem>> -> memref<16x128xf32, #tpu.memory_space<vmem>>
        %dma_start3A_3412 = arith.constant 0 : i32
        %dma_start3A_3413 = tpu.memref_slice %arg4[%dma_start3A_3412, %multiple_of3A_3370] : memref<16x1000000xf32, #tpu.memory_space<hbm>> -> memref<16x128xf32, #tpu.memory_space<hbm>>
        tpu.enqueue_dma source(%dma_start3A_3413 : memref<16x128xf32, #tpu.memory_space<hbm>>) target(%dma_start3A_3411 : memref<16x128xf32, #tpu.memory_space<vmem>>) target_semaphore(%arg14 : memref<!tpu.dma_semaphore, #tpu.memory_space<semaphore_mem>>)
        %dma_start3A_3414 = arith.constant 0 : i32
        %dma_start3A_3415 = arith.constant 4 : i32
        %dma_start3A_3416 = arith.constant 0 : i32
        %dma_start3A_3417 = arith.constant 0 : i32
        %dma_start3A_3418 = tpu.memref_slice %arg10[%dma_start3A_3414, %dma_start3A_3415, %dma_start3A_3416, %dma_start3A_3417] : memref<2x8x16x128xf32, #tpu.memory_space<vmem>> -> memref<1x1x16x128xf32, #tpu.memory_space<vmem>>
        %dma_start3A_3419 = tpu.memref_squeeze %dma_start3A_3418 : memref<1x1x16x128xf32, #tpu.memory_space<vmem>> -> memref<16x128xf32, #tpu.memory_space<vmem>>
        %dma_start3A_3420 = arith.constant 0 : i32
        %dma_start3A_3421 = tpu.memref_slice %arg5[%dma_start3A_3420, %multiple_of3A_3399] : memref<16x1000000xf32, #tpu.memory_space<hbm>> -> memref<16x128xf32, #tpu.memory_space<hbm>>
        %dma_start3A_3422 = arith.constant 0 : i32
        %dma_start3A_3423 = arith.constant 0 : i32
        %dma_start3A_3424 = tpu.memref_slice %arg10[%dma_start3A_3414, %dma_start3A_3415, %dma_start3A_3422, %dma_start3A_3423] : memref<2x8x16x128xf32, #tpu.memory_space<vmem>> -> memref<1x1x16x128xf32, #tpu.memory_space<vmem>>
        %dma_start3A_3425 = tpu.memref_squeeze %dma_start3A_3424 : memref<1x1x16x128xf32, #tpu.memory_space<vmem>> -> memref<16x128xf32, #tpu.memory_space<vmem>>
        %dma_start3A_3426 = arith.constant 0 : i32
        %dma_start3A_3427 = tpu.memref_slice %arg5[%dma_start3A_3426, %multiple_of3A_3399] : memref<16x1000000xf32, #tpu.memory_space<hbm>> -> memref<16x128xf32, #tpu.memory_space<hbm>>
        tpu.enqueue_dma source(%dma_start3A_3427 : memref<16x128xf32, #tpu.memory_space<hbm>>) target(%dma_start3A_3425 : memref<16x128xf32, #tpu.memory_space<vmem>>) target_semaphore(%arg14 : memref<!tpu.dma_semaphore, #tpu.memory_space<semaphore_mem>>)
        %slice3A_3428 = vector.extract_strided_slice %get3A_2995 {offsets = [5], sizes = [1], strides = [1]} : vector<16xi32> to vector<1xi32>
        %squeeze3A_3429 = vector.extract %slice3A_3428[0] : i32 from vector<1xi32>
        %jit3A_3430 = arith.constant 128 : i32
        %div3A_3431 = arith.divsi %squeeze3A_3429, %jit3A_3430 : i32
        %sign3A_3432 = arith.constant 0 : i32
        %sign3A_3433 = arith.cmpi sgt, %squeeze3A_3429, %sign3A_3432 : i32
        %sign3A_3434 = arith.extui %sign3A_3433 : i1 to i32
        %sign3A_3435 = arith.constant 0 : i32
        %sign3A_3436 = arith.cmpi slt, %squeeze3A_3429, %sign3A_3435 : i32
        %sign3A_3437 = arith.extui %sign3A_3436 : i1 to i32
        %sign3A_3438 = arith.subi %sign3A_3434, %sign3A_3437 : i32
        %sign3A_3439 = arith.constant 0 : i32
        %sign3A_3440 = arith.cmpi sgt, %jit3A_3430, %sign3A_3439 : i32
        %sign3A_3441 = arith.extui %sign3A_3440 : i1 to i32
        %sign3A_3442 = arith.constant 0 : i32
        %sign3A_3443 = arith.cmpi slt, %jit3A_3430, %sign3A_3442 : i32
        %sign3A_3444 = arith.extui %sign3A_3443 : i1 to i32
        %sign3A_3445 = arith.subi %sign3A_3441, %sign3A_3444 : i32
        %ne3A_3446 = arith.cmpi ne, %sign3A_3438, %sign3A_3445 : i32
        %rem3A_3447 = arith.remsi %squeeze3A_3429, %jit3A_3430 : i32
        %ne3A_3448 = arith.constant 0 : i32
        %ne3A_3449 = arith.cmpi ne, %rem3A_3447, %ne3A_3448 : i32
        %and3A_3450 = arith.andi %ne3A_3446, %ne3A_3449 : i1
        %sub3A_3451 = arith.constant 1 : i32
        %sub3A_3452 = arith.subi %div3A_3431, %sub3A_3451 : i32
        %select_n3A_3453 = arith.select %and3A_3450, %sub3A_3452, %div3A_3431 : i32
        %mul3A_3454 = arith.constant 128 : i32
        %mul3A_3455 = arith.muli %select_n3A_3453, %mul3A_3454 : i32
        %multiple_of3A_3456 = tpu.assume_multiple %mul3A_3455, 128 : i32
        %slice3A_3457 = vector.extract_strided_slice %get3A_2997 {offsets = [5], sizes = [1], strides = [1]} : vector<16xi32> to vector<1xi32>
        %squeeze3A_3458 = vector.extract %slice3A_3457[0] : i32 from vector<1xi32>
        %jit3A_3459 = arith.constant 128 : i32
        %div3A_3460 = arith.divsi %squeeze3A_3458, %jit3A_3459 : i32
        %sign3A_3461 = arith.constant 0 : i32
        %sign3A_3462 = arith.cmpi sgt, %squeeze3A_3458, %sign3A_3461 : i32
        %sign3A_3463 = arith.extui %sign3A_3462 : i1 to i32
        %sign3A_3464 = arith.constant 0 : i32
        %sign3A_3465 = arith.cmpi slt, %squeeze3A_3458, %sign3A_3464 : i32
        %sign3A_3466 = arith.extui %sign3A_3465 : i1 to i32
        %sign3A_3467 = arith.subi %sign3A_3463, %sign3A_3466 : i32
        %sign3A_3468 = arith.constant 0 : i32
        %sign3A_3469 = arith.cmpi sgt, %jit3A_3459, %sign3A_3468 : i32
        %sign3A_3470 = arith.extui %sign3A_3469 : i1 to i32
        %sign3A_3471 = arith.constant 0 : i32
        %sign3A_3472 = arith.cmpi slt, %jit3A_3459, %sign3A_3471 : i32
        %sign3A_3473 = arith.extui %sign3A_3472 : i1 to i32
        %sign3A_3474 = arith.subi %sign3A_3470, %sign3A_3473 : i32
        %ne3A_3475 = arith.cmpi ne, %sign3A_3467, %sign3A_3474 : i32
        %rem3A_3476 = arith.remsi %squeeze3A_3458, %jit3A_3459 : i32
        %ne3A_3477 = arith.constant 0 : i32
        %ne3A_3478 = arith.cmpi ne, %rem3A_3476, %ne3A_3477 : i32
        %and3A_3479 = arith.andi %ne3A_3475, %ne3A_3478 : i1
        %sub3A_3480 = arith.constant 1 : i32
        %sub3A_3481 = arith.subi %div3A_3460, %sub3A_3480 : i32
        %select_n3A_3482 = arith.select %and3A_3479, %sub3A_3481, %div3A_3460 : i32
        %mul3A_3483 = arith.constant 128 : i32
        %mul3A_3484 = arith.muli %select_n3A_3482, %mul3A_3483 : i32
        %multiple_of3A_3485 = tpu.assume_multiple %mul3A_3484, 128 : i32
        %dma_start3A_3486 = arith.constant 0 : i32
        %dma_start3A_3487 = arith.constant 5 : i32
        %dma_start3A_3488 = arith.constant 0 : i32
        %dma_start3A_3489 = arith.constant 0 : i32
        %dma_start3A_3490 = tpu.memref_slice %arg9[%dma_start3A_3486, %dma_start3A_3487, %dma_start3A_3488, %dma_start3A_3489] : memref<2x8x16x128xf32, #tpu.memory_space<vmem>> -> memref<1x1x16x128xf32, #tpu.memory_space<vmem>>
        %dma_start3A_3491 = tpu.memref_squeeze %dma_start3A_3490 : memref<1x1x16x128xf32, #tpu.memory_space<vmem>> -> memref<16x128xf32, #tpu.memory_space<vmem>>
        %dma_start3A_3492 = arith.constant 0 : i32
        %dma_start3A_3493 = tpu.memref_slice %arg4[%dma_start3A_3492, %multiple_of3A_3456] : memref<16x1000000xf32, #tpu.memory_space<hbm>> -> memref<16x128xf32, #tpu.memory_space<hbm>>
        %dma_start3A_3494 = arith.constant 0 : i32
        %dma_start3A_3495 = arith.constant 0 : i32
        %dma_start3A_3496 = tpu.memref_slice %arg9[%dma_start3A_3486, %dma_start3A_3487, %dma_start3A_3494, %dma_start3A_3495] : memref<2x8x16x128xf32, #tpu.memory_space<vmem>> -> memref<1x1x16x128xf32, #tpu.memory_space<vmem>>
        %dma_start3A_3497 = tpu.memref_squeeze %dma_start3A_3496 : memref<1x1x16x128xf32, #tpu.memory_space<vmem>> -> memref<16x128xf32, #tpu.memory_space<vmem>>
        %dma_start3A_3498 = arith.constant 0 : i32
        %dma_start3A_3499 = tpu.memref_slice %arg4[%dma_start3A_3498, %multiple_of3A_3456] : memref<16x1000000xf32, #tpu.memory_space<hbm>> -> memref<16x128xf32, #tpu.memory_space<hbm>>
        tpu.enqueue_dma source(%dma_start3A_3499 : memref<16x128xf32, #tpu.memory_space<hbm>>) target(%dma_start3A_3497 : memref<16x128xf32, #tpu.memory_space<vmem>>) target_semaphore(%arg14 : memref<!tpu.dma_semaphore, #tpu.memory_space<semaphore_mem>>)
        %dma_start3A_3500 = arith.constant 0 : i32
        %dma_start3A_3501 = arith.constant 5 : i32
        %dma_start3A_3502 = arith.constant 0 : i32
        %dma_start3A_3503 = arith.constant 0 : i32
        %dma_start3A_3504 = tpu.memref_slice %arg10[%dma_start3A_3500, %dma_start3A_3501, %dma_start3A_3502, %dma_start3A_3503] : memref<2x8x16x128xf32, #tpu.memory_space<vmem>> -> memref<1x1x16x128xf32, #tpu.memory_space<vmem>>
        %dma_start3A_3505 = tpu.memref_squeeze %dma_start3A_3504 : memref<1x1x16x128xf32, #tpu.memory_space<vmem>> -> memref<16x128xf32, #tpu.memory_space<vmem>>
        %dma_start3A_3506 = arith.constant 0 : i32
        %dma_start3A_3507 = tpu.memref_slice %arg5[%dma_start3A_3506, %multiple_of3A_3485] : memref<16x1000000xf32, #tpu.memory_space<hbm>> -> memref<16x128xf32, #tpu.memory_space<hbm>>
        %dma_start3A_3508 = arith.constant 0 : i32
        %dma_start3A_3509 = arith.constant 0 : i32
        %dma_start3A_3510 = tpu.memref_slice %arg10[%dma_start3A_3500, %dma_start3A_3501, %dma_start3A_3508, %dma_start3A_3509] : memref<2x8x16x128xf32, #tpu.memory_space<vmem>> -> memref<1x1x16x128xf32, #tpu.memory_space<vmem>>
        %dma_start3A_3511 = tpu.memref_squeeze %dma_start3A_3510 : memref<1x1x16x128xf32, #tpu.memory_space<vmem>> -> memref<16x128xf32, #tpu.memory_space<vmem>>
        %dma_start3A_3512 = arith.constant 0 : i32
        %dma_start3A_3513 = tpu.memref_slice %arg5[%dma_start3A_3512, %multiple_of3A_3485] : memref<16x1000000xf32, #tpu.memory_space<hbm>> -> memref<16x128xf32, #tpu.memory_space<hbm>>
        tpu.enqueue_dma source(%dma_start3A_3513 : memref<16x128xf32, #tpu.memory_space<hbm>>) target(%dma_start3A_3511 : memref<16x128xf32, #tpu.memory_space<vmem>>) target_semaphore(%arg14 : memref<!tpu.dma_semaphore, #tpu.memory_space<semaphore_mem>>)
        %slice3A_3514 = vector.extract_strided_slice %get3A_2995 {offsets = [6], sizes = [1], strides = [1]} : vector<16xi32> to vector<1xi32>
        %squeeze3A_3515 = vector.extract %slice3A_3514[0] : i32 from vector<1xi32>
        %jit3A_3516 = arith.constant 128 : i32
        %div3A_3517 = arith.divsi %squeeze3A_3515, %jit3A_3516 : i32
        %sign3A_3518 = arith.constant 0 : i32
        %sign3A_3519 = arith.cmpi sgt, %squeeze3A_3515, %sign3A_3518 : i32
        %sign3A_3520 = arith.extui %sign3A_3519 : i1 to i32
        %sign3A_3521 = arith.constant 0 : i32
        %sign3A_3522 = arith.cmpi slt, %squeeze3A_3515, %sign3A_3521 : i32
        %sign3A_3523 = arith.extui %sign3A_3522 : i1 to i32
        %sign3A_3524 = arith.subi %sign3A_3520, %sign3A_3523 : i32
        %sign3A_3525 = arith.constant 0 : i32
        %sign3A_3526 = arith.cmpi sgt, %jit3A_3516, %sign3A_3525 : i32
        %sign3A_3527 = arith.extui %sign3A_3526 : i1 to i32
        %sign3A_3528 = arith.constant 0 : i32
        %sign3A_3529 = arith.cmpi slt, %jit3A_3516, %sign3A_3528 : i32
        %sign3A_3530 = arith.extui %sign3A_3529 : i1 to i32
        %sign3A_3531 = arith.subi %sign3A_3527, %sign3A_3530 : i32
        %ne3A_3532 = arith.cmpi ne, %sign3A_3524, %sign3A_3531 : i32
        %rem3A_3533 = arith.remsi %squeeze3A_3515, %jit3A_3516 : i32
        %ne3A_3534 = arith.constant 0 : i32
        %ne3A_3535 = arith.cmpi ne, %rem3A_3533, %ne3A_3534 : i32
        %and3A_3536 = arith.andi %ne3A_3532, %ne3A_3535 : i1
        %sub3A_3537 = arith.constant 1 : i32
        %sub3A_3538 = arith.subi %div3A_3517, %sub3A_3537 : i32
        %select_n3A_3539 = arith.select %and3A_3536, %sub3A_3538, %div3A_3517 : i32
        %mul3A_3540 = arith.constant 128 : i32
        %mul3A_3541 = arith.muli %select_n3A_3539, %mul3A_3540 : i32
        %multiple_of3A_3542 = tpu.assume_multiple %mul3A_3541, 128 : i32
        %slice3A_3543 = vector.extract_strided_slice %get3A_2997 {offsets = [6], sizes = [1], strides = [1]} : vector<16xi32> to vector<1xi32>
        %squeeze3A_3544 = vector.extract %slice3A_3543[0] : i32 from vector<1xi32>
        %jit3A_3545 = arith.constant 128 : i32
        %div3A_3546 = arith.divsi %squeeze3A_3544, %jit3A_3545 : i32
        %sign3A_3547 = arith.constant 0 : i32
        %sign3A_3548 = arith.cmpi sgt, %squeeze3A_3544, %sign3A_3547 : i32
        %sign3A_3549 = arith.extui %sign3A_3548 : i1 to i32
        %sign3A_3550 = arith.constant 0 : i32
        %sign3A_3551 = arith.cmpi slt, %squeeze3A_3544, %sign3A_3550 : i32
        %sign3A_3552 = arith.extui %sign3A_3551 : i1 to i32
        %sign3A_3553 = arith.subi %sign3A_3549, %sign3A_3552 : i32
        %sign3A_3554 = arith.constant 0 : i32
        %sign3A_3555 = arith.cmpi sgt, %jit3A_3545, %sign3A_3554 : i32
        %sign3A_3556 = arith.extui %sign3A_3555 : i1 to i32
        %sign3A_3557 = arith.constant 0 : i32
        %sign3A_3558 = arith.cmpi slt, %jit3A_3545, %sign3A_3557 : i32
        %sign3A_3559 = arith.extui %sign3A_3558 : i1 to i32
        %sign3A_3560 = arith.subi %sign3A_3556, %sign3A_3559 : i32
        %ne3A_3561 = arith.cmpi ne, %sign3A_3553, %sign3A_3560 : i32
        %rem3A_3562 = arith.remsi %squeeze3A_3544, %jit3A_3545 : i32
        %ne3A_3563 = arith.constant 0 : i32
        %ne3A_3564 = arith.cmpi ne, %rem3A_3562, %ne3A_3563 : i32
        %and3A_3565 = arith.andi %ne3A_3561, %ne3A_3564 : i1
        %sub3A_3566 = arith.constant 1 : i32
        %sub3A_3567 = arith.subi %div3A_3546, %sub3A_3566 : i32
        %select_n3A_3568 = arith.select %and3A_3565, %sub3A_3567, %div3A_3546 : i32
        %mul3A_3569 = arith.constant 128 : i32
        %mul3A_3570 = arith.muli %select_n3A_3568, %mul3A_3569 : i32
        %multiple_of3A_3571 = tpu.assume_multiple %mul3A_3570, 128 : i32
        %dma_start3A_3572 = arith.constant 0 : i32
        %dma_start3A_3573 = arith.constant 6 : i32
        %dma_start3A_3574 = arith.constant 0 : i32
        %dma_start3A_3575 = arith.constant 0 : i32
        %dma_start3A_3576 = tpu.memref_slice %arg9[%dma_start3A_3572, %dma_start3A_3573, %dma_start3A_3574, %dma_start3A_3575] : memref<2x8x16x128xf32, #tpu.memory_space<vmem>> -> memref<1x1x16x128xf32, #tpu.memory_space<vmem>>
        %dma_start3A_3577 = tpu.memref_squeeze %dma_start3A_3576 : memref<1x1x16x128xf32, #tpu.memory_space<vmem>> -> memref<16x128xf32, #tpu.memory_space<vmem>>
        %dma_start3A_3578 = arith.constant 0 : i32
        %dma_start3A_3579 = tpu.memref_slice %arg4[%dma_start3A_3578, %multiple_of3A_3542] : memref<16x1000000xf32, #tpu.memory_space<hbm>> -> memref<16x128xf32, #tpu.memory_space<hbm>>
        %dma_start3A_3580 = arith.constant 0 : i32
        %dma_start3A_3581 = arith.constant 0 : i32
        %dma_start3A_3582 = tpu.memref_slice %arg9[%dma_start3A_3572, %dma_start3A_3573, %dma_start3A_3580, %dma_start3A_3581] : memref<2x8x16x128xf32, #tpu.memory_space<vmem>> -> memref<1x1x16x128xf32, #tpu.memory_space<vmem>>
        %dma_start3A_3583 = tpu.memref_squeeze %dma_start3A_3582 : memref<1x1x16x128xf32, #tpu.memory_space<vmem>> -> memref<16x128xf32, #tpu.memory_space<vmem>>
        %dma_start3A_3584 = arith.constant 0 : i32
        %dma_start3A_3585 = tpu.memref_slice %arg4[%dma_start3A_3584, %multiple_of3A_3542] : memref<16x1000000xf32, #tpu.memory_space<hbm>> -> memref<16x128xf32, #tpu.memory_space<hbm>>
        tpu.enqueue_dma source(%dma_start3A_3585 : memref<16x128xf32, #tpu.memory_space<hbm>>) target(%dma_start3A_3583 : memref<16x128xf32, #tpu.memory_space<vmem>>) target_semaphore(%arg14 : memref<!tpu.dma_semaphore, #tpu.memory_space<semaphore_mem>>)
        %dma_start3A_3586 = arith.constant 0 : i32
        %dma_start3A_3587 = arith.constant 6 : i32
        %dma_start3A_3588 = arith.constant 0 : i32
        %dma_start3A_3589 = arith.constant 0 : i32
        %dma_start3A_3590 = tpu.memref_slice %arg10[%dma_start3A_3586, %dma_start3A_3587, %dma_start3A_3588, %dma_start3A_3589] : memref<2x8x16x128xf32, #tpu.memory_space<vmem>> -> memref<1x1x16x128xf32, #tpu.memory_space<vmem>>
        %dma_start3A_3591 = tpu.memref_squeeze %dma_start3A_3590 : memref<1x1x16x128xf32, #tpu.memory_space<vmem>> -> memref<16x128xf32, #tpu.memory_space<vmem>>
        %dma_start3A_3592 = arith.constant 0 : i32
        %dma_start3A_3593 = tpu.memref_slice %arg5[%dma_start3A_3592, %multiple_of3A_3571] : memref<16x1000000xf32, #tpu.memory_space<hbm>> -> memref<16x128xf32, #tpu.memory_space<hbm>>
        %dma_start3A_3594 = arith.constant 0 : i32
        %dma_start3A_3595 = arith.constant 0 : i32
        %dma_start3A_3596 = tpu.memref_slice %arg10[%dma_start3A_3586, %dma_start3A_3587, %dma_start3A_3594, %dma_start3A_3595] : memref<2x8x16x128xf32, #tpu.memory_space<vmem>> -> memref<1x1x16x128xf32, #tpu.memory_space<vmem>>
        %dma_start3A_3597 = tpu.memref_squeeze %dma_start3A_3596 : memref<1x1x16x128xf32, #tpu.memory_space<vmem>> -> memref<16x128xf32, #tpu.memory_space<vmem>>
        %dma_start3A_3598 = arith.constant 0 : i32
        %dma_start3A_3599 = tpu.memref_slice %arg5[%dma_start3A_3598, %multiple_of3A_3571] : memref<16x1000000xf32, #tpu.memory_space<hbm>> -> memref<16x128xf32, #tpu.memory_space<hbm>>
        tpu.enqueue_dma source(%dma_start3A_3599 : memref<16x128xf32, #tpu.memory_space<hbm>>) target(%dma_start3A_3597 : memref<16x128xf32, #tpu.memory_space<vmem>>) target_semaphore(%arg14 : memref<!tpu.dma_semaphore, #tpu.memory_space<semaphore_mem>>)
        %slice3A_3600 = vector.extract_strided_slice %get3A_2995 {offsets = [7], sizes = [1], strides = [1]} : vector<16xi32> to vector<1xi32>
        %squeeze3A_3601 = vector.extract %slice3A_3600[0] : i32 from vector<1xi32>
        %jit3A_3602 = arith.constant 128 : i32
        %div3A_3603 = arith.divsi %squeeze3A_3601, %jit3A_3602 : i32
        %sign3A_3604 = arith.constant 0 : i32
        %sign3A_3605 = arith.cmpi sgt, %squeeze3A_3601, %sign3A_3604 : i32
        %sign3A_3606 = arith.extui %sign3A_3605 : i1 to i32
        %sign3A_3607 = arith.constant 0 : i32
        %sign3A_3608 = arith.cmpi slt, %squeeze3A_3601, %sign3A_3607 : i32
        %sign3A_3609 = arith.extui %sign3A_3608 : i1 to i32
        %sign3A_3610 = arith.subi %sign3A_3606, %sign3A_3609 : i32
        %sign3A_3611 = arith.constant 0 : i32
        %sign3A_3612 = arith.cmpi sgt, %jit3A_3602, %sign3A_3611 : i32
        %sign3A_3613 = arith.extui %sign3A_3612 : i1 to i32
        %sign3A_3614 = arith.constant 0 : i32
        %sign3A_3615 = arith.cmpi slt, %jit3A_3602, %sign3A_3614 : i32
        %sign3A_3616 = arith.extui %sign3A_3615 : i1 to i32
        %sign3A_3617 = arith.subi %sign3A_3613, %sign3A_3616 : i32
        %ne3A_3618 = arith.cmpi ne, %sign3A_3610, %sign3A_3617 : i32
        %rem3A_3619 = arith.remsi %squeeze3A_3601, %jit3A_3602 : i32
        %ne3A_3620 = arith.constant 0 : i32
        %ne3A_3621 = arith.cmpi ne, %rem3A_3619, %ne3A_3620 : i32
        %and3A_3622 = arith.andi %ne3A_3618, %ne3A_3621 : i1
        %sub3A_3623 = arith.constant 1 : i32
        %sub3A_3624 = arith.subi %div3A_3603, %sub3A_3623 : i32
        %select_n3A_3625 = arith.select %and3A_3622, %sub3A_3624, %div3A_3603 : i32
        %mul3A_3626 = arith.constant 128 : i32
        %mul3A_3627 = arith.muli %select_n3A_3625, %mul3A_3626 : i32
        %multiple_of3A_3628 = tpu.assume_multiple %mul3A_3627, 128 : i32
        %slice3A_3629 = vector.extract_strided_slice %get3A_2997 {offsets = [7], sizes = [1], strides = [1]} : vector<16xi32> to vector<1xi32>
        %squeeze3A_3630 = vector.extract %slice3A_3629[0] : i32 from vector<1xi32>
        %jit3A_3631 = arith.constant 128 : i32
        %div3A_3632 = arith.divsi %squeeze3A_3630, %jit3A_3631 : i32
        %sign3A_3633 = arith.constant 0 : i32
        %sign3A_3634 = arith.cmpi sgt, %squeeze3A_3630, %sign3A_3633 : i32
        %sign3A_3635 = arith.extui %sign3A_3634 : i1 to i32
        %sign3A_3636 = arith.constant 0 : i32
        %sign3A_3637 = arith.cmpi slt, %squeeze3A_3630, %sign3A_3636 : i32
        %sign3A_3638 = arith.extui %sign3A_3637 : i1 to i32
        %sign3A_3639 = arith.subi %sign3A_3635, %sign3A_3638 : i32
        %sign3A_3640 = arith.constant 0 : i32
        %sign3A_3641 = arith.cmpi sgt, %jit3A_3631, %sign3A_3640 : i32
        %sign3A_3642 = arith.extui %sign3A_3641 : i1 to i32
        %sign3A_3643 = arith.constant 0 : i32
        %sign3A_3644 = arith.cmpi slt, %jit3A_3631, %sign3A_3643 : i32
        %sign3A_3645 = arith.extui %sign3A_3644 : i1 to i32
        %sign3A_3646 = arith.subi %sign3A_3642, %sign3A_3645 : i32
        %ne3A_3647 = arith.cmpi ne, %sign3A_3639, %sign3A_3646 : i32
        %rem3A_3648 = arith.remsi %squeeze3A_3630, %jit3A_3631 : i32
        %ne3A_3649 = arith.constant 0 : i32
        %ne3A_3650 = arith.cmpi ne, %rem3A_3648, %ne3A_3649 : i32
        %and3A_3651 = arith.andi %ne3A_3647, %ne3A_3650 : i1
        %sub3A_3652 = arith.constant 1 : i32
        %sub3A_3653 = arith.subi %div3A_3632, %sub3A_3652 : i32
        %select_n3A_3654 = arith.select %and3A_3651, %sub3A_3653, %div3A_3632 : i32
        %mul3A_3655 = arith.constant 128 : i32
        %mul3A_3656 = arith.muli %select_n3A_3654, %mul3A_3655 : i32
        %multiple_of3A_3657 = tpu.assume_multiple %mul3A_3656, 128 : i32
        %dma_start3A_3658 = arith.constant 0 : i32
        %dma_start3A_3659 = arith.constant 7 : i32
        %dma_start3A_3660 = arith.constant 0 : i32
        %dma_start3A_3661 = arith.constant 0 : i32
        %dma_start3A_3662 = tpu.memref_slice %arg9[%dma_start3A_3658, %dma_start3A_3659, %dma_start3A_3660, %dma_start3A_3661] : memref<2x8x16x128xf32, #tpu.memory_space<vmem>> -> memref<1x1x16x128xf32, #tpu.memory_space<vmem>>
        %dma_start3A_3663 = tpu.memref_squeeze %dma_start3A_3662 : memref<1x1x16x128xf32, #tpu.memory_space<vmem>> -> memref<16x128xf32, #tpu.memory_space<vmem>>
        %dma_start3A_3664 = arith.constant 0 : i32
        %dma_start3A_3665 = tpu.memref_slice %arg4[%dma_start3A_3664, %multiple_of3A_3628] : memref<16x1000000xf32, #tpu.memory_space<hbm>> -> memref<16x128xf32, #tpu.memory_space<hbm>>
        %dma_start3A_3666 = arith.constant 0 : i32
        %dma_start3A_3667 = arith.constant 0 : i32
        %dma_start3A_3668 = tpu.memref_slice %arg9[%dma_start3A_3658, %dma_start3A_3659, %dma_start3A_3666, %dma_start3A_3667] : memref<2x8x16x128xf32, #tpu.memory_space<vmem>> -> memref<1x1x16x128xf32, #tpu.memory_space<vmem>>
        %dma_start3A_3669 = tpu.memref_squeeze %dma_start3A_3668 : memref<1x1x16x128xf32, #tpu.memory_space<vmem>> -> memref<16x128xf32, #tpu.memory_space<vmem>>
        %dma_start3A_3670 = arith.constant 0 : i32
        %dma_start3A_3671 = tpu.memref_slice %arg4[%dma_start3A_3670, %multiple_of3A_3628] : memref<16x1000000xf32, #tpu.memory_space<hbm>> -> memref<16x128xf32, #tpu.memory_space<hbm>>
        tpu.enqueue_dma source(%dma_start3A_3671 : memref<16x128xf32, #tpu.memory_space<hbm>>) target(%dma_start3A_3669 : memref<16x128xf32, #tpu.memory_space<vmem>>) target_semaphore(%arg14 : memref<!tpu.dma_semaphore, #tpu.memory_space<semaphore_mem>>)
        %dma_start3A_3672 = arith.constant 0 : i32
        %dma_start3A_3673 = arith.constant 7 : i32
        %dma_start3A_3674 = arith.constant 0 : i32
        %dma_start3A_3675 = arith.constant 0 : i32
        %dma_start3A_3676 = tpu.memref_slice %arg10[%dma_start3A_3672, %dma_start3A_3673, %dma_start3A_3674, %dma_start3A_3675] : memref<2x8x16x128xf32, #tpu.memory_space<vmem>> -> memref<1x1x16x128xf32, #tpu.memory_space<vmem>>
        %dma_start3A_3677 = tpu.memref_squeeze %dma_start3A_3676 : memref<1x1x16x128xf32, #tpu.memory_space<vmem>> -> memref<16x128xf32, #tpu.memory_space<vmem>>
        %dma_start3A_3678 = arith.constant 0 : i32
        %dma_start3A_3679 = tpu.memref_slice %arg5[%dma_start3A_3678, %multiple_of3A_3657] : memref<16x1000000xf32, #tpu.memory_space<hbm>> -> memref<16x128xf32, #tpu.memory_space<hbm>>
        %dma_start3A_3680 = arith.constant 0 : i32
        %dma_start3A_3681 = arith.constant 0 : i32
        %dma_start3A_3682 = tpu.memref_slice %arg10[%dma_start3A_3672, %dma_start3A_3673, %dma_start3A_3680, %dma_start3A_3681] : memref<2x8x16x128xf32, #tpu.memory_space<vmem>> -> memref<1x1x16x128xf32, #tpu.memory_space<vmem>>
        %dma_start3A_3683 = tpu.memref_squeeze %dma_start3A_3682 : memref<1x1x16x128xf32, #tpu.memory_space<vmem>> -> memref<16x128xf32, #tpu.memory_space<vmem>>
        %dma_start3A_3684 = arith.constant 0 : i32
        %dma_start3A_3685 = tpu.memref_slice %arg5[%dma_start3A_3684, %multiple_of3A_3657] : memref<16x1000000xf32, #tpu.memory_space<hbm>> -> memref<16x128xf32, #tpu.memory_space<hbm>>
        tpu.enqueue_dma source(%dma_start3A_3685 : memref<16x128xf32, #tpu.memory_space<hbm>>) target(%dma_start3A_3683 : memref<16x128xf32, #tpu.memory_space<vmem>>) target_semaphore(%arg14 : memref<!tpu.dma_semaphore, #tpu.memory_space<semaphore_mem>>)
      } else {
      }
      %add3A_2093 = arith.constant 8 : i32
      %add3A_2094 = arith.addi %mul3A_1385, %add3A_2093 : i32
      %dma_wait3A_2095 = arith.constant 1 : i32
      %dma_wait3A_2096 = arith.constant 0 : i32
      %dma_wait3A_2097 = arith.constant 0 : i32
      %dma_wait3A_2098 = arith.constant 0 : i32
      %dma_wait3A_2099 = tpu.memref_slice %arg9[%dma_wait3A_2095, %dma_wait3A_2096, %dma_wait3A_2097, %dma_wait3A_2098] : memref<2x8x16x128xf32, #tpu.memory_space<vmem>> -> memref<1x1x16x128xf32, #tpu.memory_space<vmem>>
      %dma_wait3A_2100 = tpu.memref_squeeze %dma_wait3A_2099 : memref<1x1x16x128xf32, #tpu.memory_space<vmem>> -> memref<16x128xf32, #tpu.memory_space<vmem>>
      %dma_wait3A_2101 = arith.constant 0 : i32
      %dma_wait3A_2102 = arith.constant 0 : i32
      %dma_wait3A_2103 = tpu.memref_slice %arg4[%dma_wait3A_2101, %dma_wait3A_2102] : memref<16x1000000xf32, #tpu.memory_space<hbm>> -> memref<16x128xf32, #tpu.memory_space<hbm>>
      %dma_wait3A_2104 = arith.constant 0 : i32
      %dma_wait3A_2105 = arith.constant 0 : i32
      %dma_wait3A_2106 = tpu.memref_slice %arg9[%dma_wait3A_2095, %dma_wait3A_2096, %dma_wait3A_2104, %dma_wait3A_2105] : memref<2x8x16x128xf32, #tpu.memory_space<vmem>> -> memref<1x1x16x128xf32, #tpu.memory_space<vmem>>
      %dma_wait3A_2107 = tpu.memref_squeeze %dma_wait3A_2106 : memref<1x1x16x128xf32, #tpu.memory_space<vmem>> -> memref<16x128xf32, #tpu.memory_space<vmem>>
      %dma_wait3A_2108 = arith.constant 0 : i32
      %dma_wait3A_2109 = arith.constant 0 : i32
      %dma_wait3A_2110 = tpu.memref_slice %arg4[%dma_wait3A_2108, %dma_wait3A_2109] : memref<16x1000000xf32, #tpu.memory_space<hbm>> -> memref<16x128xf32, #tpu.memory_space<hbm>>
      tpu.wait_dma2 semaphore(%arg15 : memref<!tpu.dma_semaphore, #tpu.memory_space<semaphore_mem>>) src(%dma_wait3A_2110 : memref<16x128xf32, #tpu.memory_space<hbm>>) dst(%dma_wait3A_2107 : memref<16x128xf32, #tpu.memory_space<vmem>>)
      %dma_wait3A_2111 = arith.constant 1 : i32
      %dma_wait3A_2112 = arith.constant 0 : i32
      %dma_wait3A_2113 = arith.constant 0 : i32
      %dma_wait3A_2114 = arith.constant 0 : i32
      %dma_wait3A_2115 = tpu.memref_slice %arg10[%dma_wait3A_2111, %dma_wait3A_2112, %dma_wait3A_2113, %dma_wait3A_2114] : memref<2x8x16x128xf32, #tpu.memory_space<vmem>> -> memref<1x1x16x128xf32, #tpu.memory_space<vmem>>
      %dma_wait3A_2116 = tpu.memref_squeeze %dma_wait3A_2115 : memref<1x1x16x128xf32, #tpu.memory_space<vmem>> -> memref<16x128xf32, #tpu.memory_space<vmem>>
      %dma_wait3A_2117 = arith.constant 0 : i32
      %dma_wait3A_2118 = arith.constant 0 : i32
      %dma_wait3A_2119 = tpu.memref_slice %arg5[%dma_wait3A_2117, %dma_wait3A_2118] : memref<16x1000000xf32, #tpu.memory_space<hbm>> -> memref<16x128xf32, #tpu.memory_space<hbm>>
      %dma_wait3A_2120 = arith.constant 0 : i32
      %dma_wait3A_2121 = arith.constant 0 : i32
      %dma_wait3A_2122 = tpu.memref_slice %arg10[%dma_wait3A_2111, %dma_wait3A_2112, %dma_wait3A_2120, %dma_wait3A_2121] : memref<2x8x16x128xf32, #tpu.memory_space<vmem>> -> memref<1x1x16x128xf32, #tpu.memory_space<vmem>>
      %dma_wait3A_2123 = tpu.memref_squeeze %dma_wait3A_2122 : memref<1x1x16x128xf32, #tpu.memory_space<vmem>> -> memref<16x128xf32, #tpu.memory_space<vmem>>
      %dma_wait3A_2124 = arith.constant 0 : i32
      %dma_wait3A_2125 = arith.constant 0 : i32
      %dma_wait3A_2126 = tpu.memref_slice %arg5[%dma_wait3A_2124, %dma_wait3A_2125] : memref<16x1000000xf32, #tpu.memory_space<hbm>> -> memref<16x128xf32, #tpu.memory_space<hbm>>
      tpu.wait_dma2 semaphore(%arg15 : memref<!tpu.dma_semaphore, #tpu.memory_space<semaphore_mem>>) src(%dma_wait3A_2126 : memref<16x128xf32, #tpu.memory_space<hbm>>) dst(%dma_wait3A_2123 : memref<16x128xf32, #tpu.memory_space<vmem>>)
      %dma_wait3A_2127 = arith.constant 1 : i32
      %dma_wait3A_2128 = arith.constant 1 : i32
      %dma_wait3A_2129 = arith.constant 0 : i32
      %dma_wait3A_2130 = arith.constant 0 : i32
      %dma_wait3A_2131 = tpu.memref_slice %arg9[%dma_wait3A_2127, %dma_wait3A_2128, %dma_wait3A_2129, %dma_wait3A_2130] : memref<2x8x16x128xf32, #tpu.memory_space<vmem>> -> memref<1x1x16x128xf32, #tpu.memory_space<vmem>>
      %dma_wait3A_2132 = tpu.memref_squeeze %dma_wait3A_2131 : memref<1x1x16x128xf32, #tpu.memory_space<vmem>> -> memref<16x128xf32, #tpu.memory_space<vmem>>
      %dma_wait3A_2133 = arith.constant 0 : i32
      %dma_wait3A_2134 = arith.constant 0 : i32
      %dma_wait3A_2135 = tpu.memref_slice %arg4[%dma_wait3A_2133, %dma_wait3A_2134] : memref<16x1000000xf32, #tpu.memory_space<hbm>> -> memref<16x128xf32, #tpu.memory_space<hbm>>
      %dma_wait3A_2136 = arith.constant 0 : i32
      %dma_wait3A_2137 = arith.constant 0 : i32
      %dma_wait3A_2138 = tpu.memref_slice %arg9[%dma_wait3A_2127, %dma_wait3A_2128, %dma_wait3A_2136, %dma_wait3A_2137] : memref<2x8x16x128xf32, #tpu.memory_space<vmem>> -> memref<1x1x16x128xf32, #tpu.memory_space<vmem>>
      %dma_wait3A_2139 = tpu.memref_squeeze %dma_wait3A_2138 : memref<1x1x16x128xf32, #tpu.memory_space<vmem>> -> memref<16x128xf32, #tpu.memory_space<vmem>>
      %dma_wait3A_2140 = arith.constant 0 : i32
      %dma_wait3A_2141 = arith.constant 0 : i32
      %dma_wait3A_2142 = tpu.memref_slice %arg4[%dma_wait3A_2140, %dma_wait3A_2141] : memref<16x1000000xf32, #tpu.memory_space<hbm>> -> memref<16x128xf32, #tpu.memory_space<hbm>>
      tpu.wait_dma2 semaphore(%arg15 : memref<!tpu.dma_semaphore, #tpu.memory_space<semaphore_mem>>) src(%dma_wait3A_2142 : memref<16x128xf32, #tpu.memory_space<hbm>>) dst(%dma_wait3A_2139 : memref<16x128xf32, #tpu.memory_space<vmem>>)
      %dma_wait3A_2143 = arith.constant 1 : i32
      %dma_wait3A_2144 = arith.constant 1 : i32
      %dma_wait3A_2145 = arith.constant 0 : i32
      %dma_wait3A_2146 = arith.constant 0 : i32
      %dma_wait3A_2147 = tpu.memref_slice %arg10[%dma_wait3A_2143, %dma_wait3A_2144, %dma_wait3A_2145, %dma_wait3A_2146] : memref<2x8x16x128xf32, #tpu.memory_space<vmem>> -> memref<1x1x16x128xf32, #tpu.memory_space<vmem>>
      %dma_wait3A_2148 = tpu.memref_squeeze %dma_wait3A_2147 : memref<1x1x16x128xf32, #tpu.memory_space<vmem>> -> memref<16x128xf32, #tpu.memory_space<vmem>>
      %dma_wait3A_2149 = arith.constant 0 : i32
      %dma_wait3A_2150 = arith.constant 0 : i32
      %dma_wait3A_2151 = tpu.memref_slice %arg5[%dma_wait3A_2149, %dma_wait3A_2150] : memref<16x1000000xf32, #tpu.memory_space<hbm>> -> memref<16x128xf32, #tpu.memory_space<hbm>>
      %dma_wait3A_2152 = arith.constant 0 : i32
      %dma_wait3A_2153 = arith.constant 0 : i32
      %dma_wait3A_2154 = tpu.memref_slice %arg10[%dma_wait3A_2143, %dma_wait3A_2144, %dma_wait3A_2152, %dma_wait3A_2153] : memref<2x8x16x128xf32, #tpu.memory_space<vmem>> -> memref<1x1x16x128xf32, #tpu.memory_space<vmem>>
      %dma_wait3A_2155 = tpu.memref_squeeze %dma_wait3A_2154 : memref<1x1x16x128xf32, #tpu.memory_space<vmem>> -> memref<16x128xf32, #tpu.memory_space<vmem>>
      %dma_wait3A_2156 = arith.constant 0 : i32
      %dma_wait3A_2157 = arith.constant 0 : i32
      %dma_wait3A_2158 = tpu.memref_slice %arg5[%dma_wait3A_2156, %dma_wait3A_2157] : memref<16x1000000xf32, #tpu.memory_space<hbm>> -> memref<16x128xf32, #tpu.memory_space<hbm>>
      tpu.wait_dma2 semaphore(%arg15 : memref<!tpu.dma_semaphore, #tpu.memory_space<semaphore_mem>>) src(%dma_wait3A_2158 : memref<16x128xf32, #tpu.memory_space<hbm>>) dst(%dma_wait3A_2155 : memref<16x128xf32, #tpu.memory_space<vmem>>)
      %dma_wait3A_2159 = arith.constant 1 : i32
      %dma_wait3A_2160 = arith.constant 2 : i32
      %dma_wait3A_2161 = arith.constant 0 : i32
      %dma_wait3A_2162 = arith.constant 0 : i32
      %dma_wait3A_2163 = tpu.memref_slice %arg9[%dma_wait3A_2159, %dma_wait3A_2160, %dma_wait3A_2161, %dma_wait3A_2162] : memref<2x8x16x128xf32, #tpu.memory_space<vmem>> -> memref<1x1x16x128xf32, #tpu.memory_space<vmem>>
      %dma_wait3A_2164 = tpu.memref_squeeze %dma_wait3A_2163 : memref<1x1x16x128xf32, #tpu.memory_space<vmem>> -> memref<16x128xf32, #tpu.memory_space<vmem>>
      %dma_wait3A_2165 = arith.constant 0 : i32
      %dma_wait3A_2166 = arith.constant 0 : i32
      %dma_wait3A_2167 = tpu.memref_slice %arg4[%dma_wait3A_2165, %dma_wait3A_2166] : memref<16x1000000xf32, #tpu.memory_space<hbm>> -> memref<16x128xf32, #tpu.memory_space<hbm>>
      %dma_wait3A_2168 = arith.constant 0 : i32
      %dma_wait3A_2169 = arith.constant 0 : i32
      %dma_wait3A_2170 = tpu.memref_slice %arg9[%dma_wait3A_2159, %dma_wait3A_2160, %dma_wait3A_2168, %dma_wait3A_2169] : memref<2x8x16x128xf32, #tpu.memory_space<vmem>> -> memref<1x1x16x128xf32, #tpu.memory_space<vmem>>
      %dma_wait3A_2171 = tpu.memref_squeeze %dma_wait3A_2170 : memref<1x1x16x128xf32, #tpu.memory_space<vmem>> -> memref<16x128xf32, #tpu.memory_space<vmem>>
      %dma_wait3A_2172 = arith.constant 0 : i32
      %dma_wait3A_2173 = arith.constant 0 : i32
      %dma_wait3A_2174 = tpu.memref_slice %arg4[%dma_wait3A_2172, %dma_wait3A_2173] : memref<16x1000000xf32, #tpu.memory_space<hbm>> -> memref<16x128xf32, #tpu.memory_space<hbm>>
      tpu.wait_dma2 semaphore(%arg15 : memref<!tpu.dma_semaphore, #tpu.memory_space<semaphore_mem>>) src(%dma_wait3A_2174 : memref<16x128xf32, #tpu.memory_space<hbm>>) dst(%dma_wait3A_2171 : memref<16x128xf32, #tpu.memory_space<vmem>>)
      %dma_wait3A_2175 = arith.constant 1 : i32
      %dma_wait3A_2176 = arith.constant 2 : i32
      %dma_wait3A_2177 = arith.constant 0 : i32
      %dma_wait3A_2178 = arith.constant 0 : i32
      %dma_wait3A_2179 = tpu.memref_slice %arg10[%dma_wait3A_2175, %dma_wait3A_2176, %dma_wait3A_2177, %dma_wait3A_2178] : memref<2x8x16x128xf32, #tpu.memory_space<vmem>> -> memref<1x1x16x128xf32, #tpu.memory_space<vmem>>
      %dma_wait3A_2180 = tpu.memref_squeeze %dma_wait3A_2179 : memref<1x1x16x128xf32, #tpu.memory_space<vmem>> -> memref<16x128xf32, #tpu.memory_space<vmem>>
      %dma_wait3A_2181 = arith.constant 0 : i32
      %dma_wait3A_2182 = arith.constant 0 : i32
      %dma_wait3A_2183 = tpu.memref_slice %arg5[%dma_wait3A_2181, %dma_wait3A_2182] : memref<16x1000000xf32, #tpu.memory_space<hbm>> -> memref<16x128xf32, #tpu.memory_space<hbm>>
      %dma_wait3A_2184 = arith.constant 0 : i32
      %dma_wait3A_2185 = arith.constant 0 : i32
      %dma_wait3A_2186 = tpu.memref_slice %arg10[%dma_wait3A_2175, %dma_wait3A_2176, %dma_wait3A_2184, %dma_wait3A_2185] : memref<2x8x16x128xf32, #tpu.memory_space<vmem>> -> memref<1x1x16x128xf32, #tpu.memory_space<vmem>>
      %dma_wait3A_2187 = tpu.memref_squeeze %dma_wait3A_2186 : memref<1x1x16x128xf32, #tpu.memory_space<vmem>> -> memref<16x128xf32, #tpu.memory_space<vmem>>
      %dma_wait3A_2188 = arith.constant 0 : i32
      %dma_wait3A_2189 = arith.constant 0 : i32
      %dma_wait3A_2190 = tpu.memref_slice %arg5[%dma_wait3A_2188, %dma_wait3A_2189] : memref<16x1000000xf32, #tpu.memory_space<hbm>> -> memref<16x128xf32, #tpu.memory_space<hbm>>
      tpu.wait_dma2 semaphore(%arg15 : memref<!tpu.dma_semaphore, #tpu.memory_space<semaphore_mem>>) src(%dma_wait3A_2190 : memref<16x128xf32, #tpu.memory_space<hbm>>) dst(%dma_wait3A_2187 : memref<16x128xf32, #tpu.memory_space<vmem>>)
      %dma_wait3A_2191 = arith.constant 1 : i32
      %dma_wait3A_2192 = arith.constant 3 : i32
      %dma_wait3A_2193 = arith.constant 0 : i32
      %dma_wait3A_2194 = arith.constant 0 : i32
      %dma_wait3A_2195 = tpu.memref_slice %arg9[%dma_wait3A_2191, %dma_wait3A_2192, %dma_wait3A_2193, %dma_wait3A_2194] : memref<2x8x16x128xf32, #tpu.memory_space<vmem>> -> memref<1x1x16x128xf32, #tpu.memory_space<vmem>>
      %dma_wait3A_2196 = tpu.memref_squeeze %dma_wait3A_2195 : memref<1x1x16x128xf32, #tpu.memory_space<vmem>> -> memref<16x128xf32, #tpu.memory_space<vmem>>
      %dma_wait3A_2197 = arith.constant 0 : i32
      %dma_wait3A_2198 = arith.constant 0 : i32
      %dma_wait3A_2199 = tpu.memref_slice %arg4[%dma_wait3A_2197, %dma_wait3A_2198] : memref<16x1000000xf32, #tpu.memory_space<hbm>> -> memref<16x128xf32, #tpu.memory_space<hbm>>
      %dma_wait3A_2200 = arith.constant 0 : i32
      %dma_wait3A_2201 = arith.constant 0 : i32
      %dma_wait3A_2202 = tpu.memref_slice %arg9[%dma_wait3A_2191, %dma_wait3A_2192, %dma_wait3A_2200, %dma_wait3A_2201] : memref<2x8x16x128xf32, #tpu.memory_space<vmem>> -> memref<1x1x16x128xf32, #tpu.memory_space<vmem>>
      %dma_wait3A_2203 = tpu.memref_squeeze %dma_wait3A_2202 : memref<1x1x16x128xf32, #tpu.memory_space<vmem>> -> memref<16x128xf32, #tpu.memory_space<vmem>>
      %dma_wait3A_2204 = arith.constant 0 : i32
      %dma_wait3A_2205 = arith.constant 0 : i32
      %dma_wait3A_2206 = tpu.memref_slice %arg4[%dma_wait3A_2204, %dma_wait3A_2205] : memref<16x1000000xf32, #tpu.memory_space<hbm>> -> memref<16x128xf32, #tpu.memory_space<hbm>>
      tpu.wait_dma2 semaphore(%arg15 : memref<!tpu.dma_semaphore, #tpu.memory_space<semaphore_mem>>) src(%dma_wait3A_2206 : memref<16x128xf32, #tpu.memory_space<hbm>>) dst(%dma_wait3A_2203 : memref<16x128xf32, #tpu.memory_space<vmem>>)
      %dma_wait3A_2207 = arith.constant 1 : i32
      %dma_wait3A_2208 = arith.constant 3 : i32
      %dma_wait3A_2209 = arith.constant 0 : i32
      %dma_wait3A_2210 = arith.constant 0 : i32
      %dma_wait3A_2211 = tpu.memref_slice %arg10[%dma_wait3A_2207, %dma_wait3A_2208, %dma_wait3A_2209, %dma_wait3A_2210] : memref<2x8x16x128xf32, #tpu.memory_space<vmem>> -> memref<1x1x16x128xf32, #tpu.memory_space<vmem>>
      %dma_wait3A_2212 = tpu.memref_squeeze %dma_wait3A_2211 : memref<1x1x16x128xf32, #tpu.memory_space<vmem>> -> memref<16x128xf32, #tpu.memory_space<vmem>>
      %dma_wait3A_2213 = arith.constant 0 : i32
      %dma_wait3A_2214 = arith.constant 0 : i32
      %dma_wait3A_2215 = tpu.memref_slice %arg5[%dma_wait3A_2213, %dma_wait3A_2214] : memref<16x1000000xf32, #tpu.memory_space<hbm>> -> memref<16x128xf32, #tpu.memory_space<hbm>>
      %dma_wait3A_2216 = arith.constant 0 : i32
      %dma_wait3A_2217 = arith.constant 0 : i32
      %dma_wait3A_2218 = tpu.memref_slice %arg10[%dma_wait3A_2207, %dma_wait3A_2208, %dma_wait3A_2216, %dma_wait3A_2217] : memref<2x8x16x128xf32, #tpu.memory_space<vmem>> -> memref<1x1x16x128xf32, #tpu.memory_space<vmem>>
      %dma_wait3A_2219 = tpu.memref_squeeze %dma_wait3A_2218 : memref<1x1x16x128xf32, #tpu.memory_space<vmem>> -> memref<16x128xf32, #tpu.memory_space<vmem>>
      %dma_wait3A_2220 = arith.constant 0 : i32
      %dma_wait3A_2221 = arith.constant 0 : i32
      %dma_wait3A_2222 = tpu.memref_slice %arg5[%dma_wait3A_2220, %dma_wait3A_2221] : memref<16x1000000xf32, #tpu.memory_space<hbm>> -> memref<16x128xf32, #tpu.memory_space<hbm>>
      tpu.wait_dma2 semaphore(%arg15 : memref<!tpu.dma_semaphore, #tpu.memory_space<semaphore_mem>>) src(%dma_wait3A_2222 : memref<16x128xf32, #tpu.memory_space<hbm>>) dst(%dma_wait3A_2219 : memref<16x128xf32, #tpu.memory_space<vmem>>)
      %dma_wait3A_2223 = arith.constant 1 : i32
      %dma_wait3A_2224 = arith.constant 4 : i32
      %dma_wait3A_2225 = arith.constant 0 : i32
      %dma_wait3A_2226 = arith.constant 0 : i32
      %dma_wait3A_2227 = tpu.memref_slice %arg9[%dma_wait3A_2223, %dma_wait3A_2224, %dma_wait3A_2225, %dma_wait3A_2226] : memref<2x8x16x128xf32, #tpu.memory_space<vmem>> -> memref<1x1x16x128xf32, #tpu.memory_space<vmem>>
      %dma_wait3A_2228 = tpu.memref_squeeze %dma_wait3A_2227 : memref<1x1x16x128xf32, #tpu.memory_space<vmem>> -> memref<16x128xf32, #tpu.memory_space<vmem>>
      %dma_wait3A_2229 = arith.constant 0 : i32
      %dma_wait3A_2230 = arith.constant 0 : i32
      %dma_wait3A_2231 = tpu.memref_slice %arg4[%dma_wait3A_2229, %dma_wait3A_2230] : memref<16x1000000xf32, #tpu.memory_space<hbm>> -> memref<16x128xf32, #tpu.memory_space<hbm>>
      %dma_wait3A_2232 = arith.constant 0 : i32
      %dma_wait3A_2233 = arith.constant 0 : i32
      %dma_wait3A_2234 = tpu.memref_slice %arg9[%dma_wait3A_2223, %dma_wait3A_2224, %dma_wait3A_2232, %dma_wait3A_2233] : memref<2x8x16x128xf32, #tpu.memory_space<vmem>> -> memref<1x1x16x128xf32, #tpu.memory_space<vmem>>
      %dma_wait3A_2235 = tpu.memref_squeeze %dma_wait3A_2234 : memref<1x1x16x128xf32, #tpu.memory_space<vmem>> -> memref<16x128xf32, #tpu.memory_space<vmem>>
      %dma_wait3A_2236 = arith.constant 0 : i32
      %dma_wait3A_2237 = arith.constant 0 : i32
      %dma_wait3A_2238 = tpu.memref_slice %arg4[%dma_wait3A_2236, %dma_wait3A_2237] : memref<16x1000000xf32, #tpu.memory_space<hbm>> -> memref<16x128xf32, #tpu.memory_space<hbm>>
      tpu.wait_dma2 semaphore(%arg15 : memref<!tpu.dma_semaphore, #tpu.memory_space<semaphore_mem>>) src(%dma_wait3A_2238 : memref<16x128xf32, #tpu.memory_space<hbm>>) dst(%dma_wait3A_2235 : memref<16x128xf32, #tpu.memory_space<vmem>>)
      %dma_wait3A_2239 = arith.constant 1 : i32
      %dma_wait3A_2240 = arith.constant 4 : i32
      %dma_wait3A_2241 = arith.constant 0 : i32
      %dma_wait3A_2242 = arith.constant 0 : i32
      %dma_wait3A_2243 = tpu.memref_slice %arg10[%dma_wait3A_2239, %dma_wait3A_2240, %dma_wait3A_2241, %dma_wait3A_2242] : memref<2x8x16x128xf32, #tpu.memory_space<vmem>> -> memref<1x1x16x128xf32, #tpu.memory_space<vmem>>
      %dma_wait3A_2244 = tpu.memref_squeeze %dma_wait3A_2243 : memref<1x1x16x128xf32, #tpu.memory_space<vmem>> -> memref<16x128xf32, #tpu.memory_space<vmem>>
      %dma_wait3A_2245 = arith.constant 0 : i32
      %dma_wait3A_2246 = arith.constant 0 : i32
      %dma_wait3A_2247 = tpu.memref_slice %arg5[%dma_wait3A_2245, %dma_wait3A_2246] : memref<16x1000000xf32, #tpu.memory_space<hbm>> -> memref<16x128xf32, #tpu.memory_space<hbm>>
      %dma_wait3A_2248 = arith.constant 0 : i32
      %dma_wait3A_2249 = arith.constant 0 : i32
      %dma_wait3A_2250 = tpu.memref_slice %arg10[%dma_wait3A_2239, %dma_wait3A_2240, %dma_wait3A_2248, %dma_wait3A_2249] : memref<2x8x16x128xf32, #tpu.memory_space<vmem>> -> memref<1x1x16x128xf32, #tpu.memory_space<vmem>>
      %dma_wait3A_2251 = tpu.memref_squeeze %dma_wait3A_2250 : memref<1x1x16x128xf32, #tpu.memory_space<vmem>> -> memref<16x128xf32, #tpu.memory_space<vmem>>
      %dma_wait3A_2252 = arith.constant 0 : i32
      %dma_wait3A_2253 = arith.constant 0 : i32
      %dma_wait3A_2254 = tpu.memref_slice %arg5[%dma_wait3A_2252, %dma_wait3A_2253] : memref<16x1000000xf32, #tpu.memory_space<hbm>> -> memref<16x128xf32, #tpu.memory_space<hbm>>
      tpu.wait_dma2 semaphore(%arg15 : memref<!tpu.dma_semaphore, #tpu.memory_space<semaphore_mem>>) src(%dma_wait3A_2254 : memref<16x128xf32, #tpu.memory_space<hbm>>) dst(%dma_wait3A_2251 : memref<16x128xf32, #tpu.memory_space<vmem>>)
      %dma_wait3A_2255 = arith.constant 1 : i32
      %dma_wait3A_2256 = arith.constant 5 : i32
      %dma_wait3A_2257 = arith.constant 0 : i32
      %dma_wait3A_2258 = arith.constant 0 : i32
      %dma_wait3A_2259 = tpu.memref_slice %arg9[%dma_wait3A_2255, %dma_wait3A_2256, %dma_wait3A_2257, %dma_wait3A_2258] : memref<2x8x16x128xf32, #tpu.memory_space<vmem>> -> memref<1x1x16x128xf32, #tpu.memory_space<vmem>>
      %dma_wait3A_2260 = tpu.memref_squeeze %dma_wait3A_2259 : memref<1x1x16x128xf32, #tpu.memory_space<vmem>> -> memref<16x128xf32, #tpu.memory_space<vmem>>
      %dma_wait3A_2261 = arith.constant 0 : i32
      %dma_wait3A_2262 = arith.constant 0 : i32
      %dma_wait3A_2263 = tpu.memref_slice %arg4[%dma_wait3A_2261, %dma_wait3A_2262] : memref<16x1000000xf32, #tpu.memory_space<hbm>> -> memref<16x128xf32, #tpu.memory_space<hbm>>
      %dma_wait3A_2264 = arith.constant 0 : i32
      %dma_wait3A_2265 = arith.constant 0 : i32
      %dma_wait3A_2266 = tpu.memref_slice %arg9[%dma_wait3A_2255, %dma_wait3A_2256, %dma_wait3A_2264, %dma_wait3A_2265] : memref<2x8x16x128xf32, #tpu.memory_space<vmem>> -> memref<1x1x16x128xf32, #tpu.memory_space<vmem>>
      %dma_wait3A_2267 = tpu.memref_squeeze %dma_wait3A_2266 : memref<1x1x16x128xf32, #tpu.memory_space<vmem>> -> memref<16x128xf32, #tpu.memory_space<vmem>>
      %dma_wait3A_2268 = arith.constant 0 : i32
      %dma_wait3A_2269 = arith.constant 0 : i32
      %dma_wait3A_2270 = tpu.memref_slice %arg4[%dma_wait3A_2268, %dma_wait3A_2269] : memref<16x1000000xf32, #tpu.memory_space<hbm>> -> memref<16x128xf32, #tpu.memory_space<hbm>>
      tpu.wait_dma2 semaphore(%arg15 : memref<!tpu.dma_semaphore, #tpu.memory_space<semaphore_mem>>) src(%dma_wait3A_2270 : memref<16x128xf32, #tpu.memory_space<hbm>>) dst(%dma_wait3A_2267 : memref<16x128xf32, #tpu.memory_space<vmem>>)
      %dma_wait3A_2271 = arith.constant 1 : i32
      %dma_wait3A_2272 = arith.constant 5 : i32
      %dma_wait3A_2273 = arith.constant 0 : i32
      %dma_wait3A_2274 = arith.constant 0 : i32
      %dma_wait3A_2275 = tpu.memref_slice %arg10[%dma_wait3A_2271, %dma_wait3A_2272, %dma_wait3A_2273, %dma_wait3A_2274] : memref<2x8x16x128xf32, #tpu.memory_space<vmem>> -> memref<1x1x16x128xf32, #tpu.memory_space<vmem>>
      %dma_wait3A_2276 = tpu.memref_squeeze %dma_wait3A_2275 : memref<1x1x16x128xf32, #tpu.memory_space<vmem>> -> memref<16x128xf32, #tpu.memory_space<vmem>>
      %dma_wait3A_2277 = arith.constant 0 : i32
      %dma_wait3A_2278 = arith.constant 0 : i32
      %dma_wait3A_2279 = tpu.memref_slice %arg5[%dma_wait3A_2277, %dma_wait3A_2278] : memref<16x1000000xf32, #tpu.memory_space<hbm>> -> memref<16x128xf32, #tpu.memory_space<hbm>>
      %dma_wait3A_2280 = arith.constant 0 : i32
      %dma_wait3A_2281 = arith.constant 0 : i32
      %dma_wait3A_2282 = tpu.memref_slice %arg10[%dma_wait3A_2271, %dma_wait3A_2272, %dma_wait3A_2280, %dma_wait3A_2281] : memref<2x8x16x128xf32, #tpu.memory_space<vmem>> -> memref<1x1x16x128xf32, #tpu.memory_space<vmem>>
      %dma_wait3A_2283 = tpu.memref_squeeze %dma_wait3A_2282 : memref<1x1x16x128xf32, #tpu.memory_space<vmem>> -> memref<16x128xf32, #tpu.memory_space<vmem>>
      %dma_wait3A_2284 = arith.constant 0 : i32
      %dma_wait3A_2285 = arith.constant 0 : i32
      %dma_wait3A_2286 = tpu.memref_slice %arg5[%dma_wait3A_2284, %dma_wait3A_2285] : memref<16x1000000xf32, #tpu.memory_space<hbm>> -> memref<16x128xf32, #tpu.memory_space<hbm>>
      tpu.wait_dma2 semaphore(%arg15 : memref<!tpu.dma_semaphore, #tpu.memory_space<semaphore_mem>>) src(%dma_wait3A_2286 : memref<16x128xf32, #tpu.memory_space<hbm>>) dst(%dma_wait3A_2283 : memref<16x128xf32, #tpu.memory_space<vmem>>)
      %dma_wait3A_2287 = arith.constant 1 : i32
      %dma_wait3A_2288 = arith.constant 6 : i32
      %dma_wait3A_2289 = arith.constant 0 : i32
      %dma_wait3A_2290 = arith.constant 0 : i32
      %dma_wait3A_2291 = tpu.memref_slice %arg9[%dma_wait3A_2287, %dma_wait3A_2288, %dma_wait3A_2289, %dma_wait3A_2290] : memref<2x8x16x128xf32, #tpu.memory_space<vmem>> -> memref<1x1x16x128xf32, #tpu.memory_space<vmem>>
      %dma_wait3A_2292 = tpu.memref_squeeze %dma_wait3A_2291 : memref<1x1x16x128xf32, #tpu.memory_space<vmem>> -> memref<16x128xf32, #tpu.memory_space<vmem>>
      %dma_wait3A_2293 = arith.constant 0 : i32
      %dma_wait3A_2294 = arith.constant 0 : i32
      %dma_wait3A_2295 = tpu.memref_slice %arg4[%dma_wait3A_2293, %dma_wait3A_2294] : memref<16x1000000xf32, #tpu.memory_space<hbm>> -> memref<16x128xf32, #tpu.memory_space<hbm>>
      %dma_wait3A_2296 = arith.constant 0 : i32
      %dma_wait3A_2297 = arith.constant 0 : i32
      %dma_wait3A_2298 = tpu.memref_slice %arg9[%dma_wait3A_2287, %dma_wait3A_2288, %dma_wait3A_2296, %dma_wait3A_2297] : memref<2x8x16x128xf32, #tpu.memory_space<vmem>> -> memref<1x1x16x128xf32, #tpu.memory_space<vmem>>
      %dma_wait3A_2299 = tpu.memref_squeeze %dma_wait3A_2298 : memref<1x1x16x128xf32, #tpu.memory_space<vmem>> -> memref<16x128xf32, #tpu.memory_space<vmem>>
      %dma_wait3A_2300 = arith.constant 0 : i32
      %dma_wait3A_2301 = arith.constant 0 : i32
      %dma_wait3A_2302 = tpu.memref_slice %arg4[%dma_wait3A_2300, %dma_wait3A_2301] : memref<16x1000000xf32, #tpu.memory_space<hbm>> -> memref<16x128xf32, #tpu.memory_space<hbm>>
      tpu.wait_dma2 semaphore(%arg15 : memref<!tpu.dma_semaphore, #tpu.memory_space<semaphore_mem>>) src(%dma_wait3A_2302 : memref<16x128xf32, #tpu.memory_space<hbm>>) dst(%dma_wait3A_2299 : memref<16x128xf32, #tpu.memory_space<vmem>>)
      %dma_wait3A_2303 = arith.constant 1 : i32
      %dma_wait3A_2304 = arith.constant 6 : i32
      %dma_wait3A_2305 = arith.constant 0 : i32
      %dma_wait3A_2306 = arith.constant 0 : i32
      %dma_wait3A_2307 = tpu.memref_slice %arg10[%dma_wait3A_2303, %dma_wait3A_2304, %dma_wait3A_2305, %dma_wait3A_2306] : memref<2x8x16x128xf32, #tpu.memory_space<vmem>> -> memref<1x1x16x128xf32, #tpu.memory_space<vmem>>
      %dma_wait3A_2308 = tpu.memref_squeeze %dma_wait3A_2307 : memref<1x1x16x128xf32, #tpu.memory_space<vmem>> -> memref<16x128xf32, #tpu.memory_space<vmem>>
      %dma_wait3A_2309 = arith.constant 0 : i32
      %dma_wait3A_2310 = arith.constant 0 : i32
      %dma_wait3A_2311 = tpu.memref_slice %arg5[%dma_wait3A_2309, %dma_wait3A_2310] : memref<16x1000000xf32, #tpu.memory_space<hbm>> -> memref<16x128xf32, #tpu.memory_space<hbm>>
      %dma_wait3A_2312 = arith.constant 0 : i32
      %dma_wait3A_2313 = arith.constant 0 : i32
      %dma_wait3A_2314 = tpu.memref_slice %arg10[%dma_wait3A_2303, %dma_wait3A_2304, %dma_wait3A_2312, %dma_wait3A_2313] : memref<2x8x16x128xf32, #tpu.memory_space<vmem>> -> memref<1x1x16x128xf32, #tpu.memory_space<vmem>>
      %dma_wait3A_2315 = tpu.memref_squeeze %dma_wait3A_2314 : memref<1x1x16x128xf32, #tpu.memory_space<vmem>> -> memref<16x128xf32, #tpu.memory_space<vmem>>
      %dma_wait3A_2316 = arith.constant 0 : i32
      %dma_wait3A_2317 = arith.constant 0 : i32
      %dma_wait3A_2318 = tpu.memref_slice %arg5[%dma_wait3A_2316, %dma_wait3A_2317] : memref<16x1000000xf32, #tpu.memory_space<hbm>> -> memref<16x128xf32, #tpu.memory_space<hbm>>
      tpu.wait_dma2 semaphore(%arg15 : memref<!tpu.dma_semaphore, #tpu.memory_space<semaphore_mem>>) src(%dma_wait3A_2318 : memref<16x128xf32, #tpu.memory_space<hbm>>) dst(%dma_wait3A_2315 : memref<16x128xf32, #tpu.memory_space<vmem>>)
      %dma_wait3A_2319 = arith.constant 1 : i32
      %dma_wait3A_2320 = arith.constant 7 : i32
      %dma_wait3A_2321 = arith.constant 0 : i32
      %dma_wait3A_2322 = arith.constant 0 : i32
      %dma_wait3A_2323 = tpu.memref_slice %arg9[%dma_wait3A_2319, %dma_wait3A_2320, %dma_wait3A_2321, %dma_wait3A_2322] : memref<2x8x16x128xf32, #tpu.memory_space<vmem>> -> memref<1x1x16x128xf32, #tpu.memory_space<vmem>>
      %dma_wait3A_2324 = tpu.memref_squeeze %dma_wait3A_2323 : memref<1x1x16x128xf32, #tpu.memory_space<vmem>> -> memref<16x128xf32, #tpu.memory_space<vmem>>
      %dma_wait3A_2325 = arith.constant 0 : i32
      %dma_wait3A_2326 = arith.constant 0 : i32
      %dma_wait3A_2327 = tpu.memref_slice %arg4[%dma_wait3A_2325, %dma_wait3A_2326] : memref<16x1000000xf32, #tpu.memory_space<hbm>> -> memref<16x128xf32, #tpu.memory_space<hbm>>
      %dma_wait3A_2328 = arith.constant 0 : i32
      %dma_wait3A_2329 = arith.constant 0 : i32
      %dma_wait3A_2330 = tpu.memref_slice %arg9[%dma_wait3A_2319, %dma_wait3A_2320, %dma_wait3A_2328, %dma_wait3A_2329] : memref<2x8x16x128xf32, #tpu.memory_space<vmem>> -> memref<1x1x16x128xf32, #tpu.memory_space<vmem>>
      %dma_wait3A_2331 = tpu.memref_squeeze %dma_wait3A_2330 : memref<1x1x16x128xf32, #tpu.memory_space<vmem>> -> memref<16x128xf32, #tpu.memory_space<vmem>>
      %dma_wait3A_2332 = arith.constant 0 : i32
      %dma_wait3A_2333 = arith.constant 0 : i32
      %dma_wait3A_2334 = tpu.memref_slice %arg4[%dma_wait3A_2332, %dma_wait3A_2333] : memref<16x1000000xf32, #tpu.memory_space<hbm>> -> memref<16x128xf32, #tpu.memory_space<hbm>>
      tpu.wait_dma2 semaphore(%arg15 : memref<!tpu.dma_semaphore, #tpu.memory_space<semaphore_mem>>) src(%dma_wait3A_2334 : memref<16x128xf32, #tpu.memory_space<hbm>>) dst(%dma_wait3A_2331 : memref<16x128xf32, #tpu.memory_space<vmem>>)
      %dma_wait3A_2335 = arith.constant 1 : i32
      %dma_wait3A_2336 = arith.constant 7 : i32
      %dma_wait3A_2337 = arith.constant 0 : i32
      %dma_wait3A_2338 = arith.constant 0 : i32
      %dma_wait3A_2339 = tpu.memref_slice %arg10[%dma_wait3A_2335, %dma_wait3A_2336, %dma_wait3A_2337, %dma_wait3A_2338] : memref<2x8x16x128xf32, #tpu.memory_space<vmem>> -> memref<1x1x16x128xf32, #tpu.memory_space<vmem>>
      %dma_wait3A_2340 = tpu.memref_squeeze %dma_wait3A_2339 : memref<1x1x16x128xf32, #tpu.memory_space<vmem>> -> memref<16x128xf32, #tpu.memory_space<vmem>>
      %dma_wait3A_2341 = arith.constant 0 : i32
      %dma_wait3A_2342 = arith.constant 0 : i32
      %dma_wait3A_2343 = tpu.memref_slice %arg5[%dma_wait3A_2341, %dma_wait3A_2342] : memref<16x1000000xf32, #tpu.memory_space<hbm>> -> memref<16x128xf32, #tpu.memory_space<hbm>>
      %dma_wait3A_2344 = arith.constant 0 : i32
      %dma_wait3A_2345 = arith.constant 0 : i32
      %dma_wait3A_2346 = tpu.memref_slice %arg10[%dma_wait3A_2335, %dma_wait3A_2336, %dma_wait3A_2344, %dma_wait3A_2345] : memref<2x8x16x128xf32, #tpu.memory_space<vmem>> -> memref<1x1x16x128xf32, #tpu.memory_space<vmem>>
      %dma_wait3A_2347 = tpu.memref_squeeze %dma_wait3A_2346 : memref<1x1x16x128xf32, #tpu.memory_space<vmem>> -> memref<16x128xf32, #tpu.memory_space<vmem>>
      %dma_wait3A_2348 = arith.constant 0 : i32
      %dma_wait3A_2349 = arith.constant 0 : i32
      %dma_wait3A_2350 = tpu.memref_slice %arg5[%dma_wait3A_2348, %dma_wait3A_2349] : memref<16x1000000xf32, #tpu.memory_space<hbm>> -> memref<16x128xf32, #tpu.memory_space<hbm>>
      tpu.wait_dma2 semaphore(%arg15 : memref<!tpu.dma_semaphore, #tpu.memory_space<semaphore_mem>>) src(%dma_wait3A_2350 : memref<16x128xf32, #tpu.memory_space<hbm>>) dst(%dma_wait3A_2347 : memref<16x128xf32, #tpu.memory_space<vmem>>)
      %get3A_2351 = arith.index_cast %add3A_2094 : i32 to index
      %get3A_2352 = tpu.vector_load %arg7[%get3A_2351] {strides = array<i32>} : memref<528xi32, #tpu.memory_space<vmem>>, vector<16xi32>,
      %get3A_2353 = arith.index_cast %add3A_2094 : i32 to index
      %get3A_2354 = tpu.vector_load %arg8[%get3A_2353] {strides = array<i32>} : memref<528xi32, #tpu.memory_space<vmem>>, vector<16xi32>,
      %slice3A_2355 = vector.extract_strided_slice %get3A_2352 {offsets = [0], sizes = [1], strides = [1]} : vector<16xi32> to vector<1xi32>
      %squeeze3A_2356 = vector.extract %slice3A_2355[0] : i32 from vector<1xi32>
      %jit3A_2357 = arith.constant 128 : i32
      %eq3A_2358 = arith.constant 0 : i32
      %eq3A_2359 = arith.cmpi eq, %jit3A_2357, %eq3A_2358 : i32
      %jit3A_2360 = arith.constant 1 : i32
      %select_n3A_2361 = arith.select %eq3A_2359, %jit3A_2360, %jit3A_2357 : i32
      %rem3A_2362 = arith.remsi %squeeze3A_2356, %select_n3A_2361 : i32
      %ne3A_2363 = arith.constant 0 : i32
      %ne3A_2364 = arith.cmpi ne, %rem3A_2362, %ne3A_2363 : i32
      %lt3A_2365 = arith.constant 0 : i32
      %lt3A_2366 = arith.cmpi slt, %rem3A_2362, %lt3A_2365 : i32
      %lt3A_2367 = arith.constant 0 : i32
      %lt3A_2368 = arith.cmpi slt, %select_n3A_2361, %lt3A_2367 : i32
      %ne3A_2369 = arith.xori %lt3A_2366, %lt3A_2368 : i1
      %and3A_2370 = arith.andi %ne3A_2369, %ne3A_2364 : i1
      %add3A_2371 = arith.addi %rem3A_2362, %select_n3A_2361 : i32
      %select_n3A_2372 = arith.select %and3A_2370, %add3A_2371, %rem3A_2362 : i32
      %broadcast_in_dim3A_2373 = vector.broadcast %select_n3A_2372 : i32 to vector<16xi32>
      %slice3A_2374 = vector.extract_strided_slice %get3A_2354 {offsets = [0], sizes = [1], strides = [1]} : vector<16xi32> to vector<1xi32>
      %squeeze3A_2375 = vector.extract %slice3A_2374[0] : i32 from vector<1xi32>
      %jit3A_2376 = arith.constant 128 : i32
      %eq3A_2377 = arith.constant 0 : i32
      %eq3A_2378 = arith.cmpi eq, %jit3A_2376, %eq3A_2377 : i32
      %jit3A_2379 = arith.constant 1 : i32
      %select_n3A_2380 = arith.select %eq3A_2378, %jit3A_2379, %jit3A_2376 : i32
      %rem3A_2381 = arith.remsi %squeeze3A_2375, %select_n3A_2380 : i32
      %ne3A_2382 = arith.constant 0 : i32
      %ne3A_2383 = arith.cmpi ne, %rem3A_2381, %ne3A_2382 : i32
      %lt3A_2384 = arith.constant 0 : i32
      %lt3A_2385 = arith.cmpi slt, %rem3A_2381, %lt3A_2384 : i32
      %lt3A_2386 = arith.constant 0 : i32
      %lt3A_2387 = arith.cmpi slt, %select_n3A_2380, %lt3A_2386 : i32
      %ne3A_2388 = arith.xori %lt3A_2385, %lt3A_2387 : i1
      %and3A_2389 = arith.andi %ne3A_2388, %ne3A_2383 : i1
      %add3A_2390 = arith.addi %rem3A_2381, %select_n3A_2380 : i32
      %select_n3A_2391 = arith.select %and3A_2389, %add3A_2390, %rem3A_2381 : i32
      %broadcast_in_dim3A_2392 = vector.broadcast %select_n3A_2391 : i32 to vector<16xi32>
      %gather3A_2393 = arith.constant 1 : i32
      %gather3A_2394 = arith.constant 0 : i32
      %gather3A_2395 = arith.constant 0 : i32
      %gather3A_2396 = arith.constant 0 : i32
      %gather3A_2397 = tpu.memref_slice %arg9[%gather3A_2393, %gather3A_2394, %gather3A_2395, %gather3A_2396] : memref<2x8x16x128xf32, #tpu.memory_space<vmem>> -> memref<1x1x16x128xf32, #tpu.memory_space<vmem>>
      %gather3A_2398 = tpu.memref_squeeze %gather3A_2397 : memref<1x1x16x128xf32, #tpu.memory_space<vmem>> -> memref<16x128xf32, #tpu.memory_space<vmem>>
      %gather3A_2399 = tpu.vector_load_idx %gather3A_2398[%iota3A, %broadcast_in_dim3A_2373] : memref<16x128xf32, #tpu.memory_space<vmem>>[vector<16xi32>, vector<16xi32>], vector<16xf32>,
      %gather3A_2400 = arith.constant 1 : i32
      %gather3A_2401 = arith.constant 0 : i32
      %gather3A_2402 = arith.constant 0 : i32
      %gather3A_2403 = arith.constant 0 : i32
      %gather3A_2404 = tpu.memref_slice %arg10[%gather3A_2400, %gather3A_2401, %gather3A_2402, %gather3A_2403] : memref<2x8x16x128xf32, #tpu.memory_space<vmem>> -> memref<1x1x16x128xf32, #tpu.memory_space<vmem>>
      %gather3A_2405 = tpu.memref_squeeze %gather3A_2404 : memref<1x1x16x128xf32, #tpu.memory_space<vmem>> -> memref<16x128xf32, #tpu.memory_space<vmem>>
      %gather3A_2406 = tpu.vector_load_idx %gather3A_2405[%iota3A, %broadcast_in_dim3A_2392] : memref<16x128xf32, #tpu.memory_space<vmem>>[vector<16xi32>, vector<16xi32>], vector<16xf32>,
      %swap3A_2407 = arith.constant 136 : index
      %swap3A_2408 = tpu.vector_load %arg11[%swap3A_2407] {strides = array<i32>} : memref<272xf32, #tpu.memory_space<vmem>>, vector<16xf32>,
      tpu.vector_store %arg11[%swap3A_2407], %gather3A_2399 {strides = array<i32>} : memref<272xf32, #tpu.memory_space<vmem>>, vector<16xf32>,
      %swap3A_2409 = arith.constant 136 : index
      %swap3A_2410 = tpu.vector_load %arg12[%swap3A_2409] {strides = array<i32>} : memref<272xf32, #tpu.memory_space<vmem>>, vector<16xf32>,
      tpu.vector_store %arg12[%swap3A_2409], %gather3A_2406 {strides = array<i32>} : memref<272xf32, #tpu.memory_space<vmem>>, vector<16xf32>,
      %slice3A_2411 = vector.extract_strided_slice %get3A_2352 {offsets = [1], sizes = [1], strides = [1]} : vector<16xi32> to vector<1xi32>
      %squeeze3A_2412 = vector.extract %slice3A_2411[0] : i32 from vector<1xi32>
      %jit3A_2413 = arith.constant 128 : i32
      %eq3A_2414 = arith.constant 0 : i32
      %eq3A_2415 = arith.cmpi eq, %jit3A_2413, %eq3A_2414 : i32
      %jit3A_2416 = arith.constant 1 : i32
      %select_n3A_2417 = arith.select %eq3A_2415, %jit3A_2416, %jit3A_2413 : i32
      %rem3A_2418 = arith.remsi %squeeze3A_2412, %select_n3A_2417 : i32
      %ne3A_2419 = arith.constant 0 : i32
      %ne3A_2420 = arith.cmpi ne, %rem3A_2418, %ne3A_2419 : i32
      %lt3A_2421 = arith.constant 0 : i32
      %lt3A_2422 = arith.cmpi slt, %rem3A_2418, %lt3A_2421 : i32
      %lt3A_2423 = arith.constant 0 : i32
      %lt3A_2424 = arith.cmpi slt, %select_n3A_2417, %lt3A_2423 : i32
      %ne3A_2425 = arith.xori %lt3A_2422, %lt3A_2424 : i1
      %and3A_2426 = arith.andi %ne3A_2425, %ne3A_2420 : i1
      %add3A_2427 = arith.addi %rem3A_2418, %select_n3A_2417 : i32
      %select_n3A_2428 = arith.select %and3A_2426, %add3A_2427, %rem3A_2418 : i32
      %broadcast_in_dim3A_2429 = vector.broadcast %select_n3A_2428 : i32 to vector<16xi32>
      %slice3A_2430 = vector.extract_strided_slice %get3A_2354 {offsets = [1], sizes = [1], strides = [1]} : vector<16xi32> to vector<1xi32>
      %squeeze3A_2431 = vector.extract %slice3A_2430[0] : i32 from vector<1xi32>
      %jit3A_2432 = arith.constant 128 : i32
      %eq3A_2433 = arith.constant 0 : i32
      %eq3A_2434 = arith.cmpi eq, %jit3A_2432, %eq3A_2433 : i32
      %jit3A_2435 = arith.constant 1 : i32
      %select_n3A_2436 = arith.select %eq3A_2434, %jit3A_2435, %jit3A_2432 : i32
      %rem3A_2437 = arith.remsi %squeeze3A_2431, %select_n3A_2436 : i32
      %ne3A_2438 = arith.constant 0 : i32
      %ne3A_2439 = arith.cmpi ne, %rem3A_2437, %ne3A_2438 : i32
      %lt3A_2440 = arith.constant 0 : i32
      %lt3A_2441 = arith.cmpi slt, %rem3A_2437, %lt3A_2440 : i32
      %lt3A_2442 = arith.constant 0 : i32
      %lt3A_2443 = arith.cmpi slt, %select_n3A_2436, %lt3A_2442 : i32
      %ne3A_2444 = arith.xori %lt3A_2441, %lt3A_2443 : i1
      %and3A_2445 = arith.andi %ne3A_2444, %ne3A_2439 : i1
      %add3A_2446 = arith.addi %rem3A_2437, %select_n3A_2436 : i32
      %select_n3A_2447 = arith.select %and3A_2445, %add3A_2446, %rem3A_2437 : i32
      %broadcast_in_dim3A_2448 = vector.broadcast %select_n3A_2447 : i32 to vector<16xi32>
      %gather3A_2449 = arith.constant 1 : i32
      %gather3A_2450 = arith.constant 1 : i32
      %gather3A_2451 = arith.constant 0 : i32
      %gather3A_2452 = arith.constant 0 : i32
      %gather3A_2453 = tpu.memref_slice %arg9[%gather3A_2449, %gather3A_2450, %gather3A_2451, %gather3A_2452] : memref<2x8x16x128xf32, #tpu.memory_space<vmem>> -> memref<1x1x16x128xf32, #tpu.memory_space<vmem>>
      %gather3A_2454 = tpu.memref_squeeze %gather3A_2453 : memref<1x1x16x128xf32, #tpu.memory_space<vmem>> -> memref<16x128xf32, #tpu.memory_space<vmem>>
      %gather3A_2455 = tpu.vector_load_idx %gather3A_2454[%iota3A, %broadcast_in_dim3A_2429] : memref<16x128xf32, #tpu.memory_space<vmem>>[vector<16xi32>, vector<16xi32>], vector<16xf32>,
      %gather3A_2456 = arith.constant 1 : i32
      %gather3A_2457 = arith.constant 1 : i32
      %gather3A_2458 = arith.constant 0 : i32
      %gather3A_2459 = arith.constant 0 : i32
      %gather3A_2460 = tpu.memref_slice %arg10[%gather3A_2456, %gather3A_2457, %gather3A_2458, %gather3A_2459] : memref<2x8x16x128xf32, #tpu.memory_space<vmem>> -> memref<1x1x16x128xf32, #tpu.memory_space<vmem>>
      %gather3A_2461 = tpu.memref_squeeze %gather3A_2460 : memref<1x1x16x128xf32, #tpu.memory_space<vmem>> -> memref<16x128xf32, #tpu.memory_space<vmem>>
      %gather3A_2462 = tpu.vector_load_idx %gather3A_2461[%iota3A, %broadcast_in_dim3A_2448] : memref<16x128xf32, #tpu.memory_space<vmem>>[vector<16xi32>, vector<16xi32>], vector<16xf32>,
      %swap3A_2463 = arith.constant 153 : index
      %swap3A_2464 = tpu.vector_load %arg11[%swap3A_2463] {strides = array<i32>} : memref<272xf32, #tpu.memory_space<vmem>>, vector<16xf32>,
      tpu.vector_store %arg11[%swap3A_2463], %gather3A_2455 {strides = array<i32>} : memref<272xf32, #tpu.memory_space<vmem>>, vector<16xf32>,
      %swap3A_2465 = arith.constant 153 : index
      %swap3A_2466 = tpu.vector_load %arg12[%swap3A_2465] {strides = array<i32>} : memref<272xf32, #tpu.memory_space<vmem>>, vector<16xf32>,
      tpu.vector_store %arg12[%swap3A_2465], %gather3A_2462 {strides = array<i32>} : memref<272xf32, #tpu.memory_space<vmem>>, vector<16xf32>,
      %slice3A_2467 = vector.extract_strided_slice %get3A_2352 {offsets = [2], sizes = [1], strides = [1]} : vector<16xi32> to vector<1xi32>
      %squeeze3A_2468 = vector.extract %slice3A_2467[0] : i32 from vector<1xi32>
      %jit3A_2469 = arith.constant 128 : i32
      %eq3A_2470 = arith.constant 0 : i32
      %eq3A_2471 = arith.cmpi eq, %jit3A_2469, %eq3A_2470 : i32
      %jit3A_2472 = arith.constant 1 : i32
      %select_n3A_2473 = arith.select %eq3A_2471, %jit3A_2472, %jit3A_2469 : i32
      %rem3A_2474 = arith.remsi %squeeze3A_2468, %select_n3A_2473 : i32
      %ne3A_2475 = arith.constant 0 : i32
      %ne3A_2476 = arith.cmpi ne, %rem3A_2474, %ne3A_2475 : i32
      %lt3A_2477 = arith.constant 0 : i32
      %lt3A_2478 = arith.cmpi slt, %rem3A_2474, %lt3A_2477 : i32
      %lt3A_2479 = arith.constant 0 : i32
      %lt3A_2480 = arith.cmpi slt, %select_n3A_2473, %lt3A_2479 : i32
      %ne3A_2481 = arith.xori %lt3A_2478, %lt3A_2480 : i1
      %and3A_2482 = arith.andi %ne3A_2481, %ne3A_2476 : i1
      %add3A_2483 = arith.addi %rem3A_2474, %select_n3A_2473 : i32
      %select_n3A_2484 = arith.select %and3A_2482, %add3A_2483, %rem3A_2474 : i32
      %broadcast_in_dim3A_2485 = vector.broadcast %select_n3A_2484 : i32 to vector<16xi32>
      %slice3A_2486 = vector.extract_strided_slice %get3A_2354 {offsets = [2], sizes = [1], strides = [1]} : vector<16xi32> to vector<1xi32>
      %squeeze3A_2487 = vector.extract %slice3A_2486[0] : i32 from vector<1xi32>
      %jit3A_2488 = arith.constant 128 : i32
      %eq3A_2489 = arith.constant 0 : i32
      %eq3A_2490 = arith.cmpi eq, %jit3A_2488, %eq3A_2489 : i32
      %jit3A_2491 = arith.constant 1 : i32
      %select_n3A_2492 = arith.select %eq3A_2490, %jit3A_2491, %jit3A_2488 : i32
      %rem3A_2493 = arith.remsi %squeeze3A_2487, %select_n3A_2492 : i32
      %ne3A_2494 = arith.constant 0 : i32
      %ne3A_2495 = arith.cmpi ne, %rem3A_2493, %ne3A_2494 : i32
      %lt3A_2496 = arith.constant 0 : i32
      %lt3A_2497 = arith.cmpi slt, %rem3A_2493, %lt3A_2496 : i32
      %lt3A_2498 = arith.constant 0 : i32
      %lt3A_2499 = arith.cmpi slt, %select_n3A_2492, %lt3A_2498 : i32
      %ne3A_2500 = arith.xori %lt3A_2497, %lt3A_2499 : i1
      %and3A_2501 = arith.andi %ne3A_2500, %ne3A_2495 : i1
      %add3A_2502 = arith.addi %rem3A_2493, %select_n3A_2492 : i32
      %select_n3A_2503 = arith.select %and3A_2501, %add3A_2502, %rem3A_2493 : i32
      %broadcast_in_dim3A_2504 = vector.broadcast %select_n3A_2503 : i32 to vector<16xi32>
      %gather3A_2505 = arith.constant 1 : i32
      %gather3A_2506 = arith.constant 2 : i32
      %gather3A_2507 = arith.constant 0 : i32
      %gather3A_2508 = arith.constant 0 : i32
      %gather3A_2509 = tpu.memref_slice %arg9[%gather3A_2505, %gather3A_2506, %gather3A_2507, %gather3A_2508] : memref<2x8x16x128xf32, #tpu.memory_space<vmem>> -> memref<1x1x16x128xf32, #tpu.memory_space<vmem>>
      %gather3A_2510 = tpu.memref_squeeze %gather3A_2509 : memref<1x1x16x128xf32, #tpu.memory_space<vmem>> -> memref<16x128xf32, #tpu.memory_space<vmem>>
      %gather3A_2511 = tpu.vector_load_idx %gather3A_2510[%iota3A, %broadcast_in_dim3A_2485] : memref<16x128xf32, #tpu.memory_space<vmem>>[vector<16xi32>, vector<16xi32>], vector<16xf32>,
      %gather3A_2512 = arith.constant 1 : i32
      %gather3A_2513 = arith.constant 2 : i32
      %gather3A_2514 = arith.constant 0 : i32
      %gather3A_2515 = arith.constant 0 : i32
      %gather3A_2516 = tpu.memref_slice %arg10[%gather3A_2512, %gather3A_2513, %gather3A_2514, %gather3A_2515] : memref<2x8x16x128xf32, #tpu.memory_space<vmem>> -> memref<1x1x16x128xf32, #tpu.memory_space<vmem>>
      %gather3A_2517 = tpu.memref_squeeze %gather3A_2516 : memref<1x1x16x128xf32, #tpu.memory_space<vmem>> -> memref<16x128xf32, #tpu.memory_space<vmem>>
      %gather3A_2518 = tpu.vector_load_idx %gather3A_2517[%iota3A, %broadcast_in_dim3A_2504] : memref<16x128xf32, #tpu.memory_space<vmem>>[vector<16xi32>, vector<16xi32>], vector<16xf32>,
      %swap3A_2519 = arith.constant 170 : index
      %swap3A_2520 = tpu.vector_load %arg11[%swap3A_2519] {strides = array<i32>} : memref<272xf32, #tpu.memory_space<vmem>>, vector<16xf32>,
      tpu.vector_store %arg11[%swap3A_2519], %gather3A_2511 {strides = array<i32>} : memref<272xf32, #tpu.memory_space<vmem>>, vector<16xf32>,
      %swap3A_2521 = arith.constant 170 : index
      %swap3A_2522 = tpu.vector_load %arg12[%swap3A_2521] {strides = array<i32>} : memref<272xf32, #tpu.memory_space<vmem>>, vector<16xf32>,
      tpu.vector_store %arg12[%swap3A_2521], %gather3A_2518 {strides = array<i32>} : memref<272xf32, #tpu.memory_space<vmem>>, vector<16xf32>,
      %slice3A_2523 = vector.extract_strided_slice %get3A_2352 {offsets = [3], sizes = [1], strides = [1]} : vector<16xi32> to vector<1xi32>
      %squeeze3A_2524 = vector.extract %slice3A_2523[0] : i32 from vector<1xi32>
      %jit3A_2525 = arith.constant 128 : i32
      %eq3A_2526 = arith.constant 0 : i32
      %eq3A_2527 = arith.cmpi eq, %jit3A_2525, %eq3A_2526 : i32
      %jit3A_2528 = arith.constant 1 : i32
      %select_n3A_2529 = arith.select %eq3A_2527, %jit3A_2528, %jit3A_2525 : i32
      %rem3A_2530 = arith.remsi %squeeze3A_2524, %select_n3A_2529 : i32
      %ne3A_2531 = arith.constant 0 : i32
      %ne3A_2532 = arith.cmpi ne, %rem3A_2530, %ne3A_2531 : i32
      %lt3A_2533 = arith.constant 0 : i32
      %lt3A_2534 = arith.cmpi slt, %rem3A_2530, %lt3A_2533 : i32
      %lt3A_2535 = arith.constant 0 : i32
      %lt3A_2536 = arith.cmpi slt, %select_n3A_2529, %lt3A_2535 : i32
      %ne3A_2537 = arith.xori %lt3A_2534, %lt3A_2536 : i1
      %and3A_2538 = arith.andi %ne3A_2537, %ne3A_2532 : i1
      %add3A_2539 = arith.addi %rem3A_2530, %select_n3A_2529 : i32
      %select_n3A_2540 = arith.select %and3A_2538, %add3A_2539, %rem3A_2530 : i32
      %broadcast_in_dim3A_2541 = vector.broadcast %select_n3A_2540 : i32 to vector<16xi32>
      %slice3A_2542 = vector.extract_strided_slice %get3A_2354 {offsets = [3], sizes = [1], strides = [1]} : vector<16xi32> to vector<1xi32>
      %squeeze3A_2543 = vector.extract %slice3A_2542[0] : i32 from vector<1xi32>
      %jit3A_2544 = arith.constant 128 : i32
      %eq3A_2545 = arith.constant 0 : i32
      %eq3A_2546 = arith.cmpi eq, %jit3A_2544, %eq3A_2545 : i32
      %jit3A_2547 = arith.constant 1 : i32
      %select_n3A_2548 = arith.select %eq3A_2546, %jit3A_2547, %jit3A_2544 : i32
      %rem3A_2549 = arith.remsi %squeeze3A_2543, %select_n3A_2548 : i32
      %ne3A_2550 = arith.constant 0 : i32
      %ne3A_2551 = arith.cmpi ne, %rem3A_2549, %ne3A_2550 : i32
      %lt3A_2552 = arith.constant 0 : i32
      %lt3A_2553 = arith.cmpi slt, %rem3A_2549, %lt3A_2552 : i32
      %lt3A_2554 = arith.constant 0 : i32
      %lt3A_2555 = arith.cmpi slt, %select_n3A_2548, %lt3A_2554 : i32
      %ne3A_2556 = arith.xori %lt3A_2553, %lt3A_2555 : i1
      %and3A_2557 = arith.andi %ne3A_2556, %ne3A_2551 : i1
      %add3A_2558 = arith.addi %rem3A_2549, %select_n3A_2548 : i32
      %select_n3A_2559 = arith.select %and3A_2557, %add3A_2558, %rem3A_2549 : i32
      %broadcast_in_dim3A_2560 = vector.broadcast %select_n3A_2559 : i32 to vector<16xi32>
      %gather3A_2561 = arith.constant 1 : i32
      %gather3A_2562 = arith.constant 3 : i32
      %gather3A_2563 = arith.constant 0 : i32
      %gather3A_2564 = arith.constant 0 : i32
      %gather3A_2565 = tpu.memref_slice %arg9[%gather3A_2561, %gather3A_2562, %gather3A_2563, %gather3A_2564] : memref<2x8x16x128xf32, #tpu.memory_space<vmem>> -> memref<1x1x16x128xf32, #tpu.memory_space<vmem>>
      %gather3A_2566 = tpu.memref_squeeze %gather3A_2565 : memref<1x1x16x128xf32, #tpu.memory_space<vmem>> -> memref<16x128xf32, #tpu.memory_space<vmem>>
      %gather3A_2567 = tpu.vector_load_idx %gather3A_2566[%iota3A, %broadcast_in_dim3A_2541] : memref<16x128xf32, #tpu.memory_space<vmem>>[vector<16xi32>, vector<16xi32>], vector<16xf32>,
      %gather3A_2568 = arith.constant 1 : i32
      %gather3A_2569 = arith.constant 3 : i32
      %gather3A_2570 = arith.constant 0 : i32
      %gather3A_2571 = arith.constant 0 : i32
      %gather3A_2572 = tpu.memref_slice %arg10[%gather3A_2568, %gather3A_2569, %gather3A_2570, %gather3A_2571] : memref<2x8x16x128xf32, #tpu.memory_space<vmem>> -> memref<1x1x16x128xf32, #tpu.memory_space<vmem>>
      %gather3A_2573 = tpu.memref_squeeze %gather3A_2572 : memref<1x1x16x128xf32, #tpu.memory_space<vmem>> -> memref<16x128xf32, #tpu.memory_space<vmem>>
      %gather3A_2574 = tpu.vector_load_idx %gather3A_2573[%iota3A, %broadcast_in_dim3A_2560] : memref<16x128xf32, #tpu.memory_space<vmem>>[vector<16xi32>, vector<16xi32>], vector<16xf32>,
      %swap3A_2575 = arith.constant 187 : index
      %swap3A_2576 = tpu.vector_load %arg11[%swap3A_2575] {strides = array<i32>} : memref<272xf32, #tpu.memory_space<vmem>>, vector<16xf32>,
      tpu.vector_store %arg11[%swap3A_2575], %gather3A_2567 {strides = array<i32>} : memref<272xf32, #tpu.memory_space<vmem>>, vector<16xf32>,
      %swap3A_2577 = arith.constant 187 : index
      %swap3A_2578 = tpu.vector_load %arg12[%swap3A_2577] {strides = array<i32>} : memref<272xf32, #tpu.memory_space<vmem>>, vector<16xf32>,
      tpu.vector_store %arg12[%swap3A_2577], %gather3A_2574 {strides = array<i32>} : memref<272xf32, #tpu.memory_space<vmem>>, vector<16xf32>,
      %slice3A_2579 = vector.extract_strided_slice %get3A_2352 {offsets = [4], sizes = [1], strides = [1]} : vector<16xi32> to vector<1xi32>
      %squeeze3A_2580 = vector.extract %slice3A_2579[0] : i32 from vector<1xi32>
      %jit3A_2581 = arith.constant 128 : i32
      %eq3A_2582 = arith.constant 0 : i32
      %eq3A_2583 = arith.cmpi eq, %jit3A_2581, %eq3A_2582 : i32
      %jit3A_2584 = arith.constant 1 : i32
      %select_n3A_2585 = arith.select %eq3A_2583, %jit3A_2584, %jit3A_2581 : i32
      %rem3A_2586 = arith.remsi %squeeze3A_2580, %select_n3A_2585 : i32
      %ne3A_2587 = arith.constant 0 : i32
      %ne3A_2588 = arith.cmpi ne, %rem3A_2586, %ne3A_2587 : i32
      %lt3A_2589 = arith.constant 0 : i32
      %lt3A_2590 = arith.cmpi slt, %rem3A_2586, %lt3A_2589 : i32
      %lt3A_2591 = arith.constant 0 : i32
      %lt3A_2592 = arith.cmpi slt, %select_n3A_2585, %lt3A_2591 : i32
      %ne3A_2593 = arith.xori %lt3A_2590, %lt3A_2592 : i1
      %and3A_2594 = arith.andi %ne3A_2593, %ne3A_2588 : i1
      %add3A_2595 = arith.addi %rem3A_2586, %select_n3A_2585 : i32
      %select_n3A_2596 = arith.select %and3A_2594, %add3A_2595, %rem3A_2586 : i32
      %broadcast_in_dim3A_2597 = vector.broadcast %select_n3A_2596 : i32 to vector<16xi32>
      %slice3A_2598 = vector.extract_strided_slice %get3A_2354 {offsets = [4], sizes = [1], strides = [1]} : vector<16xi32> to vector<1xi32>
      %squeeze3A_2599 = vector.extract %slice3A_2598[0] : i32 from vector<1xi32>
      %jit3A_2600 = arith.constant 128 : i32
      %eq3A_2601 = arith.constant 0 : i32
      %eq3A_2602 = arith.cmpi eq, %jit3A_2600, %eq3A_2601 : i32
      %jit3A_2603 = arith.constant 1 : i32
      %select_n3A_2604 = arith.select %eq3A_2602, %jit3A_2603, %jit3A_2600 : i32
      %rem3A_2605 = arith.remsi %squeeze3A_2599, %select_n3A_2604 : i32
      %ne3A_2606 = arith.constant 0 : i32
      %ne3A_2607 = arith.cmpi ne, %rem3A_2605, %ne3A_2606 : i32
      %lt3A_2608 = arith.constant 0 : i32
      %lt3A_2609 = arith.cmpi slt, %rem3A_2605, %lt3A_2608 : i32
      %lt3A_2610 = arith.constant 0 : i32
      %lt3A_2611 = arith.cmpi slt, %select_n3A_2604, %lt3A_2610 : i32
      %ne3A_2612 = arith.xori %lt3A_2609, %lt3A_2611 : i1
      %and3A_2613 = arith.andi %ne3A_2612, %ne3A_2607 : i1
      %add3A_2614 = arith.addi %rem3A_2605, %select_n3A_2604 : i32
      %select_n3A_2615 = arith.select %and3A_2613, %add3A_2614, %rem3A_2605 : i32
      %broadcast_in_dim3A_2616 = vector.broadcast %select_n3A_2615 : i32 to vector<16xi32>
      %gather3A_2617 = arith.constant 1 : i32
      %gather3A_2618 = arith.constant 4 : i32
      %gather3A_2619 = arith.constant 0 : i32
      %gather3A_2620 = arith.constant 0 : i32
      %gather3A_2621 = tpu.memref_slice %arg9[%gather3A_2617, %gather3A_2618, %gather3A_2619, %gather3A_2620] : memref<2x8x16x128xf32, #tpu.memory_space<vmem>> -> memref<1x1x16x128xf32, #tpu.memory_space<vmem>>
      %gather3A_2622 = tpu.memref_squeeze %gather3A_2621 : memref<1x1x16x128xf32, #tpu.memory_space<vmem>> -> memref<16x128xf32, #tpu.memory_space<vmem>>
      %gather3A_2623 = tpu.vector_load_idx %gather3A_2622[%iota3A, %broadcast_in_dim3A_2597] : memref<16x128xf32, #tpu.memory_space<vmem>>[vector<16xi32>, vector<16xi32>], vector<16xf32>,
      %gather3A_2624 = arith.constant 1 : i32
      %gather3A_2625 = arith.constant 4 : i32
      %gather3A_2626 = arith.constant 0 : i32
      %gather3A_2627 = arith.constant 0 : i32
      %gather3A_2628 = tpu.memref_slice %arg10[%gather3A_2624, %gather3A_2625, %gather3A_2626, %gather3A_2627] : memref<2x8x16x128xf32, #tpu.memory_space<vmem>> -> memref<1x1x16x128xf32, #tpu.memory_space<vmem>>
      %gather3A_2629 = tpu.memref_squeeze %gather3A_2628 : memref<1x1x16x128xf32, #tpu.memory_space<vmem>> -> memref<16x128xf32, #tpu.memory_space<vmem>>
      %gather3A_2630 = tpu.vector_load_idx %gather3A_2629[%iota3A, %broadcast_in_dim3A_2616] : memref<16x128xf32, #tpu.memory_space<vmem>>[vector<16xi32>, vector<16xi32>], vector<16xf32>,
      %swap3A_2631 = arith.constant 204 : index
      %swap3A_2632 = tpu.vector_load %arg11[%swap3A_2631] {strides = array<i32>} : memref<272xf32, #tpu.memory_space<vmem>>, vector<16xf32>,
      tpu.vector_store %arg11[%swap3A_2631], %gather3A_2623 {strides = array<i32>} : memref<272xf32, #tpu.memory_space<vmem>>, vector<16xf32>,
      %swap3A_2633 = arith.constant 204 : index
      %swap3A_2634 = tpu.vector_load %arg12[%swap3A_2633] {strides = array<i32>} : memref<272xf32, #tpu.memory_space<vmem>>, vector<16xf32>,
      tpu.vector_store %arg12[%swap3A_2633], %gather3A_2630 {strides = array<i32>} : memref<272xf32, #tpu.memory_space<vmem>>, vector<16xf32>,
      %slice3A_2635 = vector.extract_strided_slice %get3A_2352 {offsets = [5], sizes = [1], strides = [1]} : vector<16xi32> to vector<1xi32>
      %squeeze3A_2636 = vector.extract %slice3A_2635[0] : i32 from vector<1xi32>
      %jit3A_2637 = arith.constant 128 : i32
      %eq3A_2638 = arith.constant 0 : i32
      %eq3A_2639 = arith.cmpi eq, %jit3A_2637, %eq3A_2638 : i32
      %jit3A_2640 = arith.constant 1 : i32
      %select_n3A_2641 = arith.select %eq3A_2639, %jit3A_2640, %jit3A_2637 : i32
      %rem3A_2642 = arith.remsi %squeeze3A_2636, %select_n3A_2641 : i32
      %ne3A_2643 = arith.constant 0 : i32
      %ne3A_2644 = arith.cmpi ne, %rem3A_2642, %ne3A_2643 : i32
      %lt3A_2645 = arith.constant 0 : i32
      %lt3A_2646 = arith.cmpi slt, %rem3A_2642, %lt3A_2645 : i32
      %lt3A_2647 = arith.constant 0 : i32
      %lt3A_2648 = arith.cmpi slt, %select_n3A_2641, %lt3A_2647 : i32
      %ne3A_2649 = arith.xori %lt3A_2646, %lt3A_2648 : i1
      %and3A_2650 = arith.andi %ne3A_2649, %ne3A_2644 : i1
      %add3A_2651 = arith.addi %rem3A_2642, %select_n3A_2641 : i32
      %select_n3A_2652 = arith.select %and3A_2650, %add3A_2651, %rem3A_2642 : i32
      %broadcast_in_dim3A_2653 = vector.broadcast %select_n3A_2652 : i32 to vector<16xi32>
      %slice3A_2654 = vector.extract_strided_slice %get3A_2354 {offsets = [5], sizes = [1], strides = [1]} : vector<16xi32> to vector<1xi32>
      %squeeze3A_2655 = vector.extract %slice3A_2654[0] : i32 from vector<1xi32>
      %jit3A_2656 = arith.constant 128 : i32
      %eq3A_2657 = arith.constant 0 : i32
      %eq3A_2658 = arith.cmpi eq, %jit3A_2656, %eq3A_2657 : i32
      %jit3A_2659 = arith.constant 1 : i32
      %select_n3A_2660 = arith.select %eq3A_2658, %jit3A_2659, %jit3A_2656 : i32
      %rem3A_2661 = arith.remsi %squeeze3A_2655, %select_n3A_2660 : i32
      %ne3A_2662 = arith.constant 0 : i32
      %ne3A_2663 = arith.cmpi ne, %rem3A_2661, %ne3A_2662 : i32
      %lt3A_2664 = arith.constant 0 : i32
      %lt3A_2665 = arith.cmpi slt, %rem3A_2661, %lt3A_2664 : i32
      %lt3A_2666 = arith.constant 0 : i32
      %lt3A_2667 = arith.cmpi slt, %select_n3A_2660, %lt3A_2666 : i32
      %ne3A_2668 = arith.xori %lt3A_2665, %lt3A_2667 : i1
      %and3A_2669 = arith.andi %ne3A_2668, %ne3A_2663 : i1
      %add3A_2670 = arith.addi %rem3A_2661, %select_n3A_2660 : i32
      %select_n3A_2671 = arith.select %and3A_2669, %add3A_2670, %rem3A_2661 : i32
      %broadcast_in_dim3A_2672 = vector.broadcast %select_n3A_2671 : i32 to vector<16xi32>
      %gather3A_2673 = arith.constant 1 : i32
      %gather3A_2674 = arith.constant 5 : i32
      %gather3A_2675 = arith.constant 0 : i32
      %gather3A_2676 = arith.constant 0 : i32
      %gather3A_2677 = tpu.memref_slice %arg9[%gather3A_2673, %gather3A_2674, %gather3A_2675, %gather3A_2676] : memref<2x8x16x128xf32, #tpu.memory_space<vmem>> -> memref<1x1x16x128xf32, #tpu.memory_space<vmem>>
      %gather3A_2678 = tpu.memref_squeeze %gather3A_2677 : memref<1x1x16x128xf32, #tpu.memory_space<vmem>> -> memref<16x128xf32, #tpu.memory_space<vmem>>
      %gather3A_2679 = tpu.vector_load_idx %gather3A_2678[%iota3A, %broadcast_in_dim3A_2653] : memref<16x128xf32, #tpu.memory_space<vmem>>[vector<16xi32>, vector<16xi32>], vector<16xf32>,
      %gather3A_2680 = arith.constant 1 : i32
      %gather3A_2681 = arith.constant 5 : i32
      %gather3A_2682 = arith.constant 0 : i32
      %gather3A_2683 = arith.constant 0 : i32
      %gather3A_2684 = tpu.memref_slice %arg10[%gather3A_2680, %gather3A_2681, %gather3A_2682, %gather3A_2683] : memref<2x8x16x128xf32, #tpu.memory_space<vmem>> -> memref<1x1x16x128xf32, #tpu.memory_space<vmem>>
      %gather3A_2685 = tpu.memref_squeeze %gather3A_2684 : memref<1x1x16x128xf32, #tpu.memory_space<vmem>> -> memref<16x128xf32, #tpu.memory_space<vmem>>
      %gather3A_2686 = tpu.vector_load_idx %gather3A_2685[%iota3A, %broadcast_in_dim3A_2672] : memref<16x128xf32, #tpu.memory_space<vmem>>[vector<16xi32>, vector<16xi32>], vector<16xf32>,
      %swap3A_2687 = arith.constant 221 : index
      %swap3A_2688 = tpu.vector_load %arg11[%swap3A_2687] {strides = array<i32>} : memref<272xf32, #tpu.memory_space<vmem>>, vector<16xf32>,
      tpu.vector_store %arg11[%swap3A_2687], %gather3A_2679 {strides = array<i32>} : memref<272xf32, #tpu.memory_space<vmem>>, vector<16xf32>,
      %swap3A_2689 = arith.constant 221 : index
      %swap3A_2690 = tpu.vector_load %arg12[%swap3A_2689] {strides = array<i32>} : memref<272xf32, #tpu.memory_space<vmem>>, vector<16xf32>,
      tpu.vector_store %arg12[%swap3A_2689], %gather3A_2686 {strides = array<i32>} : memref<272xf32, #tpu.memory_space<vmem>>, vector<16xf32>,
      %slice3A_2691 = vector.extract_strided_slice %get3A_2352 {offsets = [6], sizes = [1], strides = [1]} : vector<16xi32> to vector<1xi32>
      %squeeze3A_2692 = vector.extract %slice3A_2691[0] : i32 from vector<1xi32>
      %jit3A_2693 = arith.constant 128 : i32
      %eq3A_2694 = arith.constant 0 : i32
      %eq3A_2695 = arith.cmpi eq, %jit3A_2693, %eq3A_2694 : i32
      %jit3A_2696 = arith.constant 1 : i32
      %select_n3A_2697 = arith.select %eq3A_2695, %jit3A_2696, %jit3A_2693 : i32
      %rem3A_2698 = arith.remsi %squeeze3A_2692, %select_n3A_2697 : i32
      %ne3A_2699 = arith.constant 0 : i32
      %ne3A_2700 = arith.cmpi ne, %rem3A_2698, %ne3A_2699 : i32
      %lt3A_2701 = arith.constant 0 : i32
      %lt3A_2702 = arith.cmpi slt, %rem3A_2698, %lt3A_2701 : i32
      %lt3A_2703 = arith.constant 0 : i32
      %lt3A_2704 = arith.cmpi slt, %select_n3A_2697, %lt3A_2703 : i32
      %ne3A_2705 = arith.xori %lt3A_2702, %lt3A_2704 : i1
      %and3A_2706 = arith.andi %ne3A_2705, %ne3A_2700 : i1
      %add3A_2707 = arith.addi %rem3A_2698, %select_n3A_2697 : i32
      %select_n3A_2708 = arith.select %and3A_2706, %add3A_2707, %rem3A_2698 : i32
      %broadcast_in_dim3A_2709 = vector.broadcast %select_n3A_2708 : i32 to vector<16xi32>
      %slice3A_2710 = vector.extract_strided_slice %get3A_2354 {offsets = [6], sizes = [1], strides = [1]} : vector<16xi32> to vector<1xi32>
      %squeeze3A_2711 = vector.extract %slice3A_2710[0] : i32 from vector<1xi32>
      %jit3A_2712 = arith.constant 128 : i32
      %eq3A_2713 = arith.constant 0 : i32
      %eq3A_2714 = arith.cmpi eq, %jit3A_2712, %eq3A_2713 : i32
      %jit3A_2715 = arith.constant 1 : i32
      %select_n3A_2716 = arith.select %eq3A_2714, %jit3A_2715, %jit3A_2712 : i32
      %rem3A_2717 = arith.remsi %squeeze3A_2711, %select_n3A_2716 : i32
      %ne3A_2718 = arith.constant 0 : i32
      %ne3A_2719 = arith.cmpi ne, %rem3A_2717, %ne3A_2718 : i32
      %lt3A_2720 = arith.constant 0 : i32
      %lt3A_2721 = arith.cmpi slt, %rem3A_2717, %lt3A_2720 : i32
      %lt3A_2722 = arith.constant 0 : i32
      %lt3A_2723 = arith.cmpi slt, %select_n3A_2716, %lt3A_2722 : i32
      %ne3A_2724 = arith.xori %lt3A_2721, %lt3A_2723 : i1
      %and3A_2725 = arith.andi %ne3A_2724, %ne3A_2719 : i1
      %add3A_2726 = arith.addi %rem3A_2717, %select_n3A_2716 : i32
      %select_n3A_2727 = arith.select %and3A_2725, %add3A_2726, %rem3A_2717 : i32
      %broadcast_in_dim3A_2728 = vector.broadcast %select_n3A_2727 : i32 to vector<16xi32>
      %gather3A_2729 = arith.constant 1 : i32
      %gather3A_2730 = arith.constant 6 : i32
      %gather3A_2731 = arith.constant 0 : i32
      %gather3A_2732 = arith.constant 0 : i32
      %gather3A_2733 = tpu.memref_slice %arg9[%gather3A_2729, %gather3A_2730, %gather3A_2731, %gather3A_2732] : memref<2x8x16x128xf32, #tpu.memory_space<vmem>> -> memref<1x1x16x128xf32, #tpu.memory_space<vmem>>
      %gather3A_2734 = tpu.memref_squeeze %gather3A_2733 : memref<1x1x16x128xf32, #tpu.memory_space<vmem>> -> memref<16x128xf32, #tpu.memory_space<vmem>>
      %gather3A_2735 = tpu.vector_load_idx %gather3A_2734[%iota3A, %broadcast_in_dim3A_2709] : memref<16x128xf32, #tpu.memory_space<vmem>>[vector<16xi32>, vector<16xi32>], vector<16xf32>,
      %gather3A_2736 = arith.constant 1 : i32
      %gather3A_2737 = arith.constant 6 : i32
      %gather3A_2738 = arith.constant 0 : i32
      %gather3A_2739 = arith.constant 0 : i32
      %gather3A_2740 = tpu.memref_slice %arg10[%gather3A_2736, %gather3A_2737, %gather3A_2738, %gather3A_2739] : memref<2x8x16x128xf32, #tpu.memory_space<vmem>> -> memref<1x1x16x128xf32, #tpu.memory_space<vmem>>
      %gather3A_2741 = tpu.memref_squeeze %gather3A_2740 : memref<1x1x16x128xf32, #tpu.memory_space<vmem>> -> memref<16x128xf32, #tpu.memory_space<vmem>>
      %gather3A_2742 = tpu.vector_load_idx %gather3A_2741[%iota3A, %broadcast_in_dim3A_2728] : memref<16x128xf32, #tpu.memory_space<vmem>>[vector<16xi32>, vector<16xi32>], vector<16xf32>,
      %swap3A_2743 = arith.constant 238 : index
      %swap3A_2744 = tpu.vector_load %arg11[%swap3A_2743] {strides = array<i32>} : memref<272xf32, #tpu.memory_space<vmem>>, vector<16xf32>,
      tpu.vector_store %arg11[%swap3A_2743], %gather3A_2735 {strides = array<i32>} : memref<272xf32, #tpu.memory_space<vmem>>, vector<16xf32>,
      %swap3A_2745 = arith.constant 238 : index
      %swap3A_2746 = tpu.vector_load %arg12[%swap3A_2745] {strides = array<i32>} : memref<272xf32, #tpu.memory_space<vmem>>, vector<16xf32>,
      tpu.vector_store %arg12[%swap3A_2745], %gather3A_2742 {strides = array<i32>} : memref<272xf32, #tpu.memory_space<vmem>>, vector<16xf32>,
      %slice3A_2747 = vector.extract_strided_slice %get3A_2352 {offsets = [7], sizes = [1], strides = [1]} : vector<16xi32> to vector<1xi32>
      %squeeze3A_2748 = vector.extract %slice3A_2747[0] : i32 from vector<1xi32>
      %jit3A_2749 = arith.constant 128 : i32
      %eq3A_2750 = arith.constant 0 : i32
      %eq3A_2751 = arith.cmpi eq, %jit3A_2749, %eq3A_2750 : i32
      %jit3A_2752 = arith.constant 1 : i32
      %select_n3A_2753 = arith.select %eq3A_2751, %jit3A_2752, %jit3A_2749 : i32
      %rem3A_2754 = arith.remsi %squeeze3A_2748, %select_n3A_2753 : i32
      %ne3A_2755 = arith.constant 0 : i32
      %ne3A_2756 = arith.cmpi ne, %rem3A_2754, %ne3A_2755 : i32
      %lt3A_2757 = arith.constant 0 : i32
      %lt3A_2758 = arith.cmpi slt, %rem3A_2754, %lt3A_2757 : i32
      %lt3A_2759 = arith.constant 0 : i32
      %lt3A_2760 = arith.cmpi slt, %select_n3A_2753, %lt3A_2759 : i32
      %ne3A_2761 = arith.xori %lt3A_2758, %lt3A_2760 : i1
      %and3A_2762 = arith.andi %ne3A_2761, %ne3A_2756 : i1
      %add3A_2763 = arith.addi %rem3A_2754, %select_n3A_2753 : i32
      %select_n3A_2764 = arith.select %and3A_2762, %add3A_2763, %rem3A_2754 : i32
      %broadcast_in_dim3A_2765 = vector.broadcast %select_n3A_2764 : i32 to vector<16xi32>
      %slice3A_2766 = vector.extract_strided_slice %get3A_2354 {offsets = [7], sizes = [1], strides = [1]} : vector<16xi32> to vector<1xi32>
      %squeeze3A_2767 = vector.extract %slice3A_2766[0] : i32 from vector<1xi32>
      %jit3A_2768 = arith.constant 128 : i32
      %eq3A_2769 = arith.constant 0 : i32
      %eq3A_2770 = arith.cmpi eq, %jit3A_2768, %eq3A_2769 : i32
      %jit3A_2771 = arith.constant 1 : i32
      %select_n3A_2772 = arith.select %eq3A_2770, %jit3A_2771, %jit3A_2768 : i32
      %rem3A_2773 = arith.remsi %squeeze3A_2767, %select_n3A_2772 : i32
      %ne3A_2774 = arith.constant 0 : i32
      %ne3A_2775 = arith.cmpi ne, %rem3A_2773, %ne3A_2774 : i32
      %lt3A_2776 = arith.constant 0 : i32
      %lt3A_2777 = arith.cmpi slt, %rem3A_2773, %lt3A_2776 : i32
      %lt3A_2778 = arith.constant 0 : i32
      %lt3A_2779 = arith.cmpi slt, %select_n3A_2772, %lt3A_2778 : i32
      %ne3A_2780 = arith.xori %lt3A_2777, %lt3A_2779 : i1
      %and3A_2781 = arith.andi %ne3A_2780, %ne3A_2775 : i1
      %add3A_2782 = arith.addi %rem3A_2773, %select_n3A_2772 : i32
      %select_n3A_2783 = arith.select %and3A_2781, %add3A_2782, %rem3A_2773 : i32
      %broadcast_in_dim3A_2784 = vector.broadcast %select_n3A_2783 : i32 to vector<16xi32>
      %gather3A_2785 = arith.constant 1 : i32
      %gather3A_2786 = arith.constant 7 : i32
      %gather3A_2787 = arith.constant 0 : i32
      %gather3A_2788 = arith.constant 0 : i32
      %gather3A_2789 = tpu.memref_slice %arg9[%gather3A_2785, %gather3A_2786, %gather3A_2787, %gather3A_2788] : memref<2x8x16x128xf32, #tpu.memory_space<vmem>> -> memref<1x1x16x128xf32, #tpu.memory_space<vmem>>
      %gather3A_2790 = tpu.memref_squeeze %gather3A_2789 : memref<1x1x16x128xf32, #tpu.memory_space<vmem>> -> memref<16x128xf32, #tpu.memory_space<vmem>>
      %gather3A_2791 = tpu.vector_load_idx %gather3A_2790[%iota3A, %broadcast_in_dim3A_2765] : memref<16x128xf32, #tpu.memory_space<vmem>>[vector<16xi32>, vector<16xi32>], vector<16xf32>,
      %gather3A_2792 = arith.constant 1 : i32
      %gather3A_2793 = arith.constant 7 : i32
      %gather3A_2794 = arith.constant 0 : i32
      %gather3A_2795 = arith.constant 0 : i32
      %gather3A_2796 = tpu.memref_slice %arg10[%gather3A_2792, %gather3A_2793, %gather3A_2794, %gather3A_2795] : memref<2x8x16x128xf32, #tpu.memory_space<vmem>> -> memref<1x1x16x128xf32, #tpu.memory_space<vmem>>
      %gather3A_2797 = tpu.memref_squeeze %gather3A_2796 : memref<1x1x16x128xf32, #tpu.memory_space<vmem>> -> memref<16x128xf32, #tpu.memory_space<vmem>>
      %gather3A_2798 = tpu.vector_load_idx %gather3A_2797[%iota3A, %broadcast_in_dim3A_2784] : memref<16x128xf32, #tpu.memory_space<vmem>>[vector<16xi32>, vector<16xi32>], vector<16xf32>,
      %swap3A_2799 = arith.constant 255 : index
      %swap3A_2800 = tpu.vector_load %arg11[%swap3A_2799] {strides = array<i32>} : memref<272xf32, #tpu.memory_space<vmem>>, vector<16xf32>,
      tpu.vector_store %arg11[%swap3A_2799], %gather3A_2791 {strides = array<i32>} : memref<272xf32, #tpu.memory_space<vmem>>, vector<16xf32>,
      %swap3A_2801 = arith.constant 255 : index
      %swap3A_2802 = tpu.vector_load %arg12[%swap3A_2801] {strides = array<i32>} : memref<272xf32, #tpu.memory_space<vmem>>, vector<16xf32>,
      tpu.vector_store %arg12[%swap3A_2801], %gather3A_2798 {strides = array<i32>} : memref<272xf32, #tpu.memory_space<vmem>>, vector<16xf32>,
      %add3A_2803 = arith.constant 24 : i32
      %add3A_2804 = arith.addi %mul3A_1385, %add3A_2803 : i32
      %lt3A_2805 = arith.constant 512 : i32
      %lt3A_2806 = arith.cmpi slt, %add3A_2804, %lt3A_2805 : i32
      %convert_element_type3A_2807 = arith.extui %lt3A_2806 : i1 to i32
      %cond3A_2808 = arith.constant 0 : i32
      %cond3A_2809 = arith.cmpi ne, %convert_element_type3A_2807, %cond3A_2808 : i32
      scf.if %cond3A_2809 {
        %add3A_2992 = arith.constant 24 : i32
        %add3A_2993 = arith.addi %mul3A_1385, %add3A_2992 : i32
        %get3A_2994 = arith.index_cast %add3A_2993 : i32 to index
        %get3A_2995 = tpu.vector_load %arg7[%get3A_2994] {strides = array<i32>} : memref<528xi32, #tpu.memory_space<vmem>>, vector<16xi32>,
        %get3A_2996 = arith.index_cast %add3A_2993 : i32 to index
        %get3A_2997 = tpu.vector_load %arg8[%get3A_2996] {strides = array<i32>} : memref<528xi32, #tpu.memory_space<vmem>>, vector<16xi32>,
        %slice3A_2998 = vector.extract_strided_slice %get3A_2995 {offsets = [0], sizes = [1], strides = [1]} : vector<16xi32> to vector<1xi32>
        %squeeze3A_2999 = vector.extract %slice3A_2998[0] : i32 from vector<1xi32>
        %jit3A_3000 = arith.constant 128 : i32
        %div3A_3001 = arith.divsi %squeeze3A_2999, %jit3A_3000 : i32
        %sign3A_3002 = arith.constant 0 : i32
        %sign3A_3003 = arith.cmpi sgt, %squeeze3A_2999, %sign3A_3002 : i32
        %sign3A_3004 = arith.extui %sign3A_3003 : i1 to i32
        %sign3A_3005 = arith.constant 0 : i32
        %sign3A_3006 = arith.cmpi slt, %squeeze3A_2999, %sign3A_3005 : i32
        %sign3A_3007 = arith.extui %sign3A_3006 : i1 to i32
        %sign3A_3008 = arith.subi %sign3A_3004, %sign3A_3007 : i32
        %sign3A_3009 = arith.constant 0 : i32
        %sign3A_3010 = arith.cmpi sgt, %jit3A_3000, %sign3A_3009 : i32
        %sign3A_3011 = arith.extui %sign3A_3010 : i1 to i32
        %sign3A_3012 = arith.constant 0 : i32
        %sign3A_3013 = arith.cmpi slt, %jit3A_3000, %sign3A_3012 : i32
        %sign3A_3014 = arith.extui %sign3A_3013 : i1 to i32
        %sign3A_3015 = arith.subi %sign3A_3011, %sign3A_3014 : i32
        %ne3A_3016 = arith.cmpi ne, %sign3A_3008, %sign3A_3015 : i32
        %rem3A_3017 = arith.remsi %squeeze3A_2999, %jit3A_3000 : i32
        %ne3A_3018 = arith.constant 0 : i32
        %ne3A_3019 = arith.cmpi ne, %rem3A_3017, %ne3A_3018 : i32
        %and3A_3020 = arith.andi %ne3A_3016, %ne3A_3019 : i1
        %sub3A_3021 = arith.constant 1 : i32
        %sub3A_3022 = arith.subi %div3A_3001, %sub3A_3021 : i32
        %select_n3A_3023 = arith.select %and3A_3020, %sub3A_3022, %div3A_3001 : i32
        %mul3A_3024 = arith.constant 128 : i32
        %mul3A_3025 = arith.muli %select_n3A_3023, %mul3A_3024 : i32
        %multiple_of3A_3026 = tpu.assume_multiple %mul3A_3025, 128 : i32
        %slice3A_3027 = vector.extract_strided_slice %get3A_2997 {offsets = [0], sizes = [1], strides = [1]} : vector<16xi32> to vector<1xi32>
        %squeeze3A_3028 = vector.extract %slice3A_3027[0] : i32 from vector<1xi32>
        %jit3A_3029 = arith.constant 128 : i32
        %div3A_3030 = arith.divsi %squeeze3A_3028, %jit3A_3029 : i32
        %sign3A_3031 = arith.constant 0 : i32
        %sign3A_3032 = arith.cmpi sgt, %squeeze3A_3028, %sign3A_3031 : i32
        %sign3A_3033 = arith.extui %sign3A_3032 : i1 to i32
        %sign3A_3034 = arith.constant 0 : i32
        %sign3A_3035 = arith.cmpi slt, %squeeze3A_3028, %sign3A_3034 : i32
        %sign3A_3036 = arith.extui %sign3A_3035 : i1 to i32
        %sign3A_3037 = arith.subi %sign3A_3033, %sign3A_3036 : i32
        %sign3A_3038 = arith.constant 0 : i32
        %sign3A_3039 = arith.cmpi sgt, %jit3A_3029, %sign3A_3038 : i32
        %sign3A_3040 = arith.extui %sign3A_3039 : i1 to i32
        %sign3A_3041 = arith.constant 0 : i32
        %sign3A_3042 = arith.cmpi slt, %jit3A_3029, %sign3A_3041 : i32
        %sign3A_3043 = arith.extui %sign3A_3042 : i1 to i32
        %sign3A_3044 = arith.subi %sign3A_3040, %sign3A_3043 : i32
        %ne3A_3045 = arith.cmpi ne, %sign3A_3037, %sign3A_3044 : i32
        %rem3A_3046 = arith.remsi %squeeze3A_3028, %jit3A_3029 : i32
        %ne3A_3047 = arith.constant 0 : i32
        %ne3A_3048 = arith.cmpi ne, %rem3A_3046, %ne3A_3047 : i32
        %and3A_3049 = arith.andi %ne3A_3045, %ne3A_3048 : i1
        %sub3A_3050 = arith.constant 1 : i32
        %sub3A_3051 = arith.subi %div3A_3030, %sub3A_3050 : i32
        %select_n3A_3052 = arith.select %and3A_3049, %sub3A_3051, %div3A_3030 : i32
        %mul3A_3053 = arith.constant 128 : i32
        %mul3A_3054 = arith.muli %select_n3A_3052, %mul3A_3053 : i32
        %multiple_of3A_3055 = tpu.assume_multiple %mul3A_3054, 128 : i32
        %dma_start3A_3056 = arith.constant 1 : i32
        %dma_start3A_3057 = arith.constant 0 : i32
        %dma_start3A_3058 = arith.constant 0 : i32
        %dma_start3A_3059 = arith.constant 0 : i32
        %dma_start3A_3060 = tpu.memref_slice %arg9[%dma_start3A_3056, %dma_start3A_3057, %dma_start3A_3058, %dma_start3A_3059] : memref<2x8x16x128xf32, #tpu.memory_space<vmem>> -> memref<1x1x16x128xf32, #tpu.memory_space<vmem>>
        %dma_start3A_3061 = tpu.memref_squeeze %dma_start3A_3060 : memref<1x1x16x128xf32, #tpu.memory_space<vmem>> -> memref<16x128xf32, #tpu.memory_space<vmem>>
        %dma_start3A_3062 = arith.constant 0 : i32
        %dma_start3A_3063 = tpu.memref_slice %arg4[%dma_start3A_3062, %multiple_of3A_3026] : memref<16x1000000xf32, #tpu.memory_space<hbm>> -> memref<16x128xf32, #tpu.memory_space<hbm>>
        %dma_start3A_3064 = arith.constant 0 : i32
        %dma_start3A_3065 = arith.constant 0 : i32
        %dma_start3A_3066 = tpu.memref_slice %arg9[%dma_start3A_3056, %dma_start3A_3057, %dma_start3A_3064, %dma_start3A_3065] : memref<2x8x16x128xf32, #tpu.memory_space<vmem>> -> memref<1x1x16x128xf32, #tpu.memory_space<vmem>>
        %dma_start3A_3067 = tpu.memref_squeeze %dma_start3A_3066 : memref<1x1x16x128xf32, #tpu.memory_space<vmem>> -> memref<16x128xf32, #tpu.memory_space<vmem>>
        %dma_start3A_3068 = arith.constant 0 : i32
        %dma_start3A_3069 = tpu.memref_slice %arg4[%dma_start3A_3068, %multiple_of3A_3026] : memref<16x1000000xf32, #tpu.memory_space<hbm>> -> memref<16x128xf32, #tpu.memory_space<hbm>>
        tpu.enqueue_dma source(%dma_start3A_3069 : memref<16x128xf32, #tpu.memory_space<hbm>>) target(%dma_start3A_3067 : memref<16x128xf32, #tpu.memory_space<vmem>>) target_semaphore(%arg15 : memref<!tpu.dma_semaphore, #tpu.memory_space<semaphore_mem>>)
        %dma_start3A_3070 = arith.constant 1 : i32
        %dma_start3A_3071 = arith.constant 0 : i32
        %dma_start3A_3072 = arith.constant 0 : i32
        %dma_start3A_3073 = arith.constant 0 : i32
        %dma_start3A_3074 = tpu.memref_slice %arg10[%dma_start3A_3070, %dma_start3A_3071, %dma_start3A_3072, %dma_start3A_3073] : memref<2x8x16x128xf32, #tpu.memory_space<vmem>> -> memref<1x1x16x128xf32, #tpu.memory_space<vmem>>
        %dma_start3A_3075 = tpu.memref_squeeze %dma_start3A_3074 : memref<1x1x16x128xf32, #tpu.memory_space<vmem>> -> memref<16x128xf32, #tpu.memory_space<vmem>>
        %dma_start3A_3076 = arith.constant 0 : i32
        %dma_start3A_3077 = tpu.memref_slice %arg5[%dma_start3A_3076, %multiple_of3A_3055] : memref<16x1000000xf32, #tpu.memory_space<hbm>> -> memref<16x128xf32, #tpu.memory_space<hbm>>
        %dma_start3A_3078 = arith.constant 0 : i32
        %dma_start3A_3079 = arith.constant 0 : i32
        %dma_start3A_3080 = tpu.memref_slice %arg10[%dma_start3A_3070, %dma_start3A_3071, %dma_start3A_3078, %dma_start3A_3079] : memref<2x8x16x128xf32, #tpu.memory_space<vmem>> -> memref<1x1x16x128xf32, #tpu.memory_space<vmem>>
        %dma_start3A_3081 = tpu.memref_squeeze %dma_start3A_3080 : memref<1x1x16x128xf32, #tpu.memory_space<vmem>> -> memref<16x128xf32, #tpu.memory_space<vmem>>
        %dma_start3A_3082 = arith.constant 0 : i32
        %dma_start3A_3083 = tpu.memref_slice %arg5[%dma_start3A_3082, %multiple_of3A_3055] : memref<16x1000000xf32, #tpu.memory_space<hbm>> -> memref<16x128xf32, #tpu.memory_space<hbm>>
        tpu.enqueue_dma source(%dma_start3A_3083 : memref<16x128xf32, #tpu.memory_space<hbm>>) target(%dma_start3A_3081 : memref<16x128xf32, #tpu.memory_space<vmem>>) target_semaphore(%arg15 : memref<!tpu.dma_semaphore, #tpu.memory_space<semaphore_mem>>)
        %slice3A_3084 = vector.extract_strided_slice %get3A_2995 {offsets = [1], sizes = [1], strides = [1]} : vector<16xi32> to vector<1xi32>
        %squeeze3A_3085 = vector.extract %slice3A_3084[0] : i32 from vector<1xi32>
        %jit3A_3086 = arith.constant 128 : i32
        %div3A_3087 = arith.divsi %squeeze3A_3085, %jit3A_3086 : i32
        %sign3A_3088 = arith.constant 0 : i32
        %sign3A_3089 = arith.cmpi sgt, %squeeze3A_3085, %sign3A_3088 : i32
        %sign3A_3090 = arith.extui %sign3A_3089 : i1 to i32
        %sign3A_3091 = arith.constant 0 : i32
        %sign3A_3092 = arith.cmpi slt, %squeeze3A_3085, %sign3A_3091 : i32
        %sign3A_3093 = arith.extui %sign3A_3092 : i1 to i32
        %sign3A_3094 = arith.subi %sign3A_3090, %sign3A_3093 : i32
        %sign3A_3095 = arith.constant 0 : i32
        %sign3A_3096 = arith.cmpi sgt, %jit3A_3086, %sign3A_3095 : i32
        %sign3A_3097 = arith.extui %sign3A_3096 : i1 to i32
        %sign3A_3098 = arith.constant 0 : i32
        %sign3A_3099 = arith.cmpi slt, %jit3A_3086, %sign3A_3098 : i32
        %sign3A_3100 = arith.extui %sign3A_3099 : i1 to i32
        %sign3A_3101 = arith.subi %sign3A_3097, %sign3A_3100 : i32
        %ne3A_3102 = arith.cmpi ne, %sign3A_3094, %sign3A_3101 : i32
        %rem3A_3103 = arith.remsi %squeeze3A_3085, %jit3A_3086 : i32
        %ne3A_3104 = arith.constant 0 : i32
        %ne3A_3105 = arith.cmpi ne, %rem3A_3103, %ne3A_3104 : i32
        %and3A_3106 = arith.andi %ne3A_3102, %ne3A_3105 : i1
        %sub3A_3107 = arith.constant 1 : i32
        %sub3A_3108 = arith.subi %div3A_3087, %sub3A_3107 : i32
        %select_n3A_3109 = arith.select %and3A_3106, %sub3A_3108, %div3A_3087 : i32
        %mul3A_3110 = arith.constant 128 : i32
        %mul3A_3111 = arith.muli %select_n3A_3109, %mul3A_3110 : i32
        %multiple_of3A_3112 = tpu.assume_multiple %mul3A_3111, 128 : i32
        %slice3A_3113 = vector.extract_strided_slice %get3A_2997 {offsets = [1], sizes = [1], strides = [1]} : vector<16xi32> to vector<1xi32>
        %squeeze3A_3114 = vector.extract %slice3A_3113[0] : i32 from vector<1xi32>
        %jit3A_3115 = arith.constant 128 : i32
        %div3A_3116 = arith.divsi %squeeze3A_3114, %jit3A_3115 : i32
        %sign3A_3117 = arith.constant 0 : i32
        %sign3A_3118 = arith.cmpi sgt, %squeeze3A_3114, %sign3A_3117 : i32
        %sign3A_3119 = arith.extui %sign3A_3118 : i1 to i32
        %sign3A_3120 = arith.constant 0 : i32
        %sign3A_3121 = arith.cmpi slt, %squeeze3A_3114, %sign3A_3120 : i32
        %sign3A_3122 = arith.extui %sign3A_3121 : i1 to i32
        %sign3A_3123 = arith.subi %sign3A_3119, %sign3A_3122 : i32
        %sign3A_3124 = arith.constant 0 : i32
        %sign3A_3125 = arith.cmpi sgt, %jit3A_3115, %sign3A_3124 : i32
        %sign3A_3126 = arith.extui %sign3A_3125 : i1 to i32
        %sign3A_3127 = arith.constant 0 : i32
        %sign3A_3128 = arith.cmpi slt, %jit3A_3115, %sign3A_3127 : i32
        %sign3A_3129 = arith.extui %sign3A_3128 : i1 to i32
        %sign3A_3130 = arith.subi %sign3A_3126, %sign3A_3129 : i32
        %ne3A_3131 = arith.cmpi ne, %sign3A_3123, %sign3A_3130 : i32
        %rem3A_3132 = arith.remsi %squeeze3A_3114, %jit3A_3115 : i32
        %ne3A_3133 = arith.constant 0 : i32
        %ne3A_3134 = arith.cmpi ne, %rem3A_3132, %ne3A_3133 : i32
        %and3A_3135 = arith.andi %ne3A_3131, %ne3A_3134 : i1
        %sub3A_3136 = arith.constant 1 : i32
        %sub3A_3137 = arith.subi %div3A_3116, %sub3A_3136 : i32
        %select_n3A_3138 = arith.select %and3A_3135, %sub3A_3137, %div3A_3116 : i32
        %mul3A_3139 = arith.constant 128 : i32
        %mul3A_3140 = arith.muli %select_n3A_3138, %mul3A_3139 : i32
        %multiple_of3A_3141 = tpu.assume_multiple %mul3A_3140, 128 : i32
        %dma_start3A_3142 = arith.constant 1 : i32
        %dma_start3A_3143 = arith.constant 1 : i32
        %dma_start3A_3144 = arith.constant 0 : i32
        %dma_start3A_3145 = arith.constant 0 : i32
        %dma_start3A_3146 = tpu.memref_slice %arg9[%dma_start3A_3142, %dma_start3A_3143, %dma_start3A_3144, %dma_start3A_3145] : memref<2x8x16x128xf32, #tpu.memory_space<vmem>> -> memref<1x1x16x128xf32, #tpu.memory_space<vmem>>
        %dma_start3A_3147 = tpu.memref_squeeze %dma_start3A_3146 : memref<1x1x16x128xf32, #tpu.memory_space<vmem>> -> memref<16x128xf32, #tpu.memory_space<vmem>>
        %dma_start3A_3148 = arith.constant 0 : i32
        %dma_start3A_3149 = tpu.memref_slice %arg4[%dma_start3A_3148, %multiple_of3A_3112] : memref<16x1000000xf32, #tpu.memory_space<hbm>> -> memref<16x128xf32, #tpu.memory_space<hbm>>
        %dma_start3A_3150 = arith.constant 0 : i32
        %dma_start3A_3151 = arith.constant 0 : i32
        %dma_start3A_3152 = tpu.memref_slice %arg9[%dma_start3A_3142, %dma_start3A_3143, %dma_start3A_3150, %dma_start3A_3151] : memref<2x8x16x128xf32, #tpu.memory_space<vmem>> -> memref<1x1x16x128xf32, #tpu.memory_space<vmem>>
        %dma_start3A_3153 = tpu.memref_squeeze %dma_start3A_3152 : memref<1x1x16x128xf32, #tpu.memory_space<vmem>> -> memref<16x128xf32, #tpu.memory_space<vmem>>
        %dma_start3A_3154 = arith.constant 0 : i32
        %dma_start3A_3155 = tpu.memref_slice %arg4[%dma_start3A_3154, %multiple_of3A_3112] : memref<16x1000000xf32, #tpu.memory_space<hbm>> -> memref<16x128xf32, #tpu.memory_space<hbm>>
        tpu.enqueue_dma source(%dma_start3A_3155 : memref<16x128xf32, #tpu.memory_space<hbm>>) target(%dma_start3A_3153 : memref<16x128xf32, #tpu.memory_space<vmem>>) target_semaphore(%arg15 : memref<!tpu.dma_semaphore, #tpu.memory_space<semaphore_mem>>)
        %dma_start3A_3156 = arith.constant 1 : i32
        %dma_start3A_3157 = arith.constant 1 : i32
        %dma_start3A_3158 = arith.constant 0 : i32
        %dma_start3A_3159 = arith.constant 0 : i32
        %dma_start3A_3160 = tpu.memref_slice %arg10[%dma_start3A_3156, %dma_start3A_3157, %dma_start3A_3158, %dma_start3A_3159] : memref<2x8x16x128xf32, #tpu.memory_space<vmem>> -> memref<1x1x16x128xf32, #tpu.memory_space<vmem>>
        %dma_start3A_3161 = tpu.memref_squeeze %dma_start3A_3160 : memref<1x1x16x128xf32, #tpu.memory_space<vmem>> -> memref<16x128xf32, #tpu.memory_space<vmem>>
        %dma_start3A_3162 = arith.constant 0 : i32
        %dma_start3A_3163 = tpu.memref_slice %arg5[%dma_start3A_3162, %multiple_of3A_3141] : memref<16x1000000xf32, #tpu.memory_space<hbm>> -> memref<16x128xf32, #tpu.memory_space<hbm>>
        %dma_start3A_3164 = arith.constant 0 : i32
        %dma_start3A_3165 = arith.constant 0 : i32
        %dma_start3A_3166 = tpu.memref_slice %arg10[%dma_start3A_3156, %dma_start3A_3157, %dma_start3A_3164, %dma_start3A_3165] : memref<2x8x16x128xf32, #tpu.memory_space<vmem>> -> memref<1x1x16x128xf32, #tpu.memory_space<vmem>>
        %dma_start3A_3167 = tpu.memref_squeeze %dma_start3A_3166 : memref<1x1x16x128xf32, #tpu.memory_space<vmem>> -> memref<16x128xf32, #tpu.memory_space<vmem>>
        %dma_start3A_3168 = arith.constant 0 : i32
        %dma_start3A_3169 = tpu.memref_slice %arg5[%dma_start3A_3168, %multiple_of3A_3141] : memref<16x1000000xf32, #tpu.memory_space<hbm>> -> memref<16x128xf32, #tpu.memory_space<hbm>>
        tpu.enqueue_dma source(%dma_start3A_3169 : memref<16x128xf32, #tpu.memory_space<hbm>>) target(%dma_start3A_3167 : memref<16x128xf32, #tpu.memory_space<vmem>>) target_semaphore(%arg15 : memref<!tpu.dma_semaphore, #tpu.memory_space<semaphore_mem>>)
        %slice3A_3170 = vector.extract_strided_slice %get3A_2995 {offsets = [2], sizes = [1], strides = [1]} : vector<16xi32> to vector<1xi32>
        %squeeze3A_3171 = vector.extract %slice3A_3170[0] : i32 from vector<1xi32>
        %jit3A_3172 = arith.constant 128 : i32
        %div3A_3173 = arith.divsi %squeeze3A_3171, %jit3A_3172 : i32
        %sign3A_3174 = arith.constant 0 : i32
        %sign3A_3175 = arith.cmpi sgt, %squeeze3A_3171, %sign3A_3174 : i32
        %sign3A_3176 = arith.extui %sign3A_3175 : i1 to i32
        %sign3A_3177 = arith.constant 0 : i32
        %sign3A_3178 = arith.cmpi slt, %squeeze3A_3171, %sign3A_3177 : i32
        %sign3A_3179 = arith.extui %sign3A_3178 : i1 to i32
        %sign3A_3180 = arith.subi %sign3A_3176, %sign3A_3179 : i32
        %sign3A_3181 = arith.constant 0 : i32
        %sign3A_3182 = arith.cmpi sgt, %jit3A_3172, %sign3A_3181 : i32
        %sign3A_3183 = arith.extui %sign3A_3182 : i1 to i32
        %sign3A_3184 = arith.constant 0 : i32
        %sign3A_3185 = arith.cmpi slt, %jit3A_3172, %sign3A_3184 : i32
        %sign3A_3186 = arith.extui %sign3A_3185 : i1 to i32
        %sign3A_3187 = arith.subi %sign3A_3183, %sign3A_3186 : i32
        %ne3A_3188 = arith.cmpi ne, %sign3A_3180, %sign3A_3187 : i32
        %rem3A_3189 = arith.remsi %squeeze3A_3171, %jit3A_3172 : i32
        %ne3A_3190 = arith.constant 0 : i32
        %ne3A_3191 = arith.cmpi ne, %rem3A_3189, %ne3A_3190 : i32
        %and3A_3192 = arith.andi %ne3A_3188, %ne3A_3191 : i1
        %sub3A_3193 = arith.constant 1 : i32
        %sub3A_3194 = arith.subi %div3A_3173, %sub3A_3193 : i32
        %select_n3A_3195 = arith.select %and3A_3192, %sub3A_3194, %div3A_3173 : i32
        %mul3A_3196 = arith.constant 128 : i32
        %mul3A_3197 = arith.muli %select_n3A_3195, %mul3A_3196 : i32
        %multiple_of3A_3198 = tpu.assume_multiple %mul3A_3197, 128 : i32
        %slice3A_3199 = vector.extract_strided_slice %get3A_2997 {offsets = [2], sizes = [1], strides = [1]} : vector<16xi32> to vector<1xi32>
        %squeeze3A_3200 = vector.extract %slice3A_3199[0] : i32 from vector<1xi32>
        %jit3A_3201 = arith.constant 128 : i32
        %div3A_3202 = arith.divsi %squeeze3A_3200, %jit3A_3201 : i32
        %sign3A_3203 = arith.constant 0 : i32
        %sign3A_3204 = arith.cmpi sgt, %squeeze3A_3200, %sign3A_3203 : i32
        %sign3A_3205 = arith.extui %sign3A_3204 : i1 to i32
        %sign3A_3206 = arith.constant 0 : i32
        %sign3A_3207 = arith.cmpi slt, %squeeze3A_3200, %sign3A_3206 : i32
        %sign3A_3208 = arith.extui %sign3A_3207 : i1 to i32
        %sign3A_3209 = arith.subi %sign3A_3205, %sign3A_3208 : i32
        %sign3A_3210 = arith.constant 0 : i32
        %sign3A_3211 = arith.cmpi sgt, %jit3A_3201, %sign3A_3210 : i32
        %sign3A_3212 = arith.extui %sign3A_3211 : i1 to i32
        %sign3A_3213 = arith.constant 0 : i32
        %sign3A_3214 = arith.cmpi slt, %jit3A_3201, %sign3A_3213 : i32
        %sign3A_3215 = arith.extui %sign3A_3214 : i1 to i32
        %sign3A_3216 = arith.subi %sign3A_3212, %sign3A_3215 : i32
        %ne3A_3217 = arith.cmpi ne, %sign3A_3209, %sign3A_3216 : i32
        %rem3A_3218 = arith.remsi %squeeze3A_3200, %jit3A_3201 : i32
        %ne3A_3219 = arith.constant 0 : i32
        %ne3A_3220 = arith.cmpi ne, %rem3A_3218, %ne3A_3219 : i32
        %and3A_3221 = arith.andi %ne3A_3217, %ne3A_3220 : i1
        %sub3A_3222 = arith.constant 1 : i32
        %sub3A_3223 = arith.subi %div3A_3202, %sub3A_3222 : i32
        %select_n3A_3224 = arith.select %and3A_3221, %sub3A_3223, %div3A_3202 : i32
        %mul3A_3225 = arith.constant 128 : i32
        %mul3A_3226 = arith.muli %select_n3A_3224, %mul3A_3225 : i32
        %multiple_of3A_3227 = tpu.assume_multiple %mul3A_3226, 128 : i32
        %dma_start3A_3228 = arith.constant 1 : i32
        %dma_start3A_3229 = arith.constant 2 : i32
        %dma_start3A_3230 = arith.constant 0 : i32
        %dma_start3A_3231 = arith.constant 0 : i32
        %dma_start3A_3232 = tpu.memref_slice %arg9[%dma_start3A_3228, %dma_start3A_3229, %dma_start3A_3230, %dma_start3A_3231] : memref<2x8x16x128xf32, #tpu.memory_space<vmem>> -> memref<1x1x16x128xf32, #tpu.memory_space<vmem>>
        %dma_start3A_3233 = tpu.memref_squeeze %dma_start3A_3232 : memref<1x1x16x128xf32, #tpu.memory_space<vmem>> -> memref<16x128xf32, #tpu.memory_space<vmem>>
        %dma_start3A_3234 = arith.constant 0 : i32
        %dma_start3A_3235 = tpu.memref_slice %arg4[%dma_start3A_3234, %multiple_of3A_3198] : memref<16x1000000xf32, #tpu.memory_space<hbm>> -> memref<16x128xf32, #tpu.memory_space<hbm>>
        %dma_start3A_3236 = arith.constant 0 : i32
        %dma_start3A_3237 = arith.constant 0 : i32
        %dma_start3A_3238 = tpu.memref_slice %arg9[%dma_start3A_3228, %dma_start3A_3229, %dma_start3A_3236, %dma_start3A_3237] : memref<2x8x16x128xf32, #tpu.memory_space<vmem>> -> memref<1x1x16x128xf32, #tpu.memory_space<vmem>>
        %dma_start3A_3239 = tpu.memref_squeeze %dma_start3A_3238 : memref<1x1x16x128xf32, #tpu.memory_space<vmem>> -> memref<16x128xf32, #tpu.memory_space<vmem>>
        %dma_start3A_3240 = arith.constant 0 : i32
        %dma_start3A_3241 = tpu.memref_slice %arg4[%dma_start3A_3240, %multiple_of3A_3198] : memref<16x1000000xf32, #tpu.memory_space<hbm>> -> memref<16x128xf32, #tpu.memory_space<hbm>>
        tpu.enqueue_dma source(%dma_start3A_3241 : memref<16x128xf32, #tpu.memory_space<hbm>>) target(%dma_start3A_3239 : memref<16x128xf32, #tpu.memory_space<vmem>>) target_semaphore(%arg15 : memref<!tpu.dma_semaphore, #tpu.memory_space<semaphore_mem>>)
        %dma_start3A_3242 = arith.constant 1 : i32
        %dma_start3A_3243 = arith.constant 2 : i32
        %dma_start3A_3244 = arith.constant 0 : i32
        %dma_start3A_3245 = arith.constant 0 : i32
        %dma_start3A_3246 = tpu.memref_slice %arg10[%dma_start3A_3242, %dma_start3A_3243, %dma_start3A_3244, %dma_start3A_3245] : memref<2x8x16x128xf32, #tpu.memory_space<vmem>> -> memref<1x1x16x128xf32, #tpu.memory_space<vmem>>
        %dma_start3A_3247 = tpu.memref_squeeze %dma_start3A_3246 : memref<1x1x16x128xf32, #tpu.memory_space<vmem>> -> memref<16x128xf32, #tpu.memory_space<vmem>>
        %dma_start3A_3248 = arith.constant 0 : i32
        %dma_start3A_3249 = tpu.memref_slice %arg5[%dma_start3A_3248, %multiple_of3A_3227] : memref<16x1000000xf32, #tpu.memory_space<hbm>> -> memref<16x128xf32, #tpu.memory_space<hbm>>
        %dma_start3A_3250 = arith.constant 0 : i32
        %dma_start3A_3251 = arith.constant 0 : i32
        %dma_start3A_3252 = tpu.memref_slice %arg10[%dma_start3A_3242, %dma_start3A_3243, %dma_start3A_3250, %dma_start3A_3251] : memref<2x8x16x128xf32, #tpu.memory_space<vmem>> -> memref<1x1x16x128xf32, #tpu.memory_space<vmem>>
        %dma_start3A_3253 = tpu.memref_squeeze %dma_start3A_3252 : memref<1x1x16x128xf32, #tpu.memory_space<vmem>> -> memref<16x128xf32, #tpu.memory_space<vmem>>
        %dma_start3A_3254 = arith.constant 0 : i32
        %dma_start3A_3255 = tpu.memref_slice %arg5[%dma_start3A_3254, %multiple_of3A_3227] : memref<16x1000000xf32, #tpu.memory_space<hbm>> -> memref<16x128xf32, #tpu.memory_space<hbm>>
        tpu.enqueue_dma source(%dma_start3A_3255 : memref<16x128xf32, #tpu.memory_space<hbm>>) target(%dma_start3A_3253 : memref<16x128xf32, #tpu.memory_space<vmem>>) target_semaphore(%arg15 : memref<!tpu.dma_semaphore, #tpu.memory_space<semaphore_mem>>)
        %slice3A_3256 = vector.extract_strided_slice %get3A_2995 {offsets = [3], sizes = [1], strides = [1]} : vector<16xi32> to vector<1xi32>
        %squeeze3A_3257 = vector.extract %slice3A_3256[0] : i32 from vector<1xi32>
        %jit3A_3258 = arith.constant 128 : i32
        %div3A_3259 = arith.divsi %squeeze3A_3257, %jit3A_3258 : i32
        %sign3A_3260 = arith.constant 0 : i32
        %sign3A_3261 = arith.cmpi sgt, %squeeze3A_3257, %sign3A_3260 : i32
        %sign3A_3262 = arith.extui %sign3A_3261 : i1 to i32
        %sign3A_3263 = arith.constant 0 : i32
        %sign3A_3264 = arith.cmpi slt, %squeeze3A_3257, %sign3A_3263 : i32
        %sign3A_3265 = arith.extui %sign3A_3264 : i1 to i32
        %sign3A_3266 = arith.subi %sign3A_3262, %sign3A_3265 : i32
        %sign3A_3267 = arith.constant 0 : i32
        %sign3A_3268 = arith.cmpi sgt, %jit3A_3258, %sign3A_3267 : i32
        %sign3A_3269 = arith.extui %sign3A_3268 : i1 to i32
        %sign3A_3270 = arith.constant 0 : i32
        %sign3A_3271 = arith.cmpi slt, %jit3A_3258, %sign3A_3270 : i32
        %sign3A_3272 = arith.extui %sign3A_3271 : i1 to i32
        %sign3A_3273 = arith.subi %sign3A_3269, %sign3A_3272 : i32
        %ne3A_3274 = arith.cmpi ne, %sign3A_3266, %sign3A_3273 : i32
        %rem3A_3275 = arith.remsi %squeeze3A_3257, %jit3A_3258 : i32
        %ne3A_3276 = arith.constant 0 : i32
        %ne3A_3277 = arith.cmpi ne, %rem3A_3275, %ne3A_3276 : i32
        %and3A_3278 = arith.andi %ne3A_3274, %ne3A_3277 : i1
        %sub3A_3279 = arith.constant 1 : i32
        %sub3A_3280 = arith.subi %div3A_3259, %sub3A_3279 : i32
        %select_n3A_3281 = arith.select %and3A_3278, %sub3A_3280, %div3A_3259 : i32
        %mul3A_3282 = arith.constant 128 : i32
        %mul3A_3283 = arith.muli %select_n3A_3281, %mul3A_3282 : i32
        %multiple_of3A_3284 = tpu.assume_multiple %mul3A_3283, 128 : i32
        %slice3A_3285 = vector.extract_strided_slice %get3A_2997 {offsets = [3], sizes = [1], strides = [1]} : vector<16xi32> to vector<1xi32>
        %squeeze3A_3286 = vector.extract %slice3A_3285[0] : i32 from vector<1xi32>
        %jit3A_3287 = arith.constant 128 : i32
        %div3A_3288 = arith.divsi %squeeze3A_3286, %jit3A_3287 : i32
        %sign3A_3289 = arith.constant 0 : i32
        %sign3A_3290 = arith.cmpi sgt, %squeeze3A_3286, %sign3A_3289 : i32
        %sign3A_3291 = arith.extui %sign3A_3290 : i1 to i32
        %sign3A_3292 = arith.constant 0 : i32
        %sign3A_3293 = arith.cmpi slt, %squeeze3A_3286, %sign3A_3292 : i32
        %sign3A_3294 = arith.extui %sign3A_3293 : i1 to i32
        %sign3A_3295 = arith.subi %sign3A_3291, %sign3A_3294 : i32
        %sign3A_3296 = arith.constant 0 : i32
        %sign3A_3297 = arith.cmpi sgt, %jit3A_3287, %sign3A_3296 : i32
        %sign3A_3298 = arith.extui %sign3A_3297 : i1 to i32
        %sign3A_3299 = arith.constant 0 : i32
        %sign3A_3300 = arith.cmpi slt, %jit3A_3287, %sign3A_3299 : i32
        %sign3A_3301 = arith.extui %sign3A_3300 : i1 to i32
        %sign3A_3302 = arith.subi %sign3A_3298, %sign3A_3301 : i32
        %ne3A_3303 = arith.cmpi ne, %sign3A_3295, %sign3A_3302 : i32
        %rem3A_3304 = arith.remsi %squeeze3A_3286, %jit3A_3287 : i32
        %ne3A_3305 = arith.constant 0 : i32
        %ne3A_3306 = arith.cmpi ne, %rem3A_3304, %ne3A_3305 : i32
        %and3A_3307 = arith.andi %ne3A_3303, %ne3A_3306 : i1
        %sub3A_3308 = arith.constant 1 : i32
        %sub3A_3309 = arith.subi %div3A_3288, %sub3A_3308 : i32
        %select_n3A_3310 = arith.select %and3A_3307, %sub3A_3309, %div3A_3288 : i32
        %mul3A_3311 = arith.constant 128 : i32
        %mul3A_3312 = arith.muli %select_n3A_3310, %mul3A_3311 : i32
        %multiple_of3A_3313 = tpu.assume_multiple %mul3A_3312, 128 : i32
        %dma_start3A_3314 = arith.constant 1 : i32
        %dma_start3A_3315 = arith.constant 3 : i32
        %dma_start3A_3316 = arith.constant 0 : i32
        %dma_start3A_3317 = arith.constant 0 : i32
        %dma_start3A_3318 = tpu.memref_slice %arg9[%dma_start3A_3314, %dma_start3A_3315, %dma_start3A_3316, %dma_start3A_3317] : memref<2x8x16x128xf32, #tpu.memory_space<vmem>> -> memref<1x1x16x128xf32, #tpu.memory_space<vmem>>
        %dma_start3A_3319 = tpu.memref_squeeze %dma_start3A_3318 : memref<1x1x16x128xf32, #tpu.memory_space<vmem>> -> memref<16x128xf32, #tpu.memory_space<vmem>>
        %dma_start3A_3320 = arith.constant 0 : i32
        %dma_start3A_3321 = tpu.memref_slice %arg4[%dma_start3A_3320, %multiple_of3A_3284] : memref<16x1000000xf32, #tpu.memory_space<hbm>> -> memref<16x128xf32, #tpu.memory_space<hbm>>
        %dma_start3A_3322 = arith.constant 0 : i32
        %dma_start3A_3323 = arith.constant 0 : i32
        %dma_start3A_3324 = tpu.memref_slice %arg9[%dma_start3A_3314, %dma_start3A_3315, %dma_start3A_3322, %dma_start3A_3323] : memref<2x8x16x128xf32, #tpu.memory_space<vmem>> -> memref<1x1x16x128xf32, #tpu.memory_space<vmem>>
        %dma_start3A_3325 = tpu.memref_squeeze %dma_start3A_3324 : memref<1x1x16x128xf32, #tpu.memory_space<vmem>> -> memref<16x128xf32, #tpu.memory_space<vmem>>
        %dma_start3A_3326 = arith.constant 0 : i32
        %dma_start3A_3327 = tpu.memref_slice %arg4[%dma_start3A_3326, %multiple_of3A_3284] : memref<16x1000000xf32, #tpu.memory_space<hbm>> -> memref<16x128xf32, #tpu.memory_space<hbm>>
        tpu.enqueue_dma source(%dma_start3A_3327 : memref<16x128xf32, #tpu.memory_space<hbm>>) target(%dma_start3A_3325 : memref<16x128xf32, #tpu.memory_space<vmem>>) target_semaphore(%arg15 : memref<!tpu.dma_semaphore, #tpu.memory_space<semaphore_mem>>)
        %dma_start3A_3328 = arith.constant 1 : i32
        %dma_start3A_3329 = arith.constant 3 : i32
        %dma_start3A_3330 = arith.constant 0 : i32
        %dma_start3A_3331 = arith.constant 0 : i32
        %dma_start3A_3332 = tpu.memref_slice %arg10[%dma_start3A_3328, %dma_start3A_3329, %dma_start3A_3330, %dma_start3A_3331] : memref<2x8x16x128xf32, #tpu.memory_space<vmem>> -> memref<1x1x16x128xf32, #tpu.memory_space<vmem>>
        %dma_start3A_3333 = tpu.memref_squeeze %dma_start3A_3332 : memref<1x1x16x128xf32, #tpu.memory_space<vmem>> -> memref<16x128xf32, #tpu.memory_space<vmem>>
        %dma_start3A_3334 = arith.constant 0 : i32
        %dma_start3A_3335 = tpu.memref_slice %arg5[%dma_start3A_3334, %multiple_of3A_3313] : memref<16x1000000xf32, #tpu.memory_space<hbm>> -> memref<16x128xf32, #tpu.memory_space<hbm>>
        %dma_start3A_3336 = arith.constant 0 : i32
        %dma_start3A_3337 = arith.constant 0 : i32
        %dma_start3A_3338 = tpu.memref_slice %arg10[%dma_start3A_3328, %dma_start3A_3329, %dma_start3A_3336, %dma_start3A_3337] : memref<2x8x16x128xf32, #tpu.memory_space<vmem>> -> memref<1x1x16x128xf32, #tpu.memory_space<vmem>>
        %dma_start3A_3339 = tpu.memref_squeeze %dma_start3A_3338 : memref<1x1x16x128xf32, #tpu.memory_space<vmem>> -> memref<16x128xf32, #tpu.memory_space<vmem>>
        %dma_start3A_3340 = arith.constant 0 : i32
        %dma_start3A_3341 = tpu.memref_slice %arg5[%dma_start3A_3340, %multiple_of3A_3313] : memref<16x1000000xf32, #tpu.memory_space<hbm>> -> memref<16x128xf32, #tpu.memory_space<hbm>>
        tpu.enqueue_dma source(%dma_start3A_3341 : memref<16x128xf32, #tpu.memory_space<hbm>>) target(%dma_start3A_3339 : memref<16x128xf32, #tpu.memory_space<vmem>>) target_semaphore(%arg15 : memref<!tpu.dma_semaphore, #tpu.memory_space<semaphore_mem>>)
        %slice3A_3342 = vector.extract_strided_slice %get3A_2995 {offsets = [4], sizes = [1], strides = [1]} : vector<16xi32> to vector<1xi32>
        %squeeze3A_3343 = vector.extract %slice3A_3342[0] : i32 from vector<1xi32>
        %jit3A_3344 = arith.constant 128 : i32
        %div3A_3345 = arith.divsi %squeeze3A_3343, %jit3A_3344 : i32
        %sign3A_3346 = arith.constant 0 : i32
        %sign3A_3347 = arith.cmpi sgt, %squeeze3A_3343, %sign3A_3346 : i32
        %sign3A_3348 = arith.extui %sign3A_3347 : i1 to i32
        %sign3A_3349 = arith.constant 0 : i32
        %sign3A_3350 = arith.cmpi slt, %squeeze3A_3343, %sign3A_3349 : i32
        %sign3A_3351 = arith.extui %sign3A_3350 : i1 to i32
        %sign3A_3352 = arith.subi %sign3A_3348, %sign3A_3351 : i32
        %sign3A_3353 = arith.constant 0 : i32
        %sign3A_3354 = arith.cmpi sgt, %jit3A_3344, %sign3A_3353 : i32
        %sign3A_3355 = arith.extui %sign3A_3354 : i1 to i32
        %sign3A_3356 = arith.constant 0 : i32
        %sign3A_3357 = arith.cmpi slt, %jit3A_3344, %sign3A_3356 : i32
        %sign3A_3358 = arith.extui %sign3A_3357 : i1 to i32
        %sign3A_3359 = arith.subi %sign3A_3355, %sign3A_3358 : i32
        %ne3A_3360 = arith.cmpi ne, %sign3A_3352, %sign3A_3359 : i32
        %rem3A_3361 = arith.remsi %squeeze3A_3343, %jit3A_3344 : i32
        %ne3A_3362 = arith.constant 0 : i32
        %ne3A_3363 = arith.cmpi ne, %rem3A_3361, %ne3A_3362 : i32
        %and3A_3364 = arith.andi %ne3A_3360, %ne3A_3363 : i1
        %sub3A_3365 = arith.constant 1 : i32
        %sub3A_3366 = arith.subi %div3A_3345, %sub3A_3365 : i32
        %select_n3A_3367 = arith.select %and3A_3364, %sub3A_3366, %div3A_3345 : i32
        %mul3A_3368 = arith.constant 128 : i32
        %mul3A_3369 = arith.muli %select_n3A_3367, %mul3A_3368 : i32
        %multiple_of3A_3370 = tpu.assume_multiple %mul3A_3369, 128 : i32
        %slice3A_3371 = vector.extract_strided_slice %get3A_2997 {offsets = [4], sizes = [1], strides = [1]} : vector<16xi32> to vector<1xi32>
        %squeeze3A_3372 = vector.extract %slice3A_3371[0] : i32 from vector<1xi32>
        %jit3A_3373 = arith.constant 128 : i32
        %div3A_3374 = arith.divsi %squeeze3A_3372, %jit3A_3373 : i32
        %sign3A_3375 = arith.constant 0 : i32
        %sign3A_3376 = arith.cmpi sgt, %squeeze3A_3372, %sign3A_3375 : i32
        %sign3A_3377 = arith.extui %sign3A_3376 : i1 to i32
        %sign3A_3378 = arith.constant 0 : i32
        %sign3A_3379 = arith.cmpi slt, %squeeze3A_3372, %sign3A_3378 : i32
        %sign3A_3380 = arith.extui %sign3A_3379 : i1 to i32
        %sign3A_3381 = arith.subi %sign3A_3377, %sign3A_3380 : i32
        %sign3A_3382 = arith.constant 0 : i32
        %sign3A_3383 = arith.cmpi sgt, %jit3A_3373, %sign3A_3382 : i32
        %sign3A_3384 = arith.extui %sign3A_3383 : i1 to i32
        %sign3A_3385 = arith.constant 0 : i32
        %sign3A_3386 = arith.cmpi slt, %jit3A_3373, %sign3A_3385 : i32
        %sign3A_3387 = arith.extui %sign3A_3386 : i1 to i32
        %sign3A_3388 = arith.subi %sign3A_3384, %sign3A_3387 : i32
        %ne3A_3389 = arith.cmpi ne, %sign3A_3381, %sign3A_3388 : i32
        %rem3A_3390 = arith.remsi %squeeze3A_3372, %jit3A_3373 : i32
        %ne3A_3391 = arith.constant 0 : i32
        %ne3A_3392 = arith.cmpi ne, %rem3A_3390, %ne3A_3391 : i32
        %and3A_3393 = arith.andi %ne3A_3389, %ne3A_3392 : i1
        %sub3A_3394 = arith.constant 1 : i32
        %sub3A_3395 = arith.subi %div3A_3374, %sub3A_3394 : i32
        %select_n3A_3396 = arith.select %and3A_3393, %sub3A_3395, %div3A_3374 : i32
        %mul3A_3397 = arith.constant 128 : i32
        %mul3A_3398 = arith.muli %select_n3A_3396, %mul3A_3397 : i32
        %multiple_of3A_3399 = tpu.assume_multiple %mul3A_3398, 128 : i32
        %dma_start3A_3400 = arith.constant 1 : i32
        %dma_start3A_3401 = arith.constant 4 : i32
        %dma_start3A_3402 = arith.constant 0 : i32
        %dma_start3A_3403 = arith.constant 0 : i32
        %dma_start3A_3404 = tpu.memref_slice %arg9[%dma_start3A_3400, %dma_start3A_3401, %dma_start3A_3402, %dma_start3A_3403] : memref<2x8x16x128xf32, #tpu.memory_space<vmem>> -> memref<1x1x16x128xf32, #tpu.memory_space<vmem>>
        %dma_start3A_3405 = tpu.memref_squeeze %dma_start3A_3404 : memref<1x1x16x128xf32, #tpu.memory_space<vmem>> -> memref<16x128xf32, #tpu.memory_space<vmem>>
        %dma_start3A_3406 = arith.constant 0 : i32
        %dma_start3A_3407 = tpu.memref_slice %arg4[%dma_start3A_3406, %multiple_of3A_3370] : memref<16x1000000xf32, #tpu.memory_space<hbm>> -> memref<16x128xf32, #tpu.memory_space<hbm>>
        %dma_start3A_3408 = arith.constant 0 : i32
        %dma_start3A_3409 = arith.constant 0 : i32
        %dma_start3A_3410 = tpu.memref_slice %arg9[%dma_start3A_3400, %dma_start3A_3401, %dma_start3A_3408, %dma_start3A_3409] : memref<2x8x16x128xf32, #tpu.memory_space<vmem>> -> memref<1x1x16x128xf32, #tpu.memory_space<vmem>>
        %dma_start3A_3411 = tpu.memref_squeeze %dma_start3A_3410 : memref<1x1x16x128xf32, #tpu.memory_space<vmem>> -> memref<16x128xf32, #tpu.memory_space<vmem>>
        %dma_start3A_3412 = arith.constant 0 : i32
        %dma_start3A_3413 = tpu.memref_slice %arg4[%dma_start3A_3412, %multiple_of3A_3370] : memref<16x1000000xf32, #tpu.memory_space<hbm>> -> memref<16x128xf32, #tpu.memory_space<hbm>>
        tpu.enqueue_dma source(%dma_start3A_3413 : memref<16x128xf32, #tpu.memory_space<hbm>>) target(%dma_start3A_3411 : memref<16x128xf32, #tpu.memory_space<vmem>>) target_semaphore(%arg15 : memref<!tpu.dma_semaphore, #tpu.memory_space<semaphore_mem>>)
        %dma_start3A_3414 = arith.constant 1 : i32
        %dma_start3A_3415 = arith.constant 4 : i32
        %dma_start3A_3416 = arith.constant 0 : i32
        %dma_start3A_3417 = arith.constant 0 : i32
        %dma_start3A_3418 = tpu.memref_slice %arg10[%dma_start3A_3414, %dma_start3A_3415, %dma_start3A_3416, %dma_start3A_3417] : memref<2x8x16x128xf32, #tpu.memory_space<vmem>> -> memref<1x1x16x128xf32, #tpu.memory_space<vmem>>
        %dma_start3A_3419 = tpu.memref_squeeze %dma_start3A_3418 : memref<1x1x16x128xf32, #tpu.memory_space<vmem>> -> memref<16x128xf32, #tpu.memory_space<vmem>>
        %dma_start3A_3420 = arith.constant 0 : i32
        %dma_start3A_3421 = tpu.memref_slice %arg5[%dma_start3A_3420, %multiple_of3A_3399] : memref<16x1000000xf32, #tpu.memory_space<hbm>> -> memref<16x128xf32, #tpu.memory_space<hbm>>
        %dma_start3A_3422 = arith.constant 0 : i32
        %dma_start3A_3423 = arith.constant 0 : i32
        %dma_start3A_3424 = tpu.memref_slice %arg10[%dma_start3A_3414, %dma_start3A_3415, %dma_start3A_3422, %dma_start3A_3423] : memref<2x8x16x128xf32, #tpu.memory_space<vmem>> -> memref<1x1x16x128xf32, #tpu.memory_space<vmem>>
        %dma_start3A_3425 = tpu.memref_squeeze %dma_start3A_3424 : memref<1x1x16x128xf32, #tpu.memory_space<vmem>> -> memref<16x128xf32, #tpu.memory_space<vmem>>
        %dma_start3A_3426 = arith.constant 0 : i32
        %dma_start3A_3427 = tpu.memref_slice %arg5[%dma_start3A_3426, %multiple_of3A_3399] : memref<16x1000000xf32, #tpu.memory_space<hbm>> -> memref<16x128xf32, #tpu.memory_space<hbm>>
        tpu.enqueue_dma source(%dma_start3A_3427 : memref<16x128xf32, #tpu.memory_space<hbm>>) target(%dma_start3A_3425 : memref<16x128xf32, #tpu.memory_space<vmem>>) target_semaphore(%arg15 : memref<!tpu.dma_semaphore, #tpu.memory_space<semaphore_mem>>)
        %slice3A_3428 = vector.extract_strided_slice %get3A_2995 {offsets = [5], sizes = [1], strides = [1]} : vector<16xi32> to vector<1xi32>
        %squeeze3A_3429 = vector.extract %slice3A_3428[0] : i32 from vector<1xi32>
        %jit3A_3430 = arith.constant 128 : i32
        %div3A_3431 = arith.divsi %squeeze3A_3429, %jit3A_3430 : i32
        %sign3A_3432 = arith.constant 0 : i32
        %sign3A_3433 = arith.cmpi sgt, %squeeze3A_3429, %sign3A_3432 : i32
        %sign3A_3434 = arith.extui %sign3A_3433 : i1 to i32
        %sign3A_3435 = arith.constant 0 : i32
        %sign3A_3436 = arith.cmpi slt, %squeeze3A_3429, %sign3A_3435 : i32
        %sign3A_3437 = arith.extui %sign3A_3436 : i1 to i32
        %sign3A_3438 = arith.subi %sign3A_3434, %sign3A_3437 : i32
        %sign3A_3439 = arith.constant 0 : i32
        %sign3A_3440 = arith.cmpi sgt, %jit3A_3430, %sign3A_3439 : i32
        %sign3A_3441 = arith.extui %sign3A_3440 : i1 to i32
        %sign3A_3442 = arith.constant 0 : i32
        %sign3A_3443 = arith.cmpi slt, %jit3A_3430, %sign3A_3442 : i32
        %sign3A_3444 = arith.extui %sign3A_3443 : i1 to i32
        %sign3A_3445 = arith.subi %sign3A_3441, %sign3A_3444 : i32
        %ne3A_3446 = arith.cmpi ne, %sign3A_3438, %sign3A_3445 : i32
        %rem3A_3447 = arith.remsi %squeeze3A_3429, %jit3A_3430 : i32
        %ne3A_3448 = arith.constant 0 : i32
        %ne3A_3449 = arith.cmpi ne, %rem3A_3447, %ne3A_3448 : i32
        %and3A_3450 = arith.andi %ne3A_3446, %ne3A_3449 : i1
        %sub3A_3451 = arith.constant 1 : i32
        %sub3A_3452 = arith.subi %div3A_3431, %sub3A_3451 : i32
        %select_n3A_3453 = arith.select %and3A_3450, %sub3A_3452, %div3A_3431 : i32
        %mul3A_3454 = arith.constant 128 : i32
        %mul3A_3455 = arith.muli %select_n3A_3453, %mul3A_3454 : i32
        %multiple_of3A_3456 = tpu.assume_multiple %mul3A_3455, 128 : i32
        %slice3A_3457 = vector.extract_strided_slice %get3A_2997 {offsets = [5], sizes = [1], strides = [1]} : vector<16xi32> to vector<1xi32>
        %squeeze3A_3458 = vector.extract %slice3A_3457[0] : i32 from vector<1xi32>
        %jit3A_3459 = arith.constant 128 : i32
        %div3A_3460 = arith.divsi %squeeze3A_3458, %jit3A_3459 : i32
        %sign3A_3461 = arith.constant 0 : i32
        %sign3A_3462 = arith.cmpi sgt, %squeeze3A_3458, %sign3A_3461 : i32
        %sign3A_3463 = arith.extui %sign3A_3462 : i1 to i32
        %sign3A_3464 = arith.constant 0 : i32
        %sign3A_3465 = arith.cmpi slt, %squeeze3A_3458, %sign3A_3464 : i32
        %sign3A_3466 = arith.extui %sign3A_3465 : i1 to i32
        %sign3A_3467 = arith.subi %sign3A_3463, %sign3A_3466 : i32
        %sign3A_3468 = arith.constant 0 : i32
        %sign3A_3469 = arith.cmpi sgt, %jit3A_3459, %sign3A_3468 : i32
        %sign3A_3470 = arith.extui %sign3A_3469 : i1 to i32
        %sign3A_3471 = arith.constant 0 : i32
        %sign3A_3472 = arith.cmpi slt, %jit3A_3459, %sign3A_3471 : i32
        %sign3A_3473 = arith.extui %sign3A_3472 : i1 to i32
        %sign3A_3474 = arith.subi %sign3A_3470, %sign3A_3473 : i32
        %ne3A_3475 = arith.cmpi ne, %sign3A_3467, %sign3A_3474 : i32
        %rem3A_3476 = arith.remsi %squeeze3A_3458, %jit3A_3459 : i32
        %ne3A_3477 = arith.constant 0 : i32
        %ne3A_3478 = arith.cmpi ne, %rem3A_3476, %ne3A_3477 : i32
        %and3A_3479 = arith.andi %ne3A_3475, %ne3A_3478 : i1
        %sub3A_3480 = arith.constant 1 : i32
        %sub3A_3481 = arith.subi %div3A_3460, %sub3A_3480 : i32
        %select_n3A_3482 = arith.select %and3A_3479, %sub3A_3481, %div3A_3460 : i32
        %mul3A_3483 = arith.constant 128 : i32
        %mul3A_3484 = arith.muli %select_n3A_3482, %mul3A_3483 : i32
        %multiple_of3A_3485 = tpu.assume_multiple %mul3A_3484, 128 : i32
        %dma_start3A_3486 = arith.constant 1 : i32
        %dma_start3A_3487 = arith.constant 5 : i32
        %dma_start3A_3488 = arith.constant 0 : i32
        %dma_start3A_3489 = arith.constant 0 : i32
        %dma_start3A_3490 = tpu.memref_slice %arg9[%dma_start3A_3486, %dma_start3A_3487, %dma_start3A_3488, %dma_start3A_3489] : memref<2x8x16x128xf32, #tpu.memory_space<vmem>> -> memref<1x1x16x128xf32, #tpu.memory_space<vmem>>
        %dma_start3A_3491 = tpu.memref_squeeze %dma_start3A_3490 : memref<1x1x16x128xf32, #tpu.memory_space<vmem>> -> memref<16x128xf32, #tpu.memory_space<vmem>>
        %dma_start3A_3492 = arith.constant 0 : i32
        %dma_start3A_3493 = tpu.memref_slice %arg4[%dma_start3A_3492, %multiple_of3A_3456] : memref<16x1000000xf32, #tpu.memory_space<hbm>> -> memref<16x128xf32, #tpu.memory_space<hbm>>
        %dma_start3A_3494 = arith.constant 0 : i32
        %dma_start3A_3495 = arith.constant 0 : i32
        %dma_start3A_3496 = tpu.memref_slice %arg9[%dma_start3A_3486, %dma_start3A_3487, %dma_start3A_3494, %dma_start3A_3495] : memref<2x8x16x128xf32, #tpu.memory_space<vmem>> -> memref<1x1x16x128xf32, #tpu.memory_space<vmem>>
        %dma_start3A_3497 = tpu.memref_squeeze %dma_start3A_3496 : memref<1x1x16x128xf32, #tpu.memory_space<vmem>> -> memref<16x128xf32, #tpu.memory_space<vmem>>
        %dma_start3A_3498 = arith.constant 0 : i32
        %dma_start3A_3499 = tpu.memref_slice %arg4[%dma_start3A_3498, %multiple_of3A_3456] : memref<16x1000000xf32, #tpu.memory_space<hbm>> -> memref<16x128xf32, #tpu.memory_space<hbm>>
        tpu.enqueue_dma source(%dma_start3A_3499 : memref<16x128xf32, #tpu.memory_space<hbm>>) target(%dma_start3A_3497 : memref<16x128xf32, #tpu.memory_space<vmem>>) target_semaphore(%arg15 : memref<!tpu.dma_semaphore, #tpu.memory_space<semaphore_mem>>)
        %dma_start3A_3500 = arith.constant 1 : i32
        %dma_start3A_3501 = arith.constant 5 : i32
        %dma_start3A_3502 = arith.constant 0 : i32
        %dma_start3A_3503 = arith.constant 0 : i32
        %dma_start3A_3504 = tpu.memref_slice %arg10[%dma_start3A_3500, %dma_start3A_3501, %dma_start3A_3502, %dma_start3A_3503] : memref<2x8x16x128xf32, #tpu.memory_space<vmem>> -> memref<1x1x16x128xf32, #tpu.memory_space<vmem>>
        %dma_start3A_3505 = tpu.memref_squeeze %dma_start3A_3504 : memref<1x1x16x128xf32, #tpu.memory_space<vmem>> -> memref<16x128xf32, #tpu.memory_space<vmem>>
        %dma_start3A_3506 = arith.constant 0 : i32
        %dma_start3A_3507 = tpu.memref_slice %arg5[%dma_start3A_3506, %multiple_of3A_3485] : memref<16x1000000xf32, #tpu.memory_space<hbm>> -> memref<16x128xf32, #tpu.memory_space<hbm>>
        %dma_start3A_3508 = arith.constant 0 : i32
        %dma_start3A_3509 = arith.constant 0 : i32
        %dma_start3A_3510 = tpu.memref_slice %arg10[%dma_start3A_3500, %dma_start3A_3501, %dma_start3A_3508, %dma_start3A_3509] : memref<2x8x16x128xf32, #tpu.memory_space<vmem>> -> memref<1x1x16x128xf32, #tpu.memory_space<vmem>>
        %dma_start3A_3511 = tpu.memref_squeeze %dma_start3A_3510 : memref<1x1x16x128xf32, #tpu.memory_space<vmem>> -> memref<16x128xf32, #tpu.memory_space<vmem>>
        %dma_start3A_3512 = arith.constant 0 : i32
        %dma_start3A_3513 = tpu.memref_slice %arg5[%dma_start3A_3512, %multiple_of3A_3485] : memref<16x1000000xf32, #tpu.memory_space<hbm>> -> memref<16x128xf32, #tpu.memory_space<hbm>>
        tpu.enqueue_dma source(%dma_start3A_3513 : memref<16x128xf32, #tpu.memory_space<hbm>>) target(%dma_start3A_3511 : memref<16x128xf32, #tpu.memory_space<vmem>>) target_semaphore(%arg15 : memref<!tpu.dma_semaphore, #tpu.memory_space<semaphore_mem>>)
        %slice3A_3514 = vector.extract_strided_slice %get3A_2995 {offsets = [6], sizes = [1], strides = [1]} : vector<16xi32> to vector<1xi32>
        %squeeze3A_3515 = vector.extract %slice3A_3514[0] : i32 from vector<1xi32>
        %jit3A_3516 = arith.constant 128 : i32
        %div3A_3517 = arith.divsi %squeeze3A_3515, %jit3A_3516 : i32
        %sign3A_3518 = arith.constant 0 : i32
        %sign3A_3519 = arith.cmpi sgt, %squeeze3A_3515, %sign3A_3518 : i32
        %sign3A_3520 = arith.extui %sign3A_3519 : i1 to i32
        %sign3A_3521 = arith.constant 0 : i32
        %sign3A_3522 = arith.cmpi slt, %squeeze3A_3515, %sign3A_3521 : i32
        %sign3A_3523 = arith.extui %sign3A_3522 : i1 to i32
        %sign3A_3524 = arith.subi %sign3A_3520, %sign3A_3523 : i32
        %sign3A_3525 = arith.constant 0 : i32
        %sign3A_3526 = arith.cmpi sgt, %jit3A_3516, %sign3A_3525 : i32
        %sign3A_3527 = arith.extui %sign3A_3526 : i1 to i32
        %sign3A_3528 = arith.constant 0 : i32
        %sign3A_3529 = arith.cmpi slt, %jit3A_3516, %sign3A_3528 : i32
        %sign3A_3530 = arith.extui %sign3A_3529 : i1 to i32
        %sign3A_3531 = arith.subi %sign3A_3527, %sign3A_3530 : i32
        %ne3A_3532 = arith.cmpi ne, %sign3A_3524, %sign3A_3531 : i32
        %rem3A_3533 = arith.remsi %squeeze3A_3515, %jit3A_3516 : i32
        %ne3A_3534 = arith.constant 0 : i32
        %ne3A_3535 = arith.cmpi ne, %rem3A_3533, %ne3A_3534 : i32
        %and3A_3536 = arith.andi %ne3A_3532, %ne3A_3535 : i1
        %sub3A_3537 = arith.constant 1 : i32
        %sub3A_3538 = arith.subi %div3A_3517, %sub3A_3537 : i32
        %select_n3A_3539 = arith.select %and3A_3536, %sub3A_3538, %div3A_3517 : i32
        %mul3A_3540 = arith.constant 128 : i32
        %mul3A_3541 = arith.muli %select_n3A_3539, %mul3A_3540 : i32
        %multiple_of3A_3542 = tpu.assume_multiple %mul3A_3541, 128 : i32
        %slice3A_3543 = vector.extract_strided_slice %get3A_2997 {offsets = [6], sizes = [1], strides = [1]} : vector<16xi32> to vector<1xi32>
        %squeeze3A_3544 = vector.extract %slice3A_3543[0] : i32 from vector<1xi32>
        %jit3A_3545 = arith.constant 128 : i32
        %div3A_3546 = arith.divsi %squeeze3A_3544, %jit3A_3545 : i32
        %sign3A_3547 = arith.constant 0 : i32
        %sign3A_3548 = arith.cmpi sgt, %squeeze3A_3544, %sign3A_3547 : i32
        %sign3A_3549 = arith.extui %sign3A_3548 : i1 to i32
        %sign3A_3550 = arith.constant 0 : i32
        %sign3A_3551 = arith.cmpi slt, %squeeze3A_3544, %sign3A_3550 : i32
        %sign3A_3552 = arith.extui %sign3A_3551 : i1 to i32
        %sign3A_3553 = arith.subi %sign3A_3549, %sign3A_3552 : i32
        %sign3A_3554 = arith.constant 0 : i32
        %sign3A_3555 = arith.cmpi sgt, %jit3A_3545, %sign3A_3554 : i32
        %sign3A_3556 = arith.extui %sign3A_3555 : i1 to i32
        %sign3A_3557 = arith.constant 0 : i32
        %sign3A_3558 = arith.cmpi slt, %jit3A_3545, %sign3A_3557 : i32
        %sign3A_3559 = arith.extui %sign3A_3558 : i1 to i32
        %sign3A_3560 = arith.subi %sign3A_3556, %sign3A_3559 : i32
        %ne3A_3561 = arith.cmpi ne, %sign3A_3553, %sign3A_3560 : i32
        %rem3A_3562 = arith.remsi %squeeze3A_3544, %jit3A_3545 : i32
        %ne3A_3563 = arith.constant 0 : i32
        %ne3A_3564 = arith.cmpi ne, %rem3A_3562, %ne3A_3563 : i32
        %and3A_3565 = arith.andi %ne3A_3561, %ne3A_3564 : i1
        %sub3A_3566 = arith.constant 1 : i32
        %sub3A_3567 = arith.subi %div3A_3546, %sub3A_3566 : i32
        %select_n3A_3568 = arith.select %and3A_3565, %sub3A_3567, %div3A_3546 : i32
        %mul3A_3569 = arith.constant 128 : i32
        %mul3A_3570 = arith.muli %select_n3A_3568, %mul3A_3569 : i32
        %multiple_of3A_3571 = tpu.assume_multiple %mul3A_3570, 128 : i32
        %dma_start3A_3572 = arith.constant 1 : i32
        %dma_start3A_3573 = arith.constant 6 : i32
        %dma_start3A_3574 = arith.constant 0 : i32
        %dma_start3A_3575 = arith.constant 0 : i32
        %dma_start3A_3576 = tpu.memref_slice %arg9[%dma_start3A_3572, %dma_start3A_3573, %dma_start3A_3574, %dma_start3A_3575] : memref<2x8x16x128xf32, #tpu.memory_space<vmem>> -> memref<1x1x16x128xf32, #tpu.memory_space<vmem>>
        %dma_start3A_3577 = tpu.memref_squeeze %dma_start3A_3576 : memref<1x1x16x128xf32, #tpu.memory_space<vmem>> -> memref<16x128xf32, #tpu.memory_space<vmem>>
        %dma_start3A_3578 = arith.constant 0 : i32
        %dma_start3A_3579 = tpu.memref_slice %arg4[%dma_start3A_3578, %multiple_of3A_3542] : memref<16x1000000xf32, #tpu.memory_space<hbm>> -> memref<16x128xf32, #tpu.memory_space<hbm>>
        %dma_start3A_3580 = arith.constant 0 : i32
        %dma_start3A_3581 = arith.constant 0 : i32
        %dma_start3A_3582 = tpu.memref_slice %arg9[%dma_start3A_3572, %dma_start3A_3573, %dma_start3A_3580, %dma_start3A_3581] : memref<2x8x16x128xf32, #tpu.memory_space<vmem>> -> memref<1x1x16x128xf32, #tpu.memory_space<vmem>>
        %dma_start3A_3583 = tpu.memref_squeeze %dma_start3A_3582 : memref<1x1x16x128xf32, #tpu.memory_space<vmem>> -> memref<16x128xf32, #tpu.memory_space<vmem>>
        %dma_start3A_3584 = arith.constant 0 : i32
        %dma_start3A_3585 = tpu.memref_slice %arg4[%dma_start3A_3584, %multiple_of3A_3542] : memref<16x1000000xf32, #tpu.memory_space<hbm>> -> memref<16x128xf32, #tpu.memory_space<hbm>>
        tpu.enqueue_dma source(%dma_start3A_3585 : memref<16x128xf32, #tpu.memory_space<hbm>>) target(%dma_start3A_3583 : memref<16x128xf32, #tpu.memory_space<vmem>>) target_semaphore(%arg15 : memref<!tpu.dma_semaphore, #tpu.memory_space<semaphore_mem>>)
        %dma_start3A_3586 = arith.constant 1 : i32
        %dma_start3A_3587 = arith.constant 6 : i32
        %dma_start3A_3588 = arith.constant 0 : i32
        %dma_start3A_3589 = arith.constant 0 : i32
        %dma_start3A_3590 = tpu.memref_slice %arg10[%dma_start3A_3586, %dma_start3A_3587, %dma_start3A_3588, %dma_start3A_3589] : memref<2x8x16x128xf32, #tpu.memory_space<vmem>> -> memref<1x1x16x128xf32, #tpu.memory_space<vmem>>
        %dma_start3A_3591 = tpu.memref_squeeze %dma_start3A_3590 : memref<1x1x16x128xf32, #tpu.memory_space<vmem>> -> memref<16x128xf32, #tpu.memory_space<vmem>>
        %dma_start3A_3592 = arith.constant 0 : i32
        %dma_start3A_3593 = tpu.memref_slice %arg5[%dma_start3A_3592, %multiple_of3A_3571] : memref<16x1000000xf32, #tpu.memory_space<hbm>> -> memref<16x128xf32, #tpu.memory_space<hbm>>
        %dma_start3A_3594 = arith.constant 0 : i32
        %dma_start3A_3595 = arith.constant 0 : i32
        %dma_start3A_3596 = tpu.memref_slice %arg10[%dma_start3A_3586, %dma_start3A_3587, %dma_start3A_3594, %dma_start3A_3595] : memref<2x8x16x128xf32, #tpu.memory_space<vmem>> -> memref<1x1x16x128xf32, #tpu.memory_space<vmem>>
        %dma_start3A_3597 = tpu.memref_squeeze %dma_start3A_3596 : memref<1x1x16x128xf32, #tpu.memory_space<vmem>> -> memref<16x128xf32, #tpu.memory_space<vmem>>
        %dma_start3A_3598 = arith.constant 0 : i32
        %dma_start3A_3599 = tpu.memref_slice %arg5[%dma_start3A_3598, %multiple_of3A_3571] : memref<16x1000000xf32, #tpu.memory_space<hbm>> -> memref<16x128xf32, #tpu.memory_space<hbm>>
        tpu.enqueue_dma source(%dma_start3A_3599 : memref<16x128xf32, #tpu.memory_space<hbm>>) target(%dma_start3A_3597 : memref<16x128xf32, #tpu.memory_space<vmem>>) target_semaphore(%arg15 : memref<!tpu.dma_semaphore, #tpu.memory_space<semaphore_mem>>)
        %slice3A_3600 = vector.extract_strided_slice %get3A_2995 {offsets = [7], sizes = [1], strides = [1]} : vector<16xi32> to vector<1xi32>
        %squeeze3A_3601 = vector.extract %slice3A_3600[0] : i32 from vector<1xi32>
        %jit3A_3602 = arith.constant 128 : i32
        %div3A_3603 = arith.divsi %squeeze3A_3601, %jit3A_3602 : i32
        %sign3A_3604 = arith.constant 0 : i32
        %sign3A_3605 = arith.cmpi sgt, %squeeze3A_3601, %sign3A_3604 : i32
        %sign3A_3606 = arith.extui %sign3A_3605 : i1 to i32
        %sign3A_3607 = arith.constant 0 : i32
        %sign3A_3608 = arith.cmpi slt, %squeeze3A_3601, %sign3A_3607 : i32
        %sign3A_3609 = arith.extui %sign3A_3608 : i1 to i32
        %sign3A_3610 = arith.subi %sign3A_3606, %sign3A_3609 : i32
        %sign3A_3611 = arith.constant 0 : i32
        %sign3A_3612 = arith.cmpi sgt, %jit3A_3602, %sign3A_3611 : i32
        %sign3A_3613 = arith.extui %sign3A_3612 : i1 to i32
        %sign3A_3614 = arith.constant 0 : i32
        %sign3A_3615 = arith.cmpi slt, %jit3A_3602, %sign3A_3614 : i32
        %sign3A_3616 = arith.extui %sign3A_3615 : i1 to i32
        %sign3A_3617 = arith.subi %sign3A_3613, %sign3A_3616 : i32
        %ne3A_3618 = arith.cmpi ne, %sign3A_3610, %sign3A_3617 : i32
        %rem3A_3619 = arith.remsi %squeeze3A_3601, %jit3A_3602 : i32
        %ne3A_3620 = arith.constant 0 : i32
        %ne3A_3621 = arith.cmpi ne, %rem3A_3619, %ne3A_3620 : i32
        %and3A_3622 = arith.andi %ne3A_3618, %ne3A_3621 : i1
        %sub3A_3623 = arith.constant 1 : i32
        %sub3A_3624 = arith.subi %div3A_3603, %sub3A_3623 : i32
        %select_n3A_3625 = arith.select %and3A_3622, %sub3A_3624, %div3A_3603 : i32
        %mul3A_3626 = arith.constant 128 : i32
        %mul3A_3627 = arith.muli %select_n3A_3625, %mul3A_3626 : i32
        %multiple_of3A_3628 = tpu.assume_multiple %mul3A_3627, 128 : i32
        %slice3A_3629 = vector.extract_strided_slice %get3A_2997 {offsets = [7], sizes = [1], strides = [1]} : vector<16xi32> to vector<1xi32>
        %squeeze3A_3630 = vector.extract %slice3A_3629[0] : i32 from vector<1xi32>
        %jit3A_3631 = arith.constant 128 : i32
        %div3A_3632 = arith.divsi %squeeze3A_3630, %jit3A_3631 : i32
        %sign3A_3633 = arith.constant 0 : i32
        %sign3A_3634 = arith.cmpi sgt, %squeeze3A_3630, %sign3A_3633 : i32
        %sign3A_3635 = arith.extui %sign3A_3634 : i1 to i32
        %sign3A_3636 = arith.constant 0 : i32
        %sign3A_3637 = arith.cmpi slt, %squeeze3A_3630, %sign3A_3636 : i32
        %sign3A_3638 = arith.extui %sign3A_3637 : i1 to i32
        %sign3A_3639 = arith.subi %sign3A_3635, %sign3A_3638 : i32
        %sign3A_3640 = arith.constant 0 : i32
        %sign3A_3641 = arith.cmpi sgt, %jit3A_3631, %sign3A_3640 : i32
        %sign3A_3642 = arith.extui %sign3A_3641 : i1 to i32
        %sign3A_3643 = arith.constant 0 : i32
        %sign3A_3644 = arith.cmpi slt, %jit3A_3631, %sign3A_3643 : i32
        %sign3A_3645 = arith.extui %sign3A_3644 : i1 to i32
        %sign3A_3646 = arith.subi %sign3A_3642, %sign3A_3645 : i32
        %ne3A_3647 = arith.cmpi ne, %sign3A_3639, %sign3A_3646 : i32
        %rem3A_3648 = arith.remsi %squeeze3A_3630, %jit3A_3631 : i32
        %ne3A_3649 = arith.constant 0 : i32
        %ne3A_3650 = arith.cmpi ne, %rem3A_3648, %ne3A_3649 : i32
        %and3A_3651 = arith.andi %ne3A_3647, %ne3A_3650 : i1
        %sub3A_3652 = arith.constant 1 : i32
        %sub3A_3653 = arith.subi %div3A_3632, %sub3A_3652 : i32
        %select_n3A_3654 = arith.select %and3A_3651, %sub3A_3653, %div3A_3632 : i32
        %mul3A_3655 = arith.constant 128 : i32
        %mul3A_3656 = arith.muli %select_n3A_3654, %mul3A_3655 : i32
        %multiple_of3A_3657 = tpu.assume_multiple %mul3A_3656, 128 : i32
        %dma_start3A_3658 = arith.constant 1 : i32
        %dma_start3A_3659 = arith.constant 7 : i32
        %dma_start3A_3660 = arith.constant 0 : i32
        %dma_start3A_3661 = arith.constant 0 : i32
        %dma_start3A_3662 = tpu.memref_slice %arg9[%dma_start3A_3658, %dma_start3A_3659, %dma_start3A_3660, %dma_start3A_3661] : memref<2x8x16x128xf32, #tpu.memory_space<vmem>> -> memref<1x1x16x128xf32, #tpu.memory_space<vmem>>
        %dma_start3A_3663 = tpu.memref_squeeze %dma_start3A_3662 : memref<1x1x16x128xf32, #tpu.memory_space<vmem>> -> memref<16x128xf32, #tpu.memory_space<vmem>>
        %dma_start3A_3664 = arith.constant 0 : i32
        %dma_start3A_3665 = tpu.memref_slice %arg4[%dma_start3A_3664, %multiple_of3A_3628] : memref<16x1000000xf32, #tpu.memory_space<hbm>> -> memref<16x128xf32, #tpu.memory_space<hbm>>
        %dma_start3A_3666 = arith.constant 0 : i32
        %dma_start3A_3667 = arith.constant 0 : i32
        %dma_start3A_3668 = tpu.memref_slice %arg9[%dma_start3A_3658, %dma_start3A_3659, %dma_start3A_3666, %dma_start3A_3667] : memref<2x8x16x128xf32, #tpu.memory_space<vmem>> -> memref<1x1x16x128xf32, #tpu.memory_space<vmem>>
        %dma_start3A_3669 = tpu.memref_squeeze %dma_start3A_3668 : memref<1x1x16x128xf32, #tpu.memory_space<vmem>> -> memref<16x128xf32, #tpu.memory_space<vmem>>
        %dma_start3A_3670 = arith.constant 0 : i32
        %dma_start3A_3671 = tpu.memref_slice %arg4[%dma_start3A_3670, %multiple_of3A_3628] : memref<16x1000000xf32, #tpu.memory_space<hbm>> -> memref<16x128xf32, #tpu.memory_space<hbm>>
        tpu.enqueue_dma source(%dma_start3A_3671 : memref<16x128xf32, #tpu.memory_space<hbm>>) target(%dma_start3A_3669 : memref<16x128xf32, #tpu.memory_space<vmem>>) target_semaphore(%arg15 : memref<!tpu.dma_semaphore, #tpu.memory_space<semaphore_mem>>)
        %dma_start3A_3672 = arith.constant 1 : i32
        %dma_start3A_3673 = arith.constant 7 : i32
        %dma_start3A_3674 = arith.constant 0 : i32
        %dma_start3A_3675 = arith.constant 0 : i32
        %dma_start3A_3676 = tpu.memref_slice %arg10[%dma_start3A_3672, %dma_start3A_3673, %dma_start3A_3674, %dma_start3A_3675] : memref<2x8x16x128xf32, #tpu.memory_space<vmem>> -> memref<1x1x16x128xf32, #tpu.memory_space<vmem>>
        %dma_start3A_3677 = tpu.memref_squeeze %dma_start3A_3676 : memref<1x1x16x128xf32, #tpu.memory_space<vmem>> -> memref<16x128xf32, #tpu.memory_space<vmem>>
        %dma_start3A_3678 = arith.constant 0 : i32
        %dma_start3A_3679 = tpu.memref_slice %arg5[%dma_start3A_3678, %multiple_of3A_3657] : memref<16x1000000xf32, #tpu.memory_space<hbm>> -> memref<16x128xf32, #tpu.memory_space<hbm>>
        %dma_start3A_3680 = arith.constant 0 : i32
        %dma_start3A_3681 = arith.constant 0 : i32
        %dma_start3A_3682 = tpu.memref_slice %arg10[%dma_start3A_3672, %dma_start3A_3673, %dma_start3A_3680, %dma_start3A_3681] : memref<2x8x16x128xf32, #tpu.memory_space<vmem>> -> memref<1x1x16x128xf32, #tpu.memory_space<vmem>>
        %dma_start3A_3683 = tpu.memref_squeeze %dma_start3A_3682 : memref<1x1x16x128xf32, #tpu.memory_space<vmem>> -> memref<16x128xf32, #tpu.memory_space<vmem>>
        %dma_start3A_3684 = arith.constant 0 : i32
        %dma_start3A_3685 = tpu.memref_slice %arg5[%dma_start3A_3684, %multiple_of3A_3657] : memref<16x1000000xf32, #tpu.memory_space<hbm>> -> memref<16x128xf32, #tpu.memory_space<hbm>>
        tpu.enqueue_dma source(%dma_start3A_3685 : memref<16x128xf32, #tpu.memory_space<hbm>>) target(%dma_start3A_3683 : memref<16x128xf32, #tpu.memory_space<vmem>>) target_semaphore(%arg15 : memref<!tpu.dma_semaphore, #tpu.memory_space<semaphore_mem>>)
      } else {
      }
      %broadcast_in_dim3A_2810 = arith.constant 0.000000e+00 : f32
      %broadcast_in_dim3A_2811 = vector.broadcast %broadcast_in_dim3A_2810 : f32 to vector<16xf32>
      %mul3A_2812 = arith.constant 17 : i32
      %mul3A_2813 = vector.broadcast %mul3A_2812 : i32 to vector<16xi32>
      %mul3A_2814 = arith.muli %iota3A, %mul3A_2813 : vector<16xi32>
      %add3A_2815 = arith.constant 0 : i32
      %add3A_2816 = vector.broadcast %add3A_2815 : i32 to vector<16xi32>
      %add3A_2817 = arith.addi %mul3A_2814, %add3A_2816 : vector<16xi32>
      %gather3A_2818 = tpu.vector_load_idx %arg11[%add3A_2817] : memref<272xf32, #tpu.memory_space<vmem>>[vector<16xi32>], vector<16xf32>,
      %gather3A_2819 = tpu.vector_load_idx %arg12[%add3A_2817] : memref<272xf32, #tpu.memory_space<vmem>>[vector<16xi32>], vector<16xf32>,
      %mul3A_2820 = arith.mulf %gather3A_2818, %gather3A_2819 : vector<16xf32>
      %add3A_2821 = arith.addf %broadcast_in_dim3A_2811, %mul3A_2820 : vector<16xf32>
      %mul3A_2822 = arith.constant 17 : i32
      %mul3A_2823 = vector.broadcast %mul3A_2822 : i32 to vector<16xi32>
      %mul3A_2824 = arith.muli %iota3A, %mul3A_2823 : vector<16xi32>
      %add3A_2825 = arith.constant 1 : i32
      %add3A_2826 = vector.broadcast %add3A_2825 : i32 to vector<16xi32>
      %add3A_2827 = arith.addi %mul3A_2824, %add3A_2826 : vector<16xi32>
      %gather3A_2828 = tpu.vector_load_idx %arg11[%add3A_2827] : memref<272xf32, #tpu.memory_space<vmem>>[vector<16xi32>], vector<16xf32>,
      %gather3A_2829 = tpu.vector_load_idx %arg12[%add3A_2827] : memref<272xf32, #tpu.memory_space<vmem>>[vector<16xi32>], vector<16xf32>,
      %mul3A_2830 = arith.mulf %gather3A_2828, %gather3A_2829 : vector<16xf32>
      %add3A_2831 = arith.addf %add3A_2821, %mul3A_2830 : vector<16xf32>
      %mul3A_2832 = arith.constant 17 : i32
      %mul3A_2833 = vector.broadcast %mul3A_2832 : i32 to vector<16xi32>
      %mul3A_2834 = arith.muli %iota3A, %mul3A_2833 : vector<16xi32>
      %add3A_2835 = arith.constant 2 : i32
      %add3A_2836 = vector.broadcast %add3A_2835 : i32 to vector<16xi32>
      %add3A_2837 = arith.addi %mul3A_2834, %add3A_2836 : vector<16xi32>
      %gather3A_2838 = tpu.vector_load_idx %arg11[%add3A_2837] : memref<272xf32, #tpu.memory_space<vmem>>[vector<16xi32>], vector<16xf32>,
      %gather3A_2839 = tpu.vector_load_idx %arg12[%add3A_2837] : memref<272xf32, #tpu.memory_space<vmem>>[vector<16xi32>], vector<16xf32>,
      %mul3A_2840 = arith.mulf %gather3A_2838, %gather3A_2839 : vector<16xf32>
      %add3A_2841 = arith.addf %add3A_2831, %mul3A_2840 : vector<16xf32>
      %mul3A_2842 = arith.constant 17 : i32
      %mul3A_2843 = vector.broadcast %mul3A_2842 : i32 to vector<16xi32>
      %mul3A_2844 = arith.muli %iota3A, %mul3A_2843 : vector<16xi32>
      %add3A_2845 = arith.constant 3 : i32
      %add3A_2846 = vector.broadcast %add3A_2845 : i32 to vector<16xi32>
      %add3A_2847 = arith.addi %mul3A_2844, %add3A_2846 : vector<16xi32>
      %gather3A_2848 = tpu.vector_load_idx %arg11[%add3A_2847] : memref<272xf32, #tpu.memory_space<vmem>>[vector<16xi32>], vector<16xf32>,
      %gather3A_2849 = tpu.vector_load_idx %arg12[%add3A_2847] : memref<272xf32, #tpu.memory_space<vmem>>[vector<16xi32>], vector<16xf32>,
      %mul3A_2850 = arith.mulf %gather3A_2848, %gather3A_2849 : vector<16xf32>
      %add3A_2851 = arith.addf %add3A_2841, %mul3A_2850 : vector<16xf32>
      %mul3A_2852 = arith.constant 17 : i32
      %mul3A_2853 = vector.broadcast %mul3A_2852 : i32 to vector<16xi32>
      %mul3A_2854 = arith.muli %iota3A, %mul3A_2853 : vector<16xi32>
      %add3A_2855 = arith.constant 4 : i32
      %add3A_2856 = vector.broadcast %add3A_2855 : i32 to vector<16xi32>
      %add3A_2857 = arith.addi %mul3A_2854, %add3A_2856 : vector<16xi32>
      %gather3A_2858 = tpu.vector_load_idx %arg11[%add3A_2857] : memref<272xf32, #tpu.memory_space<vmem>>[vector<16xi32>], vector<16xf32>,
      %gather3A_2859 = tpu.vector_load_idx %arg12[%add3A_2857] : memref<272xf32, #tpu.memory_space<vmem>>[vector<16xi32>], vector<16xf32>,
      %mul3A_2860 = arith.mulf %gather3A_2858, %gather3A_2859 : vector<16xf32>
      %add3A_2861 = arith.addf %add3A_2851, %mul3A_2860 : vector<16xf32>
      %mul3A_2862 = arith.constant 17 : i32
      %mul3A_2863 = vector.broadcast %mul3A_2862 : i32 to vector<16xi32>
      %mul3A_2864 = arith.muli %iota3A, %mul3A_2863 : vector<16xi32>
      %add3A_2865 = arith.constant 5 : i32
      %add3A_2866 = vector.broadcast %add3A_2865 : i32 to vector<16xi32>
      %add3A_2867 = arith.addi %mul3A_2864, %add3A_2866 : vector<16xi32>
      %gather3A_2868 = tpu.vector_load_idx %arg11[%add3A_2867] : memref<272xf32, #tpu.memory_space<vmem>>[vector<16xi32>], vector<16xf32>,
      %gather3A_2869 = tpu.vector_load_idx %arg12[%add3A_2867] : memref<272xf32, #tpu.memory_space<vmem>>[vector<16xi32>], vector<16xf32>,
      %mul3A_2870 = arith.mulf %gather3A_2868, %gather3A_2869 : vector<16xf32>
      %add3A_2871 = arith.addf %add3A_2861, %mul3A_2870 : vector<16xf32>
      %mul3A_2872 = arith.constant 17 : i32
      %mul3A_2873 = vector.broadcast %mul3A_2872 : i32 to vector<16xi32>
      %mul3A_2874 = arith.muli %iota3A, %mul3A_2873 : vector<16xi32>
      %add3A_2875 = arith.constant 6 : i32
      %add3A_2876 = vector.broadcast %add3A_2875 : i32 to vector<16xi32>
      %add3A_2877 = arith.addi %mul3A_2874, %add3A_2876 : vector<16xi32>
      %gather3A_2878 = tpu.vector_load_idx %arg11[%add3A_2877] : memref<272xf32, #tpu.memory_space<vmem>>[vector<16xi32>], vector<16xf32>,
      %gather3A_2879 = tpu.vector_load_idx %arg12[%add3A_2877] : memref<272xf32, #tpu.memory_space<vmem>>[vector<16xi32>], vector<16xf32>,
      %mul3A_2880 = arith.mulf %gather3A_2878, %gather3A_2879 : vector<16xf32>
      %add3A_2881 = arith.addf %add3A_2871, %mul3A_2880 : vector<16xf32>
      %mul3A_2882 = arith.constant 17 : i32
      %mul3A_2883 = vector.broadcast %mul3A_2882 : i32 to vector<16xi32>
      %mul3A_2884 = arith.muli %iota3A, %mul3A_2883 : vector<16xi32>
      %add3A_2885 = arith.constant 7 : i32
      %add3A_2886 = vector.broadcast %add3A_2885 : i32 to vector<16xi32>
      %add3A_2887 = arith.addi %mul3A_2884, %add3A_2886 : vector<16xi32>
      %gather3A_2888 = tpu.vector_load_idx %arg11[%add3A_2887] : memref<272xf32, #tpu.memory_space<vmem>>[vector<16xi32>], vector<16xf32>,
      %gather3A_2889 = tpu.vector_load_idx %arg12[%add3A_2887] : memref<272xf32, #tpu.memory_space<vmem>>[vector<16xi32>], vector<16xf32>,
      %mul3A_2890 = arith.mulf %gather3A_2888, %gather3A_2889 : vector<16xf32>
      %add3A_2891 = arith.addf %add3A_2881, %mul3A_2890 : vector<16xf32>
      %mul3A_2892 = arith.constant 17 : i32
      %mul3A_2893 = vector.broadcast %mul3A_2892 : i32 to vector<16xi32>
      %mul3A_2894 = arith.muli %iota3A, %mul3A_2893 : vector<16xi32>
      %add3A_2895 = arith.constant 8 : i32
      %add3A_2896 = vector.broadcast %add3A_2895 : i32 to vector<16xi32>
      %add3A_2897 = arith.addi %mul3A_2894, %add3A_2896 : vector<16xi32>
      %gather3A_2898 = tpu.vector_load_idx %arg11[%add3A_2897] : memref<272xf32, #tpu.memory_space<vmem>>[vector<16xi32>], vector<16xf32>,
      %gather3A_2899 = tpu.vector_load_idx %arg12[%add3A_2897] : memref<272xf32, #tpu.memory_space<vmem>>[vector<16xi32>], vector<16xf32>,
      %mul3A_2900 = arith.mulf %gather3A_2898, %gather3A_2899 : vector<16xf32>
      %add3A_2901 = arith.addf %add3A_2891, %mul3A_2900 : vector<16xf32>
      %mul3A_2902 = arith.constant 17 : i32
      %mul3A_2903 = vector.broadcast %mul3A_2902 : i32 to vector<16xi32>
      %mul3A_2904 = arith.muli %iota3A, %mul3A_2903 : vector<16xi32>
      %add3A_2905 = arith.constant 9 : i32
      %add3A_2906 = vector.broadcast %add3A_2905 : i32 to vector<16xi32>
      %add3A_2907 = arith.addi %mul3A_2904, %add3A_2906 : vector<16xi32>
      %gather3A_2908 = tpu.vector_load_idx %arg11[%add3A_2907] : memref<272xf32, #tpu.memory_space<vmem>>[vector<16xi32>], vector<16xf32>,
      %gather3A_2909 = tpu.vector_load_idx %arg12[%add3A_2907] : memref<272xf32, #tpu.memory_space<vmem>>[vector<16xi32>], vector<16xf32>,
      %mul3A_2910 = arith.mulf %gather3A_2908, %gather3A_2909 : vector<16xf32>
      %add3A_2911 = arith.addf %add3A_2901, %mul3A_2910 : vector<16xf32>
      %mul3A_2912 = arith.constant 17 : i32
      %mul3A_2913 = vector.broadcast %mul3A_2912 : i32 to vector<16xi32>
      %mul3A_2914 = arith.muli %iota3A, %mul3A_2913 : vector<16xi32>
      %add3A_2915 = arith.constant 10 : i32
      %add3A_2916 = vector.broadcast %add3A_2915 : i32 to vector<16xi32>
      %add3A_2917 = arith.addi %mul3A_2914, %add3A_2916 : vector<16xi32>
      %gather3A_2918 = tpu.vector_load_idx %arg11[%add3A_2917] : memref<272xf32, #tpu.memory_space<vmem>>[vector<16xi32>], vector<16xf32>,
      %gather3A_2919 = tpu.vector_load_idx %arg12[%add3A_2917] : memref<272xf32, #tpu.memory_space<vmem>>[vector<16xi32>], vector<16xf32>,
      %mul3A_2920 = arith.mulf %gather3A_2918, %gather3A_2919 : vector<16xf32>
      %add3A_2921 = arith.addf %add3A_2911, %mul3A_2920 : vector<16xf32>
      %mul3A_2922 = arith.constant 17 : i32
      %mul3A_2923 = vector.broadcast %mul3A_2922 : i32 to vector<16xi32>
      %mul3A_2924 = arith.muli %iota3A, %mul3A_2923 : vector<16xi32>
      %add3A_2925 = arith.constant 11 : i32
      %add3A_2926 = vector.broadcast %add3A_2925 : i32 to vector<16xi32>
      %add3A_2927 = arith.addi %mul3A_2924, %add3A_2926 : vector<16xi32>
      %gather3A_2928 = tpu.vector_load_idx %arg11[%add3A_2927] : memref<272xf32, #tpu.memory_space<vmem>>[vector<16xi32>], vector<16xf32>,
      %gather3A_2929 = tpu.vector_load_idx %arg12[%add3A_2927] : memref<272xf32, #tpu.memory_space<vmem>>[vector<16xi32>], vector<16xf32>,
      %mul3A_2930 = arith.mulf %gather3A_2928, %gather3A_2929 : vector<16xf32>
      %add3A_2931 = arith.addf %add3A_2921, %mul3A_2930 : vector<16xf32>
      %mul3A_2932 = arith.constant 17 : i32
      %mul3A_2933 = vector.broadcast %mul3A_2932 : i32 to vector<16xi32>
      %mul3A_2934 = arith.muli %iota3A, %mul3A_2933 : vector<16xi32>
      %add3A_2935 = arith.constant 12 : i32
      %add3A_2936 = vector.broadcast %add3A_2935 : i32 to vector<16xi32>
      %add3A_2937 = arith.addi %mul3A_2934, %add3A_2936 : vector<16xi32>
      %gather3A_2938 = tpu.vector_load_idx %arg11[%add3A_2937] : memref<272xf32, #tpu.memory_space<vmem>>[vector<16xi32>], vector<16xf32>,
      %gather3A_2939 = tpu.vector_load_idx %arg12[%add3A_2937] : memref<272xf32, #tpu.memory_space<vmem>>[vector<16xi32>], vector<16xf32>,
      %mul3A_2940 = arith.mulf %gather3A_2938, %gather3A_2939 : vector<16xf32>
      %add3A_2941 = arith.addf %add3A_2931, %mul3A_2940 : vector<16xf32>
      %mul3A_2942 = arith.constant 17 : i32
      %mul3A_2943 = vector.broadcast %mul3A_2942 : i32 to vector<16xi32>
      %mul3A_2944 = arith.muli %iota3A, %mul3A_2943 : vector<16xi32>
      %add3A_2945 = arith.constant 13 : i32
      %add3A_2946 = vector.broadcast %add3A_2945 : i32 to vector<16xi32>
      %add3A_2947 = arith.addi %mul3A_2944, %add3A_2946 : vector<16xi32>
      %gather3A_2948 = tpu.vector_load_idx %arg11[%add3A_2947] : memref<272xf32, #tpu.memory_space<vmem>>[vector<16xi32>], vector<16xf32>,
      %gather3A_2949 = tpu.vector_load_idx %arg12[%add3A_2947] : memref<272xf32, #tpu.memory_space<vmem>>[vector<16xi32>], vector<16xf32>,
      %mul3A_2950 = arith.mulf %gather3A_2948, %gather3A_2949 : vector<16xf32>
      %add3A_2951 = arith.addf %add3A_2941, %mul3A_2950 : vector<16xf32>
      %mul3A_2952 = arith.constant 17 : i32
      %mul3A_2953 = vector.broadcast %mul3A_2952 : i32 to vector<16xi32>
      %mul3A_2954 = arith.muli %iota3A, %mul3A_2953 : vector<16xi32>
      %add3A_2955 = arith.constant 14 : i32
      %add3A_2956 = vector.broadcast %add3A_2955 : i32 to vector<16xi32>
      %add3A_2957 = arith.addi %mul3A_2954, %add3A_2956 : vector<16xi32>
      %gather3A_2958 = tpu.vector_load_idx %arg11[%add3A_2957] : memref<272xf32, #tpu.memory_space<vmem>>[vector<16xi32>], vector<16xf32>,
      %gather3A_2959 = tpu.vector_load_idx %arg12[%add3A_2957] : memref<272xf32, #tpu.memory_space<vmem>>[vector<16xi32>], vector<16xf32>,
      %mul3A_2960 = arith.mulf %gather3A_2958, %gather3A_2959 : vector<16xf32>
      %add3A_2961 = arith.addf %add3A_2951, %mul3A_2960 : vector<16xf32>
      %mul3A_2962 = arith.constant 17 : i32
      %mul3A_2963 = vector.broadcast %mul3A_2962 : i32 to vector<16xi32>
      %mul3A_2964 = arith.muli %iota3A, %mul3A_2963 : vector<16xi32>
      %add3A_2965 = arith.constant 15 : i32
      %add3A_2966 = vector.broadcast %add3A_2965 : i32 to vector<16xi32>
      %add3A_2967 = arith.addi %mul3A_2964, %add3A_2966 : vector<16xi32>
      %gather3A_2968 = tpu.vector_load_idx %arg11[%add3A_2967] : memref<272xf32, #tpu.memory_space<vmem>>[vector<16xi32>], vector<16xf32>,
      %gather3A_2969 = tpu.vector_load_idx %arg12[%add3A_2967] : memref<272xf32, #tpu.memory_space<vmem>>[vector<16xi32>], vector<16xf32>,
      %mul3A_2970 = arith.mulf %gather3A_2968, %gather3A_2969 : vector<16xf32>
      %add3A_2971 = arith.addf %add3A_2961, %mul3A_2970 : vector<16xf32>
      %lt3A_2972 = arith.constant 0.000000e+00 : f32
      %lt3A_2973 = vector.broadcast %lt3A_2972 : f32 to vector<16xf32>
      %lt3A_2974 = arith.cmpf olt, %add3A_2971, %lt3A_2973 : vector<16xf32>
      %neg3A = arith.constant 0.000000e+00 : f32
      %neg3A_2975 = vector.broadcast %neg3A : f32 to vector<16xf32>
      %neg3A_2976 = arith.subf %neg3A_2975, %add3A_2971 : vector<16xf32>
      %select_n3A_2977 = arith.select %lt3A_2974, %add3A_2971, %neg3A_2976 : vector<16xi1>, vector<16xf32>
      %exp3A = math.exp %select_n3A_2977 : vector<16xf32>
      %add3A_2978 = arith.constant 1.000000e+00 : f32
      %add3A_2979 = vector.broadcast %add3A_2978 : f32 to vector<16xf32>
      %add3A_2980 = arith.addf %add3A_2979, %exp3A : vector<16xf32>
      %div3A_2981 = arith.divf %exp3A, %add3A_2980 : vector<16xf32>
      %add3A_2982 = arith.constant 1.000000e+00 : f32
      %add3A_2983 = vector.broadcast %add3A_2982 : f32 to vector<16xf32>
      %add3A_2984 = arith.addf %add3A_2983, %exp3A : vector<16xf32>
      %div3A_2985 = arith.constant 1.000000e+00 : f32
      %div3A_2986 = vector.broadcast %div3A_2985 : f32 to vector<16xf32>
      %div3A_2987 = arith.divf %div3A_2986, %add3A_2984 : vector<16xf32>
      %select_n3A_2988 = arith.select %lt3A_2974, %div3A_2981, %div3A_2987 : vector<16xi1>, vector<16xf32>
      %swap3A_2989 = arith.index_cast %mul3A_1385 : i32 to index
      %swap3A_2990 = tpu.vector_load %arg13[%swap3A_2989] {strides = array<i32>} : memref<512xf32, #tpu.memory_space<vmem>>, vector<16xf32>,
      tpu.vector_store %arg13[%swap3A_2989], %select_n3A_2988 {strides = array<i32>} : memref<512xf32, #tpu.memory_space<vmem>>, vector<16xf32>,
      %scan3A_2991 = arith.constant 0 : i32
      scf.yield %scan3A_2991 : i32
    }
    %scan3A_1379 = arith.constant 32 : i32
    "tpu.region"() ({
      %run_scoped3A = tpu.sem_alloc : memref<!tpu.dma_semaphore, #tpu.memory_space<semaphore_mem>>
      %dma_start3A_1380 = tpu.memref_slice %arg6[%mul3A_2] : memref<16384xf32, #tpu.memory_space<hbm>> -> memref<512xf32, #tpu.memory_space<hbm>>
      %dma_start3A_1381 = tpu.memref_slice %arg6[%mul3A_2] : memref<16384xf32, #tpu.memory_space<hbm>> -> memref<512xf32, #tpu.memory_space<hbm>>
      tpu.enqueue_dma source(%arg13 : memref<512xf32, #tpu.memory_space<vmem>>) target(%dma_start3A_1381 : memref<512xf32, #tpu.memory_space<hbm>>) target_semaphore(%run_scoped3A : memref<!tpu.dma_semaphore, #tpu.memory_space<semaphore_mem>>)
      %dma_wait3A = tpu.memref_slice %arg6[%mul3A_2] : memref<16384xf32, #tpu.memory_space<hbm>> -> memref<512xf32, #tpu.memory_space<hbm>>
      %dma_wait3A_1382 = tpu.memref_slice %arg6[%mul3A_2] : memref<16384xf32, #tpu.memory_space<hbm>> -> memref<512xf32, #tpu.memory_space<hbm>>
      tpu.wait_dma2 semaphore(%run_scoped3A : memref<!tpu.dma_semaphore, #tpu.memory_space<semaphore_mem>>) src(%arg13 : memref<512xf32, #tpu.memory_space<vmem>>) dst(%dma_wait3A_1382 : memref<512xf32, #tpu.memory_space<hbm>>)
      tpu.yield
    }) : () -> ()
    return
  }
}

</mosaic_0001>

<sc_bundles>
// kernel: _fcf.3.cloned.1.call-start
scs
__scs_entry_jumppad:
0x0: {  	(pc) =	sbr.rel $0x88, $3  }
0x1: {  	(tag) =	ssettag $0x0;
	lr =	simm.s32 $0x1  }
0x2: {  	[smem:$0x3F9D] =	sst lr;
	_ =	strace $0xD0000000  }
0x3: {  	_ = 	snop  }
0x4: {  	_ = 	snop  }
0x5: {  	_ = 	snop  }
0x6: {  	_ = 	snop  }
0x7: {  	_ = 	snop  }
__scs_overlays_trampoline_lowered:
0x8: {  	[smem:$0x3FAC] =	sst s0  }
0x9: {  	[smem:$0x3FAD] =	sst s1  }
0xa: {  	[smem:$0x3FAE] =	sst s2  }
0xb: {  	[smem:$0x3FAF] =	sst s3  }
0xc: {  	[smem:$0x3FB0] =	sst s4  }
0xd: {  	[smem:$0x3FB1] =	sst s5  }
0xe: {  	[smem:$0x3FB2] =	sst s6  }
0xf: {  	[smem:$0x3FB3] =	sst s7  }
0x10: {  	[smem:$0x3FB4] =	sst s8  }
0x11: {  	[smem:$0x3FB5] =	sst s9;
	s0 =	simm.s32 @!p0 $0x0  }
0x12: {  	s1 =	sld [smem:$0x3F9B];
	s0 =	simm.s32 @p0 $0x1  }
0x13: {  	[smem:$0x3FB6] =	sst s0;
	s0 =	simm.s32 @!p1 $0x0  }
0x14: {  	s2 =	sld [smem:$0x3F9A];
	s0 =	simm.s32 @p1 $0x1  }
0x15: {  	[smem:$0x3FB7] =	sst s0;
	s0 =	simm.s32 @!p2 $0x0  }
0x16: {  	s3 =	sld [smem:$0x3FDB];
	s0 =	simm.s32 @p2 $0x1  }
0x17: {  	s4 =	simm.s32 $0x1BF5;
	[smem:$0x3FB9] =	sst s0  }
0x18: {  	s0 =	sld [smem:$0x3F9C];
	_ =	swait.ge [sflag:s4], $0x0  }
0x19: {  	s7 =	sld [smem:$0x3F9D]  }
0x1a: {  	s8 =	sadd.s32 $0xFFFFE003, lr  }
0x1b: {  	s9 =	sadd.s32 $0xFFFFFEF7, lr;
	s5 =	simm.s32 $0xFFFFFFFF;
	p2 =	slt.u32 s8, $0xFFFFF086  }
0x1c: {  	p1 =	slt.u32 s9, $0xF7A;
	s5 =	simm.s32 @!p2 $0x0  }
0x1d: {  	s5 =	simm.s32 @p1 $0x1;
	p0 =	seq.s32 s7, s2  }
0x1e: {  	s7 =	smul.u32 @!p0 $0xF7A, s2;
	p2 =	seq.s32 @!p0 s5, $0x0  }
0x1f: {  	s9 =	smul.u32 $0xF7A, s1;
	s8 =	simm.s32 @!p0 $0x1BF5;
	p2 =	por !p2, p0  }
0x20: {  	[sflag:s8] =	ssyncset.s32 @!p0 $0xFFFFF086;
	s6 =	sadd.s32 @!p0 s3, s7;
	s7 =	simm.s32 @!p0 $0x108  }
0x21: {  	s3 =	sadd.s32 s3, s9;
	s6 =	sadd.s32 @!p0 $0x88, s6;
	s7 =	simm.s32 @p2 $0x1082  }
0x22: {  	[simem:s7], [sflag:s8] =	dma.local @!p0 [hbm:s6], $0xF7A  }
0x23: {  	s9 =	sor.u32 $0xD0000000, s2;
	s6 =	simm.s32 $0x108;
	_ =	swait.ge @!p0 [sflag:s8], $0x0  }
0x24: {  	s3 =	sadd.s32 $0x88, s3;
	s6 =	simm.s32 @!p1 $0x1082;
	[sflag:s4] =	ssyncset.s32 $0xFFFFF086  }
0x25: {  	[simem:s6], [sflag:s4] =	dma.local [hbm:s3], $0xF7A  }
0x26: {  	[smem:$0x3F9D] =	sst s1;
	(tag) =	ssettag s2;
	_ =	strace s9  }
0x27: {  	s1 =	sld [smem:$0x3FAD]  }
0x28: {  	s2 =	sld [smem:$0x3FAE]  }
0x29: {  	s4 =	sld [smem:$0x3FB0]  }
0x2a: {  	p0 =	seq.s32 s5, $0x0;
	s5 =	sld [smem:$0x3FB1]  }
0x2b: {  	s6 =	sld [smem:$0x3FB2]  }
0x2c: {  	s7 =	sld [smem:$0x3FB3]  }
0x2d: {  	s3 =	simm.s32 $0x108;
	s8 =	sld [smem:$0x3FB4]  }
0x2e: {  	s3 =	simm.s32 @!p0 $0x1082;
	s9 =	sld [smem:$0x3FB5]  }
0x2f: {  	lr =	sadd.s32 s0, s3;
	s0 =	sld [smem:$0x3FAC]  }
0x30: {  	s3 =	sld [smem:$0x3FAF]  }
0x31: {  	[smem:$0x3FB8] =	sst s10  }
0x32: {  	s10 =	sld [smem:$0x3FB6];
	_ =	sdelay $0x3  }
0x33: {  	p0 =	seq.s32 s10, $0x1;
	s10 =	sld [smem:$0x3FB8];
	_ =	sdelay $0x3  }
0x34: {  	[smem:$0x3FB8] =	sst s10  }
0x35: {  	s10 =	sld [smem:$0x3FB7];
	_ =	sdelay $0x3  }
0x36: {  	p1 =	seq.s32 s10, $0x1;
	s10 =	sld [smem:$0x3FB8];
	_ =	sdelay $0x3  }
0x37: {  	[smem:$0x3FB8] =	sst s10  }
0x38: {  	s10 =	sld [smem:$0x3FB9]  }
0x39: {  	_ = 	snop;
	(pc) =	sbr.ind lr, $3  }
0x3a: {  	_ = 	snop  }
0x3b: {  	_ = 	snop  }
0x3c: {  	p2 =	seq.s32 s10, $0x1;
	s10 =	sld [smem:$0x3FB8]  }
0x3d: {  	_ =	shalt  }
0x3e: {  	_ =	shalt  }
0x3f: {  	_ =	shalt  }
0x40: {  	_ =	shalt  }
0x41: {  	_ =	shalt  }
0x42: {  	_ =	shalt  }
0x43: {  	_ =	shalt  }
0x44: {  	_ =	shalt  }
0x45: {  	_ =	shalt  }
0x46: {  	_ =	shalt  }
0x47: {  	_ =	shalt  }
0x48: {  	_ =	shalt  }
0x49: {  	_ =	shalt  }
0x4a: {  	_ =	shalt  }
0x4b: {  	_ =	shalt  }
0x4c: {  	_ =	shalt  }
0x4d: {  	_ =	shalt  }
0x4e: {  	_ =	shalt  }
0x4f: {  	_ =	shalt  }
0x50: {  	_ =	shalt  }
0x51: {  	_ =	shalt  }
0x52: {  	_ =	shalt  }
0x53: {  	_ =	shalt  }
0x54: {  	_ =	shalt  }
0x55: {  	_ =	shalt  }
0x56: {  	_ =	shalt  }
0x57: {  	_ =	shalt  }
0x58: {  	_ =	shalt  }
0x59: {  	_ =	shalt  }
0x5a: {  	_ =	shalt  }
0x5b: {  	_ =	shalt  }
0x5c: {  	_ =	shalt  }
0x5d: {  	_ =	shalt  }
0x5e: {  	_ =	shalt  }
0x5f: {  	_ =	shalt  }
0x60: {  	_ =	shalt  }
0x61: {  	_ =	shalt  }
0x62: {  	_ =	shalt  }
0x63: {  	_ =	shalt  }
0x64: {  	_ =	shalt  }
0x65: {  	_ =	shalt  }
0x66: {  	_ =	shalt  }
0x67: {  	_ =	shalt  }
0x68: {  	_ =	shalt  }
0x69: {  	_ =	shalt  }
0x6a: {  	_ =	shalt  }
0x6b: {  	_ =	shalt  }
0x6c: {  	_ =	shalt  }
0x6d: {  	_ =	shalt  }
0x6e: {  	_ =	shalt  }
0x6f: {  	_ =	shalt  }
0x70: {  	_ =	shalt  }
0x71: {  	_ =	shalt  }
0x72: {  	_ =	shalt  }
0x73: {  	_ =	shalt  }
0x74: {  	_ =	shalt  }
0x75: {  	_ =	shalt  }
0x76: {  	_ =	shalt  }
0x77: {  	_ =	shalt  }
0x78: {  	_ =	shalt  }
0x79: {  	_ =	shalt  }
0x7a: {  	_ =	shalt  }
0x7b: {  	_ =	shalt  }
0x7c: {  	_ =	shalt  }
0x7d: {  	_ =	shalt  }
0x7e: {  	_ =	shalt  }
0x7f: {  	_ =	shalt  }
0x80: {  	_ =	shalt  }
0x81: {  	_ =	shalt  }
0x82: {  	_ =	shalt  }
0x83: {  	_ =	shalt  }
0x84: {  	_ =	shalt  }
0x85: {  	_ =	shalt  }
0x86: {  	_ =	shalt  }
0x87: {  	_ =	shalt  }
.Lfunc_end0:
.L_simem_size_0:
called_computation_lowered:
.L_overlay_start_0:
0x88: {  	s2 =	sld [smem:$0x3FD9]  }
0x89: {  	s3 =	sld [smem:$0x3FFE];
	_ =	sdelay $0x1  }
0x8a: {  	s1 =	srdreg.scid  }
0x8b: {  	s0 =	sand.u32 $0x1, s1  }
0x8c: {  	s18 =	sshll.u32 s0, $0xA;
	s2 =	sadd.s32 s3, s2  }
0x8d: {  	s2 =	sadd.s32 s2, s18  }
0x8e: {  	[smem:$0x3FC4] =	sst s2  }
0x8f: {  	_ = 	snop  }
0x90: {  	s2 =	sld [smem:$0x3FC9]  }
0x91: {  	s19 =	sld [smem:$0x3FC8]  }
0x92: {  	s4 =	sld [smem:$0x3FC7]  }
0x93: {  	s5 =	sld [smem:$0x3FC6]  }
0x94: {  	s6 =	sld [smem:$0x3FD0];
	(tm) =	ssettm $0x1  }
0x95: {  	s7 =	sld [smem:$0x3FFB];
	_ =	sdelay $0x3  }
0x96: {  	_ =	strace s7  }
0x97: {  	s7 =	sld [smem:$0x3FFC];
	_ =	sdelay $0x3  }
0x98: {  	_ =	strace s7  }
0x99: {  	s7 =	sld [smem:$0x3FFD];
	_ =	sdelay $0x3  }
0x9a: {  	_ =	strace s7  }
0x9b: {  	_ =	strace $0x8FFFFFFF  }
0x9c: {  	s20 =	sld [smem:$0x3FDB];
	_ =	sdelay $0x1  }
0x9d: {  	s8 =	simm.s32 $_scs_section_size  }
0x9e: {  	s9 =	simm.s32 $_size__tile_overlayer_lowered;
	s10 =	simm.s32 $_tile_overlayer_lowered  }
0x9f: {  	s23 =	simm.s32 $0x1BFF;
	s22 =	sshll.u32 s10, $0x1;
	s7 =	sadd.s32 s8, s20  }
0xa0: {  	s11 =	simm.s32 $0x0;
	s21 =	sshll.u32 s9, $0x1;
	s9 =	sadd.s32 s22, s7  }
0xa1: {  	[timem:s11], [sflag:s23] =	dma.local [hbm:s9], s21  }
0xa2: {  	_ =	swait.ge [sflag:s23], s21  }
0xa3: {  	s8 =	ssub.s32 $0x0, s21;
	[sflag:s23] =	ssyncset.done $0x0  }
0xa4: {  	[sflag:s23] =	ssyncadd.s32 s8;
	_ =	sdelay $0x1  }
0xa5: {  	s24 =	simm.s32 $0x1B8B  }
0xa6: {  	_ =	swait.ge [sflag:s24], $0x1  }
0xa7: {  	[sflag:s24] =	ssyncset.done $0x0  }
0xa8: {  	s25 =	simm.s32 $0x1B8E;
	[sflag:s24] =	ssyncadd.s32 $0xFFFFFFFF  }
0xa9: {  	s26 =	simm.s32 $execute0_lowered;
	[smem:$0x3FD2] =	sst s25  }
0xaa: {  	s8 =	sshll.u32 s26, $0x1;
	_ =	strace $0x80000046;
	[dreg:$0x1] =	wrdreg $0xFFFFFFFF  }
0xab: {  	s28 =	simm.s32 $_size_execute0_lowered;
	s7 =	sadd.s32 s7, s8;
	[dreg:$0x0] =	wrdreg $0x0  }
0xac: {  	s8 =	sshll.u32 s28, $0x1;
	[dreg:$0x2] =	wrdreg s7  }
0xad: {  	[dreg:$0x3] =	wrdreg s8  }
0xae: {  	[dreg:$0x4] =	wrdreg $0xC0  }
0xaf: {  	_ =	task [dreg:s11], $0x5FFFF  }
0xb0: {  	[dreg:$0x1] =	wrdreg $0xFFFFFFFF  }
0xb1: {  	[dreg:$0x0] =	wrdreg $0x60  }
0xb2: {  	[dreg:$0x2] =	wrdreg s2  }
0xb3: {  	[dreg:$0x3] =	wrdreg s19  }
0xb4: {  	[dreg:$0x4] =	wrdreg s4  }
0xb5: {  	[dreg:$0x5] =	wrdreg s5  }
0xb6: {  	[dreg:$0x6] =	wrdreg s6  }
0xb7: {  	[dreg:$0x7] =	wrdreg $0x9  }
0xb8: {  	_ =	task.clear_ibuf [dreg:s11], $0x8FFFF;
	_ =	strace $0x90000046  }
0xb9: {  	s29 =	simm.s32 $0x9;
	_ =	strace $0x80000048  }
0xba: {  	_ =	swait.ge [sflag:s29], $0x1  }
0xbb: {  	[sflag:s29] =	ssyncadd.s32 $0xFFFFFFFF  }
0xbc: {  	_ =	strace $0x90000048  }
0xbd: {  	_ =	sfence  }
0xbe: {  	s30 =	sld [smem:$0x0];
	_ =	sdelay $0x2  }
0xbf: {  	s31 =	sshll.u32 s1, $0xD;
	s1 =	sshrl.u32 s1, $0x2  }
0xc0: {  	s3 =	sand.u32 $0x4000, s31;
	s1 =	sadd.s32 s1, s30  }
0xc1: {  	s0 =	sor.u32 s3, s0;
	s1 =	sshll.u32 s1, $0x11  }
0xc2: {  	s0 =	sor.u32 s1, s0  }
0xc3: {  	s0 =	sadd.s32 $0x8F2B, s0  }
0xc4: {  	[sflag:s0] =	ssyncadd.remote.s32 $0x1  }
0xc5: {  	_ =	sfence.sel $0xFFFF  }
0xc6: {  	[dreg:$0x0] =	wrdreg $0xFFFFFFFF;
	(pc) =	sbr.abs _section_cstart, $3  }
0xc7: {  	[dreg:$0x1] =	wrdreg $0xFFFFFFFF  }
0xc8: {  	_ =	task.clear_ibuf [dreg:s11], $0x2FFFF;
	_ =	strace $0x9FFFFFFF  }
0xc9: {  	(tm) =	ssettm $0x7FFFFFFF  }
tec
execute0_lowered:
.L_overlay_start_1:
0x0: {  	(tag) =	ssettag $0x1  }
0x1: {  	s0 =	rddreg [dreg:$0x0]  }
0x2: {  	s3 =	rddreg [dreg:$0x1]  }
0x3: {  	s1 =	rddreg [dreg:$0x2]  }
0x4: {  	s2 =	rddreg [dreg:$0x3]  }
0x5: {  	s4 =	rddreg [dreg:$0x4];
	s5 =	srdreg.scid  }
0x6: {  	s23 =	simm.s32 $0x0;
	s7 =	stileid.u32;
	s25 =	simm.s32 $0x3  }
0x7: {  	s11 =	simm.s32 $0x1;
	s12 =	simm.s32 $0x400;
	s13 =	simm.s32 $0x7A1400  }
0x8: {  	s30 =	simm.s32 $0xBD00;
	s31 =	simm.s32 $0x4500;
	s10 =	simm.s32 $0xCD00  }
0x9: {  	s9 =	simm.s32 $0xE500;
	s14 =	simm.s32 $0x6D00;
	s15 =	simm.s32 $0xED00  }
0xa: {  	s16 =	simm.s32 $0x7500;
	s17 =	simm.s32 $0xF500;
	s18 =	simm.s32 $0x7D00  }
0xb: {  	s19 =	simm.s32 $0xFD00;
	s20 =	simm.s32 $0x2;
	s21 =	simm.s32 $0x10500  }
0xc: {  	s22 =	simm.s32 $0x10680;
	s5 =	sand.u32 $0x1, s5;
	s7 =	sshll.u32 s7, $0x7  }
0xd: {  	v1 =	vlaneseq.u32;
	[smem:$0x7FF] =	sst s23;
	s6 =	ssub.s32 $0x2, s5;
	s5 =	sshll.u32 s5, $0x6  }
0xe: {  	v0 =	vmul.u32 $0x11, v1;
	_ =	strace $0x80000047;
	s8 =	sshrl.u32 s6, $0x1;
	s5 =	sor.u32 s5, s7  }
0xf: {  	v1 =	vmul.u32 $0x80, v1;
	s7 =	simm.s32 $0x5D00;
	s6 =	ssub.s32 s6, s8;
	s0 =	sadd.s32 s0, s5  }
.Ltmp0:
0x10: {  	v2 =	vadd.s32 $0x1, v0;
	v3 =	vadd.s32 $0x2, v0;
	v4 =	vadd.s32 $0x3, v0;
	s26 =	sadd.s32 s3, s5;
	s28 =	sadd.s32 s4, s5;
	(pc) =	sbr.rel .LBB2_1-.Ltmp0, $4  }
0x11: {  	v5 =	vadd.s32 $0x4, v0;
	v6 =	vadd.s32 $0x5, v0;
	v7 =	vadd.s32 $0x6, v0;
	s3 =	simm.s32 $0x4D00;
	s5 =	simm.s32 $0x5500;
	[dreg:$0x6] =	wrdreg s0  }
0x12: {  	v8 =	vadd.s32 $0x7, v0;
	v9 =	vadd.s32 $0x8, v0;
	v10 =	vadd.s32 $0x9, v0;
	s8 =	simm.s32 $0xDD00;
	s4 =	simm.s32 $0x6500;
	[dreg:$0x7] =	wrdreg s26  }
0x13: {  	v11 =	vadd.s32 $0xA, v0;
	v12 =	vadd.s32 $0xB, v0;
	v13 =	vadd.s32 $0xC, v0;
	[dreg:$0x8] =	wrdreg s28;
	s29 =	smax.u32 s6, $0x1;
	s0 =	simm.s32 $0xC500  }
0x14: {  	v14 =	vadd.s32 $0xD, v0;
	v15 =	vadd.s32 $0xE, v0;
	v16 =	vadd.s32 $0xF, v0;
	s6 =	simm.s32 $0xD500;
	s26 =	simm.s32 $0x0;
	[dreg:$0x9] =	wrdreg s29  }
.LBB2_7:
0x15: {  	s23 =	simm.s32 $0x0;
	s24 =	rddreg [dreg:$0x8];
	s25 =	simm.s32 $0x10800  }
0x16: {  	[hbm4b:s24+s23] =	stream.linear.scatter [tilespmem:s25], [sflag:$0x3], $0x200, $0x38;
	[tilespmem:$0x10A00] =	vst v63  }
0x17: {  	s25 =	simm.s32 $0x3  }
0x18: {  	_ =	swait.ge [sflag:s25], $0x200  }
0x19: {  	s26 =	rddreg [dreg:$0xa]  }
0x1a: {  	s29 =	rddreg [dreg:$0x9];
	s26 =	sadd.s32 $0x1, s26  }
0x1b: {  	p0 =	sne.s32 s26, s29  }
.Ltmp1:
0x1c: {  	_ = 	snop;
	(pc) =	sbr.rel @!p0 .LBB2_8-.Ltmp1, $3  }
0x1d: {  	_ =	sdelay $0x1  }
0x1e: {  	[sflag:s25] =	ssyncset.done $0x0  }
0x1f: {  	[sflag:s25] =	ssyncadd.s32 $0xFFFFFE00  }
.LBB2_1:
0x20: {  	[dreg:$0xa] =	wrdreg s26  }
0x21: {  	s24 =	rddreg [dreg:$0x6]  }
0x22: {  	[tilespmem:s23], [sflag:$0x3] =	stream.linear.gather [hbm4b:s24+s23], $0x200, $0x38;
	[tilespmem:$0x10A00] =	vst v63  }
0x23: {  	_ =	swait.ge [sflag:s25], $0x200  }
0x24: {  	[sflag:s25] =	ssyncset.done $0x0  }
0x25: {  	s28 =	simm.s32 $0x280;
	s26 =	rddreg [dreg:$0x7];
	[sflag:s25] =	ssyncadd.s32 $0xFFFFFE00  }
0x26: {  	[tilespmem:s28], [sflag:$0x3] =	stream.linear.gather [hbm4b:s26+s23], $0x200, $0x38;
	[tilespmem:$0x10A00] =	vst v63  }
0x27: {  	_ =	swait.ge [sflag:s25], $0x200  }
0x28: {  	[sflag:s25] =	ssyncset.done $0x0  }
0x29: {  	[sflag:s25] =	ssyncadd.s32 $0xFFFFFE00  }
0x2a: {  	v18 =	vld [tilespmem:$0x280]  }
0x2b: {  	v17 =	vld [tilespmem:$0x0];
	_ =	sdelay $0x3  }
0x2c: {  	(v2sf) =	vpush v18, $0x0  }
0x2d: {  	(v2sf) =	vpush v17, $0x0;
	_ =	sdelay $0xd  }
0x2e: {  	s23 =	spop (v2sf)  }
0x2f: {  	s25 =	spop (v2sf);
	(v2sf) =	vpush v18, $0x1  }
0x30: {  	s29 =	sand.u32 $0x7F, s23;
	s26 =	sshra.s32 s23, $0x1F;
	p6 =	slt.s32 s23, $0x1  }
0x31: {  	p0 =	sne.s32 s29, $0x0;
	s28 =	sand.u32 $0x7F, s25;
	(v2sf) =	vpush v17, $0x1;
	s29 =	sshra.s32 s25, $0x1F  }
0x32: {  	p2 =	slt.s32 s25, $0x1;
	s26 =	sshrl.u32 s26, $0x19;
	p1 =	sne.s32 s28, $0x0  }
0x33: {  	s24 =	sshrl.u32 s29, $0x19;
	s23 =	sadd.s32 s26, s23;
	p1 =	por !p2, !p1  }
0x34: {  	s24 =	sadd.s32 s24, s25;
	s25 =	simm.s32 $0x1;
	p1 =	por !p1, !p1  }
0x35: {  	p0 =	por !p6, !p0;
	s24 =	sshrl.u32 s24, $0x7;
	s25 =	simm.s32 @!p1 $0x0  }
0x36: {  	p0 =	por !p0, !p0;
	s24 =	ssub.s32 s24, s25;
	s25 =	simm.s32 $0x1  }
0x37: {  	s23 =	sshrl.u32 s23, $0x7;
	s24 =	sshll.u32 s24, $0x7;
	s25 =	simm.s32 @!p0 $0x0  }
0x38: {  	s24 =	sand.u32 $0x1FFFFF80, s24;
	s23 =	ssub.s32 s23, s25  }
0x39: {  	s26 =	simm.s32 $0x500;
	s24 =	sadd.s32 s1, s24;
	s23 =	sshll.u32 s23, $0x7  }
0x3a: {  	[tilespmem:s26], [sflag:$0x1] =	stream.strided.gather [hbm4b:s24+s12], $0x800, s13, s12, $0x38;
	[tilespmem:$0x10A00] =	vst v63  }
0x3b: {  	s23 =	sand.u32 $0x1FFFFF80, s23  }
0x3c: {  	s28 =	simm.s32 $0x8500;
	s23 =	sadd.s32 s2, s23  }
0x3d: {  	[tilespmem:s28], [sflag:$0x1] =	stream.strided.gather [hbm4b:s23+s12], $0x800, s13, s12, $0x38;
	[tilespmem:$0x10A00] =	vst v63  }
0x3e: {  	s23 =	spop (v2sf)  }
0x3f: {  	(v2sf) =	vpush v18, $0x2;
	s29 =	sand.u32 $0x7F, s23  }
0x40: {  	s25 =	spop (v2sf);
	s26 =	sshra.s32 s23, $0x1F;
	p6 =	slt.s32 s23, $0x1  }
0x41: {  	(v2sf) =	vpush v17, $0x2;
	p3 =	sne.s32 s29, $0x0;
	s28 =	sand.u32 $0x7F, s25;
	s29 =	sshra.s32 s25, $0x1F  }
0x42: {  	p5 =	slt.s32 s25, $0x1;
	s26 =	sshrl.u32 s26, $0x19;
	p4 =	sne.s32 s28, $0x0  }
0x43: {  	s24 =	sshrl.u32 s29, $0x19;
	s23 =	sadd.s32 s26, s23;
	p1 =	por !p5, !p4  }
0x44: {  	s24 =	sadd.s32 s24, s25;
	s25 =	simm.s32 $0x1;
	p1 =	por !p1, !p1  }
0x45: {  	p0 =	por !p6, !p3;
	s24 =	sshrl.u32 s24, $0x7;
	s25 =	simm.s32 @!p1 $0x0  }
0x46: {  	p0 =	por !p0, !p0;
	s24 =	ssub.s32 s24, s25;
	s25 =	simm.s32 $0x1  }
0x47: {  	s23 =	sshrl.u32 s23, $0x7;
	s24 =	sshll.u32 s24, $0x7;
	s25 =	simm.s32 @!p0 $0x0  }
0x48: {  	s24 =	sand.u32 $0x1FFFFF80, s24;
	s23 =	ssub.s32 s23, s25  }
0x49: {  	s26 =	simm.s32 $0xD00;
	s24 =	sadd.s32 s1, s24;
	s23 =	sshll.u32 s23, $0x7  }
0x4a: {  	[tilespmem:s26], [sflag:$0x1] =	stream.strided.gather [hbm4b:s24+s12], $0x800, s13, s12, $0x38;
	[tilespmem:$0x10A00] =	vst v63  }
0x4b: {  	s23 =	sand.u32 $0x1FFFFF80, s23  }
0x4c: {  	s28 =	simm.s32 $0x8D00;
	s23 =	sadd.s32 s2, s23  }
0x4d: {  	[tilespmem:s28], [sflag:$0x1] =	stream.strided.gather [hbm4b:s23+s12], $0x800, s13, s12, $0x38;
	[tilespmem:$0x10A00] =	vst v63  }
0x4e: {  	s23 =	spop (v2sf)  }
0x4f: {  	(v2sf) =	vpush v18, $0x3;
	s29 =	sand.u32 $0x7F, s23  }
0x50: {  	s25 =	spop (v2sf);
	s26 =	sshra.s32 s23, $0x1F;
	p6 =	slt.s32 s23, $0x1  }
0x51: {  	(v2sf) =	vpush v17, $0x3;
	p3 =	sne.s32 s29, $0x0;
	s28 =	sand.u32 $0x7F, s25;
	s29 =	sshra.s32 s25, $0x1F  }
0x52: {  	p5 =	slt.s32 s25, $0x1;
	s26 =	sshrl.u32 s26, $0x19;
	p4 =	sne.s32 s28, $0x0  }
0x53: {  	s24 =	sshrl.u32 s29, $0x19;
	s23 =	sadd.s32 s26, s23;
	p1 =	por !p5, !p4  }
0x54: {  	s24 =	sadd.s32 s24, s25;
	s25 =	simm.s32 $0x1;
	p1 =	por !p1, !p1  }
0x55: {  	p0 =	por !p6, !p3;
	s24 =	sshrl.u32 s24, $0x7;
	s25 =	simm.s32 @!p1 $0x0  }
0x56: {  	p0 =	por !p0, !p0;
	s24 =	ssub.s32 s24, s25;
	s25 =	simm.s32 $0x1  }
0x57: {  	s23 =	sshrl.u32 s23, $0x7;
	s24 =	sshll.u32 s24, $0x7;
	s25 =	simm.s32 @!p0 $0x0  }
0x58: {  	s24 =	sand.u32 $0x1FFFFF80, s24;
	s23 =	ssub.s32 s23, s25  }
0x59: {  	s26 =	simm.s32 $0x1500;
	s24 =	sadd.s32 s1, s24;
	s23 =	sshll.u32 s23, $0x7  }
0x5a: {  	[tilespmem:s26], [sflag:$0x1] =	stream.strided.gather [hbm4b:s24+s12], $0x800, s13, s12, $0x38;
	[tilespmem:$0x10A00] =	vst v63  }
0x5b: {  	s23 =	sand.u32 $0x1FFFFF80, s23  }
0x5c: {  	s28 =	simm.s32 $0x9500;
	s23 =	sadd.s32 s2, s23  }
0x5d: {  	[tilespmem:s28], [sflag:$0x1] =	stream.strided.gather [hbm4b:s23+s12], $0x800, s13, s12, $0x38;
	[tilespmem:$0x10A00] =	vst v63  }
0x5e: {  	s23 =	spop (v2sf)  }
0x5f: {  	(v2sf) =	vpush v18, $0x4;
	s29 =	sand.u32 $0x7F, s23  }
0x60: {  	s25 =	spop (v2sf);
	s26 =	sshra.s32 s23, $0x1F;
	p6 =	slt.s32 s23, $0x1  }
0x61: {  	(v2sf) =	vpush v17, $0x4;
	p3 =	sne.s32 s29, $0x0;
	s28 =	sand.u32 $0x7F, s25;
	s29 =	sshra.s32 s25, $0x1F  }
0x62: {  	p5 =	slt.s32 s25, $0x1;
	s26 =	sshrl.u32 s26, $0x19;
	p4 =	sne.s32 s28, $0x0  }
0x63: {  	s24 =	sshrl.u32 s29, $0x19;
	s23 =	sadd.s32 s26, s23;
	p1 =	por !p5, !p4  }
0x64: {  	s24 =	sadd.s32 s24, s25;
	s25 =	simm.s32 $0x1;
	p1 =	por !p1, !p1  }
0x65: {  	p0 =	por !p6, !p3;
	s24 =	sshrl.u32 s24, $0x7;
	s25 =	simm.s32 @!p1 $0x0  }
0x66: {  	p0 =	por !p0, !p0;
	s24 =	ssub.s32 s24, s25;
	s25 =	simm.s32 $0x1  }
0x67: {  	s23 =	sshrl.u32 s23, $0x7;
	s24 =	sshll.u32 s24, $0x7;
	s25 =	simm.s32 @!p0 $0x0  }
0x68: {  	s24 =	sand.u32 $0x1FFFFF80, s24;
	s23 =	ssub.s32 s23, s25  }
0x69: {  	s26 =	simm.s32 $0x1D00;
	s24 =	sadd.s32 s1, s24;
	s23 =	sshll.u32 s23, $0x7  }
0x6a: {  	[tilespmem:s26], [sflag:$0x1] =	stream.strided.gather [hbm4b:s24+s12], $0x800, s13, s12, $0x38;
	[tilespmem:$0x10A00] =	vst v63  }
0x6b: {  	s23 =	sand.u32 $0x1FFFFF80, s23  }
0x6c: {  	s28 =	simm.s32 $0x9D00;
	s23 =	sadd.s32 s2, s23  }
0x6d: {  	[tilespmem:s28], [sflag:$0x1] =	stream.strided.gather [hbm4b:s23+s12], $0x800, s13, s12, $0x38;
	[tilespmem:$0x10A00] =	vst v63  }
0x6e: {  	s23 =	spop (v2sf)  }
0x6f: {  	(v2sf) =	vpush v18, $0x5;
	s29 =	sand.u32 $0x7F, s23  }
0x70: {  	s25 =	spop (v2sf);
	s26 =	sshra.s32 s23, $0x1F;
	p6 =	slt.s32 s23, $0x1  }
0x71: {  	(v2sf) =	vpush v17, $0x5;
	p3 =	sne.s32 s29, $0x0;
	s28 =	sand.u32 $0x7F, s25;
	s29 =	sshra.s32 s25, $0x1F  }
0x72: {  	p5 =	slt.s32 s25, $0x1;
	s26 =	sshrl.u32 s26, $0x19;
	p4 =	sne.s32 s28, $0x0  }
0x73: {  	s24 =	sshrl.u32 s29, $0x19;
	s23 =	sadd.s32 s26, s23;
	p1 =	por !p5, !p4  }
0x74: {  	s24 =	sadd.s32 s24, s25;
	s25 =	simm.s32 $0x1;
	p1 =	por !p1, !p1  }
0x75: {  	p0 =	por !p6, !p3;
	s24 =	sshrl.u32 s24, $0x7;
	s25 =	simm.s32 @!p1 $0x0  }
0x76: {  	p0 =	por !p0, !p0;
	s24 =	ssub.s32 s24, s25;
	s25 =	simm.s32 $0x1  }
0x77: {  	s23 =	sshrl.u32 s23, $0x7;
	s24 =	sshll.u32 s24, $0x7;
	s25 =	simm.s32 @!p0 $0x0  }
0x78: {  	s24 =	sand.u32 $0x1FFFFF80, s24;
	s23 =	ssub.s32 s23, s25  }
0x79: {  	s26 =	simm.s32 $0x2500;
	s24 =	sadd.s32 s1, s24;
	s23 =	sshll.u32 s23, $0x7  }
0x7a: {  	[tilespmem:s26], [sflag:$0x1] =	stream.strided.gather [hbm4b:s24+s12], $0x800, s13, s12, $0x38;
	[tilespmem:$0x10A00] =	vst v63  }
0x7b: {  	s23 =	sand.u32 $0x1FFFFF80, s23  }
0x7c: {  	s28 =	simm.s32 $0xA500;
	s23 =	sadd.s32 s2, s23  }
0x7d: {  	[tilespmem:s28], [sflag:$0x1] =	stream.strided.gather [hbm4b:s23+s12], $0x800, s13, s12, $0x38;
	[tilespmem:$0x10A00] =	vst v63  }
0x7e: {  	s23 =	spop (v2sf)  }
0x7f: {  	(v2sf) =	vpush v18, $0x6;
	s29 =	sand.u32 $0x7F, s23  }
0x80: {  	s25 =	spop (v2sf);
	s26 =	sshra.s32 s23, $0x1F;
	p6 =	slt.s32 s23, $0x1  }
0x81: {  	(v2sf) =	vpush v17, $0x6;
	p3 =	sne.s32 s29, $0x0;
	s28 =	sand.u32 $0x7F, s25;
	s29 =	sshra.s32 s25, $0x1F  }
0x82: {  	p5 =	slt.s32 s25, $0x1;
	s26 =	sshrl.u32 s26, $0x19;
	p4 =	sne.s32 s28, $0x0  }
0x83: {  	s24 =	sshrl.u32 s29, $0x19;
	s23 =	sadd.s32 s26, s23;
	p1 =	por !p5, !p4  }
0x84: {  	s24 =	sadd.s32 s24, s25;
	s25 =	simm.s32 $0x1;
	p1 =	por !p1, !p1  }
0x85: {  	p0 =	por !p6, !p3;
	s24 =	sshrl.u32 s24, $0x7;
	s25 =	simm.s32 @!p1 $0x0  }
0x86: {  	p0 =	por !p0, !p0;
	s24 =	ssub.s32 s24, s25;
	s25 =	simm.s32 $0x1  }
0x87: {  	s23 =	sshrl.u32 s23, $0x7;
	s24 =	sshll.u32 s24, $0x7;
	s25 =	simm.s32 @!p0 $0x0  }
0x88: {  	s24 =	sand.u32 $0x1FFFFF80, s24;
	s23 =	ssub.s32 s23, s25  }
0x89: {  	s26 =	simm.s32 $0x2D00;
	s24 =	sadd.s32 s1, s24;
	s23 =	sshll.u32 s23, $0x7  }
0x8a: {  	[tilespmem:s26], [sflag:$0x1] =	stream.strided.gather [hbm4b:s24+s12], $0x800, s13, s12, $0x38;
	[tilespmem:$0x10A00] =	vst v63  }
0x8b: {  	s23 =	sand.u32 $0x1FFFFF80, s23  }
0x8c: {  	s28 =	simm.s32 $0xAD00;
	s23 =	sadd.s32 s2, s23  }
0x8d: {  	[tilespmem:s28], [sflag:$0x1] =	stream.strided.gather [hbm4b:s23+s12], $0x800, s13, s12, $0x38;
	[tilespmem:$0x10A00] =	vst v63  }
0x8e: {  	s23 =	spop (v2sf)  }
0x8f: {  	(v2sf) =	vpush v18, $0x7;
	s29 =	sand.u32 $0x7F, s23  }
0x90: {  	s25 =	spop (v2sf);
	s26 =	sshra.s32 s23, $0x1F;
	p6 =	slt.s32 s23, $0x1  }
0x91: {  	(v2sf) =	vpush v17, $0x7;
	p3 =	sne.s32 s29, $0x0;
	s28 =	sand.u32 $0x7F, s25;
	s29 =	sshra.s32 s25, $0x1F  }
0x92: {  	p5 =	slt.s32 s25, $0x1;
	s26 =	sshrl.u32 s26, $0x19;
	p4 =	sne.s32 s28, $0x0  }
0x93: {  	s24 =	sshrl.u32 s29, $0x19;
	s23 =	sadd.s32 s26, s23;
	p1 =	por !p5, !p4  }
0x94: {  	s24 =	sadd.s32 s24, s25;
	s25 =	simm.s32 $0x1;
	p1 =	por !p1, !p1  }
0x95: {  	p0 =	por !p6, !p3;
	s24 =	sshrl.u32 s24, $0x7;
	s25 =	simm.s32 @!p1 $0x0  }
0x96: {  	p0 =	por !p0, !p0;
	s24 =	ssub.s32 s24, s25;
	s25 =	simm.s32 $0x1  }
0x97: {  	s23 =	sshrl.u32 s23, $0x7;
	s24 =	sshll.u32 s24, $0x7;
	s25 =	simm.s32 @!p0 $0x0  }
0x98: {  	s24 =	sand.u32 $0x1FFFFF80, s24;
	s23 =	ssub.s32 s23, s25  }
0x99: {  	s26 =	simm.s32 $0x3500;
	s24 =	sadd.s32 s1, s24;
	s23 =	sshll.u32 s23, $0x7  }
0x9a: {  	[tilespmem:s26], [sflag:$0x1] =	stream.strided.gather [hbm4b:s24+s12], $0x800, s13, s12, $0x38;
	[tilespmem:$0x10A00] =	vst v63  }
0x9b: {  	s23 =	sand.u32 $0x1FFFFF80, s23  }
0x9c: {  	s28 =	simm.s32 $0xB500;
	s23 =	sadd.s32 s2, s23  }
0x9d: {  	[tilespmem:s28], [sflag:$0x1] =	stream.strided.gather [hbm4b:s23+s12], $0x800, s13, s12, $0x38;
	[tilespmem:$0x10A00] =	vst v63  }
0x9e: {  	s23 =	spop (v2sf)  }
0x9f: {  	s29 =	sand.u32 $0x7F, s23  }
0xa0: {  	s25 =	spop (v2sf);
	s26 =	sshra.s32 s23, $0x1F;
	p6 =	slt.s32 s23, $0x1  }
0xa1: {  	p3 =	sne.s32 s29, $0x0;
	s28 =	sand.u32 $0x7F, s25;
	s29 =	sshra.s32 s25, $0x1F  }
0xa2: {  	p5 =	slt.s32 s25, $0x1;
	s26 =	sshrl.u32 s26, $0x19;
	p4 =	sne.s32 s28, $0x0  }
0xa3: {  	s24 =	sshrl.u32 s29, $0x19;
	s23 =	sadd.s32 s26, s23;
	p1 =	por !p5, !p4  }
0xa4: {  	s24 =	sadd.s32 s24, s25;
	s25 =	simm.s32 $0x1;
	p1 =	por !p1, !p1  }
0xa5: {  	p0 =	por !p6, !p3;
	s24 =	sshrl.u32 s24, $0x7;
	s25 =	simm.s32 @!p1 $0x0  }
0xa6: {  	p0 =	por !p0, !p0;
	s24 =	ssub.s32 s24, s25;
	s25 =	simm.s32 $0x1  }
0xa7: {  	s23 =	sshrl.u32 s23, $0x7;
	s24 =	sshll.u32 s24, $0x7;
	s25 =	simm.s32 @!p0 $0x0  }
0xa8: {  	s24 =	sand.u32 $0x1FFFFF80, s24;
	s23 =	ssub.s32 s23, s25  }
0xa9: {  	s26 =	simm.s32 $0x3D00;
	s24 =	sadd.s32 s1, s24;
	s23 =	sshll.u32 s23, $0x7  }
0xaa: {  	[tilespmem:s26], [sflag:$0x1] =	stream.strided.gather [hbm4b:s24+s12], $0x800, s13, s12, $0x38;
	[tilespmem:$0x10A00] =	vst v63  }
0xab: {  	s23 =	sand.u32 $0x1FFFFF80, s23  }
0xac: {  	s23 =	sadd.s32 s2, s23  }
0xad: {  	[tilespmem:s30], [sflag:$0x1] =	stream.strided.gather [hbm4b:s23+s12], $0x800, s13, s12, $0x38;
	[tilespmem:$0x10A00] =	vst v63  }
0xae: {  	v18 =	vld [tilespmem:$0x288];
	_ =	sdelay $0x2  }
0xaf: {  	v17 =	vld [tilespmem:$0x8];
	_ =	sdelay $0x1  }
0xb0: {  	(v2sf) =	vpush v18, $0x0;
	_ =	sdelay $0x2  }
0xb1: {  	(v2sf) =	vpush v17, $0x0;
	_ =	sdelay $0xa  }
0xb2: {  	(v2sf) =	vpush v18, $0x1  }
0xb3: {  	s23 =	spop (v2sf);
	(v2sf) =	vpush v17, $0x1;
	_ =	sdelay $0x2  }
0xb4: {  	s28 =	sand.u32 $0x7F, s23;
	s25 =	spop (v2sf)  }
0xb5: {  	s26 =	sshra.s32 s23, $0x1F;
	p3 =	sne.s32 s28, $0x0;
	s29 =	sand.u32 $0x7F, s25  }
0xb6: {  	s28 =	sshra.s32 s25, $0x1F;
	p5 =	slt.s32 s25, $0x1;
	p4 =	sne.s32 s29, $0x0  }
0xb7: {  	p6 =	slt.s32 s23, $0x1;
	s24 =	sshrl.u32 s28, $0x19;
	p1 =	por !p5, !p4  }
0xb8: {  	s24 =	sadd.s32 s24, s25;
	s25 =	simm.s32 $0x1;
	p1 =	por !p1, !p1  }
0xb9: {  	s26 =	sshrl.u32 s26, $0x19;
	s24 =	sshrl.u32 s24, $0x7;
	s25 =	simm.s32 @!p1 $0x0  }
0xba: {  	s23 =	sadd.s32 s26, s23;
	p0 =	por !p6, !p3;
	s24 =	ssub.s32 s24, s25  }
0xbb: {  	p0 =	por !p0, !p0;
	s25 =	simm.s32 $0x1;
	s24 =	sshll.u32 s24, $0x7  }
0xbc: {  	s23 =	sshrl.u32 s23, $0x7;
	s25 =	simm.s32 @!p0 $0x0;
	s24 =	sand.u32 $0x1FFFFF80, s24  }
0xbd: {  	(v2sf) =	vpush v18, $0x2;
	s23 =	ssub.s32 s23, s25;
	s24 =	sadd.s32 s1, s24  }
0xbe: {  	[tilespmem:s31], [sflag:$0x2] =	stream.strided.gather [hbm4b:s24+s12], $0x800, s13, s12, $0x38;
	[tilespmem:$0x10A00] =	vst v63  }
0xbf: {  	s23 =	sshll.u32 s23, $0x7;
	s24 =	spop (v2sf)  }
0xc0: {  	s23 =	sand.u32 $0x1FFFFF80, s23;
	s25 =	spop (v2sf);
	(v2sf) =	vpush v17, $0x2  }
0xc1: {  	s23 =	sadd.s32 s2, s23  }
0xc2: {  	s29 =	sand.u32 $0x7F, s24;
	s26 =	sshra.s32 s24, $0x1F;
	p6 =	slt.s32 s24, $0x1  }
0xc3: {  	[tilespmem:s0], [sflag:$0x2] =	stream.strided.gather [hbm4b:s23+s12], $0x800, s13, s12, $0x38;
	[tilespmem:$0x10A00] =	vst v63  }
0xc4: {  	p3 =	sne.s32 s29, $0x0;
	s26 =	sshrl.u32 s26, $0x19;
	s28 =	sand.u32 $0x7F, s25  }
0xc5: {  	s29 =	sshra.s32 s25, $0x1F;
	p5 =	slt.s32 s25, $0x1;
	p4 =	sne.s32 s28, $0x0  }
0xc6: {  	s24 =	sadd.s32 s26, s24;
	s23 =	sshrl.u32 s29, $0x19;
	p1 =	por !p5, !p4  }
0xc7: {  	s23 =	sadd.s32 s23, s25;
	s25 =	simm.s32 $0x1;
	p1 =	por !p1, !p1  }
0xc8: {  	p0 =	por !p6, !p3;
	s23 =	sshrl.u32 s23, $0x7;
	s25 =	simm.s32 @!p1 $0x0  }
0xc9: {  	p0 =	por !p0, !p0;
	s23 =	ssub.s32 s23, s25;
	s25 =	simm.s32 $0x1  }
0xca: {  	s24 =	sshrl.u32 s24, $0x7;
	s25 =	simm.s32 @!p0 $0x0  }
0xcb: {  	s23 =	sshll.u32 s23, $0x7;
	s24 =	ssub.s32 s24, s25  }
0xcc: {  	s23 =	sand.u32 $0x1FFFFF80, s23;
	s28 =	sshll.u32 s24, $0x7;
	s24 =	spop (v2sf);
	(v2sf) =	vpush v18, $0x3  }
0xcd: {  	s23 =	sadd.s32 s1, s23  }
0xce: {  	[tilespmem:s3], [sflag:$0x2] =	stream.strided.gather [hbm4b:s23+s12], $0x800, s13, s12, $0x38;
	[tilespmem:$0x10A00] =	vst v63  }
0xcf: {  	s25 =	spop (v2sf);
	(v2sf) =	vpush v17, $0x3  }
0xd0: {  	s23 =	sand.u32 $0x1FFFFF80, s28;
	s29 =	sand.u32 $0x7F, s24  }
0xd1: {  	s26 =	sshra.s32 s24, $0x1F;
	p6 =	slt.s32 s24, $0x1;
	s23 =	sadd.s32 s2, s23  }
0xd2: {  	[tilespmem:s10], [sflag:$0x2] =	stream.strided.gather [hbm4b:s23+s12], $0x800, s13, s12, $0x38;
	[tilespmem:$0x10A00] =	vst v63  }
0xd3: {  	p3 =	sne.s32 s29, $0x0;
	s26 =	sshrl.u32 s26, $0x19;
	s28 =	sand.u32 $0x7F, s25  }
0xd4: {  	s29 =	sshra.s32 s25, $0x1F;
	p5 =	slt.s32 s25, $0x1;
	p4 =	sne.s32 s28, $0x0  }
0xd5: {  	s24 =	sadd.s32 s26, s24;
	s23 =	sshrl.u32 s29, $0x19;
	p1 =	por !p5, !p4  }
0xd6: {  	s23 =	sadd.s32 s23, s25;
	s25 =	simm.s32 $0x1;
	p1 =	por !p1, !p1  }
0xd7: {  	p0 =	por !p6, !p3;
	s23 =	sshrl.u32 s23, $0x7;
	s25 =	simm.s32 @!p1 $0x0  }
0xd8: {  	p0 =	por !p0, !p0;
	s23 =	ssub.s32 s23, s25;
	s25 =	simm.s32 $0x1  }
0xd9: {  	s24 =	sshrl.u32 s24, $0x7;
	s25 =	simm.s32 @!p0 $0x0  }
0xda: {  	s23 =	sshll.u32 s23, $0x7;
	s24 =	ssub.s32 s24, s25  }
0xdb: {  	s23 =	sand.u32 $0x1FFFFF80, s23;
	s28 =	sshll.u32 s24, $0x7;
	s24 =	spop (v2sf);
	(v2sf) =	vpush v18, $0x4  }
0xdc: {  	s23 =	sadd.s32 s1, s23  }
0xdd: {  	[tilespmem:s5], [sflag:$0x2] =	stream.strided.gather [hbm4b:s23+s12], $0x800, s13, s12, $0x38;
	[tilespmem:$0x10A00] =	vst v63  }
0xde: {  	s25 =	spop (v2sf);
	(v2sf) =	vpush v17, $0x4  }
0xdf: {  	s23 =	sand.u32 $0x1FFFFF80, s28;
	s29 =	sand.u32 $0x7F, s24  }
0xe0: {  	s26 =	sshra.s32 s24, $0x1F;
	p6 =	slt.s32 s24, $0x1;
	s23 =	sadd.s32 s2, s23  }
0xe1: {  	[tilespmem:s6], [sflag:$0x2] =	stream.strided.gather [hbm4b:s23+s12], $0x800, s13, s12, $0x38;
	[tilespmem:$0x10A00] =	vst v63  }
0xe2: {  	p3 =	sne.s32 s29, $0x0;
	s26 =	sshrl.u32 s26, $0x19;
	s28 =	sand.u32 $0x7F, s25  }
0xe3: {  	s29 =	sshra.s32 s25, $0x1F;
	p5 =	slt.s32 s25, $0x1;
	p4 =	sne.s32 s28, $0x0  }
0xe4: {  	s24 =	sadd.s32 s26, s24;
	s23 =	sshrl.u32 s29, $0x19;
	p1 =	por !p5, !p4  }
0xe5: {  	s23 =	sadd.s32 s23, s25;
	s25 =	simm.s32 $0x1;
	p1 =	por !p1, !p1  }
0xe6: {  	p0 =	por !p6, !p3;
	s23 =	sshrl.u32 s23, $0x7;
	s25 =	simm.s32 @!p1 $0x0  }
0xe7: {  	p0 =	por !p0, !p0;
	s23 =	ssub.s32 s23, s25;
	s25 =	simm.s32 $0x1  }
0xe8: {  	s24 =	sshrl.u32 s24, $0x7;
	s25 =	simm.s32 @!p0 $0x0  }
0xe9: {  	s23 =	sshll.u32 s23, $0x7;
	s24 =	ssub.s32 s24, s25  }
0xea: {  	s23 =	sand.u32 $0x1FFFFF80, s23;
	s28 =	sshll.u32 s24, $0x7;
	s24 =	spop (v2sf);
	(v2sf) =	vpush v18, $0x5  }
0xeb: {  	s23 =	sadd.s32 s1, s23  }
0xec: {  	[tilespmem:s7], [sflag:$0x2] =	stream.strided.gather [hbm4b:s23+s12], $0x800, s13, s12, $0x38;
	[tilespmem:$0x10A00] =	vst v63  }
0xed: {  	s25 =	spop (v2sf);
	(v2sf) =	vpush v17, $0x5  }
0xee: {  	s23 =	sand.u32 $0x1FFFFF80, s28;
	s29 =	sand.u32 $0x7F, s24  }
0xef: {  	s26 =	sshra.s32 s24, $0x1F;
	p6 =	slt.s32 s24, $0x1;
	s23 =	sadd.s32 s2, s23  }
0xf0: {  	[tilespmem:s8], [sflag:$0x2] =	stream.strided.gather [hbm4b:s23+s12], $0x800, s13, s12, $0x38;
	[tilespmem:$0x10A00] =	vst v63  }
0xf1: {  	p3 =	sne.s32 s29, $0x0;
	s26 =	sshrl.u32 s26, $0x19;
	s28 =	sand.u32 $0x7F, s25  }
0xf2: {  	s29 =	sshra.s32 s25, $0x1F;
	p5 =	slt.s32 s25, $0x1;
	p4 =	sne.s32 s28, $0x0  }
0xf3: {  	s24 =	sadd.s32 s26, s24;
	s23 =	sshrl.u32 s29, $0x19;
	p1 =	por !p5, !p4  }
0xf4: {  	s23 =	sadd.s32 s23, s25;
	s25 =	simm.s32 $0x1;
	p1 =	por !p1, !p1  }
0xf5: {  	p0 =	por !p6, !p3;
	s23 =	sshrl.u32 s23, $0x7;
	s25 =	simm.s32 @!p1 $0x0  }
0xf6: {  	p0 =	por !p0, !p0;
	s23 =	ssub.s32 s23, s25;
	s25 =	simm.s32 $0x1  }
0xf7: {  	s24 =	sshrl.u32 s24, $0x7;
	s25 =	simm.s32 @!p0 $0x0  }
0xf8: {  	s23 =	sshll.u32 s23, $0x7;
	s24 =	ssub.s32 s24, s25  }
0xf9: {  	s23 =	sand.u32 $0x1FFFFF80, s23;
	s28 =	sshll.u32 s24, $0x7;
	s24 =	spop (v2sf);
	(v2sf) =	vpush v18, $0x6  }
0xfa: {  	s23 =	sadd.s32 s1, s23  }
0xfb: {  	[tilespmem:s4], [sflag:$0x2] =	stream.strided.gather [hbm4b:s23+s12], $0x800, s13, s12, $0x38;
	[tilespmem:$0x10A00] =	vst v63  }
0xfc: {  	s25 =	spop (v2sf);
	(v2sf) =	vpush v17, $0x6  }
0xfd: {  	s23 =	sand.u32 $0x1FFFFF80, s28;
	s29 =	sand.u32 $0x7F, s24  }
0xfe: {  	s26 =	sshra.s32 s24, $0x1F;
	p6 =	slt.s32 s24, $0x1;
	s23 =	sadd.s32 s2, s23  }
0xff: {  	[tilespmem:s9], [sflag:$0x2] =	stream.strided.gather [hbm4b:s23+s12], $0x800, s13, s12, $0x38;
	[tilespmem:$0x10A00] =	vst v63  }
0x100: {  	p3 =	sne.s32 s29, $0x0;
	s26 =	sshrl.u32 s26, $0x19;
	s28 =	sand.u32 $0x7F, s25  }
0x101: {  	s29 =	sshra.s32 s25, $0x1F;
	p5 =	slt.s32 s25, $0x1;
	p4 =	sne.s32 s28, $0x0  }
0x102: {  	s24 =	sadd.s32 s26, s24;
	s23 =	sshrl.u32 s29, $0x19;
	p1 =	por !p5, !p4  }
0x103: {  	s23 =	sadd.s32 s23, s25;
	s25 =	simm.s32 $0x1;
	p1 =	por !p1, !p1  }
0x104: {  	p0 =	por !p6, !p3;
	s23 =	sshrl.u32 s23, $0x7;
	s25 =	simm.s32 @!p1 $0x0  }
0x105: {  	p0 =	por !p0, !p0;
	s23 =	ssub.s32 s23, s25;
	s25 =	simm.s32 $0x1  }
0x106: {  	s24 =	sshrl.u32 s24, $0x7;
	s23 =	sshll.u32 s23, $0x7;
	s25 =	simm.s32 @!p0 $0x0  }
0x107: {  	s23 =	sand.u32 $0x1FFFFF80, s23;
	s24 =	ssub.s32 s24, s25  }
0x108: {  	s23 =	sadd.s32 s1, s23;
	s28 =	sshll.u32 s24, $0x7;
	s24 =	spop (v2sf)  }
0x109: {  	(v2sf) =	vpush v18, $0x7;
	[tilespmem:s14], [sflag:$0x2] =	stream.strided.gather [hbm4b:s23+s12], $0x800, s13, s12, $0x38;
	[tilespmem:$0x10A00] =	vst v63  }
0x10a: {  	s23 =	sand.u32 $0x1FFFFF80, s28;
	s29 =	sand.u32 $0x7F, s24;
	s26 =	sshra.s32 s24, $0x1F  }
0x10b: {  	p6 =	slt.s32 s24, $0x1;
	s23 =	sadd.s32 s2, s23;
	s25 =	spop (v2sf);
	(v2sf) =	vpush v17, $0x7  }
0x10c: {  	[tilespmem:s15], [sflag:$0x2] =	stream.strided.gather [hbm4b:s23+s12], $0x800, s13, s12, $0x38;
	[tilespmem:$0x10A00] =	vst v63  }
0x10d: {  	p3 =	sne.s32 s29, $0x0;
	s26 =	sshrl.u32 s26, $0x19;
	s28 =	sand.u32 $0x7F, s25  }
0x10e: {  	s29 =	sshra.s32 s25, $0x1F;
	p5 =	slt.s32 s25, $0x1;
	p4 =	sne.s32 s28, $0x0  }
0x10f: {  	s24 =	sadd.s32 s26, s24;
	s23 =	sshrl.u32 s29, $0x19;
	p1 =	por !p5, !p4  }
0x110: {  	s23 =	sadd.s32 s23, s25;
	s25 =	simm.s32 $0x1;
	p1 =	por !p1, !p1  }
0x111: {  	p0 =	por !p6, !p3;
	s23 =	sshrl.u32 s23, $0x7;
	s25 =	simm.s32 @!p1 $0x0  }
0x112: {  	p0 =	por !p0, !p0;
	s23 =	ssub.s32 s23, s25;
	s25 =	simm.s32 $0x1  }
0x113: {  	s24 =	sshrl.u32 s24, $0x7;
	s23 =	sshll.u32 s23, $0x7;
	s25 =	simm.s32 @!p0 $0x0  }
0x114: {  	s23 =	sand.u32 $0x1FFFFF80, s23;
	s24 =	ssub.s32 s24, s25  }
0x115: {  	s23 =	sadd.s32 s1, s23;
	s26 =	sshll.u32 s24, $0x7  }
0x116: {  	[tilespmem:s16], [sflag:$0x2] =	stream.strided.gather [hbm4b:s23+s12], $0x800, s13, s12, $0x38;
	[tilespmem:$0x10A00] =	vst v63  }
0x117: {  	s23 =	sand.u32 $0x1FFFFF80, s26  }
0x118: {  	s24 =	spop (v2sf);
	s23 =	sadd.s32 s2, s23  }
0x119: {  	[tilespmem:s17], [sflag:$0x2] =	stream.strided.gather [hbm4b:s23+s12], $0x800, s13, s12, $0x38;
	[tilespmem:$0x10A00] =	vst v63  }
0x11a: {  	s28 =	sand.u32 $0x7F, s24;
	s25 =	spop (v2sf)  }
0x11b: {  	s26 =	sshra.s32 s24, $0x1F;
	p3 =	sne.s32 s28, $0x0;
	s29 =	sand.u32 $0x7F, s25  }
0x11c: {  	s28 =	sshra.s32 s25, $0x1F;
	p5 =	slt.s32 s25, $0x1;
	p4 =	sne.s32 s29, $0x0  }
0x11d: {  	p6 =	slt.s32 s24, $0x1;
	s23 =	sshrl.u32 s28, $0x19;
	p1 =	por !p5, !p4  }
0x11e: {  	s23 =	sadd.s32 s23, s25;
	s25 =	simm.s32 $0x1;
	p1 =	por !p1, !p1  }
0x11f: {  	s26 =	sshrl.u32 s26, $0x19;
	s23 =	sshrl.u32 s23, $0x7;
	s25 =	simm.s32 @!p1 $0x0  }
0x120: {  	s24 =	sadd.s32 s26, s24;
	p0 =	por !p6, !p3;
	s23 =	ssub.s32 s23, s25  }
0x121: {  	p0 =	por !p0, !p0;
	s25 =	simm.s32 $0x1;
	s23 =	sshll.u32 s23, $0x7  }
0x122: {  	s24 =	sshrl.u32 s24, $0x7;
	s25 =	simm.s32 @!p0 $0x0;
	s23 =	sand.u32 $0x1FFFFF80, s23  }
0x123: {  	s24 =	ssub.s32 s24, s25;
	s23 =	sadd.s32 s1, s23  }
0x124: {  	[tilespmem:s18], [sflag:$0x2] =	stream.strided.gather [hbm4b:s23+s12], $0x800, s13, s12, $0x38;
	[tilespmem:$0x10A00] =	vst v63  }
.Ltmp2:
0x125: {  	s29 =	sshll.u32 s24, $0x7;
	(pc) =	sbr.rel .LBB2_2-.Ltmp2, $4  }
0x126: {  	s23 =	sand.u32 $0x1FFFFF80, s29  }
0x127: {  	s23 =	sadd.s32 s2, s23  }
0x128: {  	[tilespmem:s19], [sflag:$0x2] =	stream.strided.gather [hbm4b:s23+s12], $0x800, s13, s12, $0x38;
	[tilespmem:$0x10A00] =	vst v63  }
0x129: {  	s23 =	simm.s32 $0x0  }
.LBB2_6:
0x12a: {  	_ =	sdelay $0x3  }
0x12b: {  	v17 =	vld.idx.msk [tilespmem:v0+s21+$0x0], $0xffff  }
0x12c: {  	v18 =	vld.idx.msk [tilespmem:v0+s22+$0x0], $0xffff  }
0x12d: {  	v19 =	vld.idx.msk [tilespmem:v2+s21+$0x0], $0xffff  }
0x12e: {  	v20 =	vld.idx.msk [tilespmem:v2+s22+$0x0], $0xffff  }
0x12f: {  	v21 =	vld.idx.msk [tilespmem:v3+s21+$0x0], $0xffff  }
0x130: {  	v22 =	vld.idx.msk [tilespmem:v3+s22+$0x0], $0xffff  }
0x131: {  	v23 =	vld.idx.msk [tilespmem:v4+s22+$0x0], $0xffff;
	v17 =	vmul.f32 v18, v17  }
0x132: {  	v18 =	vld.idx.msk [tilespmem:v4+s21+$0x0], $0xffff  }
0x133: {  	v45 =	vld.idx.msk [tilespmem:v5+s21+$0x0], $0xffff;
	v19 =	vmul.f32 v20, v19;
	v17 =	vadd.f32 $0.0e+00, v17  }
0x134: {  	v24 =	vld.idx.msk [tilespmem:v5+s22+$0x0], $0xffff  }
0x135: {  	v46 =	vld.idx.msk [tilespmem:v6+s21+$0x0], $0xffff;
	v17 =	vadd.f32 v19, v17;
	v19 =	vmul.f32 v22, v21  }
0x136: {  	v47 =	vld.idx.msk [tilespmem:v6+s22+$0x0], $0xffff  }
0x137: {  	v48 =	vld.idx.msk [tilespmem:v7+s22+$0x0], $0xffff;
	v18 =	vmul.f32 v23, v18;
	v17 =	vadd.f32 v19, v17  }
0x138: {  	v19 =	vld.idx.msk [tilespmem:v7+s21+$0x0], $0xffff  }
0x139: {  	v49 =	vld.idx.msk [tilespmem:v8+s21+$0x0], $0xffff;
	v17 =	vadd.f32 v18, v17;
	v18 =	vmul.f32 v24, v45  }
0x13a: {  	v50 =	vld.idx.msk [tilespmem:v8+s22+$0x0], $0xffff  }
0x13b: {  	v51 =	vld.idx.msk [tilespmem:v9+s21+$0x0], $0xffff;
	v17 =	vadd.f32 v18, v17;
	v18 =	vmul.f32 v47, v46  }
0x13c: {  	v52 =	vld.idx.msk [tilespmem:v9+s22+$0x0], $0xffff  }
0x13d: {  	v53 =	vld.idx.msk [tilespmem:v10+s22+$0x0], $0xffff;
	v17 =	vadd.f32 v18, v17;
	v18 =	vmul.f32 v48, v19  }
0x13e: {  	v19 =	vld.idx.msk [tilespmem:v10+s21+$0x0], $0xffff  }
0x13f: {  	v54 =	vld.idx.msk [tilespmem:v11+s21+$0x0], $0xffff;
	v17 =	vadd.f32 v18, v17;
	v18 =	vmul.f32 v50, v49  }
0x140: {  	v55 =	vld.idx.msk [tilespmem:v11+s22+$0x0], $0xffff  }
0x141: {  	v56 =	vld.idx.msk [tilespmem:v12+s21+$0x0], $0xffff;
	v17 =	vadd.f32 v18, v17;
	v18 =	vmul.f32 v52, v51  }
0x142: {  	v57 =	vld.idx.msk [tilespmem:v12+s22+$0x0], $0xffff  }
0x143: {  	v58 =	vld.idx.msk [tilespmem:v13+s22+$0x0], $0xffff;
	v17 =	vadd.f32 v18, v17;
	v18 =	vmul.f32 v53, v19  }
0x144: {  	v19 =	vld.idx.msk [tilespmem:v13+s21+$0x0], $0xffff  }
0x145: {  	v59 =	vld.idx.msk [tilespmem:v14+s21+$0x0], $0xffff;
	v17 =	vadd.f32 v18, v17;
	v18 =	vmul.f32 v55, v54  }
0x146: {  	v60 =	vld.idx.msk [tilespmem:v14+s22+$0x0], $0xffff  }
0x147: {  	v61 =	vld.idx.msk [tilespmem:v15+s21+$0x0], $0xffff;
	v17 =	vadd.f32 v18, v17;
	v18 =	vmul.f32 v57, v56  }
0x148: {  	v62 =	vld.idx.msk [tilespmem:v15+s22+$0x0], $0xffff  }
0x149: {  	v63 =	vld.idx.msk [tilespmem:v16+s22+$0x0], $0xffff;
	v17 =	vadd.f32 v18, v17;
	v18 =	vmul.f32 v58, v19  }
0x14a: {  	v19 =	vld.idx.msk [tilespmem:v16+s21+$0x0], $0xffff  }
0x14b: {  	v17 =	vadd.f32 v18, v17;
	v18 =	vmul.f32 v60, v59;
	_ =	sdelay $0x1  }
0x14c: {  	v17 =	vadd.f32 v18, v17;
	v18 =	vmul.f32 v62, v61;
	_ =	sdelay $0x1  }
0x14d: {  	v17 =	vadd.f32 v18, v17;
	v18 =	vmul.f32 v63, v19;
	_ =	sdelay $0x1  }
0x14e: {  	v17 =	vadd.f32 v18, v17;
	_ =	sdelay $0x1  }
0x14f: {  	v18 =	vsub.f32 $0.0e+00, v17  }
0x150: {  	vm0 =	vlt.f32 v17, $0.0e+00  }
0x151: {  	v17 =	vsel vm0, v17, v18  }
0x152: {  	v17 =	vmul.f32 $1.442695020e+00, v17;
	_ =	sdelay $0x1  }
0x153: {  	(erf) = vpow2.f32 v17;
	_ =	sdelay $0x8  }
0x154: {  	v17 =	vpop (erf)  }
0x155: {  	v18 =	vadd.f32 $1.000000000e+00, v17;
	_ =	sdelay $0x1  }
0x156: {  	(erf) = vrcp.f32 v18;
	_ =	sdelay $0x6  }
0x157: {  	s23 =	sadd.s32 $0x40, s23  }
0x158: {  	p0 =	sne.s32 s23, $0x800  }
.Ltmp3:
0x159: {  	v18 =	vpop (erf);
	(pc) =	sbr.rel @!p0 .LBB2_7-.Ltmp3, $3  }
0x15a: {  	v17 =	vmul.f32 v18, v17;
	_ =	sdelay $0x1  }
0x15b: {  	v17 =	vsel vm0, v17, v18  }
0x15c: {  	[tilespmem:s24+$0x10800] =	vst v17  }
.LBB2_2:
0x15d: {  	_ =	swait.ge [sflag:s11], $0x800  }
0x15e: {  	[sflag:s11] =	ssyncset.done $0x0  }
0x15f: {  	[sflag:s11] =	ssyncadd.s32 $0xFFFFF800  }
0x160: {  	_ =	swait.ge [sflag:s11], $0x800  }
0x161: {  	[sflag:s11] =	ssyncset.done $0x0  }
0x162: {  	[sflag:s11] =	ssyncadd.s32 $0xFFFFF800  }
0x163: {  	_ =	swait.ge [sflag:s11], $0x800  }
0x164: {  	[sflag:s11] =	ssyncset.done $0x0  }
0x165: {  	[sflag:s11] =	ssyncadd.s32 $0xFFFFF800  }
0x166: {  	_ =	swait.ge [sflag:s11], $0x800  }
0x167: {  	[sflag:s11] =	ssyncset.done $0x0  }
0x168: {  	[sflag:s11] =	ssyncadd.s32 $0xFFFFF800  }
0x169: {  	_ =	swait.ge [sflag:s11], $0x800  }
0x16a: {  	[sflag:s11] =	ssyncset.done $0x0  }
0x16b: {  	[sflag:s11] =	ssyncadd.s32 $0xFFFFF800  }
0x16c: {  	_ =	swait.ge [sflag:s11], $0x800  }
0x16d: {  	[sflag:s11] =	ssyncset.done $0x0  }
0x16e: {  	[sflag:s11] =	ssyncadd.s32 $0xFFFFF800  }
0x16f: {  	_ =	swait.ge [sflag:s11], $0x800  }
0x170: {  	[sflag:s11] =	ssyncset.done $0x0  }
0x171: {  	[sflag:s11] =	ssyncadd.s32 $0xFFFFF800  }
0x172: {  	_ =	swait.ge [sflag:s11], $0x800  }
0x173: {  	[sflag:s11] =	ssyncset.done $0x0  }
0x174: {  	[sflag:s11] =	ssyncadd.s32 $0xFFFFF800  }
0x175: {  	_ =	swait.ge [sflag:s11], $0x800  }
0x176: {  	[sflag:s11] =	ssyncset.done $0x0  }
0x177: {  	[sflag:s11] =	ssyncadd.s32 $0xFFFFF800  }
0x178: {  	_ =	swait.ge [sflag:s11], $0x800  }
0x179: {  	[sflag:s11] =	ssyncset.done $0x0  }
0x17a: {  	[sflag:s11] =	ssyncadd.s32 $0xFFFFF800  }
0x17b: {  	_ =	swait.ge [sflag:s11], $0x800  }
0x17c: {  	[sflag:s11] =	ssyncset.done $0x0  }
0x17d: {  	[sflag:s11] =	ssyncadd.s32 $0xFFFFF800  }
0x17e: {  	_ =	swait.ge [sflag:s11], $0x800  }
0x17f: {  	[sflag:s11] =	ssyncset.done $0x0  }
0x180: {  	[sflag:s11] =	ssyncadd.s32 $0xFFFFF800  }
0x181: {  	_ =	swait.ge [sflag:s11], $0x800  }
0x182: {  	[sflag:s11] =	ssyncset.done $0x0  }
0x183: {  	[sflag:s11] =	ssyncadd.s32 $0xFFFFF800  }
0x184: {  	_ =	swait.ge [sflag:s11], $0x800  }
0x185: {  	[sflag:s11] =	ssyncset.done $0x0  }
0x186: {  	[sflag:s11] =	ssyncadd.s32 $0xFFFFF800  }
0x187: {  	_ =	swait.ge [sflag:s11], $0x800  }
0x188: {  	[sflag:s11] =	ssyncset.done $0x0  }
0x189: {  	[sflag:s11] =	ssyncadd.s32 $0xFFFFF800  }
0x18a: {  	_ =	swait.ge [sflag:s11], $0x800  }
0x18b: {  	[sflag:s11] =	ssyncset.done $0x0  }
0x18c: {  	s24 =	sshra.s32 s23, $0x2;
	[sflag:s11] =	ssyncadd.s32 $0xFFFFF800  }
0x18d: {  	v17 =	vld [tilespmem:s24+$0x0]  }
0x18e: {  	v18 =	vld [tilespmem:s24+$0x280];
	_ =	sdelay $0x3  }
0x18f: {  	(v2sf) =	vpush v17, $0x0  }
0x190: {  	(v2sf) =	vpush v18, $0x0;
	_ =	sdelay $0x5  }
0x191: {  	(v2sf) =	vpush v17, $0x1  }
0x192: {  	(v2sf) =	vpush v18, $0x1;
	_ =	sdelay $0x5  }
0x193: {  	(v2sf) =	vpush v17, $0x2  }
0x194: {  	s25 =	spop (v2sf);
	(v2sf) =	vpush v18, $0x2  }
0x195: {  	s25 =	sand.u32 $0x7F, s25;
	s26 =	spop (v2sf)  }
0x196: {  	s26 =	sand.u32 $0x7F, s26;
	v19 =	vor.u32 s25, v1  }
0x197: {  	v20 =	vor.u32 s26, v1;
	_ =	sdelay $0x2  }
0x198: {  	s28 =	simm.s32 $0x500;
	(v2sf) =	vpush v17, $0x3  }
0x199: {  	s29 =	spop (v2sf);
	(v2sf) =	vpush v18, $0x3;
	v19 =	vld.idx.msk [tilespmem:v19+s28+$0x0], $0xffff;
	s28 =	simm.s32 $0x8500  }
0x19a: {  	s25 =	sand.u32 $0x7F, s29;
	s29 =	spop (v2sf);
	v20 =	vld.idx.msk [tilespmem:v20+s28+$0x0], $0xffff  }
0x19b: {  	s26 =	sand.u32 $0x7F, s29;
	v21 =	vor.u32 s25, v1  }
0x19c: {  	v22 =	vor.u32 s26, v1;
	_ =	sdelay $0x1  }
0x19d: {  	[tilespmem:$0x10500] =	vst v19  }
0x19e: {  	(v2sf) =	vpush v17, $0x4;
	s28 =	simm.s32 $0xD00;
	[tilespmem:$0x10680] =	vst v20  }
0x19f: {  	s29 =	spop (v2sf);
	(v2sf) =	vpush v18, $0x4;
	v19 =	vld.idx.msk [tilespmem:v21+s28+$0x0], $0xffff;
	s28 =	simm.s32 $0x8D00  }
0x1a0: {  	s25 =	sand.u32 $0x7F, s29;
	v20 =	vld.idx.msk [tilespmem:v22+s28+$0x0], $0xffff;
	s29 =	spop (v2sf)  }
0x1a1: {  	v55 =	vor.u32 s25, v1;
	s26 =	sand.u32 $0x7F, s29  }
0x1a2: {  	v56 =	vor.u32 s26, v1;
	_ =	sdelay $0x1  }
0x1a3: {  	[tilespmem:$0x10511] =	vst v19  }
0x1a4: {  	(v2sf) =	vpush v17, $0x5;
	s28 =	simm.s32 $0x1500;
	[tilespmem:$0x10691] =	vst v20  }
0x1a5: {  	s29 =	spop (v2sf);
	(v2sf) =	vpush v18, $0x5;
	v19 =	vld.idx.msk [tilespmem:v55+s28+$0x0], $0xffff;
	s28 =	simm.s32 $0x9500  }
0x1a6: {  	s25 =	sand.u32 $0x7F, s29;
	s29 =	spop (v2sf);
	v20 =	vld.idx.msk [tilespmem:v56+s28+$0x0], $0xffff  }
0x1a7: {  	s26 =	sand.u32 $0x7F, s29;
	v57 =	vor.u32 s25, v1  }
0x1a8: {  	v58 =	vor.u32 s26, v1;
	_ =	sdelay $0x1  }
0x1a9: {  	[tilespmem:$0x10522] =	vst v19  }
0x1aa: {  	(v2sf) =	vpush v17, $0x6;
	s26 =	simm.s32 $0x1D00;
	[tilespmem:$0x106A2] =	vst v20  }
0x1ab: {  	s29 =	simm.s32 $0x9D00;
	s28 =	spop (v2sf);
	(v2sf) =	vpush v18, $0x6;
	v19 =	vld.idx.msk [tilespmem:v57+s26+$0x0], $0xffff  }
0x1ac: {  	s25 =	sand.u32 $0x7F, s28;
	s28 =	spop (v2sf);
	v20 =	vld.idx.msk [tilespmem:v58+s29+$0x0], $0xffff  }
0x1ad: {  	v59 =	vor.u32 s25, v1;
	s26 =	sand.u32 $0x7F, s28  }
0x1ae: {  	v60 =	vor.u32 s26, v1;
	_ =	sdelay $0x1  }
0x1af: {  	[tilespmem:$0x10533] =	vst v19  }
0x1b0: {  	(v2sf) =	vpush v17, $0x7;
	s29 =	simm.s32 $0x2500;
	[tilespmem:$0x106B3] =	vst v20  }
0x1b1: {  	s28 =	simm.s32 $0xA500;
	s26 =	spop (v2sf);
	(v2sf) =	vpush v18, $0x7;
	v17 =	vld.idx.msk [tilespmem:v59+s29+$0x0], $0xffff  }
0x1b2: {  	s25 =	sand.u32 $0x7F, s26;
	s29 =	spop (v2sf);
	v18 =	vld.idx.msk [tilespmem:v60+s28+$0x0], $0xffff  }
0x1b3: {  	v19 =	vor.u32 s25, v1;
	s26 =	sand.u32 $0x7F, s29  }
0x1b4: {  	v61 =	vor.u32 s26, v1;
	_ =	sdelay $0x1  }
0x1b5: {  	[tilespmem:$0x10544] =	vst v17  }
0x1b6: {  	s28 =	simm.s32 $0x2D00;
	[tilespmem:$0x106C4] =	vst v18  }
0x1b7: {  	s25 =	spop (v2sf);
	s29 =	simm.s32 $0xAD00;
	v17 =	vld.idx.msk [tilespmem:v19+s28+$0x0], $0xffff  }
0x1b8: {  	s25 =	sand.u32 $0x7F, s25;
	s26 =	spop (v2sf);
	v18 =	vld.idx.msk [tilespmem:v61+s29+$0x0], $0xffff  }
0x1b9: {  	s26 =	sand.u32 $0x7F, s26;
	v19 =	vor.u32 s25, v1  }
0x1ba: {  	v62 =	vor.u32 s26, v1;
	_ =	sdelay $0x1  }
0x1bb: {  	[tilespmem:$0x10555] =	vst v17  }
0x1bc: {  	s28 =	simm.s32 $0x3500;
	[tilespmem:$0x106D5] =	vst v18  }
0x1bd: {  	s25 =	spop (v2sf);
	s29 =	simm.s32 $0xB500;
	v17 =	vld.idx.msk [tilespmem:v19+s28+$0x0], $0xffff  }
0x1be: {  	s25 =	sand.u32 $0x7F, s25;
	v18 =	vld.idx.msk [tilespmem:v62+s29+$0x0], $0xffff;
	s28 =	spop (v2sf)  }
0x1bf: {  	v19 =	vor.u32 s25, v1;
	s26 =	sand.u32 $0x7F, s28  }
0x1c0: {  	v63 =	vor.u32 s26, v1;
	_ =	sdelay $0x1  }
0x1c1: {  	[tilespmem:$0x10566] =	vst v17  }
0x1c2: {  	s29 =	simm.s32 $0x3D00;
	[tilespmem:$0x106E6] =	vst v18  }
0x1c3: {  	v17 =	vld.idx.msk [tilespmem:v19+s29+$0x0], $0xffff  }
0x1c4: {  	p0 =	seq.s32 s23, $0x7C0;
	v18 =	vld.idx.msk [tilespmem:v63+s30+$0x0], $0xffff  }
.Ltmp4:
0x1c5: {  	_ = 	snop;
	(pc) =	sbr.rel @p0 .LBB2_4-.Ltmp4, $3  }
0x1c6: {  	_ =	sdelay $0x1  }
0x1c7: {  	[tilespmem:$0x10577] =	vst v17  }
0x1c8: {  	[tilespmem:$0x106F7] =	vst v18  }
0x1c9: {  	v18 =	vld [tilespmem:s24+$0x290];
	_ =	sdelay $0x1  }
0x1ca: {  	v17 =	vld [tilespmem:s24+$0x10];
	_ =	sdelay $0x2  }
0x1cb: {  	(v2sf) =	vpush v18, $0x0;
	_ =	sdelay $0x1  }
0x1cc: {  	(v2sf) =	vpush v17, $0x0;
	_ =	sdelay $0xb  }
0x1cd: {  	(v2sf) =	vpush v18, $0x1  }
0x1ce: {  	s25 =	spop (v2sf)  }
0x1cf: {  	(v2sf) =	vpush v17, $0x1;
	s26 =	sand.u32 $0x7F, s25  }
0x1d0: {  	s28 =	spop (v2sf);
	s29 =	sshra.s32 s25, $0x1F;
	p6 =	slt.s32 s25, $0x1  }
0x1d1: {  	p1 =	sne.s32 s26, $0x0;
	s26 =	sand.u32 $0x7F, s28;
	p3 =	slt.s32 s28, $0x1  }
0x1d2: {  	s29 =	sshrl.u32 s29, $0x19;
	p2 =	sne.s32 s26, $0x0;
	s26 =	sshra.s32 s28, $0x1F  }
0x1d3: {  	s25 =	sadd.s32 s29, s25;
	s26 =	sshrl.u32 s26, $0x19;
	p2 =	por !p3, !p2  }
0x1d4: {  	s26 =	sadd.s32 s26, s28;
	p2 =	por !p2, !p2;
	s28 =	simm.s32 $0x1  }
0x1d5: {  	p1 =	por !p6, !p1;
	s26 =	sshrl.u32 s26, $0x7;
	s28 =	simm.s32 @!p2 $0x0  }
0x1d6: {  	p1 =	por !p1, !p1;
	s26 =	ssub.s32 s26, s28;
	s28 =	simm.s32 $0x1  }
0x1d7: {  	s25 =	sshrl.u32 s25, $0x7;
	s26 =	sshll.u32 s26, $0x7;
	s28 =	simm.s32 @!p1 $0x0  }
0x1d8: {  	s26 =	sand.u32 $0x1FFFFF80, s26;
	s25 =	ssub.s32 s25, s28  }
0x1d9: {  	s29 =	simm.s32 $0x500;
	s26 =	sadd.s32 s1, s26;
	s25 =	sshll.u32 s25, $0x7  }
0x1da: {  	[tilespmem:s29], [sflag:$0x1] =	stream.strided.gather [hbm4b:s26+s12], $0x800, s13, s12, $0x38;
	[tilespmem:$0x10A00] =	vst v63  }
0x1db: {  	s25 =	sand.u32 $0x1FFFFF80, s25  }
0x1dc: {  	(v2sf) =	vpush v18, $0x2;
	s26 =	spop (v2sf);
	s29 =	simm.s32 $0x8500;
	s25 =	sadd.s32 s2, s25  }
0x1dd: {  	[tilespmem:s29], [sflag:$0x1] =	stream.strided.gather [hbm4b:s25+s12], $0x800, s13, s12, $0x38;
	[tilespmem:$0x10A00] =	vst v63  }
0x1de: {  	s28 =	spop (v2sf);
	(v2sf) =	vpush v17, $0x2  }
0x1df: {  	p6 =	slt.s32 s26, $0x1;
	s25 =	sand.u32 $0x7F, s26;
	s29 =	sshra.s32 s26, $0x1F  }
0x1e0: {  	p1 =	sne.s32 s25, $0x0;
	s29 =	sshrl.u32 s29, $0x19;
	s25 =	sand.u32 $0x7F, s28  }
0x1e1: {  	p5 =	slt.s32 s28, $0x1;
	p4 =	sne.s32 s25, $0x0;
	s25 =	sshra.s32 s28, $0x1F  }
0x1e2: {  	s26 =	sadd.s32 s29, s26;
	s25 =	sshrl.u32 s25, $0x19;
	p2 =	por !p5, !p4  }
0x1e3: {  	s25 =	sadd.s32 s25, s28;
	p2 =	por !p2, !p2;
	s28 =	simm.s32 $0x1  }
0x1e4: {  	p1 =	por !p6, !p1;
	s25 =	sshrl.u32 s25, $0x7;
	s28 =	simm.s32 @!p2 $0x0  }
0x1e5: {  	p1 =	por !p1, !p1;
	s25 =	ssub.s32 s25, s28;
	s28 =	simm.s32 $0x1  }
0x1e6: {  	s26 =	sshrl.u32 s26, $0x7;
	s25 =	sshll.u32 s25, $0x7;
	s28 =	simm.s32 @!p1 $0x0  }
0x1e7: {  	s25 =	sand.u32 $0x1FFFFF80, s25;
	s26 =	ssub.s32 s26, s28  }
0x1e8: {  	s29 =	simm.s32 $0xD00;
	s25 =	sadd.s32 s1, s25;
	s28 =	sshll.u32 s26, $0x7  }
0x1e9: {  	[tilespmem:s29], [sflag:$0x1] =	stream.strided.gather [hbm4b:s25+s12], $0x800, s13, s12, $0x38;
	[tilespmem:$0x10A00] =	vst v63  }
0x1ea: {  	s25 =	sand.u32 $0x1FFFFF80, s28  }
0x1eb: {  	s26 =	spop (v2sf);
	(v2sf) =	vpush v18, $0x3;
	s29 =	simm.s32 $0x8D00;
	s25 =	sadd.s32 s2, s25  }
0x1ec: {  	[tilespmem:s29], [sflag:$0x1] =	stream.strided.gather [hbm4b:s25+s12], $0x800, s13, s12, $0x38;
	[tilespmem:$0x10A00] =	vst v63  }
0x1ed: {  	s28 =	spop (v2sf);
	(v2sf) =	vpush v17, $0x3  }
0x1ee: {  	p6 =	slt.s32 s26, $0x1;
	s25 =	sand.u32 $0x7F, s26;
	s29 =	sshra.s32 s26, $0x1F  }
0x1ef: {  	p1 =	sne.s32 s25, $0x0;
	s29 =	sshrl.u32 s29, $0x19;
	s25 =	sand.u32 $0x7F, s28  }
0x1f0: {  	p5 =	slt.s32 s28, $0x1;
	p4 =	sne.s32 s25, $0x0;
	s25 =	sshra.s32 s28, $0x1F  }
0x1f1: {  	s26 =	sadd.s32 s29, s26;
	s25 =	sshrl.u32 s25, $0x19;
	p2 =	por !p5, !p4  }
0x1f2: {  	s25 =	sadd.s32 s25, s28;
	p2 =	por !p2, !p2;
	s28 =	simm.s32 $0x1  }
0x1f3: {  	p1 =	por !p6, !p1;
	s25 =	sshrl.u32 s25, $0x7;
	s28 =	simm.s32 @!p2 $0x0  }
0x1f4: {  	p1 =	por !p1, !p1;
	s25 =	ssub.s32 s25, s28;
	s28 =	simm.s32 $0x1  }
0x1f5: {  	s26 =	sshrl.u32 s26, $0x7;
	s25 =	sshll.u32 s25, $0x7;
	s28 =	simm.s32 @!p1 $0x0  }
0x1f6: {  	s25 =	sand.u32 $0x1FFFFF80, s25;
	s26 =	ssub.s32 s26, s28  }
0x1f7: {  	s29 =	simm.s32 $0x1500;
	s25 =	sadd.s32 s1, s25;
	s28 =	sshll.u32 s26, $0x7  }
0x1f8: {  	[tilespmem:s29], [sflag:$0x1] =	stream.strided.gather [hbm4b:s25+s12], $0x800, s13, s12, $0x38;
	[tilespmem:$0x10A00] =	vst v63  }
0x1f9: {  	s25 =	sand.u32 $0x1FFFFF80, s28  }
0x1fa: {  	s26 =	spop (v2sf);
	(v2sf) =	vpush v18, $0x4;
	s29 =	simm.s32 $0x9500;
	s25 =	sadd.s32 s2, s25  }
0x1fb: {  	[tilespmem:s29], [sflag:$0x1] =	stream.strided.gather [hbm4b:s25+s12], $0x800, s13, s12, $0x38;
	[tilespmem:$0x10A00] =	vst v63  }
0x1fc: {  	s28 =	spop (v2sf);
	(v2sf) =	vpush v17, $0x4  }
0x1fd: {  	p6 =	slt.s32 s26, $0x1;
	s25 =	sand.u32 $0x7F, s26;
	s29 =	sshra.s32 s26, $0x1F  }
0x1fe: {  	p1 =	sne.s32 s25, $0x0;
	s29 =	sshrl.u32 s29, $0x19;
	s25 =	sand.u32 $0x7F, s28  }
0x1ff: {  	p5 =	slt.s32 s28, $0x1;
	p4 =	sne.s32 s25, $0x0;
	s25 =	sshra.s32 s28, $0x1F  }
0x200: {  	s26 =	sadd.s32 s29, s26;
	s25 =	sshrl.u32 s25, $0x19;
	p2 =	por !p5, !p4  }
0x201: {  	s25 =	sadd.s32 s25, s28;
	p2 =	por !p2, !p2;
	s28 =	simm.s32 $0x1  }
0x202: {  	p1 =	por !p6, !p1;
	s25 =	sshrl.u32 s25, $0x7;
	s28 =	simm.s32 @!p2 $0x0  }
0x203: {  	p1 =	por !p1, !p1;
	s25 =	ssub.s32 s25, s28;
	s28 =	simm.s32 $0x1  }
0x204: {  	s26 =	sshrl.u32 s26, $0x7;
	s25 =	sshll.u32 s25, $0x7;
	s28 =	simm.s32 @!p1 $0x0  }
0x205: {  	s25 =	sand.u32 $0x1FFFFF80, s25;
	s26 =	ssub.s32 s26, s28  }
0x206: {  	s29 =	simm.s32 $0x1D00;
	s25 =	sadd.s32 s1, s25;
	s28 =	sshll.u32 s26, $0x7  }
0x207: {  	[tilespmem:s29], [sflag:$0x1] =	stream.strided.gather [hbm4b:s25+s12], $0x800, s13, s12, $0x38;
	[tilespmem:$0x10A00] =	vst v63  }
0x208: {  	s25 =	sand.u32 $0x1FFFFF80, s28  }
0x209: {  	s26 =	spop (v2sf);
	(v2sf) =	vpush v18, $0x5;
	s29 =	simm.s32 $0x9D00;
	s25 =	sadd.s32 s2, s25  }
0x20a: {  	[tilespmem:s29], [sflag:$0x1] =	stream.strided.gather [hbm4b:s25+s12], $0x800, s13, s12, $0x38;
	[tilespmem:$0x10A00] =	vst v63  }
0x20b: {  	s28 =	spop (v2sf);
	(v2sf) =	vpush v17, $0x5  }
0x20c: {  	p6 =	slt.s32 s26, $0x1;
	s25 =	sand.u32 $0x7F, s26;
	s29 =	sshra.s32 s26, $0x1F  }
0x20d: {  	p1 =	sne.s32 s25, $0x0;
	s29 =	sshrl.u32 s29, $0x19;
	s25 =	sand.u32 $0x7F, s28  }
0x20e: {  	p5 =	slt.s32 s28, $0x1;
	p4 =	sne.s32 s25, $0x0;
	s25 =	sshra.s32 s28, $0x1F  }
0x20f: {  	s26 =	sadd.s32 s29, s26;
	s25 =	sshrl.u32 s25, $0x19;
	p2 =	por !p5, !p4  }
0x210: {  	s25 =	sadd.s32 s25, s28;
	p2 =	por !p2, !p2;
	s28 =	simm.s32 $0x1  }
0x211: {  	p1 =	por !p6, !p1;
	s25 =	sshrl.u32 s25, $0x7;
	s28 =	simm.s32 @!p2 $0x0  }
0x212: {  	p1 =	por !p1, !p1;
	s25 =	ssub.s32 s25, s28;
	s28 =	simm.s32 $0x1  }
0x213: {  	s26 =	sshrl.u32 s26, $0x7;
	s25 =	sshll.u32 s25, $0x7;
	s28 =	simm.s32 @!p1 $0x0  }
0x214: {  	s25 =	sand.u32 $0x1FFFFF80, s25;
	s26 =	ssub.s32 s26, s28  }
0x215: {  	s29 =	simm.s32 $0x2500;
	s25 =	sadd.s32 s1, s25;
	s28 =	sshll.u32 s26, $0x7  }
0x216: {  	[tilespmem:s29], [sflag:$0x1] =	stream.strided.gather [hbm4b:s25+s12], $0x800, s13, s12, $0x38;
	[tilespmem:$0x10A00] =	vst v63  }
0x217: {  	s25 =	sand.u32 $0x1FFFFF80, s28  }
0x218: {  	s26 =	spop (v2sf);
	(v2sf) =	vpush v18, $0x6;
	s29 =	simm.s32 $0xA500;
	s25 =	sadd.s32 s2, s25  }
0x219: {  	[tilespmem:s29], [sflag:$0x1] =	stream.strided.gather [hbm4b:s25+s12], $0x800, s13, s12, $0x38;
	[tilespmem:$0x10A00] =	vst v63  }
0x21a: {  	s28 =	spop (v2sf);
	(v2sf) =	vpush v17, $0x6  }
0x21b: {  	p6 =	slt.s32 s26, $0x1;
	s25 =	sand.u32 $0x7F, s26;
	s29 =	sshra.s32 s26, $0x1F  }
0x21c: {  	p1 =	sne.s32 s25, $0x0;
	s29 =	sshrl.u32 s29, $0x19;
	s25 =	sand.u32 $0x7F, s28  }
0x21d: {  	p5 =	slt.s32 s28, $0x1;
	p4 =	sne.s32 s25, $0x0;
	s25 =	sshra.s32 s28, $0x1F  }
0x21e: {  	s26 =	sadd.s32 s29, s26;
	s25 =	sshrl.u32 s25, $0x19;
	p2 =	por !p5, !p4  }
0x21f: {  	s25 =	sadd.s32 s25, s28;
	p2 =	por !p2, !p2;
	s28 =	simm.s32 $0x1  }
0x220: {  	p1 =	por !p6, !p1;
	s25 =	sshrl.u32 s25, $0x7;
	s28 =	simm.s32 @!p2 $0x0  }
0x221: {  	p1 =	por !p1, !p1;
	s25 =	ssub.s32 s25, s28;
	s28 =	simm.s32 $0x1  }
0x222: {  	s26 =	sshrl.u32 s26, $0x7;
	s25 =	sshll.u32 s25, $0x7;
	s28 =	simm.s32 @!p1 $0x0  }
0x223: {  	s25 =	sand.u32 $0x1FFFFF80, s25;
	s26 =	ssub.s32 s26, s28  }
0x224: {  	s29 =	simm.s32 $0x2D00;
	s25 =	sadd.s32 s1, s25;
	s28 =	sshll.u32 s26, $0x7  }
0x225: {  	[tilespmem:s29], [sflag:$0x1] =	stream.strided.gather [hbm4b:s25+s12], $0x800, s13, s12, $0x38;
	[tilespmem:$0x10A00] =	vst v63  }
0x226: {  	s25 =	sand.u32 $0x1FFFFF80, s28  }
0x227: {  	s26 =	spop (v2sf);
	(v2sf) =	vpush v18, $0x7;
	s29 =	simm.s32 $0xAD00;
	s25 =	sadd.s32 s2, s25  }
0x228: {  	[tilespmem:s29], [sflag:$0x1] =	stream.strided.gather [hbm4b:s25+s12], $0x800, s13, s12, $0x38;
	[tilespmem:$0x10A00] =	vst v63  }
0x229: {  	s28 =	spop (v2sf);
	(v2sf) =	vpush v17, $0x7  }
0x22a: {  	p6 =	slt.s32 s26, $0x1;
	s25 =	sand.u32 $0x7F, s26;
	s29 =	sshra.s32 s26, $0x1F  }
0x22b: {  	p1 =	sne.s32 s25, $0x0;
	s29 =	sshrl.u32 s29, $0x19;
	s25 =	sand.u32 $0x7F, s28  }
0x22c: {  	p5 =	slt.s32 s28, $0x1;
	p4 =	sne.s32 s25, $0x0;
	s25 =	sshra.s32 s28, $0x1F  }
0x22d: {  	s26 =	sadd.s32 s29, s26;
	s25 =	sshrl.u32 s25, $0x19;
	p2 =	por !p5, !p4  }
0x22e: {  	s25 =	sadd.s32 s25, s28;
	p2 =	por !p2, !p2;
	s28 =	simm.s32 $0x1  }
0x22f: {  	p1 =	por !p6, !p1;
	s25 =	sshrl.u32 s25, $0x7;
	s28 =	simm.s32 @!p2 $0x0  }
0x230: {  	p1 =	por !p1, !p1;
	s25 =	ssub.s32 s25, s28;
	s28 =	simm.s32 $0x1  }
0x231: {  	s26 =	sshrl.u32 s26, $0x7;
	s25 =	sshll.u32 s25, $0x7;
	s28 =	simm.s32 @!p1 $0x0  }
0x232: {  	s25 =	sand.u32 $0x1FFFFF80, s25;
	s26 =	ssub.s32 s26, s28  }
0x233: {  	s29 =	simm.s32 $0x3500;
	s25 =	sadd.s32 s1, s25;
	s28 =	sshll.u32 s26, $0x7  }
0x234: {  	[tilespmem:s29], [sflag:$0x1] =	stream.strided.gather [hbm4b:s25+s12], $0x800, s13, s12, $0x38;
	[tilespmem:$0x10A00] =	vst v63  }
0x235: {  	s25 =	sand.u32 $0x1FFFFF80, s28  }
0x236: {  	s26 =	spop (v2sf);
	s29 =	simm.s32 $0xB500;
	s25 =	sadd.s32 s2, s25  }
0x237: {  	[tilespmem:s29], [sflag:$0x1] =	stream.strided.gather [hbm4b:s25+s12], $0x800, s13, s12, $0x38;
	[tilespmem:$0x10A00] =	vst v63  }
0x238: {  	s25 =	sand.u32 $0x7F, s26;
	s28 =	spop (v2sf)  }
0x239: {  	p6 =	slt.s32 s26, $0x1;
	p1 =	sne.s32 s25, $0x0;
	s25 =	sand.u32 $0x7F, s28  }
0x23a: {  	p5 =	slt.s32 s28, $0x1;
	p4 =	sne.s32 s25, $0x0;
	s25 =	sshra.s32 s28, $0x1F  }
0x23b: {  	s29 =	sshra.s32 s26, $0x1F;
	p2 =	por !p5, !p4;
	s25 =	sshrl.u32 s25, $0x19  }
0x23c: {  	s25 =	sadd.s32 s25, s28;
	p2 =	por !p2, !p2;
	s28 =	simm.s32 $0x1  }
0x23d: {  	s29 =	sshrl.u32 s29, $0x19;
	s28 =	simm.s32 @!p2 $0x0;
	s25 =	sshrl.u32 s25, $0x7  }
0x23e: {  	s26 =	sadd.s32 s29, s26;
	p1 =	por !p6, !p1;
	s25 =	ssub.s32 s25, s28  }
0x23f: {  	p1 =	por !p1, !p1;
	s28 =	simm.s32 $0x1;
	s25 =	sshll.u32 s25, $0x7  }
0x240: {  	s26 =	sshrl.u32 s26, $0x7;
	s28 =	simm.s32 @!p1 $0x0;
	s25 =	sand.u32 $0x1FFFFF80, s25  }
0x241: {  	s29 =	simm.s32 $0x3D00;
	s26 =	ssub.s32 s26, s28;
	s25 =	sadd.s32 s1, s25  }
0x242: {  	[tilespmem:s29], [sflag:$0x1] =	stream.strided.gather [hbm4b:s25+s12], $0x800, s13, s12, $0x38;
	[tilespmem:$0x10A00] =	vst v63  }
0x243: {  	s29 =	sshll.u32 s26, $0x7  }
0x244: {  	s25 =	sand.u32 $0x1FFFFF80, s29  }
0x245: {  	s25 =	sadd.s32 s2, s25  }
0x246: {  	[tilespmem:s30], [sflag:$0x1] =	stream.strided.gather [hbm4b:s25+s12], $0x800, s13, s12, $0x38;
	[tilespmem:$0x10A00] =	vst v63  }
.LBB2_4:
0x247: {  	_ =	swait.ge [sflag:s20], $0x800  }
0x248: {  	[sflag:s20] =	ssyncset.done $0x0  }
0x249: {  	[sflag:s20] =	ssyncadd.s32 $0xFFFFF800  }
0x24a: {  	_ =	swait.ge [sflag:s20], $0x800  }
0x24b: {  	[sflag:s20] =	ssyncset.done $0x0  }
0x24c: {  	[sflag:s20] =	ssyncadd.s32 $0xFFFFF800  }
0x24d: {  	_ =	swait.ge [sflag:s20], $0x800  }
0x24e: {  	[sflag:s20] =	ssyncset.done $0x0  }
0x24f: {  	[sflag:s20] =	ssyncadd.s32 $0xFFFFF800  }
0x250: {  	_ =	swait.ge [sflag:s20], $0x800  }
0x251: {  	[sflag:s20] =	ssyncset.done $0x0  }
0x252: {  	[sflag:s20] =	ssyncadd.s32 $0xFFFFF800  }
0x253: {  	_ =	swait.ge [sflag:s20], $0x800  }
0x254: {  	[sflag:s20] =	ssyncset.done $0x0  }
0x255: {  	[sflag:s20] =	ssyncadd.s32 $0xFFFFF800  }
0x256: {  	_ =	swait.ge [sflag:s20], $0x800  }
0x257: {  	[sflag:s20] =	ssyncset.done $0x0  }
0x258: {  	[sflag:s20] =	ssyncadd.s32 $0xFFFFF800  }
0x259: {  	_ =	swait.ge [sflag:s20], $0x800  }
0x25a: {  	[sflag:s20] =	ssyncset.done $0x0  }
0x25b: {  	[sflag:s20] =	ssyncadd.s32 $0xFFFFF800  }
0x25c: {  	_ =	swait.ge [sflag:s20], $0x800  }
0x25d: {  	[sflag:s20] =	ssyncset.done $0x0  }
0x25e: {  	[sflag:s20] =	ssyncadd.s32 $0xFFFFF800  }
0x25f: {  	_ =	swait.ge [sflag:s20], $0x800  }
0x260: {  	[sflag:s20] =	ssyncset.done $0x0  }
0x261: {  	[sflag:s20] =	ssyncadd.s32 $0xFFFFF800  }
0x262: {  	_ =	swait.ge [sflag:s20], $0x800  }
0x263: {  	[sflag:s20] =	ssyncset.done $0x0  }
0x264: {  	[sflag:s20] =	ssyncadd.s32 $0xFFFFF800  }
0x265: {  	_ =	swait.ge [sflag:s20], $0x800  }
0x266: {  	[sflag:s20] =	ssyncset.done $0x0  }
0x267: {  	[sflag:s20] =	ssyncadd.s32 $0xFFFFF800  }
0x268: {  	_ =	swait.ge [sflag:s20], $0x800  }
0x269: {  	[sflag:s20] =	ssyncset.done $0x0  }
0x26a: {  	[sflag:s20] =	ssyncadd.s32 $0xFFFFF800  }
0x26b: {  	_ =	swait.ge [sflag:s20], $0x800  }
0x26c: {  	[sflag:s20] =	ssyncset.done $0x0  }
0x26d: {  	[sflag:s20] =	ssyncadd.s32 $0xFFFFF800  }
0x26e: {  	_ =	swait.ge [sflag:s20], $0x800  }
0x26f: {  	[sflag:s20] =	ssyncset.done $0x0  }
0x270: {  	[sflag:s20] =	ssyncadd.s32 $0xFFFFF800  }
0x271: {  	_ =	swait.ge [sflag:s20], $0x800  }
0x272: {  	[sflag:s20] =	ssyncset.done $0x0  }
0x273: {  	[sflag:s20] =	ssyncadd.s32 $0xFFFFF800  }
0x274: {  	_ =	swait.ge [sflag:s20], $0x800  }
0x275: {  	[sflag:s20] =	ssyncset.done $0x0  }
0x276: {  	[sflag:s20] =	ssyncadd.s32 $0xFFFFF800  }
0x277: {  	v17 =	vld [tilespmem:s24+$0x8]  }
0x278: {  	v18 =	vld [tilespmem:s24+$0x288];
	_ =	sdelay $0x3  }
0x279: {  	(v2sf) =	vpush v17, $0x0  }
0x27a: {  	(v2sf) =	vpush v18, $0x0;
	_ =	sdelay $0x5  }
0x27b: {  	(v2sf) =	vpush v17, $0x1  }
0x27c: {  	(v2sf) =	vpush v18, $0x1;
	_ =	sdelay $0x5  }
0x27d: {  	(v2sf) =	vpush v17, $0x2  }
0x27e: {  	s25 =	spop (v2sf);
	(v2sf) =	vpush v18, $0x2  }
0x27f: {  	s25 =	sand.u32 $0x7F, s25;
	s26 =	spop (v2sf)  }
0x280: {  	s26 =	sand.u32 $0x7F, s26;
	v19 =	vor.u32 s25, v1  }
0x281: {  	v20 =	vor.u32 s26, v1;
	_ =	sdelay $0x2  }
0x282: {  	(v2sf) =	vpush v17, $0x3  }
0x283: {  	s28 =	spop (v2sf);
	(v2sf) =	vpush v18, $0x3;
	v19 =	vld.idx.msk [tilespmem:v19+s31+$0x0], $0xffff  }
0x284: {  	s25 =	sand.u32 $0x7F, s28;
	s29 =	spop (v2sf);
	v20 =	vld.idx.msk [tilespmem:v20+s0+$0x0], $0xffff  }
0x285: {  	s26 =	sand.u32 $0x7F, s29;
	v21 =	vor.u32 s25, v1  }
0x286: {  	v22 =	vor.u32 s26, v1;
	_ =	sdelay $0x1  }
0x287: {  	[tilespmem:$0x10588] =	vst v19  }
0x288: {  	(v2sf) =	vpush v17, $0x4;
	[tilespmem:$0x10708] =	vst v20  }
0x289: {  	s28 =	spop (v2sf);
	(v2sf) =	vpush v18, $0x4;
	v19 =	vld.idx.msk [tilespmem:v21+s3+$0x0], $0xffff  }
0x28a: {  	s25 =	sand.u32 $0x7F, s28;
	v20 =	vld.idx.msk [tilespmem:v22+s10+$0x0], $0xffff;
	s29 =	spop (v2sf)  }
0x28b: {  	v55 =	vor.u32 s25, v1;
	s26 =	sand.u32 $0x7F, s29  }
0x28c: {  	v56 =	vor.u32 s26, v1;
	_ =	sdelay $0x1  }
0x28d: {  	[tilespmem:$0x10599] =	vst v19  }
0x28e: {  	(v2sf) =	vpush v17, $0x5;
	[tilespmem:$0x10719] =	vst v20  }
0x28f: {  	s28 =	spop (v2sf);
	(v2sf) =	vpush v18, $0x5;
	v19 =	vld.idx.msk [tilespmem:v55+s5+$0x0], $0xffff  }
0x290: {  	s25 =	sand.u32 $0x7F, s28;
	s29 =	spop (v2sf);
	v20 =	vld.idx.msk [tilespmem:v56+s6+$0x0], $0xffff  }
0x291: {  	s26 =	sand.u32 $0x7F, s29;
	v57 =	vor.u32 s25, v1  }
0x292: {  	v58 =	vor.u32 s26, v1;
	_ =	sdelay $0x1  }
0x293: {  	[tilespmem:$0x105AA] =	vst v19  }
0x294: {  	(v2sf) =	vpush v17, $0x6;
	[tilespmem:$0x1072A] =	vst v20  }
0x295: {  	s28 =	spop (v2sf);
	(v2sf) =	vpush v18, $0x6;
	v19 =	vld.idx.msk [tilespmem:v57+s7+$0x0], $0xffff  }
0x296: {  	s25 =	sand.u32 $0x7F, s28;
	s29 =	spop (v2sf);
	v20 =	vld.idx.msk [tilespmem:v58+s8+$0x0], $0xffff  }
0x297: {  	s26 =	sand.u32 $0x7F, s29;
	v59 =	vor.u32 s25, v1  }
0x298: {  	v60 =	vor.u32 s26, v1;
	_ =	sdelay $0x1  }
0x299: {  	[tilespmem:$0x105BB] =	vst v19  }
0x29a: {  	(v2sf) =	vpush v17, $0x7;
	[tilespmem:$0x1073B] =	vst v20  }
0x29b: {  	s28 =	spop (v2sf);
	(v2sf) =	vpush v18, $0x7;
	v17 =	vld.idx.msk [tilespmem:v59+s4+$0x0], $0xffff  }
0x29c: {  	s29 =	spop (v2sf);
	s25 =	sand.u32 $0x7F, s28;
	v18 =	vld.idx.msk [tilespmem:v60+s9+$0x0], $0xffff  }
0x29d: {  	s26 =	sand.u32 $0x7F, s29;
	v19 =	vor.u32 s25, v1  }
0x29e: {  	v61 =	vor.u32 s26, v1;
	_ =	sdelay $0x1  }
0x29f: {  	[tilespmem:$0x105CC] =	vst v17  }
0x2a0: {  	[tilespmem:$0x1074C] =	vst v18  }
0x2a1: {  	s28 =	spop (v2sf);
	v17 =	vld.idx.msk [tilespmem:v19+s14+$0x0], $0xffff  }
0x2a2: {  	s29 =	spop (v2sf);
	s25 =	sand.u32 $0x7F, s28;
	v18 =	vld.idx.msk [tilespmem:v61+s15+$0x0], $0xffff  }
0x2a3: {  	s26 =	sand.u32 $0x7F, s29;
	v19 =	vor.u32 s25, v1  }
0x2a4: {  	v62 =	vor.u32 s26, v1;
	_ =	sdelay $0x1  }
0x2a5: {  	[tilespmem:$0x105DD] =	vst v17  }
0x2a6: {  	[tilespmem:$0x1075D] =	vst v18  }
0x2a7: {  	s28 =	spop (v2sf);
	v17 =	vld.idx.msk [tilespmem:v19+s16+$0x0], $0xffff  }
0x2a8: {  	s25 =	sand.u32 $0x7F, s28;
	s29 =	spop (v2sf);
	v18 =	vld.idx.msk [tilespmem:v62+s17+$0x0], $0xffff  }
0x2a9: {  	s26 =	sand.u32 $0x7F, s29;
	v19 =	vor.u32 s25, v1  }
0x2aa: {  	v63 =	vor.u32 s26, v1;
	_ =	sdelay $0x1  }
0x2ab: {  	[tilespmem:$0x105EE] =	vst v17  }
0x2ac: {  	[tilespmem:$0x1076E] =	vst v18  }
0x2ad: {  	v17 =	vld.idx.msk [tilespmem:v19+s18+$0x0], $0xffff  }
0x2ae: {  	v18 =	vld.idx.msk [tilespmem:v63+s19+$0x0], $0xffff  }
.Ltmp5:
0x2af: {  	_ = 	snop;
	(pc) =	sbr.rel @p0 .LBB2_6-.Ltmp5, $3  }
0x2b0: {  	_ =	sdelay $0x1  }
0x2b1: {  	[tilespmem:$0x105FF] =	vst v17  }
0x2b2: {  	[tilespmem:$0x1077F] =	vst v18  }
0x2b3: {  	v18 =	vld [tilespmem:s24+$0x298];
	_ =	sdelay $0x1  }
0x2b4: {  	v17 =	vld [tilespmem:s24+$0x18];
	_ =	sdelay $0x2  }
0x2b5: {  	(v2sf) =	vpush v18, $0x0;
	_ =	sdelay $0x1  }
0x2b6: {  	(v2sf) =	vpush v17, $0x0;
	_ =	sdelay $0xb  }
0x2b7: {  	(v2sf) =	vpush v18, $0x1  }
0x2b8: {  	s25 =	spop (v2sf)  }
0x2b9: {  	(v2sf) =	vpush v17, $0x1;
	s26 =	sand.u32 $0x7F, s25  }
0x2ba: {  	s28 =	spop (v2sf);
	s29 =	sshra.s32 s25, $0x1F;
	p6 =	slt.s32 s25, $0x1  }
0x2bb: {  	p0 =	sne.s32 s26, $0x0;
	s26 =	sand.u32 $0x7F, s28;
	p2 =	slt.s32 s28, $0x1  }
0x2bc: {  	s29 =	sshrl.u32 s29, $0x19;
	p1 =	sne.s32 s26, $0x0;
	s26 =	sshra.s32 s28, $0x1F  }
0x2bd: {  	s25 =	sadd.s32 s29, s25;
	s26 =	sshrl.u32 s26, $0x19;
	p1 =	por !p2, !p1  }
0x2be: {  	s26 =	sadd.s32 s26, s28;
	p1 =	por !p1, !p1;
	s28 =	simm.s32 $0x1  }
0x2bf: {  	p0 =	por !p6, !p0;
	s26 =	sshrl.u32 s26, $0x7;
	s28 =	simm.s32 @!p1 $0x0  }
0x2c0: {  	p0 =	por !p0, !p0;
	s26 =	ssub.s32 s26, s28;
	s28 =	simm.s32 $0x1  }
0x2c1: {  	s25 =	sshrl.u32 s25, $0x7;
	s26 =	sshll.u32 s26, $0x7;
	s28 =	simm.s32 @!p0 $0x0  }
0x2c2: {  	s26 =	sand.u32 $0x1FFFFF80, s26;
	s25 =	ssub.s32 s25, s28  }
0x2c3: {  	s26 =	sadd.s32 s1, s26;
	s25 =	sshll.u32 s25, $0x7  }
0x2c4: {  	[tilespmem:s31], [sflag:$0x2] =	stream.strided.gather [hbm4b:s26+s12], $0x800, s13, s12, $0x38;
	[tilespmem:$0x10A00] =	vst v63  }
0x2c5: {  	(v2sf) =	vpush v18, $0x2;
	s25 =	sand.u32 $0x1FFFFF80, s25  }
0x2c6: {  	s26 =	spop (v2sf);
	s25 =	sadd.s32 s2, s25  }
0x2c7: {  	[tilespmem:s0], [sflag:$0x2] =	stream.strided.gather [hbm4b:s25+s12], $0x800, s13, s12, $0x38;
	[tilespmem:$0x10A00] =	vst v63  }
0x2c8: {  	s28 =	spop (v2sf);
	(v2sf) =	vpush v17, $0x2  }
0x2c9: {  	s29 =	sshra.s32 s26, $0x1F;
	p6 =	slt.s32 s26, $0x1;
	s25 =	sand.u32 $0x7F, s26  }
0x2ca: {  	s29 =	sshrl.u32 s29, $0x19;
	p3 =	sne.s32 s25, $0x0;
	s25 =	sand.u32 $0x7F, s28  }
0x2cb: {  	p5 =	slt.s32 s28, $0x1;
	p4 =	sne.s32 s25, $0x0;
	s25 =	sshra.s32 s28, $0x1F  }
0x2cc: {  	s26 =	sadd.s32 s29, s26;
	s25 =	sshrl.u32 s25, $0x19;
	p1 =	por !p5, !p4  }
0x2cd: {  	s25 =	sadd.s32 s25, s28;
	p1 =	por !p1, !p1;
	s28 =	simm.s32 $0x1  }
0x2ce: {  	p0 =	por !p6, !p3;
	s25 =	sshrl.u32 s25, $0x7;
	s28 =	simm.s32 @!p1 $0x0  }
0x2cf: {  	p0 =	por !p0, !p0;
	s25 =	ssub.s32 s25, s28;
	s28 =	simm.s32 $0x1  }
0x2d0: {  	s26 =	sshrl.u32 s26, $0x7;
	s25 =	sshll.u32 s25, $0x7;
	s28 =	simm.s32 @!p0 $0x0  }
0x2d1: {  	s25 =	sand.u32 $0x1FFFFF80, s25;
	s26 =	ssub.s32 s26, s28  }
0x2d2: {  	s25 =	sadd.s32 s1, s25;
	s29 =	sshll.u32 s26, $0x7  }
0x2d3: {  	[tilespmem:s3], [sflag:$0x2] =	stream.strided.gather [hbm4b:s25+s12], $0x800, s13, s12, $0x38;
	[tilespmem:$0x10A00] =	vst v63  }
0x2d4: {  	s26 =	spop (v2sf);
	(v2sf) =	vpush v18, $0x3;
	s25 =	sand.u32 $0x1FFFFF80, s29  }
0x2d5: {  	s25 =	sadd.s32 s2, s25  }
0x2d6: {  	[tilespmem:s10], [sflag:$0x2] =	stream.strided.gather [hbm4b:s25+s12], $0x800, s13, s12, $0x38;
	[tilespmem:$0x10A00] =	vst v63  }
0x2d7: {  	s28 =	spop (v2sf);
	(v2sf) =	vpush v17, $0x3  }
0x2d8: {  	s29 =	sshra.s32 s26, $0x1F;
	p6 =	slt.s32 s26, $0x1;
	s25 =	sand.u32 $0x7F, s26  }
0x2d9: {  	s29 =	sshrl.u32 s29, $0x19;
	p3 =	sne.s32 s25, $0x0;
	s25 =	sand.u32 $0x7F, s28  }
0x2da: {  	p5 =	slt.s32 s28, $0x1;
	p4 =	sne.s32 s25, $0x0;
	s25 =	sshra.s32 s28, $0x1F  }
0x2db: {  	s26 =	sadd.s32 s29, s26;
	s25 =	sshrl.u32 s25, $0x19;
	p1 =	por !p5, !p4  }
0x2dc: {  	s25 =	sadd.s32 s25, s28;
	p1 =	por !p1, !p1;
	s28 =	simm.s32 $0x1  }
0x2dd: {  	p0 =	por !p6, !p3;
	s25 =	sshrl.u32 s25, $0x7;
	s28 =	simm.s32 @!p1 $0x0  }
0x2de: {  	p0 =	por !p0, !p0;
	s25 =	ssub.s32 s25, s28;
	s28 =	simm.s32 $0x1  }
0x2df: {  	s26 =	sshrl.u32 s26, $0x7;
	s25 =	sshll.u32 s25, $0x7;
	s28 =	simm.s32 @!p0 $0x0  }
0x2e0: {  	s25 =	sand.u32 $0x1FFFFF80, s25;
	s26 =	ssub.s32 s26, s28  }
0x2e1: {  	s25 =	sadd.s32 s1, s25;
	s26 =	sshll.u32 s26, $0x7  }
0x2e2: {  	[tilespmem:s5], [sflag:$0x2] =	stream.strided.gather [hbm4b:s25+s12], $0x800, s13, s12, $0x38;
	[tilespmem:$0x10A00] =	vst v63  }
0x2e3: {  	s25 =	sand.u32 $0x1FFFFF80, s26;
	s26 =	spop (v2sf);
	(v2sf) =	vpush v18, $0x4  }
0x2e4: {  	s25 =	sadd.s32 s2, s25  }
0x2e5: {  	[tilespmem:s6], [sflag:$0x2] =	stream.strided.gather [hbm4b:s25+s12], $0x800, s13, s12, $0x38;
	[tilespmem:$0x10A00] =	vst v63  }
0x2e6: {  	s28 =	spop (v2sf);
	(v2sf) =	vpush v17, $0x4  }
0x2e7: {  	s29 =	sshra.s32 s26, $0x1F;
	p6 =	slt.s32 s26, $0x1;
	s25 =	sand.u32 $0x7F, s26  }
0x2e8: {  	s29 =	sshrl.u32 s29, $0x19;
	p3 =	sne.s32 s25, $0x0;
	s25 =	sand.u32 $0x7F, s28  }
0x2e9: {  	p5 =	slt.s32 s28, $0x1;
	p4 =	sne.s32 s25, $0x0;
	s25 =	sshra.s32 s28, $0x1F  }
0x2ea: {  	s26 =	sadd.s32 s29, s26;
	s25 =	sshrl.u32 s25, $0x19;
	p1 =	por !p5, !p4  }
0x2eb: {  	s25 =	sadd.s32 s25, s28;
	p1 =	por !p1, !p1;
	s28 =	simm.s32 $0x1  }
0x2ec: {  	p0 =	por !p6, !p3;
	s25 =	sshrl.u32 s25, $0x7;
	s28 =	simm.s32 @!p1 $0x0  }
0x2ed: {  	p0 =	por !p0, !p0;
	s25 =	ssub.s32 s25, s28;
	s28 =	simm.s32 $0x1  }
0x2ee: {  	s26 =	sshrl.u32 s26, $0x7;
	s25 =	sshll.u32 s25, $0x7;
	s28 =	simm.s32 @!p0 $0x0  }
0x2ef: {  	s25 =	sand.u32 $0x1FFFFF80, s25;
	s26 =	ssub.s32 s26, s28  }
0x2f0: {  	s25 =	sadd.s32 s1, s25;
	s28 =	sshll.u32 s26, $0x7  }
0x2f1: {  	[tilespmem:s7], [sflag:$0x2] =	stream.strided.gather [hbm4b:s25+s12], $0x800, s13, s12, $0x38;
	[tilespmem:$0x10A00] =	vst v63  }
0x2f2: {  	s25 =	sand.u32 $0x1FFFFF80, s28;
	s26 =	spop (v2sf);
	(v2sf) =	vpush v18, $0x5  }
0x2f3: {  	s25 =	sadd.s32 s2, s25  }
0x2f4: {  	[tilespmem:s8], [sflag:$0x2] =	stream.strided.gather [hbm4b:s25+s12], $0x800, s13, s12, $0x38;
	[tilespmem:$0x10A00] =	vst v63  }
0x2f5: {  	s28 =	spop (v2sf);
	(v2sf) =	vpush v17, $0x5  }
0x2f6: {  	s29 =	sshra.s32 s26, $0x1F;
	p6 =	slt.s32 s26, $0x1;
	s25 =	sand.u32 $0x7F, s26  }
0x2f7: {  	s29 =	sshrl.u32 s29, $0x19;
	p3 =	sne.s32 s25, $0x0;
	s25 =	sand.u32 $0x7F, s28  }
0x2f8: {  	p5 =	slt.s32 s28, $0x1;
	p4 =	sne.s32 s25, $0x0;
	s25 =	sshra.s32 s28, $0x1F  }
0x2f9: {  	s26 =	sadd.s32 s29, s26;
	s25 =	sshrl.u32 s25, $0x19;
	p1 =	por !p5, !p4  }
0x2fa: {  	s25 =	sadd.s32 s25, s28;
	p1 =	por !p1, !p1;
	s28 =	simm.s32 $0x1  }
0x2fb: {  	p0 =	por !p6, !p3;
	s25 =	sshrl.u32 s25, $0x7;
	s28 =	simm.s32 @!p1 $0x0  }
0x2fc: {  	p0 =	por !p0, !p0;
	s25 =	ssub.s32 s25, s28;
	s28 =	simm.s32 $0x1  }
0x2fd: {  	s26 =	sshrl.u32 s26, $0x7;
	s25 =	sshll.u32 s25, $0x7;
	s28 =	simm.s32 @!p0 $0x0  }
0x2fe: {  	s25 =	sand.u32 $0x1FFFFF80, s25;
	s26 =	ssub.s32 s26, s28  }
0x2ff: {  	s25 =	sadd.s32 s1, s25;
	s29 =	sshll.u32 s26, $0x7  }
0x300: {  	[tilespmem:s4], [sflag:$0x2] =	stream.strided.gather [hbm4b:s25+s12], $0x800, s13, s12, $0x38;
	[tilespmem:$0x10A00] =	vst v63  }
0x301: {  	s25 =	sand.u32 $0x1FFFFF80, s29;
	s26 =	spop (v2sf);
	(v2sf) =	vpush v18, $0x6  }
0x302: {  	s25 =	sadd.s32 s2, s25  }
0x303: {  	[tilespmem:s9], [sflag:$0x2] =	stream.strided.gather [hbm4b:s25+s12], $0x800, s13, s12, $0x38;
	[tilespmem:$0x10A00] =	vst v63  }
0x304: {  	s28 =	spop (v2sf);
	(v2sf) =	vpush v17, $0x6  }
0x305: {  	s29 =	sshra.s32 s26, $0x1F;
	p6 =	slt.s32 s26, $0x1;
	s25 =	sand.u32 $0x7F, s26  }
0x306: {  	s29 =	sshrl.u32 s29, $0x19;
	p3 =	sne.s32 s25, $0x0;
	s25 =	sand.u32 $0x7F, s28  }
0x307: {  	p5 =	slt.s32 s28, $0x1;
	p4 =	sne.s32 s25, $0x0;
	s25 =	sshra.s32 s28, $0x1F  }
0x308: {  	s26 =	sadd.s32 s29, s26;
	s25 =	sshrl.u32 s25, $0x19;
	p1 =	por !p5, !p4  }
0x309: {  	s25 =	sadd.s32 s25, s28;
	p1 =	por !p1, !p1;
	s28 =	simm.s32 $0x1  }
0x30a: {  	p0 =	por !p6, !p3;
	s25 =	sshrl.u32 s25, $0x7;
	s28 =	simm.s32 @!p1 $0x0  }
0x30b: {  	p0 =	por !p0, !p0;
	s25 =	ssub.s32 s25, s28;
	s28 =	simm.s32 $0x1  }
0x30c: {  	s26 =	sshrl.u32 s26, $0x7;
	s25 =	sshll.u32 s25, $0x7;
	s28 =	simm.s32 @!p0 $0x0  }
0x30d: {  	s25 =	sand.u32 $0x1FFFFF80, s25;
	s26 =	ssub.s32 s26, s28  }
0x30e: {  	s25 =	sadd.s32 s1, s25;
	s26 =	sshll.u32 s26, $0x7  }
0x30f: {  	[tilespmem:s14], [sflag:$0x2] =	stream.strided.gather [hbm4b:s25+s12], $0x800, s13, s12, $0x38;
	[tilespmem:$0x10A00] =	vst v63  }
0x310: {  	s25 =	sand.u32 $0x1FFFFF80, s26;
	s26 =	spop (v2sf);
	(v2sf) =	vpush v18, $0x7  }
0x311: {  	s25 =	sadd.s32 s2, s25  }
0x312: {  	[tilespmem:s15], [sflag:$0x2] =	stream.strided.gather [hbm4b:s25+s12], $0x800, s13, s12, $0x38;
	[tilespmem:$0x10A00] =	vst v63  }
0x313: {  	s28 =	spop (v2sf);
	(v2sf) =	vpush v17, $0x7  }
0x314: {  	s29 =	sshra.s32 s26, $0x1F;
	p6 =	slt.s32 s26, $0x1;
	s25 =	sand.u32 $0x7F, s26  }
0x315: {  	s29 =	sshrl.u32 s29, $0x19;
	p3 =	sne.s32 s25, $0x0;
	s25 =	sand.u32 $0x7F, s28  }
0x316: {  	p5 =	slt.s32 s28, $0x1;
	p4 =	sne.s32 s25, $0x0;
	s25 =	sshra.s32 s28, $0x1F  }
0x317: {  	s26 =	sadd.s32 s29, s26;
	s25 =	sshrl.u32 s25, $0x19;
	p1 =	por !p5, !p4  }
0x318: {  	s25 =	sadd.s32 s25, s28;
	p1 =	por !p1, !p1;
	s28 =	simm.s32 $0x1  }
0x319: {  	p0 =	por !p6, !p3;
	s25 =	sshrl.u32 s25, $0x7;
	s28 =	simm.s32 @!p1 $0x0  }
0x31a: {  	p0 =	por !p0, !p0;
	s25 =	ssub.s32 s25, s28;
	s28 =	simm.s32 $0x1  }
0x31b: {  	s26 =	sshrl.u32 s26, $0x7;
	s25 =	sshll.u32 s25, $0x7;
	s28 =	simm.s32 @!p0 $0x0  }
0x31c: {  	s25 =	sand.u32 $0x1FFFFF80, s25;
	s26 =	ssub.s32 s26, s28  }
0x31d: {  	s25 =	sadd.s32 s1, s25;
	s28 =	sshll.u32 s26, $0x7  }
0x31e: {  	[tilespmem:s16], [sflag:$0x2] =	stream.strided.gather [hbm4b:s25+s12], $0x800, s13, s12, $0x38;
	[tilespmem:$0x10A00] =	vst v63  }
0x31f: {  	s25 =	sand.u32 $0x1FFFFF80, s28;
	s26 =	spop (v2sf)  }
0x320: {  	s25 =	sadd.s32 s2, s25;
	s29 =	sshra.s32 s26, $0x1F  }
0x321: {  	[tilespmem:s17], [sflag:$0x2] =	stream.strided.gather [hbm4b:s25+s12], $0x800, s13, s12, $0x38;
	[tilespmem:$0x10A00] =	vst v63  }
0x322: {  	p6 =	slt.s32 s26, $0x1;
	s25 =	sand.u32 $0x7F, s26;
	s28 =	spop (v2sf)  }
0x323: {  	s29 =	sshrl.u32 s29, $0x19;
	p3 =	sne.s32 s25, $0x0;
	s25 =	sand.u32 $0x7F, s28  }
0x324: {  	p5 =	slt.s32 s28, $0x1;
	p4 =	sne.s32 s25, $0x0;
	s25 =	sshra.s32 s28, $0x1F  }
0x325: {  	s26 =	sadd.s32 s29, s26;
	p1 =	por !p5, !p4;
	s25 =	sshrl.u32 s25, $0x19  }
0x326: {  	s25 =	sadd.s32 s25, s28;
	p1 =	por !p1, !p1;
	s28 =	simm.s32 $0x1  }
0x327: {  	p0 =	por !p6, !p3;
	s28 =	simm.s32 @!p1 $0x0;
	s25 =	sshrl.u32 s25, $0x7  }
0x328: {  	p0 =	por !p0, !p0;
	s25 =	ssub.s32 s25, s28;
	s28 =	simm.s32 $0x1  }
0x329: {  	s26 =	sshrl.u32 s26, $0x7;
	s25 =	sshll.u32 s25, $0x7;
	s28 =	simm.s32 @!p0 $0x0  }
0x32a: {  	s25 =	sand.u32 $0x1FFFFF80, s25;
	s26 =	ssub.s32 s26, s28  }
.Ltmp6:
0x32b: {  	s25 =	sadd.s32 s1, s25;
	s29 =	sshll.u32 s26, $0x7;
	(pc) =	sbr.rel .LBB2_6-.Ltmp6, $4  }
0x32c: {  	[tilespmem:s18], [sflag:$0x2] =	stream.strided.gather [hbm4b:s25+s12], $0x800, s13, s12, $0x38;
	[tilespmem:$0x10A00] =	vst v63  }
0x32d: {  	s25 =	sand.u32 $0x1FFFFF80, s29  }
0x32e: {  	s25 =	sadd.s32 s2, s25  }
0x32f: {  	[tilespmem:s19], [sflag:$0x2] =	stream.strided.gather [hbm4b:s25+s12], $0x800, s13, s12, $0x38;
	[tilespmem:$0x10A00] =	vst v63  }
.LBB2_8:
0x330: {  	_ =	sfence.sel $0x180000  }
0x331: {  	[bflag:$0x0] =	sbarrier.arrive $0xFFFF  }
0x332: {  	_ =	strace $0x90000047  }
0x333: {  	s0 =	stileid.u32;
	[bflag:$0x2] =	sbarrier.arrive $0xFFFF  }
0x334: {  	p0 =	sne.s32 s0, $0x0;
	s0 =	rddreg [dreg:$0x5]  }
0x335: {  	s0 =	sadd.s32 @!p0 $0x100000, s0  }
0x336: {  	[sflag:s0] =	ssyncadd.tile.s32 @!p0 $0x1;
	_ =	shalt  }
.Lfunc_end2:
_tile_overlayer_lowered:
.L_overlay_start_2:
0x337: {  	(tag) =	ssettag $0x2  }
0x338: {  	s0 =	rddreg [dreg:$0x0];
	s2 =	stileid.u32  }
0x339: {  	s1 =	rddreg [dreg:$0x1];
	p0 =	sne.s32 s2, $0x0  }
0x33a: {  	s3 =	rddreg [dreg:$0x2];
	[bflag:$0x3] =	sbarrier.arrive $0xFFFF;
	s2 =	simm.s32 @!p0 $0x1C03  }
0x33b: {  	[timem:s3], [sflag:s2] =	dma.local @!p0 [hbm:s0], s1  }
0x33c: {  	s0 =	simm.s32 @!p0 $0x3  }
0x33d: {  	_ =	swait.ge @!p0 [sflag:s0], s1  }
0x33e: {  	s1 =	ssub.s32 @!p0 $0x0, s1;
	[sflag:s0] =	ssyncset.done @!p0 $0x0  }
0x33f: {  	[sflag:s0] =	ssyncadd.s32 @!p0 s1  }
0x340: {  	[bflag:$0x3] =	sbarrier.arrive $0xFFFF  }
0x341: {  	_ =	shalt  }

</sc_bundles>
